<compile_context>
chip_gen: v7x
topology: tpu7x:2x2x1
jax: 0.10.2.dev20260603
libtpu: 0.0.44.dev20260713+nightly
codegen_flags: <defaults>
</compile_context>

<pallas_src>
import jax
import jax.numpy as jnp
from jax import lax
from jax.experimental import pallas as pl
from jax.experimental.pallas import tpu as pltpu
from jax.experimental.pallas import tpu_sc as plsc

NUM_SPEAKERS = 520
HIDDEN_DIM = 1024
BATCH = 16384

_INFO = plsc.get_sparse_core_info()
_NC, _NS, _L = _INFO.num_cores, _INFO.num_subcores, _INFO.num_lanes
_NW = _NC * _NS
_BPW = BATCH // _NW
_CHUNK = 32
_NCHUNK = _BPW // _CHUNK
_NBUF = 3


def _body(ids_hbm, id2_hbm, table_hbm, out_hbm,
          ids_v, idx_v, rows_v, rsem, in_sems, out_sems):
    wid = lax.axis_index("s") * _NC + lax.axis_index("c")
    base = wid * _BPW

    pltpu.sync_copy(ids_hbm.at[pl.ds(base, _BPW)], ids_v)
    remap_h = [
        pltpu.async_copy(id2_hbm.at[ids_v.at[pl.ds(c * _CHUNK, _CHUNK)]],
                         idx_v.at[c], rsem)
        for c in range(_NCHUNK)
    ]
    for h in remap_h:
        h.wait()

    def gather_start(c, buf):
        return pltpu.async_copy(table_hbm.at[idx_v.at[c]], rows_v.at[buf],
                                in_sems.at[buf])

    def out_start(c, buf):
        return pltpu.async_copy(rows_v.at[buf],
                                out_hbm.at[pl.ds(base + c * _CHUNK, _CHUNK), 0],
                                out_sems.at[buf])

    in_h = [None] * _NBUF
    out_h = [None] * _NBUF
    for b in range(min(_NBUF, _NCHUNK)):
        in_h[b] = gather_start(b, b)
    for c in range(_NCHUNK):
        buf = c % _NBUF
        in_h[buf].wait()
        out_h[buf] = out_start(c, buf)
        nxt = c + _NBUF
        if nxt < _NCHUNK:
            out_h[buf].wait()
            out_h[buf] = None
            in_h[buf] = gather_start(nxt, buf)
    for b in range(_NBUF):
        if out_h[b] is not None:
            out_h[b].wait()


@jax.jit
def _lookup(speaker_ids, id2_index, table):
    mesh = plsc.VectorSubcoreMesh(core_axis_name="c", subcore_axis_name="s")
    ker = pl.kernel(
        _body,
        out_type=jax.ShapeDtypeStruct((BATCH, 1, HIDDEN_DIM), jnp.float32),
        mesh=mesh,
        scratch_types=[
            pltpu.VMEM((_BPW,), jnp.int32),
            pltpu.VMEM((_NCHUNK, _CHUNK), jnp.int32),
            pltpu.VMEM((_NBUF, _CHUNK, HIDDEN_DIM), jnp.float32),
            pltpu.SemaphoreType.DMA,
            pltpu.SemaphoreType.DMA((_NBUF,)),
            pltpu.SemaphoreType.DMA((_NBUF,)),
        ],
    )
    return ker(speaker_ids.astype(jnp.int32), id2_index.astype(jnp.int32),
               table)


def kernel(speaker_ids, id2_index, table):
    return _lookup(speaker_ids, id2_index, table)

# --- scband reference (transcript-rebuilt; emitter-appended) ---
"""Pipeline reference for scband-speaker-embedding-model-41266045780390 (READ-ONLY COPY).

The authoritative reference and input builder live on the scoring server;
editing this copy changes nothing except your own understanding.
"""

import jax, jax.numpy as jnp
import numpy as np

NUM_SPEAKERS = 520
HIDDEN_DIM = 1024
BATCH = 16384

def setup_inputs(seed: int = 0) -> dict:
    key = jax.random.key(seed)
    k1, k2, k3 = jax.random.split(key, 3)
    speaker_ids = jax.random.randint(k1, (BATCH,), 0, NUM_SPEAKERS, dtype=jnp.int64 if jax.config.jax_enable_x64 else jnp.int32)
    # id2_index mapping: simulate the torch.load'd dict as a permutation lookup array
    id2_index = jax.random.permutation(k2, jnp.arange(NUM_SPEAKERS, dtype=speaker_ids.dtype))
    # learned embedding table (nn.Embedding default init ~ N(0,1))
    table = jax.random.normal(k3, (NUM_SPEAKERS, HIDDEN_DIM), dtype=jnp.float32)
    return {"speaker_ids": speaker_ids, "id2_index": id2_index, "table": table}

def reference(speaker_ids, id2_index, table):
    # speaker_index = [id2_index[id] for id in speaker_ids]
    speaker_index = jnp.take(id2_index, speaker_ids, axis=0)
    # embedding lookup
    spk_embeddings = jnp.take(table, speaker_index, axis=0)
    # .unsqueeze(1)
    spk_embeddings = spk_embeddings[:, None, :]
    return spk_embeddings

if __name__ == "__main__":
    import jax
    _d = setup_inputs()
    print(jax.jit(kernel)(*tuple(_d.values())))

</pallas_src>

<mosaic_0001>
#map = affine_map<(d0, d1) -> (0)>
#map1 = affine_map<(d0, d1) -> (0, 0)>
#map2 = affine_map<(d0, d1) -> (0, 0, 0)>
module attributes {stable_mosaic.version = 14 : i64} {
  func.func @_body(%arg0: i32, %arg1: i32, %arg2: memref<16384xi32, #tpu.memory_space<hbm>>, %arg3: memref<520xi32, #tpu.memory_space<hbm>>, %arg4: memref<520x1024xf32, #tpu.memory_space<hbm>>, %arg5: memref<16384x1x1024xf32, #tpu.memory_space<hbm>>, %arg6: memref<512xi32, #tpu.memory_space<vmem>>, %arg7: memref<16x32xi32, #tpu.memory_space<vmem>>, %arg8: memref<3x32x1024xf32, #tpu.memory_space<vmem>>, %arg9: memref<!tpu.dma_semaphore, #tpu.memory_space<semaphore_mem>>, %arg10: memref<3x!tpu.dma_semaphore, #tpu.memory_space<semaphore_mem>>, %arg11: memref<3x!tpu.dma_semaphore, #tpu.memory_space<semaphore_mem>>) attributes {dimension_semantics = [#tpu.dimension_semantics<core_parallel>, #tpu.dimension_semantics<subcore_parallel>], iteration_bounds = array<i64: 2, 16>, scalar_prefetch = 0 : i64, scratch_operands = 6 : i64, tpu.core_type = #tpu.core_type<sc_vector_subcore>, window_params = [{transform_indices = #map}, {transform_indices = #map}, {transform_indices = #map1}, {transform_indices = #map2}]} {
    %mul3A = arith.constant 2 : i32
    %mul3A_0 = arith.muli %arg1, %mul3A : i32
    %add3A = arith.addi %mul3A_0, %arg0 : i32
    %mul3A_1 = arith.constant 512 : i32
    %mul3A_2 = arith.muli %add3A, %mul3A_1 : i32
    "tpu.region"() ({
      %run_scoped3A = tpu.sem_alloc : memref<!tpu.dma_semaphore, #tpu.memory_space<semaphore_mem>>
      %dma_start3A_1377 = tpu.memref_slice %arg2[%mul3A_2] : memref<16384xi32, #tpu.memory_space<hbm>> -> memref<512xi32, #tpu.memory_space<hbm>>
      %dma_start3A_1378 = tpu.memref_slice %arg2[%mul3A_2] : memref<16384xi32, #tpu.memory_space<hbm>> -> memref<512xi32, #tpu.memory_space<hbm>>
      tpu.enqueue_dma source(%dma_start3A_1378 : memref<512xi32, #tpu.memory_space<hbm>>) target(%arg6 : memref<512xi32, #tpu.memory_space<vmem>>) target_semaphore(%run_scoped3A : memref<!tpu.dma_semaphore, #tpu.memory_space<semaphore_mem>>)
      %dma_wait3A_1379 = tpu.memref_slice %arg2[%mul3A_2] : memref<16384xi32, #tpu.memory_space<hbm>> -> memref<512xi32, #tpu.memory_space<hbm>>
      %dma_wait3A_1380 = tpu.memref_slice %arg2[%mul3A_2] : memref<16384xi32, #tpu.memory_space<hbm>> -> memref<512xi32, #tpu.memory_space<hbm>>
      tpu.wait_dma2 semaphore(%run_scoped3A : memref<!tpu.dma_semaphore, #tpu.memory_space<semaphore_mem>>) src(%dma_wait3A_1380 : memref<512xi32, #tpu.memory_space<hbm>>) dst(%arg6 : memref<512xi32, #tpu.memory_space<vmem>>)
      tpu.yield
    }) : () -> ()
    %dma_start3A = arith.constant 0 : i32
    %dma_start3A_3 = arith.constant 0 : i32
    %dma_start3A_4 = tpu.memref_slice %arg7[%dma_start3A, %dma_start3A_3] : memref<16x32xi32, #tpu.memory_space<vmem>> -> memref<1x32xi32, #tpu.memory_space<vmem>>
    %dma_start3A_5 = tpu.memref_squeeze %dma_start3A_4 : memref<1x32xi32, #tpu.memory_space<vmem>> -> memref<32xi32, #tpu.memory_space<vmem>>
    %dma_start3A_6 = arith.constant 0 : i32
    %dma_start3A_7 = tpu.memref_slice %arg6[%dma_start3A_6] : memref<512xi32, #tpu.memory_space<vmem>> -> memref<32xi32, #tpu.memory_space<vmem>>
    %dma_start3A_8 = arith.constant 0 : i32
    %dma_start3A_9 = tpu.memref_slice %arg3[%dma_start3A_8] : memref<520xi32, #tpu.memory_space<hbm>> -> memref<520xi32, #tpu.memory_space<hbm>>
    tpu.enqueue_indirect_dma source(%dma_start3A_9 : memref<520xi32, #tpu.memory_space<hbm>>) target(%dma_start3A_5 : memref<32xi32, #tpu.memory_space<vmem>>) offsets(%dma_start3A_7 : memref<32xi32, #tpu.memory_space<vmem>>) semaphore(%arg9 : memref<!tpu.dma_semaphore, #tpu.memory_space<semaphore_mem>>)
    %dma_start3A_10 = arith.constant 1 : i32
    %dma_start3A_11 = arith.constant 0 : i32
    %dma_start3A_12 = tpu.memref_slice %arg7[%dma_start3A_10, %dma_start3A_11] : memref<16x32xi32, #tpu.memory_space<vmem>> -> memref<1x32xi32, #tpu.memory_space<vmem>>
    %dma_start3A_13 = tpu.memref_squeeze %dma_start3A_12 : memref<1x32xi32, #tpu.memory_space<vmem>> -> memref<32xi32, #tpu.memory_space<vmem>>
    %dma_start3A_14 = arith.constant 32 : i32
    %dma_start3A_15 = tpu.memref_slice %arg6[%dma_start3A_14] : memref<512xi32, #tpu.memory_space<vmem>> -> memref<32xi32, #tpu.memory_space<vmem>>
    %dma_start3A_16 = arith.constant 0 : i32
    %dma_start3A_17 = tpu.memref_slice %arg3[%dma_start3A_16] : memref<520xi32, #tpu.memory_space<hbm>> -> memref<520xi32, #tpu.memory_space<hbm>>
    tpu.enqueue_indirect_dma source(%dma_start3A_17 : memref<520xi32, #tpu.memory_space<hbm>>) target(%dma_start3A_13 : memref<32xi32, #tpu.memory_space<vmem>>) offsets(%dma_start3A_15 : memref<32xi32, #tpu.memory_space<vmem>>) semaphore(%arg9 : memref<!tpu.dma_semaphore, #tpu.memory_space<semaphore_mem>>)
    %dma_start3A_18 = arith.constant 2 : i32
    %dma_start3A_19 = arith.constant 0 : i32
    %dma_start3A_20 = tpu.memref_slice %arg7[%dma_start3A_18, %dma_start3A_19] : memref<16x32xi32, #tpu.memory_space<vmem>> -> memref<1x32xi32, #tpu.memory_space<vmem>>
    %dma_start3A_21 = tpu.memref_squeeze %dma_start3A_20 : memref<1x32xi32, #tpu.memory_space<vmem>> -> memref<32xi32, #tpu.memory_space<vmem>>
    %dma_start3A_22 = arith.constant 64 : i32
    %dma_start3A_23 = tpu.memref_slice %arg6[%dma_start3A_22] : memref<512xi32, #tpu.memory_space<vmem>> -> memref<32xi32, #tpu.memory_space<vmem>>
    %dma_start3A_24 = arith.constant 0 : i32
    %dma_start3A_25 = tpu.memref_slice %arg3[%dma_start3A_24] : memref<520xi32, #tpu.memory_space<hbm>> -> memref<520xi32, #tpu.memory_space<hbm>>
    tpu.enqueue_indirect_dma source(%dma_start3A_25 : memref<520xi32, #tpu.memory_space<hbm>>) target(%dma_start3A_21 : memref<32xi32, #tpu.memory_space<vmem>>) offsets(%dma_start3A_23 : memref<32xi32, #tpu.memory_space<vmem>>) semaphore(%arg9 : memref<!tpu.dma_semaphore, #tpu.memory_space<semaphore_mem>>)
    %dma_start3A_26 = arith.constant 3 : i32
    %dma_start3A_27 = arith.constant 0 : i32
    %dma_start3A_28 = tpu.memref_slice %arg7[%dma_start3A_26, %dma_start3A_27] : memref<16x32xi32, #tpu.memory_space<vmem>> -> memref<1x32xi32, #tpu.memory_space<vmem>>
    %dma_start3A_29 = tpu.memref_squeeze %dma_start3A_28 : memref<1x32xi32, #tpu.memory_space<vmem>> -> memref<32xi32, #tpu.memory_space<vmem>>
    %dma_start3A_30 = arith.constant 96 : i32
    %dma_start3A_31 = tpu.memref_slice %arg6[%dma_start3A_30] : memref<512xi32, #tpu.memory_space<vmem>> -> memref<32xi32, #tpu.memory_space<vmem>>
    %dma_start3A_32 = arith.constant 0 : i32
    %dma_start3A_33 = tpu.memref_slice %arg3[%dma_start3A_32] : memref<520xi32, #tpu.memory_space<hbm>> -> memref<520xi32, #tpu.memory_space<hbm>>
    tpu.enqueue_indirect_dma source(%dma_start3A_33 : memref<520xi32, #tpu.memory_space<hbm>>) target(%dma_start3A_29 : memref<32xi32, #tpu.memory_space<vmem>>) offsets(%dma_start3A_31 : memref<32xi32, #tpu.memory_space<vmem>>) semaphore(%arg9 : memref<!tpu.dma_semaphore, #tpu.memory_space<semaphore_mem>>)
    %dma_start3A_34 = arith.constant 4 : i32
    %dma_start3A_35 = arith.constant 0 : i32
    %dma_start3A_36 = tpu.memref_slice %arg7[%dma_start3A_34, %dma_start3A_35] : memref<16x32xi32, #tpu.memory_space<vmem>> -> memref<1x32xi32, #tpu.memory_space<vmem>>
    %dma_start3A_37 = tpu.memref_squeeze %dma_start3A_36 : memref<1x32xi32, #tpu.memory_space<vmem>> -> memref<32xi32, #tpu.memory_space<vmem>>
    %dma_start3A_38 = arith.constant 128 : i32
    %dma_start3A_39 = tpu.memref_slice %arg6[%dma_start3A_38] : memref<512xi32, #tpu.memory_space<vmem>> -> memref<32xi32, #tpu.memory_space<vmem>>
    %dma_start3A_40 = arith.constant 0 : i32
    %dma_start3A_41 = tpu.memref_slice %arg3[%dma_start3A_40] : memref<520xi32, #tpu.memory_space<hbm>> -> memref<520xi32, #tpu.memory_space<hbm>>
    tpu.enqueue_indirect_dma source(%dma_start3A_41 : memref<520xi32, #tpu.memory_space<hbm>>) target(%dma_start3A_37 : memref<32xi32, #tpu.memory_space<vmem>>) offsets(%dma_start3A_39 : memref<32xi32, #tpu.memory_space<vmem>>) semaphore(%arg9 : memref<!tpu.dma_semaphore, #tpu.memory_space<semaphore_mem>>)
    %dma_start3A_42 = arith.constant 5 : i32
    %dma_start3A_43 = arith.constant 0 : i32
    %dma_start3A_44 = tpu.memref_slice %arg7[%dma_start3A_42, %dma_start3A_43] : memref<16x32xi32, #tpu.memory_space<vmem>> -> memref<1x32xi32, #tpu.memory_space<vmem>>
    %dma_start3A_45 = tpu.memref_squeeze %dma_start3A_44 : memref<1x32xi32, #tpu.memory_space<vmem>> -> memref<32xi32, #tpu.memory_space<vmem>>
    %dma_start3A_46 = arith.constant 160 : i32
    %dma_start3A_47 = tpu.memref_slice %arg6[%dma_start3A_46] : memref<512xi32, #tpu.memory_space<vmem>> -> memref<32xi32, #tpu.memory_space<vmem>>
    %dma_start3A_48 = arith.constant 0 : i32
    %dma_start3A_49 = tpu.memref_slice %arg3[%dma_start3A_48] : memref<520xi32, #tpu.memory_space<hbm>> -> memref<520xi32, #tpu.memory_space<hbm>>
    tpu.enqueue_indirect_dma source(%dma_start3A_49 : memref<520xi32, #tpu.memory_space<hbm>>) target(%dma_start3A_45 : memref<32xi32, #tpu.memory_space<vmem>>) offsets(%dma_start3A_47 : memref<32xi32, #tpu.memory_space<vmem>>) semaphore(%arg9 : memref<!tpu.dma_semaphore, #tpu.memory_space<semaphore_mem>>)
    %dma_start3A_50 = arith.constant 6 : i32
    %dma_start3A_51 = arith.constant 0 : i32
    %dma_start3A_52 = tpu.memref_slice %arg7[%dma_start3A_50, %dma_start3A_51] : memref<16x32xi32, #tpu.memory_space<vmem>> -> memref<1x32xi32, #tpu.memory_space<vmem>>
    %dma_start3A_53 = tpu.memref_squeeze %dma_start3A_52 : memref<1x32xi32, #tpu.memory_space<vmem>> -> memref<32xi32, #tpu.memory_space<vmem>>
    %dma_start3A_54 = arith.constant 192 : i32
    %dma_start3A_55 = tpu.memref_slice %arg6[%dma_start3A_54] : memref<512xi32, #tpu.memory_space<vmem>> -> memref<32xi32, #tpu.memory_space<vmem>>
    %dma_start3A_56 = arith.constant 0 : i32
    %dma_start3A_57 = tpu.memref_slice %arg3[%dma_start3A_56] : memref<520xi32, #tpu.memory_space<hbm>> -> memref<520xi32, #tpu.memory_space<hbm>>
    tpu.enqueue_indirect_dma source(%dma_start3A_57 : memref<520xi32, #tpu.memory_space<hbm>>) target(%dma_start3A_53 : memref<32xi32, #tpu.memory_space<vmem>>) offsets(%dma_start3A_55 : memref<32xi32, #tpu.memory_space<vmem>>) semaphore(%arg9 : memref<!tpu.dma_semaphore, #tpu.memory_space<semaphore_mem>>)
    %dma_start3A_58 = arith.constant 7 : i32
    %dma_start3A_59 = arith.constant 0 : i32
    %dma_start3A_60 = tpu.memref_slice %arg7[%dma_start3A_58, %dma_start3A_59] : memref<16x32xi32, #tpu.memory_space<vmem>> -> memref<1x32xi32, #tpu.memory_space<vmem>>
    %dma_start3A_61 = tpu.memref_squeeze %dma_start3A_60 : memref<1x32xi32, #tpu.memory_space<vmem>> -> memref<32xi32, #tpu.memory_space<vmem>>
    %dma_start3A_62 = arith.constant 224 : i32
    %dma_start3A_63 = tpu.memref_slice %arg6[%dma_start3A_62] : memref<512xi32, #tpu.memory_space<vmem>> -> memref<32xi32, #tpu.memory_space<vmem>>
    %dma_start3A_64 = arith.constant 0 : i32
    %dma_start3A_65 = tpu.memref_slice %arg3[%dma_start3A_64] : memref<520xi32, #tpu.memory_space<hbm>> -> memref<520xi32, #tpu.memory_space<hbm>>
    tpu.enqueue_indirect_dma source(%dma_start3A_65 : memref<520xi32, #tpu.memory_space<hbm>>) target(%dma_start3A_61 : memref<32xi32, #tpu.memory_space<vmem>>) offsets(%dma_start3A_63 : memref<32xi32, #tpu.memory_space<vmem>>) semaphore(%arg9 : memref<!tpu.dma_semaphore, #tpu.memory_space<semaphore_mem>>)
    %dma_start3A_66 = arith.constant 8 : i32
    %dma_start3A_67 = arith.constant 0 : i32
    %dma_start3A_68 = tpu.memref_slice %arg7[%dma_start3A_66, %dma_start3A_67] : memref<16x32xi32, #tpu.memory_space<vmem>> -> memref<1x32xi32, #tpu.memory_space<vmem>>
    %dma_start3A_69 = tpu.memref_squeeze %dma_start3A_68 : memref<1x32xi32, #tpu.memory_space<vmem>> -> memref<32xi32, #tpu.memory_space<vmem>>
    %dma_start3A_70 = arith.constant 256 : i32
    %dma_start3A_71 = tpu.memref_slice %arg6[%dma_start3A_70] : memref<512xi32, #tpu.memory_space<vmem>> -> memref<32xi32, #tpu.memory_space<vmem>>
    %dma_start3A_72 = arith.constant 0 : i32
    %dma_start3A_73 = tpu.memref_slice %arg3[%dma_start3A_72] : memref<520xi32, #tpu.memory_space<hbm>> -> memref<520xi32, #tpu.memory_space<hbm>>
    tpu.enqueue_indirect_dma source(%dma_start3A_73 : memref<520xi32, #tpu.memory_space<hbm>>) target(%dma_start3A_69 : memref<32xi32, #tpu.memory_space<vmem>>) offsets(%dma_start3A_71 : memref<32xi32, #tpu.memory_space<vmem>>) semaphore(%arg9 : memref<!tpu.dma_semaphore, #tpu.memory_space<semaphore_mem>>)
    %dma_start3A_74 = arith.constant 9 : i32
    %dma_start3A_75 = arith.constant 0 : i32
    %dma_start3A_76 = tpu.memref_slice %arg7[%dma_start3A_74, %dma_start3A_75] : memref<16x32xi32, #tpu.memory_space<vmem>> -> memref<1x32xi32, #tpu.memory_space<vmem>>
    %dma_start3A_77 = tpu.memref_squeeze %dma_start3A_76 : memref<1x32xi32, #tpu.memory_space<vmem>> -> memref<32xi32, #tpu.memory_space<vmem>>
    %dma_start3A_78 = arith.constant 288 : i32
    %dma_start3A_79 = tpu.memref_slice %arg6[%dma_start3A_78] : memref<512xi32, #tpu.memory_space<vmem>> -> memref<32xi32, #tpu.memory_space<vmem>>
    %dma_start3A_80 = arith.constant 0 : i32
    %dma_start3A_81 = tpu.memref_slice %arg3[%dma_start3A_80] : memref<520xi32, #tpu.memory_space<hbm>> -> memref<520xi32, #tpu.memory_space<hbm>>
    tpu.enqueue_indirect_dma source(%dma_start3A_81 : memref<520xi32, #tpu.memory_space<hbm>>) target(%dma_start3A_77 : memref<32xi32, #tpu.memory_space<vmem>>) offsets(%dma_start3A_79 : memref<32xi32, #tpu.memory_space<vmem>>) semaphore(%arg9 : memref<!tpu.dma_semaphore, #tpu.memory_space<semaphore_mem>>)
    %dma_start3A_82 = arith.constant 10 : i32
    %dma_start3A_83 = arith.constant 0 : i32
    %dma_start3A_84 = tpu.memref_slice %arg7[%dma_start3A_82, %dma_start3A_83] : memref<16x32xi32, #tpu.memory_space<vmem>> -> memref<1x32xi32, #tpu.memory_space<vmem>>
    %dma_start3A_85 = tpu.memref_squeeze %dma_start3A_84 : memref<1x32xi32, #tpu.memory_space<vmem>> -> memref<32xi32, #tpu.memory_space<vmem>>
    %dma_start3A_86 = arith.constant 320 : i32
    %dma_start3A_87 = tpu.memref_slice %arg6[%dma_start3A_86] : memref<512xi32, #tpu.memory_space<vmem>> -> memref<32xi32, #tpu.memory_space<vmem>>
    %dma_start3A_88 = arith.constant 0 : i32
    %dma_start3A_89 = tpu.memref_slice %arg3[%dma_start3A_88] : memref<520xi32, #tpu.memory_space<hbm>> -> memref<520xi32, #tpu.memory_space<hbm>>
    tpu.enqueue_indirect_dma source(%dma_start3A_89 : memref<520xi32, #tpu.memory_space<hbm>>) target(%dma_start3A_85 : memref<32xi32, #tpu.memory_space<vmem>>) offsets(%dma_start3A_87 : memref<32xi32, #tpu.memory_space<vmem>>) semaphore(%arg9 : memref<!tpu.dma_semaphore, #tpu.memory_space<semaphore_mem>>)
    %dma_start3A_90 = arith.constant 11 : i32
    %dma_start3A_91 = arith.constant 0 : i32
    %dma_start3A_92 = tpu.memref_slice %arg7[%dma_start3A_90, %dma_start3A_91] : memref<16x32xi32, #tpu.memory_space<vmem>> -> memref<1x32xi32, #tpu.memory_space<vmem>>
    %dma_start3A_93 = tpu.memref_squeeze %dma_start3A_92 : memref<1x32xi32, #tpu.memory_space<vmem>> -> memref<32xi32, #tpu.memory_space<vmem>>
    %dma_start3A_94 = arith.constant 352 : i32
    %dma_start3A_95 = tpu.memref_slice %arg6[%dma_start3A_94] : memref<512xi32, #tpu.memory_space<vmem>> -> memref<32xi32, #tpu.memory_space<vmem>>
    %dma_start3A_96 = arith.constant 0 : i32
    %dma_start3A_97 = tpu.memref_slice %arg3[%dma_start3A_96] : memref<520xi32, #tpu.memory_space<hbm>> -> memref<520xi32, #tpu.memory_space<hbm>>
    tpu.enqueue_indirect_dma source(%dma_start3A_97 : memref<520xi32, #tpu.memory_space<hbm>>) target(%dma_start3A_93 : memref<32xi32, #tpu.memory_space<vmem>>) offsets(%dma_start3A_95 : memref<32xi32, #tpu.memory_space<vmem>>) semaphore(%arg9 : memref<!tpu.dma_semaphore, #tpu.memory_space<semaphore_mem>>)
    %dma_start3A_98 = arith.constant 12 : i32
    %dma_start3A_99 = arith.constant 0 : i32
    %dma_start3A_100 = tpu.memref_slice %arg7[%dma_start3A_98, %dma_start3A_99] : memref<16x32xi32, #tpu.memory_space<vmem>> -> memref<1x32xi32, #tpu.memory_space<vmem>>
    %dma_start3A_101 = tpu.memref_squeeze %dma_start3A_100 : memref<1x32xi32, #tpu.memory_space<vmem>> -> memref<32xi32, #tpu.memory_space<vmem>>
    %dma_start3A_102 = arith.constant 384 : i32
    %dma_start3A_103 = tpu.memref_slice %arg6[%dma_start3A_102] : memref<512xi32, #tpu.memory_space<vmem>> -> memref<32xi32, #tpu.memory_space<vmem>>
    %dma_start3A_104 = arith.constant 0 : i32
    %dma_start3A_105 = tpu.memref_slice %arg3[%dma_start3A_104] : memref<520xi32, #tpu.memory_space<hbm>> -> memref<520xi32, #tpu.memory_space<hbm>>
    tpu.enqueue_indirect_dma source(%dma_start3A_105 : memref<520xi32, #tpu.memory_space<hbm>>) target(%dma_start3A_101 : memref<32xi32, #tpu.memory_space<vmem>>) offsets(%dma_start3A_103 : memref<32xi32, #tpu.memory_space<vmem>>) semaphore(%arg9 : memref<!tpu.dma_semaphore, #tpu.memory_space<semaphore_mem>>)
    %dma_start3A_106 = arith.constant 13 : i32
    %dma_start3A_107 = arith.constant 0 : i32
    %dma_start3A_108 = tpu.memref_slice %arg7[%dma_start3A_106, %dma_start3A_107] : memref<16x32xi32, #tpu.memory_space<vmem>> -> memref<1x32xi32, #tpu.memory_space<vmem>>
    %dma_start3A_109 = tpu.memref_squeeze %dma_start3A_108 : memref<1x32xi32, #tpu.memory_space<vmem>> -> memref<32xi32, #tpu.memory_space<vmem>>
    %dma_start3A_110 = arith.constant 416 : i32
    %dma_start3A_111 = tpu.memref_slice %arg6[%dma_start3A_110] : memref<512xi32, #tpu.memory_space<vmem>> -> memref<32xi32, #tpu.memory_space<vmem>>
    %dma_start3A_112 = arith.constant 0 : i32
    %dma_start3A_113 = tpu.memref_slice %arg3[%dma_start3A_112] : memref<520xi32, #tpu.memory_space<hbm>> -> memref<520xi32, #tpu.memory_space<hbm>>
    tpu.enqueue_indirect_dma source(%dma_start3A_113 : memref<520xi32, #tpu.memory_space<hbm>>) target(%dma_start3A_109 : memref<32xi32, #tpu.memory_space<vmem>>) offsets(%dma_start3A_111 : memref<32xi32, #tpu.memory_space<vmem>>) semaphore(%arg9 : memref<!tpu.dma_semaphore, #tpu.memory_space<semaphore_mem>>)
    %dma_start3A_114 = arith.constant 14 : i32
    %dma_start3A_115 = arith.constant 0 : i32
    %dma_start3A_116 = tpu.memref_slice %arg7[%dma_start3A_114, %dma_start3A_115] : memref<16x32xi32, #tpu.memory_space<vmem>> -> memref<1x32xi32, #tpu.memory_space<vmem>>
    %dma_start3A_117 = tpu.memref_squeeze %dma_start3A_116 : memref<1x32xi32, #tpu.memory_space<vmem>> -> memref<32xi32, #tpu.memory_space<vmem>>
    %dma_start3A_118 = arith.constant 448 : i32
    %dma_start3A_119 = tpu.memref_slice %arg6[%dma_start3A_118] : memref<512xi32, #tpu.memory_space<vmem>> -> memref<32xi32, #tpu.memory_space<vmem>>
    %dma_start3A_120 = arith.constant 0 : i32
    %dma_start3A_121 = tpu.memref_slice %arg3[%dma_start3A_120] : memref<520xi32, #tpu.memory_space<hbm>> -> memref<520xi32, #tpu.memory_space<hbm>>
    tpu.enqueue_indirect_dma source(%dma_start3A_121 : memref<520xi32, #tpu.memory_space<hbm>>) target(%dma_start3A_117 : memref<32xi32, #tpu.memory_space<vmem>>) offsets(%dma_start3A_119 : memref<32xi32, #tpu.memory_space<vmem>>) semaphore(%arg9 : memref<!tpu.dma_semaphore, #tpu.memory_space<semaphore_mem>>)
    %dma_start3A_122 = arith.constant 15 : i32
    %dma_start3A_123 = arith.constant 0 : i32
    %dma_start3A_124 = tpu.memref_slice %arg7[%dma_start3A_122, %dma_start3A_123] : memref<16x32xi32, #tpu.memory_space<vmem>> -> memref<1x32xi32, #tpu.memory_space<vmem>>
    %dma_start3A_125 = tpu.memref_squeeze %dma_start3A_124 : memref<1x32xi32, #tpu.memory_space<vmem>> -> memref<32xi32, #tpu.memory_space<vmem>>
    %dma_start3A_126 = arith.constant 480 : i32
    %dma_start3A_127 = tpu.memref_slice %arg6[%dma_start3A_126] : memref<512xi32, #tpu.memory_space<vmem>> -> memref<32xi32, #tpu.memory_space<vmem>>
    %dma_start3A_128 = arith.constant 0 : i32
    %dma_start3A_129 = tpu.memref_slice %arg3[%dma_start3A_128] : memref<520xi32, #tpu.memory_space<hbm>> -> memref<520xi32, #tpu.memory_space<hbm>>
    tpu.enqueue_indirect_dma source(%dma_start3A_129 : memref<520xi32, #tpu.memory_space<hbm>>) target(%dma_start3A_125 : memref<32xi32, #tpu.memory_space<vmem>>) offsets(%dma_start3A_127 : memref<32xi32, #tpu.memory_space<vmem>>) semaphore(%arg9 : memref<!tpu.dma_semaphore, #tpu.memory_space<semaphore_mem>>)
    %dma_wait3A = arith.constant 0 : i32
    %dma_wait3A_130 = arith.constant 0 : i32
    %dma_wait3A_131 = tpu.memref_slice %arg7[%dma_wait3A, %dma_wait3A_130] : memref<16x32xi32, #tpu.memory_space<vmem>> -> memref<1x32xi32, #tpu.memory_space<vmem>>
    %dma_wait3A_132 = tpu.memref_squeeze %dma_wait3A_131 : memref<1x32xi32, #tpu.memory_space<vmem>> -> memref<32xi32, #tpu.memory_space<vmem>>
    %dma_wait3A_133 = arith.constant 0 : i32
    %dma_wait3A_134 = tpu.memref_slice %arg6[%dma_wait3A_133] : memref<512xi32, #tpu.memory_space<vmem>> -> memref<32xi32, #tpu.memory_space<vmem>>
    %dma_wait3A_135 = arith.constant 0 : i32
    %dma_wait3A_136 = tpu.memref_slice %arg3[%dma_wait3A_135] : memref<520xi32, #tpu.memory_space<hbm>> -> memref<520xi32, #tpu.memory_space<hbm>>
    tpu.wait_indirect_dma semaphore(%arg9 : memref<!tpu.dma_semaphore, #tpu.memory_space<semaphore_mem>>) src(%dma_wait3A_136 : memref<520xi32, #tpu.memory_space<hbm>>) dst(%dma_wait3A_132 : memref<32xi32, #tpu.memory_space<vmem>>)
    %dma_wait3A_137 = arith.constant 1 : i32
    %dma_wait3A_138 = arith.constant 0 : i32
    %dma_wait3A_139 = tpu.memref_slice %arg7[%dma_wait3A_137, %dma_wait3A_138] : memref<16x32xi32, #tpu.memory_space<vmem>> -> memref<1x32xi32, #tpu.memory_space<vmem>>
    %dma_wait3A_140 = tpu.memref_squeeze %dma_wait3A_139 : memref<1x32xi32, #tpu.memory_space<vmem>> -> memref<32xi32, #tpu.memory_space<vmem>>
    %dma_wait3A_141 = arith.constant 32 : i32
    %dma_wait3A_142 = tpu.memref_slice %arg6[%dma_wait3A_141] : memref<512xi32, #tpu.memory_space<vmem>> -> memref<32xi32, #tpu.memory_space<vmem>>
    %dma_wait3A_143 = arith.constant 0 : i32
    %dma_wait3A_144 = tpu.memref_slice %arg3[%dma_wait3A_143] : memref<520xi32, #tpu.memory_space<hbm>> -> memref<520xi32, #tpu.memory_space<hbm>>
    tpu.wait_indirect_dma semaphore(%arg9 : memref<!tpu.dma_semaphore, #tpu.memory_space<semaphore_mem>>) src(%dma_wait3A_144 : memref<520xi32, #tpu.memory_space<hbm>>) dst(%dma_wait3A_140 : memref<32xi32, #tpu.memory_space<vmem>>)
    %dma_wait3A_145 = arith.constant 2 : i32
    %dma_wait3A_146 = arith.constant 0 : i32
    %dma_wait3A_147 = tpu.memref_slice %arg7[%dma_wait3A_145, %dma_wait3A_146] : memref<16x32xi32, #tpu.memory_space<vmem>> -> memref<1x32xi32, #tpu.memory_space<vmem>>
    %dma_wait3A_148 = tpu.memref_squeeze %dma_wait3A_147 : memref<1x32xi32, #tpu.memory_space<vmem>> -> memref<32xi32, #tpu.memory_space<vmem>>
    %dma_wait3A_149 = arith.constant 64 : i32
    %dma_wait3A_150 = tpu.memref_slice %arg6[%dma_wait3A_149] : memref<512xi32, #tpu.memory_space<vmem>> -> memref<32xi32, #tpu.memory_space<vmem>>
    %dma_wait3A_151 = arith.constant 0 : i32
    %dma_wait3A_152 = tpu.memref_slice %arg3[%dma_wait3A_151] : memref<520xi32, #tpu.memory_space<hbm>> -> memref<520xi32, #tpu.memory_space<hbm>>
    tpu.wait_indirect_dma semaphore(%arg9 : memref<!tpu.dma_semaphore, #tpu.memory_space<semaphore_mem>>) src(%dma_wait3A_152 : memref<520xi32, #tpu.memory_space<hbm>>) dst(%dma_wait3A_148 : memref<32xi32, #tpu.memory_space<vmem>>)
    %dma_wait3A_153 = arith.constant 3 : i32
    %dma_wait3A_154 = arith.constant 0 : i32
    %dma_wait3A_155 = tpu.memref_slice %arg7[%dma_wait3A_153, %dma_wait3A_154] : memref<16x32xi32, #tpu.memory_space<vmem>> -> memref<1x32xi32, #tpu.memory_space<vmem>>
    %dma_wait3A_156 = tpu.memref_squeeze %dma_wait3A_155 : memref<1x32xi32, #tpu.memory_space<vmem>> -> memref<32xi32, #tpu.memory_space<vmem>>
    %dma_wait3A_157 = arith.constant 96 : i32
    %dma_wait3A_158 = tpu.memref_slice %arg6[%dma_wait3A_157] : memref<512xi32, #tpu.memory_space<vmem>> -> memref<32xi32, #tpu.memory_space<vmem>>
    %dma_wait3A_159 = arith.constant 0 : i32
    %dma_wait3A_160 = tpu.memref_slice %arg3[%dma_wait3A_159] : memref<520xi32, #tpu.memory_space<hbm>> -> memref<520xi32, #tpu.memory_space<hbm>>
    tpu.wait_indirect_dma semaphore(%arg9 : memref<!tpu.dma_semaphore, #tpu.memory_space<semaphore_mem>>) src(%dma_wait3A_160 : memref<520xi32, #tpu.memory_space<hbm>>) dst(%dma_wait3A_156 : memref<32xi32, #tpu.memory_space<vmem>>)
    %dma_wait3A_161 = arith.constant 4 : i32
    %dma_wait3A_162 = arith.constant 0 : i32
    %dma_wait3A_163 = tpu.memref_slice %arg7[%dma_wait3A_161, %dma_wait3A_162] : memref<16x32xi32, #tpu.memory_space<vmem>> -> memref<1x32xi32, #tpu.memory_space<vmem>>
    %dma_wait3A_164 = tpu.memref_squeeze %dma_wait3A_163 : memref<1x32xi32, #tpu.memory_space<vmem>> -> memref<32xi32, #tpu.memory_space<vmem>>
    %dma_wait3A_165 = arith.constant 128 : i32
    %dma_wait3A_166 = tpu.memref_slice %arg6[%dma_wait3A_165] : memref<512xi32, #tpu.memory_space<vmem>> -> memref<32xi32, #tpu.memory_space<vmem>>
    %dma_wait3A_167 = arith.constant 0 : i32
    %dma_wait3A_168 = tpu.memref_slice %arg3[%dma_wait3A_167] : memref<520xi32, #tpu.memory_space<hbm>> -> memref<520xi32, #tpu.memory_space<hbm>>
    tpu.wait_indirect_dma semaphore(%arg9 : memref<!tpu.dma_semaphore, #tpu.memory_space<semaphore_mem>>) src(%dma_wait3A_168 : memref<520xi32, #tpu.memory_space<hbm>>) dst(%dma_wait3A_164 : memref<32xi32, #tpu.memory_space<vmem>>)
    %dma_wait3A_169 = arith.constant 5 : i32
    %dma_wait3A_170 = arith.constant 0 : i32
    %dma_wait3A_171 = tpu.memref_slice %arg7[%dma_wait3A_169, %dma_wait3A_170] : memref<16x32xi32, #tpu.memory_space<vmem>> -> memref<1x32xi32, #tpu.memory_space<vmem>>
    %dma_wait3A_172 = tpu.memref_squeeze %dma_wait3A_171 : memref<1x32xi32, #tpu.memory_space<vmem>> -> memref<32xi32, #tpu.memory_space<vmem>>
    %dma_wait3A_173 = arith.constant 160 : i32
    %dma_wait3A_174 = tpu.memref_slice %arg6[%dma_wait3A_173] : memref<512xi32, #tpu.memory_space<vmem>> -> memref<32xi32, #tpu.memory_space<vmem>>
    %dma_wait3A_175 = arith.constant 0 : i32
    %dma_wait3A_176 = tpu.memref_slice %arg3[%dma_wait3A_175] : memref<520xi32, #tpu.memory_space<hbm>> -> memref<520xi32, #tpu.memory_space<hbm>>
    tpu.wait_indirect_dma semaphore(%arg9 : memref<!tpu.dma_semaphore, #tpu.memory_space<semaphore_mem>>) src(%dma_wait3A_176 : memref<520xi32, #tpu.memory_space<hbm>>) dst(%dma_wait3A_172 : memref<32xi32, #tpu.memory_space<vmem>>)
    %dma_wait3A_177 = arith.constant 6 : i32
    %dma_wait3A_178 = arith.constant 0 : i32
    %dma_wait3A_179 = tpu.memref_slice %arg7[%dma_wait3A_177, %dma_wait3A_178] : memref<16x32xi32, #tpu.memory_space<vmem>> -> memref<1x32xi32, #tpu.memory_space<vmem>>
    %dma_wait3A_180 = tpu.memref_squeeze %dma_wait3A_179 : memref<1x32xi32, #tpu.memory_space<vmem>> -> memref<32xi32, #tpu.memory_space<vmem>>
    %dma_wait3A_181 = arith.constant 192 : i32
    %dma_wait3A_182 = tpu.memref_slice %arg6[%dma_wait3A_181] : memref<512xi32, #tpu.memory_space<vmem>> -> memref<32xi32, #tpu.memory_space<vmem>>
    %dma_wait3A_183 = arith.constant 0 : i32
    %dma_wait3A_184 = tpu.memref_slice %arg3[%dma_wait3A_183] : memref<520xi32, #tpu.memory_space<hbm>> -> memref<520xi32, #tpu.memory_space<hbm>>
    tpu.wait_indirect_dma semaphore(%arg9 : memref<!tpu.dma_semaphore, #tpu.memory_space<semaphore_mem>>) src(%dma_wait3A_184 : memref<520xi32, #tpu.memory_space<hbm>>) dst(%dma_wait3A_180 : memref<32xi32, #tpu.memory_space<vmem>>)
    %dma_wait3A_185 = arith.constant 7 : i32
    %dma_wait3A_186 = arith.constant 0 : i32
    %dma_wait3A_187 = tpu.memref_slice %arg7[%dma_wait3A_185, %dma_wait3A_186] : memref<16x32xi32, #tpu.memory_space<vmem>> -> memref<1x32xi32, #tpu.memory_space<vmem>>
    %dma_wait3A_188 = tpu.memref_squeeze %dma_wait3A_187 : memref<1x32xi32, #tpu.memory_space<vmem>> -> memref<32xi32, #tpu.memory_space<vmem>>
    %dma_wait3A_189 = arith.constant 224 : i32
    %dma_wait3A_190 = tpu.memref_slice %arg6[%dma_wait3A_189] : memref<512xi32, #tpu.memory_space<vmem>> -> memref<32xi32, #tpu.memory_space<vmem>>
    %dma_wait3A_191 = arith.constant 0 : i32
    %dma_wait3A_192 = tpu.memref_slice %arg3[%dma_wait3A_191] : memref<520xi32, #tpu.memory_space<hbm>> -> memref<520xi32, #tpu.memory_space<hbm>>
    tpu.wait_indirect_dma semaphore(%arg9 : memref<!tpu.dma_semaphore, #tpu.memory_space<semaphore_mem>>) src(%dma_wait3A_192 : memref<520xi32, #tpu.memory_space<hbm>>) dst(%dma_wait3A_188 : memref<32xi32, #tpu.memory_space<vmem>>)
    %dma_wait3A_193 = arith.constant 8 : i32
    %dma_wait3A_194 = arith.constant 0 : i32
    %dma_wait3A_195 = tpu.memref_slice %arg7[%dma_wait3A_193, %dma_wait3A_194] : memref<16x32xi32, #tpu.memory_space<vmem>> -> memref<1x32xi32, #tpu.memory_space<vmem>>
    %dma_wait3A_196 = tpu.memref_squeeze %dma_wait3A_195 : memref<1x32xi32, #tpu.memory_space<vmem>> -> memref<32xi32, #tpu.memory_space<vmem>>
    %dma_wait3A_197 = arith.constant 256 : i32
    %dma_wait3A_198 = tpu.memref_slice %arg6[%dma_wait3A_197] : memref<512xi32, #tpu.memory_space<vmem>> -> memref<32xi32, #tpu.memory_space<vmem>>
    %dma_wait3A_199 = arith.constant 0 : i32
    %dma_wait3A_200 = tpu.memref_slice %arg3[%dma_wait3A_199] : memref<520xi32, #tpu.memory_space<hbm>> -> memref<520xi32, #tpu.memory_space<hbm>>
    tpu.wait_indirect_dma semaphore(%arg9 : memref<!tpu.dma_semaphore, #tpu.memory_space<semaphore_mem>>) src(%dma_wait3A_200 : memref<520xi32, #tpu.memory_space<hbm>>) dst(%dma_wait3A_196 : memref<32xi32, #tpu.memory_space<vmem>>)
    %dma_wait3A_201 = arith.constant 9 : i32
    %dma_wait3A_202 = arith.constant 0 : i32
    %dma_wait3A_203 = tpu.memref_slice %arg7[%dma_wait3A_201, %dma_wait3A_202] : memref<16x32xi32, #tpu.memory_space<vmem>> -> memref<1x32xi32, #tpu.memory_space<vmem>>
    %dma_wait3A_204 = tpu.memref_squeeze %dma_wait3A_203 : memref<1x32xi32, #tpu.memory_space<vmem>> -> memref<32xi32, #tpu.memory_space<vmem>>
    %dma_wait3A_205 = arith.constant 288 : i32
    %dma_wait3A_206 = tpu.memref_slice %arg6[%dma_wait3A_205] : memref<512xi32, #tpu.memory_space<vmem>> -> memref<32xi32, #tpu.memory_space<vmem>>
    %dma_wait3A_207 = arith.constant 0 : i32
    %dma_wait3A_208 = tpu.memref_slice %arg3[%dma_wait3A_207] : memref<520xi32, #tpu.memory_space<hbm>> -> memref<520xi32, #tpu.memory_space<hbm>>
    tpu.wait_indirect_dma semaphore(%arg9 : memref<!tpu.dma_semaphore, #tpu.memory_space<semaphore_mem>>) src(%dma_wait3A_208 : memref<520xi32, #tpu.memory_space<hbm>>) dst(%dma_wait3A_204 : memref<32xi32, #tpu.memory_space<vmem>>)
    %dma_wait3A_209 = arith.constant 10 : i32
    %dma_wait3A_210 = arith.constant 0 : i32
    %dma_wait3A_211 = tpu.memref_slice %arg7[%dma_wait3A_209, %dma_wait3A_210] : memref<16x32xi32, #tpu.memory_space<vmem>> -> memref<1x32xi32, #tpu.memory_space<vmem>>
    %dma_wait3A_212 = tpu.memref_squeeze %dma_wait3A_211 : memref<1x32xi32, #tpu.memory_space<vmem>> -> memref<32xi32, #tpu.memory_space<vmem>>
    %dma_wait3A_213 = arith.constant 320 : i32
    %dma_wait3A_214 = tpu.memref_slice %arg6[%dma_wait3A_213] : memref<512xi32, #tpu.memory_space<vmem>> -> memref<32xi32, #tpu.memory_space<vmem>>
    %dma_wait3A_215 = arith.constant 0 : i32
    %dma_wait3A_216 = tpu.memref_slice %arg3[%dma_wait3A_215] : memref<520xi32, #tpu.memory_space<hbm>> -> memref<520xi32, #tpu.memory_space<hbm>>
    tpu.wait_indirect_dma semaphore(%arg9 : memref<!tpu.dma_semaphore, #tpu.memory_space<semaphore_mem>>) src(%dma_wait3A_216 : memref<520xi32, #tpu.memory_space<hbm>>) dst(%dma_wait3A_212 : memref<32xi32, #tpu.memory_space<vmem>>)
    %dma_wait3A_217 = arith.constant 11 : i32
    %dma_wait3A_218 = arith.constant 0 : i32
    %dma_wait3A_219 = tpu.memref_slice %arg7[%dma_wait3A_217, %dma_wait3A_218] : memref<16x32xi32, #tpu.memory_space<vmem>> -> memref<1x32xi32, #tpu.memory_space<vmem>>
    %dma_wait3A_220 = tpu.memref_squeeze %dma_wait3A_219 : memref<1x32xi32, #tpu.memory_space<vmem>> -> memref<32xi32, #tpu.memory_space<vmem>>
    %dma_wait3A_221 = arith.constant 352 : i32
    %dma_wait3A_222 = tpu.memref_slice %arg6[%dma_wait3A_221] : memref<512xi32, #tpu.memory_space<vmem>> -> memref<32xi32, #tpu.memory_space<vmem>>
    %dma_wait3A_223 = arith.constant 0 : i32
    %dma_wait3A_224 = tpu.memref_slice %arg3[%dma_wait3A_223] : memref<520xi32, #tpu.memory_space<hbm>> -> memref<520xi32, #tpu.memory_space<hbm>>
    tpu.wait_indirect_dma semaphore(%arg9 : memref<!tpu.dma_semaphore, #tpu.memory_space<semaphore_mem>>) src(%dma_wait3A_224 : memref<520xi32, #tpu.memory_space<hbm>>) dst(%dma_wait3A_220 : memref<32xi32, #tpu.memory_space<vmem>>)
    %dma_wait3A_225 = arith.constant 12 : i32
    %dma_wait3A_226 = arith.constant 0 : i32
    %dma_wait3A_227 = tpu.memref_slice %arg7[%dma_wait3A_225, %dma_wait3A_226] : memref<16x32xi32, #tpu.memory_space<vmem>> -> memref<1x32xi32, #tpu.memory_space<vmem>>
    %dma_wait3A_228 = tpu.memref_squeeze %dma_wait3A_227 : memref<1x32xi32, #tpu.memory_space<vmem>> -> memref<32xi32, #tpu.memory_space<vmem>>
    %dma_wait3A_229 = arith.constant 384 : i32
    %dma_wait3A_230 = tpu.memref_slice %arg6[%dma_wait3A_229] : memref<512xi32, #tpu.memory_space<vmem>> -> memref<32xi32, #tpu.memory_space<vmem>>
    %dma_wait3A_231 = arith.constant 0 : i32
    %dma_wait3A_232 = tpu.memref_slice %arg3[%dma_wait3A_231] : memref<520xi32, #tpu.memory_space<hbm>> -> memref<520xi32, #tpu.memory_space<hbm>>
    tpu.wait_indirect_dma semaphore(%arg9 : memref<!tpu.dma_semaphore, #tpu.memory_space<semaphore_mem>>) src(%dma_wait3A_232 : memref<520xi32, #tpu.memory_space<hbm>>) dst(%dma_wait3A_228 : memref<32xi32, #tpu.memory_space<vmem>>)
    %dma_wait3A_233 = arith.constant 13 : i32
    %dma_wait3A_234 = arith.constant 0 : i32
    %dma_wait3A_235 = tpu.memref_slice %arg7[%dma_wait3A_233, %dma_wait3A_234] : memref<16x32xi32, #tpu.memory_space<vmem>> -> memref<1x32xi32, #tpu.memory_space<vmem>>
    %dma_wait3A_236 = tpu.memref_squeeze %dma_wait3A_235 : memref<1x32xi32, #tpu.memory_space<vmem>> -> memref<32xi32, #tpu.memory_space<vmem>>
    %dma_wait3A_237 = arith.constant 416 : i32
    %dma_wait3A_238 = tpu.memref_slice %arg6[%dma_wait3A_237] : memref<512xi32, #tpu.memory_space<vmem>> -> memref<32xi32, #tpu.memory_space<vmem>>
    %dma_wait3A_239 = arith.constant 0 : i32
    %dma_wait3A_240 = tpu.memref_slice %arg3[%dma_wait3A_239] : memref<520xi32, #tpu.memory_space<hbm>> -> memref<520xi32, #tpu.memory_space<hbm>>
    tpu.wait_indirect_dma semaphore(%arg9 : memref<!tpu.dma_semaphore, #tpu.memory_space<semaphore_mem>>) src(%dma_wait3A_240 : memref<520xi32, #tpu.memory_space<hbm>>) dst(%dma_wait3A_236 : memref<32xi32, #tpu.memory_space<vmem>>)
    %dma_wait3A_241 = arith.constant 14 : i32
    %dma_wait3A_242 = arith.constant 0 : i32
    %dma_wait3A_243 = tpu.memref_slice %arg7[%dma_wait3A_241, %dma_wait3A_242] : memref<16x32xi32, #tpu.memory_space<vmem>> -> memref<1x32xi32, #tpu.memory_space<vmem>>
    %dma_wait3A_244 = tpu.memref_squeeze %dma_wait3A_243 : memref<1x32xi32, #tpu.memory_space<vmem>> -> memref<32xi32, #tpu.memory_space<vmem>>
    %dma_wait3A_245 = arith.constant 448 : i32
    %dma_wait3A_246 = tpu.memref_slice %arg6[%dma_wait3A_245] : memref<512xi32, #tpu.memory_space<vmem>> -> memref<32xi32, #tpu.memory_space<vmem>>
    %dma_wait3A_247 = arith.constant 0 : i32
    %dma_wait3A_248 = tpu.memref_slice %arg3[%dma_wait3A_247] : memref<520xi32, #tpu.memory_space<hbm>> -> memref<520xi32, #tpu.memory_space<hbm>>
    tpu.wait_indirect_dma semaphore(%arg9 : memref<!tpu.dma_semaphore, #tpu.memory_space<semaphore_mem>>) src(%dma_wait3A_248 : memref<520xi32, #tpu.memory_space<hbm>>) dst(%dma_wait3A_244 : memref<32xi32, #tpu.memory_space<vmem>>)
    %dma_wait3A_249 = arith.constant 15 : i32
    %dma_wait3A_250 = arith.constant 0 : i32
    %dma_wait3A_251 = tpu.memref_slice %arg7[%dma_wait3A_249, %dma_wait3A_250] : memref<16x32xi32, #tpu.memory_space<vmem>> -> memref<1x32xi32, #tpu.memory_space<vmem>>
    %dma_wait3A_252 = tpu.memref_squeeze %dma_wait3A_251 : memref<1x32xi32, #tpu.memory_space<vmem>> -> memref<32xi32, #tpu.memory_space<vmem>>
    %dma_wait3A_253 = arith.constant 480 : i32
    %dma_wait3A_254 = tpu.memref_slice %arg6[%dma_wait3A_253] : memref<512xi32, #tpu.memory_space<vmem>> -> memref<32xi32, #tpu.memory_space<vmem>>
    %dma_wait3A_255 = arith.constant 0 : i32
    %dma_wait3A_256 = tpu.memref_slice %arg3[%dma_wait3A_255] : memref<520xi32, #tpu.memory_space<hbm>> -> memref<520xi32, #tpu.memory_space<hbm>>
    tpu.wait_indirect_dma semaphore(%arg9 : memref<!tpu.dma_semaphore, #tpu.memory_space<semaphore_mem>>) src(%dma_wait3A_256 : memref<520xi32, #tpu.memory_space<hbm>>) dst(%dma_wait3A_252 : memref<32xi32, #tpu.memory_space<vmem>>)
    %dma_start3A_257 = arith.constant 0 : i32
    %dma_start3A_258 = arith.constant 0 : i32
    %dma_start3A_259 = arith.constant 0 : i32
    %dma_start3A_260 = arith.constant 0 : i32
    %dma_start3A_261 = arith.constant 0 : i32
    %dma_start3A_262 = tpu.memref_slice %arg8[%dma_start3A_258, %dma_start3A_260, %dma_start3A_261] : memref<3x32x1024xf32, #tpu.memory_space<vmem>> -> memref<1x32x1024xf32, #tpu.memory_space<vmem>>
    %dma_start3A_263 = tpu.memref_squeeze %dma_start3A_262 : memref<1x32x1024xf32, #tpu.memory_space<vmem>> -> memref<32x1024xf32, #tpu.memory_space<vmem>>
    %dma_start3A_264 = arith.constant 0 : i32
    %dma_start3A_265 = tpu.memref_slice %arg7[%dma_start3A_257, %dma_start3A_264] : memref<16x32xi32, #tpu.memory_space<vmem>> -> memref<1x32xi32, #tpu.memory_space<vmem>>
    %dma_start3A_266 = tpu.memref_squeeze %dma_start3A_265 : memref<1x32xi32, #tpu.memory_space<vmem>> -> memref<32xi32, #tpu.memory_space<vmem>>
    %dma_start3A_267 = arith.constant 0 : i32
    %dma_start3A_268 = arith.constant 0 : i32
    %dma_start3A_269 = tpu.memref_slice %arg4[%dma_start3A_267, %dma_start3A_268] : memref<520x1024xf32, #tpu.memory_space<hbm>> -> memref<520x1024xf32, #tpu.memory_space<hbm>>
    %dma_start3A_270 = tpu.memref_slice %arg10[%dma_start3A_259] : memref<3x!tpu.dma_semaphore, #tpu.memory_space<semaphore_mem>> -> memref<1x!tpu.dma_semaphore, #tpu.memory_space<semaphore_mem>>
    %dma_start3A_271 = tpu.memref_squeeze %dma_start3A_270 : memref<1x!tpu.dma_semaphore, #tpu.memory_space<semaphore_mem>> -> memref<!tpu.dma_semaphore, #tpu.memory_space<semaphore_mem>>
    tpu.enqueue_indirect_dma source(%dma_start3A_269 : memref<520x1024xf32, #tpu.memory_space<hbm>>) target(%dma_start3A_263 : memref<32x1024xf32, #tpu.memory_space<vmem>>) offsets(%dma_start3A_266 : memref<32xi32, #tpu.memory_space<vmem>>) semaphore(%dma_start3A_271 : memref<!tpu.dma_semaphore, #tpu.memory_space<semaphore_mem>>)
    %dma_start3A_272 = arith.constant 1 : i32
    %dma_start3A_273 = arith.constant 1 : i32
    %dma_start3A_274 = arith.constant 1 : i32
    %dma_start3A_275 = arith.constant 0 : i32
    %dma_start3A_276 = arith.constant 0 : i32
    %dma_start3A_277 = tpu.memref_slice %arg8[%dma_start3A_273, %dma_start3A_275, %dma_start3A_276] : memref<3x32x1024xf32, #tpu.memory_space<vmem>> -> memref<1x32x1024xf32, #tpu.memory_space<vmem>>
    %dma_start3A_278 = tpu.memref_squeeze %dma_start3A_277 : memref<1x32x1024xf32, #tpu.memory_space<vmem>> -> memref<32x1024xf32, #tpu.memory_space<vmem>>
    %dma_start3A_279 = arith.constant 0 : i32
    %dma_start3A_280 = tpu.memref_slice %arg7[%dma_start3A_272, %dma_start3A_279] : memref<16x32xi32, #tpu.memory_space<vmem>> -> memref<1x32xi32, #tpu.memory_space<vmem>>
    %dma_start3A_281 = tpu.memref_squeeze %dma_start3A_280 : memref<1x32xi32, #tpu.memory_space<vmem>> -> memref<32xi32, #tpu.memory_space<vmem>>
    %dma_start3A_282 = arith.constant 0 : i32
    %dma_start3A_283 = arith.constant 0 : i32
    %dma_start3A_284 = tpu.memref_slice %arg4[%dma_start3A_282, %dma_start3A_283] : memref<520x1024xf32, #tpu.memory_space<hbm>> -> memref<520x1024xf32, #tpu.memory_space<hbm>>
    %dma_start3A_285 = tpu.memref_slice %arg10[%dma_start3A_274] : memref<3x!tpu.dma_semaphore, #tpu.memory_space<semaphore_mem>> -> memref<1x!tpu.dma_semaphore, #tpu.memory_space<semaphore_mem>>
    %dma_start3A_286 = tpu.memref_squeeze %dma_start3A_285 : memref<1x!tpu.dma_semaphore, #tpu.memory_space<semaphore_mem>> -> memref<!tpu.dma_semaphore, #tpu.memory_space<semaphore_mem>>
    tpu.enqueue_indirect_dma source(%dma_start3A_284 : memref<520x1024xf32, #tpu.memory_space<hbm>>) target(%dma_start3A_278 : memref<32x1024xf32, #tpu.memory_space<vmem>>) offsets(%dma_start3A_281 : memref<32xi32, #tpu.memory_space<vmem>>) semaphore(%dma_start3A_286 : memref<!tpu.dma_semaphore, #tpu.memory_space<semaphore_mem>>)
    %dma_start3A_287 = arith.constant 2 : i32
    %dma_start3A_288 = arith.constant 2 : i32
    %dma_start3A_289 = arith.constant 2 : i32
    %dma_start3A_290 = arith.constant 0 : i32
    %dma_start3A_291 = arith.constant 0 : i32
    %dma_start3A_292 = tpu.memref_slice %arg8[%dma_start3A_288, %dma_start3A_290, %dma_start3A_291] : memref<3x32x1024xf32, #tpu.memory_space<vmem>> -> memref<1x32x1024xf32, #tpu.memory_space<vmem>>
    %dma_start3A_293 = tpu.memref_squeeze %dma_start3A_292 : memref<1x32x1024xf32, #tpu.memory_space<vmem>> -> memref<32x1024xf32, #tpu.memory_space<vmem>>
    %dma_start3A_294 = arith.constant 0 : i32
    %dma_start3A_295 = tpu.memref_slice %arg7[%dma_start3A_287, %dma_start3A_294] : memref<16x32xi32, #tpu.memory_space<vmem>> -> memref<1x32xi32, #tpu.memory_space<vmem>>
    %dma_start3A_296 = tpu.memref_squeeze %dma_start3A_295 : memref<1x32xi32, #tpu.memory_space<vmem>> -> memref<32xi32, #tpu.memory_space<vmem>>
    %dma_start3A_297 = arith.constant 0 : i32
    %dma_start3A_298 = arith.constant 0 : i32
    %dma_start3A_299 = tpu.memref_slice %arg4[%dma_start3A_297, %dma_start3A_298] : memref<520x1024xf32, #tpu.memory_space<hbm>> -> memref<520x1024xf32, #tpu.memory_space<hbm>>
    %dma_start3A_300 = tpu.memref_slice %arg10[%dma_start3A_289] : memref<3x!tpu.dma_semaphore, #tpu.memory_space<semaphore_mem>> -> memref<1x!tpu.dma_semaphore, #tpu.memory_space<semaphore_mem>>
    %dma_start3A_301 = tpu.memref_squeeze %dma_start3A_300 : memref<1x!tpu.dma_semaphore, #tpu.memory_space<semaphore_mem>> -> memref<!tpu.dma_semaphore, #tpu.memory_space<semaphore_mem>>
    tpu.enqueue_indirect_dma source(%dma_start3A_299 : memref<520x1024xf32, #tpu.memory_space<hbm>>) target(%dma_start3A_293 : memref<32x1024xf32, #tpu.memory_space<vmem>>) offsets(%dma_start3A_296 : memref<32xi32, #tpu.memory_space<vmem>>) semaphore(%dma_start3A_301 : memref<!tpu.dma_semaphore, #tpu.memory_space<semaphore_mem>>)
    %dma_wait3A_302 = arith.constant 0 : i32
    %dma_wait3A_303 = arith.constant 0 : i32
    %dma_wait3A_304 = arith.constant 0 : i32
    %dma_wait3A_305 = arith.constant 0 : i32
    %dma_wait3A_306 = arith.constant 0 : i32
    %dma_wait3A_307 = tpu.memref_slice %arg8[%dma_wait3A_303, %dma_wait3A_305, %dma_wait3A_306] : memref<3x32x1024xf32, #tpu.memory_space<vmem>> -> memref<1x32x1024xf32, #tpu.memory_space<vmem>>
    %dma_wait3A_308 = tpu.memref_squeeze %dma_wait3A_307 : memref<1x32x1024xf32, #tpu.memory_space<vmem>> -> memref<32x1024xf32, #tpu.memory_space<vmem>>
    %dma_wait3A_309 = arith.constant 0 : i32
    %dma_wait3A_310 = tpu.memref_slice %arg7[%dma_wait3A_302, %dma_wait3A_309] : memref<16x32xi32, #tpu.memory_space<vmem>> -> memref<1x32xi32, #tpu.memory_space<vmem>>
    %dma_wait3A_311 = tpu.memref_squeeze %dma_wait3A_310 : memref<1x32xi32, #tpu.memory_space<vmem>> -> memref<32xi32, #tpu.memory_space<vmem>>
    %dma_wait3A_312 = arith.constant 0 : i32
    %dma_wait3A_313 = arith.constant 0 : i32
    %dma_wait3A_314 = tpu.memref_slice %arg4[%dma_wait3A_312, %dma_wait3A_313] : memref<520x1024xf32, #tpu.memory_space<hbm>> -> memref<520x1024xf32, #tpu.memory_space<hbm>>
    %dma_wait3A_315 = tpu.memref_slice %arg10[%dma_wait3A_304] : memref<3x!tpu.dma_semaphore, #tpu.memory_space<semaphore_mem>> -> memref<1x!tpu.dma_semaphore, #tpu.memory_space<semaphore_mem>>
    %dma_wait3A_316 = tpu.memref_squeeze %dma_wait3A_315 : memref<1x!tpu.dma_semaphore, #tpu.memory_space<semaphore_mem>> -> memref<!tpu.dma_semaphore, #tpu.memory_space<semaphore_mem>>
    tpu.wait_indirect_dma semaphore(%dma_wait3A_316 : memref<!tpu.dma_semaphore, #tpu.memory_space<semaphore_mem>>) src(%dma_wait3A_314 : memref<520x1024xf32, #tpu.memory_space<hbm>>) dst(%dma_wait3A_308 : memref<32x1024xf32, #tpu.memory_space<vmem>>)
    %add3A_317 = arith.constant 0 : i32
    %add3A_318 = arith.addi %mul3A_2, %add3A_317 : i32
    %dma_start3A_319 = arith.constant 0 : i32
    %dma_start3A_320 = arith.constant 0 : i32
    %dma_start3A_321 = arith.constant 0 : i32
    %dma_start3A_322 = arith.constant 0 : i32
    %dma_start3A_323 = arith.constant 0 : i32
    %dma_start3A_324 = tpu.memref_slice %arg8[%dma_start3A_319, %dma_start3A_322, %dma_start3A_323] : memref<3x32x1024xf32, #tpu.memory_space<vmem>> -> memref<1x32x1024xf32, #tpu.memory_space<vmem>>
    %dma_start3A_325 = tpu.memref_squeeze %dma_start3A_324 : memref<1x32x1024xf32, #tpu.memory_space<vmem>> -> memref<32x1024xf32, #tpu.memory_space<vmem>>
    %dma_start3A_326 = arith.constant 0 : i32
    %dma_start3A_327 = tpu.memref_slice %arg5[%add3A_318, %dma_start3A_320, %dma_start3A_326] : memref<16384x1x1024xf32, #tpu.memory_space<hbm>> -> memref<32x1x1024xf32, #tpu.memory_space<hbm>>
    %dma_start3A_328 = tpu.memref_squeeze %dma_start3A_327 : memref<32x1x1024xf32, #tpu.memory_space<hbm>> -> memref<32x1024xf32, #tpu.memory_space<hbm>>
    %dma_start3A_329 = tpu.memref_slice %arg11[%dma_start3A_321] : memref<3x!tpu.dma_semaphore, #tpu.memory_space<semaphore_mem>> -> memref<1x!tpu.dma_semaphore, #tpu.memory_space<semaphore_mem>>
    %dma_start3A_330 = tpu.memref_squeeze %dma_start3A_329 : memref<1x!tpu.dma_semaphore, #tpu.memory_space<semaphore_mem>> -> memref<!tpu.dma_semaphore, #tpu.memory_space<semaphore_mem>>
    %dma_start3A_331 = arith.constant 0 : i32
    %dma_start3A_332 = tpu.memref_slice %arg5[%add3A_318, %dma_start3A_320, %dma_start3A_331] : memref<16384x1x1024xf32, #tpu.memory_space<hbm>> -> memref<32x1x1024xf32, #tpu.memory_space<hbm>>
    %dma_start3A_333 = tpu.memref_squeeze %dma_start3A_332 : memref<32x1x1024xf32, #tpu.memory_space<hbm>> -> memref<32x1024xf32, #tpu.memory_space<hbm>>
    %dma_start3A_334 = arith.constant 0 : i32
    %dma_start3A_335 = arith.constant 0 : i32
    %dma_start3A_336 = tpu.memref_slice %arg8[%dma_start3A_319, %dma_start3A_334, %dma_start3A_335] : memref<3x32x1024xf32, #tpu.memory_space<vmem>> -> memref<1x32x1024xf32, #tpu.memory_space<vmem>>
    %dma_start3A_337 = tpu.memref_squeeze %dma_start3A_336 : memref<1x32x1024xf32, #tpu.memory_space<vmem>> -> memref<32x1024xf32, #tpu.memory_space<vmem>>
    tpu.enqueue_dma source(%dma_start3A_337 : memref<32x1024xf32, #tpu.memory_space<vmem>>) target(%dma_start3A_333 : memref<32x1024xf32, #tpu.memory_space<hbm>>) target_semaphore(%dma_start3A_330 : memref<!tpu.dma_semaphore, #tpu.memory_space<semaphore_mem>>)
    %dma_wait3A_338 = arith.constant 0 : i32
    %dma_wait3A_339 = arith.constant 0 : i32
    %dma_wait3A_340 = arith.constant 0 : i32
    %dma_wait3A_341 = arith.constant 0 : i32
    %dma_wait3A_342 = arith.constant 0 : i32
    %dma_wait3A_343 = tpu.memref_slice %arg8[%dma_wait3A_338, %dma_wait3A_341, %dma_wait3A_342] : memref<3x32x1024xf32, #tpu.memory_space<vmem>> -> memref<1x32x1024xf32, #tpu.memory_space<vmem>>
    %dma_wait3A_344 = tpu.memref_squeeze %dma_wait3A_343 : memref<1x32x1024xf32, #tpu.memory_space<vmem>> -> memref<32x1024xf32, #tpu.memory_space<vmem>>
    %dma_wait3A_345 = arith.constant 0 : i32
    %dma_wait3A_346 = tpu.memref_slice %arg5[%add3A_318, %dma_wait3A_339, %dma_wait3A_345] : memref<16384x1x1024xf32, #tpu.memory_space<hbm>> -> memref<32x1x1024xf32, #tpu.memory_space<hbm>>
    %dma_wait3A_347 = tpu.memref_squeeze %dma_wait3A_346 : memref<32x1x1024xf32, #tpu.memory_space<hbm>> -> memref<32x1024xf32, #tpu.memory_space<hbm>>
    %dma_wait3A_348 = tpu.memref_slice %arg11[%dma_wait3A_340] : memref<3x!tpu.dma_semaphore, #tpu.memory_space<semaphore_mem>> -> memref<1x!tpu.dma_semaphore, #tpu.memory_space<semaphore_mem>>
    %dma_wait3A_349 = tpu.memref_squeeze %dma_wait3A_348 : memref<1x!tpu.dma_semaphore, #tpu.memory_space<semaphore_mem>> -> memref<!tpu.dma_semaphore, #tpu.memory_space<semaphore_mem>>
    %dma_wait3A_350 = arith.constant 0 : i32
    %dma_wait3A_351 = tpu.memref_slice %arg5[%add3A_318, %dma_wait3A_339, %dma_wait3A_350] : memref<16384x1x1024xf32, #tpu.memory_space<hbm>> -> memref<32x1x1024xf32, #tpu.memory_space<hbm>>
    %dma_wait3A_352 = tpu.memref_squeeze %dma_wait3A_351 : memref<32x1x1024xf32, #tpu.memory_space<hbm>> -> memref<32x1024xf32, #tpu.memory_space<hbm>>
    %dma_wait3A_353 = arith.constant 0 : i32
    %dma_wait3A_354 = arith.constant 0 : i32
    %dma_wait3A_355 = tpu.memref_slice %arg8[%dma_wait3A_338, %dma_wait3A_353, %dma_wait3A_354] : memref<3x32x1024xf32, #tpu.memory_space<vmem>> -> memref<1x32x1024xf32, #tpu.memory_space<vmem>>
    %dma_wait3A_356 = tpu.memref_squeeze %dma_wait3A_355 : memref<1x32x1024xf32, #tpu.memory_space<vmem>> -> memref<32x1024xf32, #tpu.memory_space<vmem>>
    tpu.wait_dma2 semaphore(%dma_wait3A_349 : memref<!tpu.dma_semaphore, #tpu.memory_space<semaphore_mem>>) src(%dma_wait3A_356 : memref<32x1024xf32, #tpu.memory_space<vmem>>) dst(%dma_wait3A_352 : memref<32x1024xf32, #tpu.memory_space<hbm>>)
    %dma_start3A_357 = arith.constant 3 : i32
    %dma_start3A_358 = arith.constant 0 : i32
    %dma_start3A_359 = arith.constant 0 : i32
    %dma_start3A_360 = arith.constant 0 : i32
    %dma_start3A_361 = arith.constant 0 : i32
    %dma_start3A_362 = tpu.memref_slice %arg8[%dma_start3A_358, %dma_start3A_360, %dma_start3A_361] : memref<3x32x1024xf32, #tpu.memory_space<vmem>> -> memref<1x32x1024xf32, #tpu.memory_space<vmem>>
    %dma_start3A_363 = tpu.memref_squeeze %dma_start3A_362 : memref<1x32x1024xf32, #tpu.memory_space<vmem>> -> memref<32x1024xf32, #tpu.memory_space<vmem>>
    %dma_start3A_364 = arith.constant 0 : i32
    %dma_start3A_365 = tpu.memref_slice %arg7[%dma_start3A_357, %dma_start3A_364] : memref<16x32xi32, #tpu.memory_space<vmem>> -> memref<1x32xi32, #tpu.memory_space<vmem>>
    %dma_start3A_366 = tpu.memref_squeeze %dma_start3A_365 : memref<1x32xi32, #tpu.memory_space<vmem>> -> memref<32xi32, #tpu.memory_space<vmem>>
    %dma_start3A_367 = arith.constant 0 : i32
    %dma_start3A_368 = arith.constant 0 : i32
    %dma_start3A_369 = tpu.memref_slice %arg4[%dma_start3A_367, %dma_start3A_368] : memref<520x1024xf32, #tpu.memory_space<hbm>> -> memref<520x1024xf32, #tpu.memory_space<hbm>>
    %dma_start3A_370 = tpu.memref_slice %arg10[%dma_start3A_359] : memref<3x!tpu.dma_semaphore, #tpu.memory_space<semaphore_mem>> -> memref<1x!tpu.dma_semaphore, #tpu.memory_space<semaphore_mem>>
    %dma_start3A_371 = tpu.memref_squeeze %dma_start3A_370 : memref<1x!tpu.dma_semaphore, #tpu.memory_space<semaphore_mem>> -> memref<!tpu.dma_semaphore, #tpu.memory_space<semaphore_mem>>
    tpu.enqueue_indirect_dma source(%dma_start3A_369 : memref<520x1024xf32, #tpu.memory_space<hbm>>) target(%dma_start3A_363 : memref<32x1024xf32, #tpu.memory_space<vmem>>) offsets(%dma_start3A_366 : memref<32xi32, #tpu.memory_space<vmem>>) semaphore(%dma_start3A_371 : memref<!tpu.dma_semaphore, #tpu.memory_space<semaphore_mem>>)
    %dma_wait3A_372 = arith.constant 1 : i32
    %dma_wait3A_373 = arith.constant 1 : i32
    %dma_wait3A_374 = arith.constant 1 : i32
    %dma_wait3A_375 = arith.constant 0 : i32
    %dma_wait3A_376 = arith.constant 0 : i32
    %dma_wait3A_377 = tpu.memref_slice %arg8[%dma_wait3A_373, %dma_wait3A_375, %dma_wait3A_376] : memref<3x32x1024xf32, #tpu.memory_space<vmem>> -> memref<1x32x1024xf32, #tpu.memory_space<vmem>>
    %dma_wait3A_378 = tpu.memref_squeeze %dma_wait3A_377 : memref<1x32x1024xf32, #tpu.memory_space<vmem>> -> memref<32x1024xf32, #tpu.memory_space<vmem>>
    %dma_wait3A_379 = arith.constant 0 : i32
    %dma_wait3A_380 = tpu.memref_slice %arg7[%dma_wait3A_372, %dma_wait3A_379] : memref<16x32xi32, #tpu.memory_space<vmem>> -> memref<1x32xi32, #tpu.memory_space<vmem>>
    %dma_wait3A_381 = tpu.memref_squeeze %dma_wait3A_380 : memref<1x32xi32, #tpu.memory_space<vmem>> -> memref<32xi32, #tpu.memory_space<vmem>>
    %dma_wait3A_382 = arith.constant 0 : i32
    %dma_wait3A_383 = arith.constant 0 : i32
    %dma_wait3A_384 = tpu.memref_slice %arg4[%dma_wait3A_382, %dma_wait3A_383] : memref<520x1024xf32, #tpu.memory_space<hbm>> -> memref<520x1024xf32, #tpu.memory_space<hbm>>
    %dma_wait3A_385 = tpu.memref_slice %arg10[%dma_wait3A_374] : memref<3x!tpu.dma_semaphore, #tpu.memory_space<semaphore_mem>> -> memref<1x!tpu.dma_semaphore, #tpu.memory_space<semaphore_mem>>
    %dma_wait3A_386 = tpu.memref_squeeze %dma_wait3A_385 : memref<1x!tpu.dma_semaphore, #tpu.memory_space<semaphore_mem>> -> memref<!tpu.dma_semaphore, #tpu.memory_space<semaphore_mem>>
    tpu.wait_indirect_dma semaphore(%dma_wait3A_386 : memref<!tpu.dma_semaphore, #tpu.memory_space<semaphore_mem>>) src(%dma_wait3A_384 : memref<520x1024xf32, #tpu.memory_space<hbm>>) dst(%dma_wait3A_378 : memref<32x1024xf32, #tpu.memory_space<vmem>>)
    %add3A_387 = arith.constant 32 : i32
    %add3A_388 = arith.addi %mul3A_2, %add3A_387 : i32
    %dma_start3A_389 = arith.constant 1 : i32
    %dma_start3A_390 = arith.constant 0 : i32
    %dma_start3A_391 = arith.constant 1 : i32
    %dma_start3A_392 = arith.constant 0 : i32
    %dma_start3A_393 = arith.constant 0 : i32
    %dma_start3A_394 = tpu.memref_slice %arg8[%dma_start3A_389, %dma_start3A_392, %dma_start3A_393] : memref<3x32x1024xf32, #tpu.memory_space<vmem>> -> memref<1x32x1024xf32, #tpu.memory_space<vmem>>
    %dma_start3A_395 = tpu.memref_squeeze %dma_start3A_394 : memref<1x32x1024xf32, #tpu.memory_space<vmem>> -> memref<32x1024xf32, #tpu.memory_space<vmem>>
    %dma_start3A_396 = arith.constant 0 : i32
    %dma_start3A_397 = tpu.memref_slice %arg5[%add3A_388, %dma_start3A_390, %dma_start3A_396] : memref<16384x1x1024xf32, #tpu.memory_space<hbm>> -> memref<32x1x1024xf32, #tpu.memory_space<hbm>>
    %dma_start3A_398 = tpu.memref_squeeze %dma_start3A_397 : memref<32x1x1024xf32, #tpu.memory_space<hbm>> -> memref<32x1024xf32, #tpu.memory_space<hbm>>
    %dma_start3A_399 = tpu.memref_slice %arg11[%dma_start3A_391] : memref<3x!tpu.dma_semaphore, #tpu.memory_space<semaphore_mem>> -> memref<1x!tpu.dma_semaphore, #tpu.memory_space<semaphore_mem>>
    %dma_start3A_400 = tpu.memref_squeeze %dma_start3A_399 : memref<1x!tpu.dma_semaphore, #tpu.memory_space<semaphore_mem>> -> memref<!tpu.dma_semaphore, #tpu.memory_space<semaphore_mem>>
    %dma_start3A_401 = arith.constant 0 : i32
    %dma_start3A_402 = tpu.memref_slice %arg5[%add3A_388, %dma_start3A_390, %dma_start3A_401] : memref<16384x1x1024xf32, #tpu.memory_space<hbm>> -> memref<32x1x1024xf32, #tpu.memory_space<hbm>>
    %dma_start3A_403 = tpu.memref_squeeze %dma_start3A_402 : memref<32x1x1024xf32, #tpu.memory_space<hbm>> -> memref<32x1024xf32, #tpu.memory_space<hbm>>
    %dma_start3A_404 = arith.constant 0 : i32
    %dma_start3A_405 = arith.constant 0 : i32
    %dma_start3A_406 = tpu.memref_slice %arg8[%dma_start3A_389, %dma_start3A_404, %dma_start3A_405] : memref<3x32x1024xf32, #tpu.memory_space<vmem>> -> memref<1x32x1024xf32, #tpu.memory_space<vmem>>
    %dma_start3A_407 = tpu.memref_squeeze %dma_start3A_406 : memref<1x32x1024xf32, #tpu.memory_space<vmem>> -> memref<32x1024xf32, #tpu.memory_space<vmem>>
    tpu.enqueue_dma source(%dma_start3A_407 : memref<32x1024xf32, #tpu.memory_space<vmem>>) target(%dma_start3A_403 : memref<32x1024xf32, #tpu.memory_space<hbm>>) target_semaphore(%dma_start3A_400 : memref<!tpu.dma_semaphore, #tpu.memory_space<semaphore_mem>>)
    %dma_wait3A_408 = arith.constant 1 : i32
    %dma_wait3A_409 = arith.constant 0 : i32
    %dma_wait3A_410 = arith.constant 1 : i32
    %dma_wait3A_411 = arith.constant 0 : i32
    %dma_wait3A_412 = arith.constant 0 : i32
    %dma_wait3A_413 = tpu.memref_slice %arg8[%dma_wait3A_408, %dma_wait3A_411, %dma_wait3A_412] : memref<3x32x1024xf32, #tpu.memory_space<vmem>> -> memref<1x32x1024xf32, #tpu.memory_space<vmem>>
    %dma_wait3A_414 = tpu.memref_squeeze %dma_wait3A_413 : memref<1x32x1024xf32, #tpu.memory_space<vmem>> -> memref<32x1024xf32, #tpu.memory_space<vmem>>
    %dma_wait3A_415 = arith.constant 0 : i32
    %dma_wait3A_416 = tpu.memref_slice %arg5[%add3A_388, %dma_wait3A_409, %dma_wait3A_415] : memref<16384x1x1024xf32, #tpu.memory_space<hbm>> -> memref<32x1x1024xf32, #tpu.memory_space<hbm>>
    %dma_wait3A_417 = tpu.memref_squeeze %dma_wait3A_416 : memref<32x1x1024xf32, #tpu.memory_space<hbm>> -> memref<32x1024xf32, #tpu.memory_space<hbm>>
    %dma_wait3A_418 = tpu.memref_slice %arg11[%dma_wait3A_410] : memref<3x!tpu.dma_semaphore, #tpu.memory_space<semaphore_mem>> -> memref<1x!tpu.dma_semaphore, #tpu.memory_space<semaphore_mem>>
    %dma_wait3A_419 = tpu.memref_squeeze %dma_wait3A_418 : memref<1x!tpu.dma_semaphore, #tpu.memory_space<semaphore_mem>> -> memref<!tpu.dma_semaphore, #tpu.memory_space<semaphore_mem>>
    %dma_wait3A_420 = arith.constant 0 : i32
    %dma_wait3A_421 = tpu.memref_slice %arg5[%add3A_388, %dma_wait3A_409, %dma_wait3A_420] : memref<16384x1x1024xf32, #tpu.memory_space<hbm>> -> memref<32x1x1024xf32, #tpu.memory_space<hbm>>
    %dma_wait3A_422 = tpu.memref_squeeze %dma_wait3A_421 : memref<32x1x1024xf32, #tpu.memory_space<hbm>> -> memref<32x1024xf32, #tpu.memory_space<hbm>>
    %dma_wait3A_423 = arith.constant 0 : i32
    %dma_wait3A_424 = arith.constant 0 : i32
    %dma_wait3A_425 = tpu.memref_slice %arg8[%dma_wait3A_408, %dma_wait3A_423, %dma_wait3A_424] : memref<3x32x1024xf32, #tpu.memory_space<vmem>> -> memref<1x32x1024xf32, #tpu.memory_space<vmem>>
    %dma_wait3A_426 = tpu.memref_squeeze %dma_wait3A_425 : memref<1x32x1024xf32, #tpu.memory_space<vmem>> -> memref<32x1024xf32, #tpu.memory_space<vmem>>
    tpu.wait_dma2 semaphore(%dma_wait3A_419 : memref<!tpu.dma_semaphore, #tpu.memory_space<semaphore_mem>>) src(%dma_wait3A_426 : memref<32x1024xf32, #tpu.memory_space<vmem>>) dst(%dma_wait3A_422 : memref<32x1024xf32, #tpu.memory_space<hbm>>)
    %dma_start3A_427 = arith.constant 4 : i32
    %dma_start3A_428 = arith.constant 1 : i32
    %dma_start3A_429 = arith.constant 1 : i32
    %dma_start3A_430 = arith.constant 0 : i32
    %dma_start3A_431 = arith.constant 0 : i32
    %dma_start3A_432 = tpu.memref_slice %arg8[%dma_start3A_428, %dma_start3A_430, %dma_start3A_431] : memref<3x32x1024xf32, #tpu.memory_space<vmem>> -> memref<1x32x1024xf32, #tpu.memory_space<vmem>>
    %dma_start3A_433 = tpu.memref_squeeze %dma_start3A_432 : memref<1x32x1024xf32, #tpu.memory_space<vmem>> -> memref<32x1024xf32, #tpu.memory_space<vmem>>
    %dma_start3A_434 = arith.constant 0 : i32
    %dma_start3A_435 = tpu.memref_slice %arg7[%dma_start3A_427, %dma_start3A_434] : memref<16x32xi32, #tpu.memory_space<vmem>> -> memref<1x32xi32, #tpu.memory_space<vmem>>
    %dma_start3A_436 = tpu.memref_squeeze %dma_start3A_435 : memref<1x32xi32, #tpu.memory_space<vmem>> -> memref<32xi32, #tpu.memory_space<vmem>>
    %dma_start3A_437 = arith.constant 0 : i32
    %dma_start3A_438 = arith.constant 0 : i32
    %dma_start3A_439 = tpu.memref_slice %arg4[%dma_start3A_437, %dma_start3A_438] : memref<520x1024xf32, #tpu.memory_space<hbm>> -> memref<520x1024xf32, #tpu.memory_space<hbm>>
    %dma_start3A_440 = tpu.memref_slice %arg10[%dma_start3A_429] : memref<3x!tpu.dma_semaphore, #tpu.memory_space<semaphore_mem>> -> memref<1x!tpu.dma_semaphore, #tpu.memory_space<semaphore_mem>>
    %dma_start3A_441 = tpu.memref_squeeze %dma_start3A_440 : memref<1x!tpu.dma_semaphore, #tpu.memory_space<semaphore_mem>> -> memref<!tpu.dma_semaphore, #tpu.memory_space<semaphore_mem>>
    tpu.enqueue_indirect_dma source(%dma_start3A_439 : memref<520x1024xf32, #tpu.memory_space<hbm>>) target(%dma_start3A_433 : memref<32x1024xf32, #tpu.memory_space<vmem>>) offsets(%dma_start3A_436 : memref<32xi32, #tpu.memory_space<vmem>>) semaphore(%dma_start3A_441 : memref<!tpu.dma_semaphore, #tpu.memory_space<semaphore_mem>>)
    %dma_wait3A_442 = arith.constant 2 : i32
    %dma_wait3A_443 = arith.constant 2 : i32
    %dma_wait3A_444 = arith.constant 2 : i32
    %dma_wait3A_445 = arith.constant 0 : i32
    %dma_wait3A_446 = arith.constant 0 : i32
    %dma_wait3A_447 = tpu.memref_slice %arg8[%dma_wait3A_443, %dma_wait3A_445, %dma_wait3A_446] : memref<3x32x1024xf32, #tpu.memory_space<vmem>> -> memref<1x32x1024xf32, #tpu.memory_space<vmem>>
    %dma_wait3A_448 = tpu.memref_squeeze %dma_wait3A_447 : memref<1x32x1024xf32, #tpu.memory_space<vmem>> -> memref<32x1024xf32, #tpu.memory_space<vmem>>
    %dma_wait3A_449 = arith.constant 0 : i32
    %dma_wait3A_450 = tpu.memref_slice %arg7[%dma_wait3A_442, %dma_wait3A_449] : memref<16x32xi32, #tpu.memory_space<vmem>> -> memref<1x32xi32, #tpu.memory_space<vmem>>
    %dma_wait3A_451 = tpu.memref_squeeze %dma_wait3A_450 : memref<1x32xi32, #tpu.memory_space<vmem>> -> memref<32xi32, #tpu.memory_space<vmem>>
    %dma_wait3A_452 = arith.constant 0 : i32
    %dma_wait3A_453 = arith.constant 0 : i32
    %dma_wait3A_454 = tpu.memref_slice %arg4[%dma_wait3A_452, %dma_wait3A_453] : memref<520x1024xf32, #tpu.memory_space<hbm>> -> memref<520x1024xf32, #tpu.memory_space<hbm>>
    %dma_wait3A_455 = tpu.memref_slice %arg10[%dma_wait3A_444] : memref<3x!tpu.dma_semaphore, #tpu.memory_space<semaphore_mem>> -> memref<1x!tpu.dma_semaphore, #tpu.memory_space<semaphore_mem>>
    %dma_wait3A_456 = tpu.memref_squeeze %dma_wait3A_455 : memref<1x!tpu.dma_semaphore, #tpu.memory_space<semaphore_mem>> -> memref<!tpu.dma_semaphore, #tpu.memory_space<semaphore_mem>>
    tpu.wait_indirect_dma semaphore(%dma_wait3A_456 : memref<!tpu.dma_semaphore, #tpu.memory_space<semaphore_mem>>) src(%dma_wait3A_454 : memref<520x1024xf32, #tpu.memory_space<hbm>>) dst(%dma_wait3A_448 : memref<32x1024xf32, #tpu.memory_space<vmem>>)
    %add3A_457 = arith.constant 64 : i32
    %add3A_458 = arith.addi %mul3A_2, %add3A_457 : i32
    %dma_start3A_459 = arith.constant 2 : i32
    %dma_start3A_460 = arith.constant 0 : i32
    %dma_start3A_461 = arith.constant 2 : i32
    %dma_start3A_462 = arith.constant 0 : i32
    %dma_start3A_463 = arith.constant 0 : i32
    %dma_start3A_464 = tpu.memref_slice %arg8[%dma_start3A_459, %dma_start3A_462, %dma_start3A_463] : memref<3x32x1024xf32, #tpu.memory_space<vmem>> -> memref<1x32x1024xf32, #tpu.memory_space<vmem>>
    %dma_start3A_465 = tpu.memref_squeeze %dma_start3A_464 : memref<1x32x1024xf32, #tpu.memory_space<vmem>> -> memref<32x1024xf32, #tpu.memory_space<vmem>>
    %dma_start3A_466 = arith.constant 0 : i32
    %dma_start3A_467 = tpu.memref_slice %arg5[%add3A_458, %dma_start3A_460, %dma_start3A_466] : memref<16384x1x1024xf32, #tpu.memory_space<hbm>> -> memref<32x1x1024xf32, #tpu.memory_space<hbm>>
    %dma_start3A_468 = tpu.memref_squeeze %dma_start3A_467 : memref<32x1x1024xf32, #tpu.memory_space<hbm>> -> memref<32x1024xf32, #tpu.memory_space<hbm>>
    %dma_start3A_469 = tpu.memref_slice %arg11[%dma_start3A_461] : memref<3x!tpu.dma_semaphore, #tpu.memory_space<semaphore_mem>> -> memref<1x!tpu.dma_semaphore, #tpu.memory_space<semaphore_mem>>
    %dma_start3A_470 = tpu.memref_squeeze %dma_start3A_469 : memref<1x!tpu.dma_semaphore, #tpu.memory_space<semaphore_mem>> -> memref<!tpu.dma_semaphore, #tpu.memory_space<semaphore_mem>>
    %dma_start3A_471 = arith.constant 0 : i32
    %dma_start3A_472 = tpu.memref_slice %arg5[%add3A_458, %dma_start3A_460, %dma_start3A_471] : memref<16384x1x1024xf32, #tpu.memory_space<hbm>> -> memref<32x1x1024xf32, #tpu.memory_space<hbm>>
    %dma_start3A_473 = tpu.memref_squeeze %dma_start3A_472 : memref<32x1x1024xf32, #tpu.memory_space<hbm>> -> memref<32x1024xf32, #tpu.memory_space<hbm>>
    %dma_start3A_474 = arith.constant 0 : i32
    %dma_start3A_475 = arith.constant 0 : i32
    %dma_start3A_476 = tpu.memref_slice %arg8[%dma_start3A_459, %dma_start3A_474, %dma_start3A_475] : memref<3x32x1024xf32, #tpu.memory_space<vmem>> -> memref<1x32x1024xf32, #tpu.memory_space<vmem>>
    %dma_start3A_477 = tpu.memref_squeeze %dma_start3A_476 : memref<1x32x1024xf32, #tpu.memory_space<vmem>> -> memref<32x1024xf32, #tpu.memory_space<vmem>>
    tpu.enqueue_dma source(%dma_start3A_477 : memref<32x1024xf32, #tpu.memory_space<vmem>>) target(%dma_start3A_473 : memref<32x1024xf32, #tpu.memory_space<hbm>>) target_semaphore(%dma_start3A_470 : memref<!tpu.dma_semaphore, #tpu.memory_space<semaphore_mem>>)
    %dma_wait3A_478 = arith.constant 2 : i32
    %dma_wait3A_479 = arith.constant 0 : i32
    %dma_wait3A_480 = arith.constant 2 : i32
    %dma_wait3A_481 = arith.constant 0 : i32
    %dma_wait3A_482 = arith.constant 0 : i32
    %dma_wait3A_483 = tpu.memref_slice %arg8[%dma_wait3A_478, %dma_wait3A_481, %dma_wait3A_482] : memref<3x32x1024xf32, #tpu.memory_space<vmem>> -> memref<1x32x1024xf32, #tpu.memory_space<vmem>>
    %dma_wait3A_484 = tpu.memref_squeeze %dma_wait3A_483 : memref<1x32x1024xf32, #tpu.memory_space<vmem>> -> memref<32x1024xf32, #tpu.memory_space<vmem>>
    %dma_wait3A_485 = arith.constant 0 : i32
    %dma_wait3A_486 = tpu.memref_slice %arg5[%add3A_458, %dma_wait3A_479, %dma_wait3A_485] : memref<16384x1x1024xf32, #tpu.memory_space<hbm>> -> memref<32x1x1024xf32, #tpu.memory_space<hbm>>
    %dma_wait3A_487 = tpu.memref_squeeze %dma_wait3A_486 : memref<32x1x1024xf32, #tpu.memory_space<hbm>> -> memref<32x1024xf32, #tpu.memory_space<hbm>>
    %dma_wait3A_488 = tpu.memref_slice %arg11[%dma_wait3A_480] : memref<3x!tpu.dma_semaphore, #tpu.memory_space<semaphore_mem>> -> memref<1x!tpu.dma_semaphore, #tpu.memory_space<semaphore_mem>>
    %dma_wait3A_489 = tpu.memref_squeeze %dma_wait3A_488 : memref<1x!tpu.dma_semaphore, #tpu.memory_space<semaphore_mem>> -> memref<!tpu.dma_semaphore, #tpu.memory_space<semaphore_mem>>
    %dma_wait3A_490 = arith.constant 0 : i32
    %dma_wait3A_491 = tpu.memref_slice %arg5[%add3A_458, %dma_wait3A_479, %dma_wait3A_490] : memref<16384x1x1024xf32, #tpu.memory_space<hbm>> -> memref<32x1x1024xf32, #tpu.memory_space<hbm>>
    %dma_wait3A_492 = tpu.memref_squeeze %dma_wait3A_491 : memref<32x1x1024xf32, #tpu.memory_space<hbm>> -> memref<32x1024xf32, #tpu.memory_space<hbm>>
    %dma_wait3A_493 = arith.constant 0 : i32
    %dma_wait3A_494 = arith.constant 0 : i32
    %dma_wait3A_495 = tpu.memref_slice %arg8[%dma_wait3A_478, %dma_wait3A_493, %dma_wait3A_494] : memref<3x32x1024xf32, #tpu.memory_space<vmem>> -> memref<1x32x1024xf32, #tpu.memory_space<vmem>>
    %dma_wait3A_496 = tpu.memref_squeeze %dma_wait3A_495 : memref<1x32x1024xf32, #tpu.memory_space<vmem>> -> memref<32x1024xf32, #tpu.memory_space<vmem>>
    tpu.wait_dma2 semaphore(%dma_wait3A_489 : memref<!tpu.dma_semaphore, #tpu.memory_space<semaphore_mem>>) src(%dma_wait3A_496 : memref<32x1024xf32, #tpu.memory_space<vmem>>) dst(%dma_wait3A_492 : memref<32x1024xf32, #tpu.memory_space<hbm>>)
    %dma_start3A_497 = arith.constant 5 : i32
    %dma_start3A_498 = arith.constant 2 : i32
    %dma_start3A_499 = arith.constant 2 : i32
    %dma_start3A_500 = arith.constant 0 : i32
    %dma_start3A_501 = arith.constant 0 : i32
    %dma_start3A_502 = tpu.memref_slice %arg8[%dma_start3A_498, %dma_start3A_500, %dma_start3A_501] : memref<3x32x1024xf32, #tpu.memory_space<vmem>> -> memref<1x32x1024xf32, #tpu.memory_space<vmem>>
    %dma_start3A_503 = tpu.memref_squeeze %dma_start3A_502 : memref<1x32x1024xf32, #tpu.memory_space<vmem>> -> memref<32x1024xf32, #tpu.memory_space<vmem>>
    %dma_start3A_504 = arith.constant 0 : i32
    %dma_start3A_505 = tpu.memref_slice %arg7[%dma_start3A_497, %dma_start3A_504] : memref<16x32xi32, #tpu.memory_space<vmem>> -> memref<1x32xi32, #tpu.memory_space<vmem>>
    %dma_start3A_506 = tpu.memref_squeeze %dma_start3A_505 : memref<1x32xi32, #tpu.memory_space<vmem>> -> memref<32xi32, #tpu.memory_space<vmem>>
    %dma_start3A_507 = arith.constant 0 : i32
    %dma_start3A_508 = arith.constant 0 : i32
    %dma_start3A_509 = tpu.memref_slice %arg4[%dma_start3A_507, %dma_start3A_508] : memref<520x1024xf32, #tpu.memory_space<hbm>> -> memref<520x1024xf32, #tpu.memory_space<hbm>>
    %dma_start3A_510 = tpu.memref_slice %arg10[%dma_start3A_499] : memref<3x!tpu.dma_semaphore, #tpu.memory_space<semaphore_mem>> -> memref<1x!tpu.dma_semaphore, #tpu.memory_space<semaphore_mem>>
    %dma_start3A_511 = tpu.memref_squeeze %dma_start3A_510 : memref<1x!tpu.dma_semaphore, #tpu.memory_space<semaphore_mem>> -> memref<!tpu.dma_semaphore, #tpu.memory_space<semaphore_mem>>
    tpu.enqueue_indirect_dma source(%dma_start3A_509 : memref<520x1024xf32, #tpu.memory_space<hbm>>) target(%dma_start3A_503 : memref<32x1024xf32, #tpu.memory_space<vmem>>) offsets(%dma_start3A_506 : memref<32xi32, #tpu.memory_space<vmem>>) semaphore(%dma_start3A_511 : memref<!tpu.dma_semaphore, #tpu.memory_space<semaphore_mem>>)
    %dma_wait3A_512 = arith.constant 3 : i32
    %dma_wait3A_513 = arith.constant 0 : i32
    %dma_wait3A_514 = arith.constant 0 : i32
    %dma_wait3A_515 = arith.constant 0 : i32
    %dma_wait3A_516 = arith.constant 0 : i32
    %dma_wait3A_517 = tpu.memref_slice %arg8[%dma_wait3A_513, %dma_wait3A_515, %dma_wait3A_516] : memref<3x32x1024xf32, #tpu.memory_space<vmem>> -> memref<1x32x1024xf32, #tpu.memory_space<vmem>>
    %dma_wait3A_518 = tpu.memref_squeeze %dma_wait3A_517 : memref<1x32x1024xf32, #tpu.memory_space<vmem>> -> memref<32x1024xf32, #tpu.memory_space<vmem>>
    %dma_wait3A_519 = arith.constant 0 : i32
    %dma_wait3A_520 = tpu.memref_slice %arg7[%dma_wait3A_512, %dma_wait3A_519] : memref<16x32xi32, #tpu.memory_space<vmem>> -> memref<1x32xi32, #tpu.memory_space<vmem>>
    %dma_wait3A_521 = tpu.memref_squeeze %dma_wait3A_520 : memref<1x32xi32, #tpu.memory_space<vmem>> -> memref<32xi32, #tpu.memory_space<vmem>>
    %dma_wait3A_522 = arith.constant 0 : i32
    %dma_wait3A_523 = arith.constant 0 : i32
    %dma_wait3A_524 = tpu.memref_slice %arg4[%dma_wait3A_522, %dma_wait3A_523] : memref<520x1024xf32, #tpu.memory_space<hbm>> -> memref<520x1024xf32, #tpu.memory_space<hbm>>
    %dma_wait3A_525 = tpu.memref_slice %arg10[%dma_wait3A_514] : memref<3x!tpu.dma_semaphore, #tpu.memory_space<semaphore_mem>> -> memref<1x!tpu.dma_semaphore, #tpu.memory_space<semaphore_mem>>
    %dma_wait3A_526 = tpu.memref_squeeze %dma_wait3A_525 : memref<1x!tpu.dma_semaphore, #tpu.memory_space<semaphore_mem>> -> memref<!tpu.dma_semaphore, #tpu.memory_space<semaphore_mem>>
    tpu.wait_indirect_dma semaphore(%dma_wait3A_526 : memref<!tpu.dma_semaphore, #tpu.memory_space<semaphore_mem>>) src(%dma_wait3A_524 : memref<520x1024xf32, #tpu.memory_space<hbm>>) dst(%dma_wait3A_518 : memref<32x1024xf32, #tpu.memory_space<vmem>>)
    %add3A_527 = arith.constant 96 : i32
    %add3A_528 = arith.addi %mul3A_2, %add3A_527 : i32
    %dma_start3A_529 = arith.constant 0 : i32
    %dma_start3A_530 = arith.constant 0 : i32
    %dma_start3A_531 = arith.constant 0 : i32
    %dma_start3A_532 = arith.constant 0 : i32
    %dma_start3A_533 = arith.constant 0 : i32
    %dma_start3A_534 = tpu.memref_slice %arg8[%dma_start3A_529, %dma_start3A_532, %dma_start3A_533] : memref<3x32x1024xf32, #tpu.memory_space<vmem>> -> memref<1x32x1024xf32, #tpu.memory_space<vmem>>
    %dma_start3A_535 = tpu.memref_squeeze %dma_start3A_534 : memref<1x32x1024xf32, #tpu.memory_space<vmem>> -> memref<32x1024xf32, #tpu.memory_space<vmem>>
    %dma_start3A_536 = arith.constant 0 : i32
    %dma_start3A_537 = tpu.memref_slice %arg5[%add3A_528, %dma_start3A_530, %dma_start3A_536] : memref<16384x1x1024xf32, #tpu.memory_space<hbm>> -> memref<32x1x1024xf32, #tpu.memory_space<hbm>>
    %dma_start3A_538 = tpu.memref_squeeze %dma_start3A_537 : memref<32x1x1024xf32, #tpu.memory_space<hbm>> -> memref<32x1024xf32, #tpu.memory_space<hbm>>
    %dma_start3A_539 = tpu.memref_slice %arg11[%dma_start3A_531] : memref<3x!tpu.dma_semaphore, #tpu.memory_space<semaphore_mem>> -> memref<1x!tpu.dma_semaphore, #tpu.memory_space<semaphore_mem>>
    %dma_start3A_540 = tpu.memref_squeeze %dma_start3A_539 : memref<1x!tpu.dma_semaphore, #tpu.memory_space<semaphore_mem>> -> memref<!tpu.dma_semaphore, #tpu.memory_space<semaphore_mem>>
    %dma_start3A_541 = arith.constant 0 : i32
    %dma_start3A_542 = tpu.memref_slice %arg5[%add3A_528, %dma_start3A_530, %dma_start3A_541] : memref<16384x1x1024xf32, #tpu.memory_space<hbm>> -> memref<32x1x1024xf32, #tpu.memory_space<hbm>>
    %dma_start3A_543 = tpu.memref_squeeze %dma_start3A_542 : memref<32x1x1024xf32, #tpu.memory_space<hbm>> -> memref<32x1024xf32, #tpu.memory_space<hbm>>
    %dma_start3A_544 = arith.constant 0 : i32
    %dma_start3A_545 = arith.constant 0 : i32
    %dma_start3A_546 = tpu.memref_slice %arg8[%dma_start3A_529, %dma_start3A_544, %dma_start3A_545] : memref<3x32x1024xf32, #tpu.memory_space<vmem>> -> memref<1x32x1024xf32, #tpu.memory_space<vmem>>
    %dma_start3A_547 = tpu.memref_squeeze %dma_start3A_546 : memref<1x32x1024xf32, #tpu.memory_space<vmem>> -> memref<32x1024xf32, #tpu.memory_space<vmem>>
    tpu.enqueue_dma source(%dma_start3A_547 : memref<32x1024xf32, #tpu.memory_space<vmem>>) target(%dma_start3A_543 : memref<32x1024xf32, #tpu.memory_space<hbm>>) target_semaphore(%dma_start3A_540 : memref<!tpu.dma_semaphore, #tpu.memory_space<semaphore_mem>>)
    %dma_wait3A_548 = arith.constant 0 : i32
    %dma_wait3A_549 = arith.constant 0 : i32
    %dma_wait3A_550 = arith.constant 0 : i32
    %dma_wait3A_551 = arith.constant 0 : i32
    %dma_wait3A_552 = arith.constant 0 : i32
    %dma_wait3A_553 = tpu.memref_slice %arg8[%dma_wait3A_548, %dma_wait3A_551, %dma_wait3A_552] : memref<3x32x1024xf32, #tpu.memory_space<vmem>> -> memref<1x32x1024xf32, #tpu.memory_space<vmem>>
    %dma_wait3A_554 = tpu.memref_squeeze %dma_wait3A_553 : memref<1x32x1024xf32, #tpu.memory_space<vmem>> -> memref<32x1024xf32, #tpu.memory_space<vmem>>
    %dma_wait3A_555 = arith.constant 0 : i32
    %dma_wait3A_556 = tpu.memref_slice %arg5[%add3A_528, %dma_wait3A_549, %dma_wait3A_555] : memref<16384x1x1024xf32, #tpu.memory_space<hbm>> -> memref<32x1x1024xf32, #tpu.memory_space<hbm>>
    %dma_wait3A_557 = tpu.memref_squeeze %dma_wait3A_556 : memref<32x1x1024xf32, #tpu.memory_space<hbm>> -> memref<32x1024xf32, #tpu.memory_space<hbm>>
    %dma_wait3A_558 = tpu.memref_slice %arg11[%dma_wait3A_550] : memref<3x!tpu.dma_semaphore, #tpu.memory_space<semaphore_mem>> -> memref<1x!tpu.dma_semaphore, #tpu.memory_space<semaphore_mem>>
    %dma_wait3A_559 = tpu.memref_squeeze %dma_wait3A_558 : memref<1x!tpu.dma_semaphore, #tpu.memory_space<semaphore_mem>> -> memref<!tpu.dma_semaphore, #tpu.memory_space<semaphore_mem>>
    %dma_wait3A_560 = arith.constant 0 : i32
    %dma_wait3A_561 = tpu.memref_slice %arg5[%add3A_528, %dma_wait3A_549, %dma_wait3A_560] : memref<16384x1x1024xf32, #tpu.memory_space<hbm>> -> memref<32x1x1024xf32, #tpu.memory_space<hbm>>
    %dma_wait3A_562 = tpu.memref_squeeze %dma_wait3A_561 : memref<32x1x1024xf32, #tpu.memory_space<hbm>> -> memref<32x1024xf32, #tpu.memory_space<hbm>>
    %dma_wait3A_563 = arith.constant 0 : i32
    %dma_wait3A_564 = arith.constant 0 : i32
    %dma_wait3A_565 = tpu.memref_slice %arg8[%dma_wait3A_548, %dma_wait3A_563, %dma_wait3A_564] : memref<3x32x1024xf32, #tpu.memory_space<vmem>> -> memref<1x32x1024xf32, #tpu.memory_space<vmem>>
    %dma_wait3A_566 = tpu.memref_squeeze %dma_wait3A_565 : memref<1x32x1024xf32, #tpu.memory_space<vmem>> -> memref<32x1024xf32, #tpu.memory_space<vmem>>
    tpu.wait_dma2 semaphore(%dma_wait3A_559 : memref<!tpu.dma_semaphore, #tpu.memory_space<semaphore_mem>>) src(%dma_wait3A_566 : memref<32x1024xf32, #tpu.memory_space<vmem>>) dst(%dma_wait3A_562 : memref<32x1024xf32, #tpu.memory_space<hbm>>)
    %dma_start3A_567 = arith.constant 6 : i32
    %dma_start3A_568 = arith.constant 0 : i32
    %dma_start3A_569 = arith.constant 0 : i32
    %dma_start3A_570 = arith.constant 0 : i32
    %dma_start3A_571 = arith.constant 0 : i32
    %dma_start3A_572 = tpu.memref_slice %arg8[%dma_start3A_568, %dma_start3A_570, %dma_start3A_571] : memref<3x32x1024xf32, #tpu.memory_space<vmem>> -> memref<1x32x1024xf32, #tpu.memory_space<vmem>>
    %dma_start3A_573 = tpu.memref_squeeze %dma_start3A_572 : memref<1x32x1024xf32, #tpu.memory_space<vmem>> -> memref<32x1024xf32, #tpu.memory_space<vmem>>
    %dma_start3A_574 = arith.constant 0 : i32
    %dma_start3A_575 = tpu.memref_slice %arg7[%dma_start3A_567, %dma_start3A_574] : memref<16x32xi32, #tpu.memory_space<vmem>> -> memref<1x32xi32, #tpu.memory_space<vmem>>
    %dma_start3A_576 = tpu.memref_squeeze %dma_start3A_575 : memref<1x32xi32, #tpu.memory_space<vmem>> -> memref<32xi32, #tpu.memory_space<vmem>>
    %dma_start3A_577 = arith.constant 0 : i32
    %dma_start3A_578 = arith.constant 0 : i32
    %dma_start3A_579 = tpu.memref_slice %arg4[%dma_start3A_577, %dma_start3A_578] : memref<520x1024xf32, #tpu.memory_space<hbm>> -> memref<520x1024xf32, #tpu.memory_space<hbm>>
    %dma_start3A_580 = tpu.memref_slice %arg10[%dma_start3A_569] : memref<3x!tpu.dma_semaphore, #tpu.memory_space<semaphore_mem>> -> memref<1x!tpu.dma_semaphore, #tpu.memory_space<semaphore_mem>>
    %dma_start3A_581 = tpu.memref_squeeze %dma_start3A_580 : memref<1x!tpu.dma_semaphore, #tpu.memory_space<semaphore_mem>> -> memref<!tpu.dma_semaphore, #tpu.memory_space<semaphore_mem>>
    tpu.enqueue_indirect_dma source(%dma_start3A_579 : memref<520x1024xf32, #tpu.memory_space<hbm>>) target(%dma_start3A_573 : memref<32x1024xf32, #tpu.memory_space<vmem>>) offsets(%dma_start3A_576 : memref<32xi32, #tpu.memory_space<vmem>>) semaphore(%dma_start3A_581 : memref<!tpu.dma_semaphore, #tpu.memory_space<semaphore_mem>>)
    %dma_wait3A_582 = arith.constant 4 : i32
    %dma_wait3A_583 = arith.constant 1 : i32
    %dma_wait3A_584 = arith.constant 1 : i32
    %dma_wait3A_585 = arith.constant 0 : i32
    %dma_wait3A_586 = arith.constant 0 : i32
    %dma_wait3A_587 = tpu.memref_slice %arg8[%dma_wait3A_583, %dma_wait3A_585, %dma_wait3A_586] : memref<3x32x1024xf32, #tpu.memory_space<vmem>> -> memref<1x32x1024xf32, #tpu.memory_space<vmem>>
    %dma_wait3A_588 = tpu.memref_squeeze %dma_wait3A_587 : memref<1x32x1024xf32, #tpu.memory_space<vmem>> -> memref<32x1024xf32, #tpu.memory_space<vmem>>
    %dma_wait3A_589 = arith.constant 0 : i32
    %dma_wait3A_590 = tpu.memref_slice %arg7[%dma_wait3A_582, %dma_wait3A_589] : memref<16x32xi32, #tpu.memory_space<vmem>> -> memref<1x32xi32, #tpu.memory_space<vmem>>
    %dma_wait3A_591 = tpu.memref_squeeze %dma_wait3A_590 : memref<1x32xi32, #tpu.memory_space<vmem>> -> memref<32xi32, #tpu.memory_space<vmem>>
    %dma_wait3A_592 = arith.constant 0 : i32
    %dma_wait3A_593 = arith.constant 0 : i32
    %dma_wait3A_594 = tpu.memref_slice %arg4[%dma_wait3A_592, %dma_wait3A_593] : memref<520x1024xf32, #tpu.memory_space<hbm>> -> memref<520x1024xf32, #tpu.memory_space<hbm>>
    %dma_wait3A_595 = tpu.memref_slice %arg10[%dma_wait3A_584] : memref<3x!tpu.dma_semaphore, #tpu.memory_space<semaphore_mem>> -> memref<1x!tpu.dma_semaphore, #tpu.memory_space<semaphore_mem>>
    %dma_wait3A_596 = tpu.memref_squeeze %dma_wait3A_595 : memref<1x!tpu.dma_semaphore, #tpu.memory_space<semaphore_mem>> -> memref<!tpu.dma_semaphore, #tpu.memory_space<semaphore_mem>>
    tpu.wait_indirect_dma semaphore(%dma_wait3A_596 : memref<!tpu.dma_semaphore, #tpu.memory_space<semaphore_mem>>) src(%dma_wait3A_594 : memref<520x1024xf32, #tpu.memory_space<hbm>>) dst(%dma_wait3A_588 : memref<32x1024xf32, #tpu.memory_space<vmem>>)
    %add3A_597 = arith.constant 128 : i32
    %add3A_598 = arith.addi %mul3A_2, %add3A_597 : i32
    %dma_start3A_599 = arith.constant 1 : i32
    %dma_start3A_600 = arith.constant 0 : i32
    %dma_start3A_601 = arith.constant 1 : i32
    %dma_start3A_602 = arith.constant 0 : i32
    %dma_start3A_603 = arith.constant 0 : i32
    %dma_start3A_604 = tpu.memref_slice %arg8[%dma_start3A_599, %dma_start3A_602, %dma_start3A_603] : memref<3x32x1024xf32, #tpu.memory_space<vmem>> -> memref<1x32x1024xf32, #tpu.memory_space<vmem>>
    %dma_start3A_605 = tpu.memref_squeeze %dma_start3A_604 : memref<1x32x1024xf32, #tpu.memory_space<vmem>> -> memref<32x1024xf32, #tpu.memory_space<vmem>>
    %dma_start3A_606 = arith.constant 0 : i32
    %dma_start3A_607 = tpu.memref_slice %arg5[%add3A_598, %dma_start3A_600, %dma_start3A_606] : memref<16384x1x1024xf32, #tpu.memory_space<hbm>> -> memref<32x1x1024xf32, #tpu.memory_space<hbm>>
    %dma_start3A_608 = tpu.memref_squeeze %dma_start3A_607 : memref<32x1x1024xf32, #tpu.memory_space<hbm>> -> memref<32x1024xf32, #tpu.memory_space<hbm>>
    %dma_start3A_609 = tpu.memref_slice %arg11[%dma_start3A_601] : memref<3x!tpu.dma_semaphore, #tpu.memory_space<semaphore_mem>> -> memref<1x!tpu.dma_semaphore, #tpu.memory_space<semaphore_mem>>
    %dma_start3A_610 = tpu.memref_squeeze %dma_start3A_609 : memref<1x!tpu.dma_semaphore, #tpu.memory_space<semaphore_mem>> -> memref<!tpu.dma_semaphore, #tpu.memory_space<semaphore_mem>>
    %dma_start3A_611 = arith.constant 0 : i32
    %dma_start3A_612 = tpu.memref_slice %arg5[%add3A_598, %dma_start3A_600, %dma_start3A_611] : memref<16384x1x1024xf32, #tpu.memory_space<hbm>> -> memref<32x1x1024xf32, #tpu.memory_space<hbm>>
    %dma_start3A_613 = tpu.memref_squeeze %dma_start3A_612 : memref<32x1x1024xf32, #tpu.memory_space<hbm>> -> memref<32x1024xf32, #tpu.memory_space<hbm>>
    %dma_start3A_614 = arith.constant 0 : i32
    %dma_start3A_615 = arith.constant 0 : i32
    %dma_start3A_616 = tpu.memref_slice %arg8[%dma_start3A_599, %dma_start3A_614, %dma_start3A_615] : memref<3x32x1024xf32, #tpu.memory_space<vmem>> -> memref<1x32x1024xf32, #tpu.memory_space<vmem>>
    %dma_start3A_617 = tpu.memref_squeeze %dma_start3A_616 : memref<1x32x1024xf32, #tpu.memory_space<vmem>> -> memref<32x1024xf32, #tpu.memory_space<vmem>>
    tpu.enqueue_dma source(%dma_start3A_617 : memref<32x1024xf32, #tpu.memory_space<vmem>>) target(%dma_start3A_613 : memref<32x1024xf32, #tpu.memory_space<hbm>>) target_semaphore(%dma_start3A_610 : memref<!tpu.dma_semaphore, #tpu.memory_space<semaphore_mem>>)
    %dma_wait3A_618 = arith.constant 1 : i32
    %dma_wait3A_619 = arith.constant 0 : i32
    %dma_wait3A_620 = arith.constant 1 : i32
    %dma_wait3A_621 = arith.constant 0 : i32
    %dma_wait3A_622 = arith.constant 0 : i32
    %dma_wait3A_623 = tpu.memref_slice %arg8[%dma_wait3A_618, %dma_wait3A_621, %dma_wait3A_622] : memref<3x32x1024xf32, #tpu.memory_space<vmem>> -> memref<1x32x1024xf32, #tpu.memory_space<vmem>>
    %dma_wait3A_624 = tpu.memref_squeeze %dma_wait3A_623 : memref<1x32x1024xf32, #tpu.memory_space<vmem>> -> memref<32x1024xf32, #tpu.memory_space<vmem>>
    %dma_wait3A_625 = arith.constant 0 : i32
    %dma_wait3A_626 = tpu.memref_slice %arg5[%add3A_598, %dma_wait3A_619, %dma_wait3A_625] : memref<16384x1x1024xf32, #tpu.memory_space<hbm>> -> memref<32x1x1024xf32, #tpu.memory_space<hbm>>
    %dma_wait3A_627 = tpu.memref_squeeze %dma_wait3A_626 : memref<32x1x1024xf32, #tpu.memory_space<hbm>> -> memref<32x1024xf32, #tpu.memory_space<hbm>>
    %dma_wait3A_628 = tpu.memref_slice %arg11[%dma_wait3A_620] : memref<3x!tpu.dma_semaphore, #tpu.memory_space<semaphore_mem>> -> memref<1x!tpu.dma_semaphore, #tpu.memory_space<semaphore_mem>>
    %dma_wait3A_629 = tpu.memref_squeeze %dma_wait3A_628 : memref<1x!tpu.dma_semaphore, #tpu.memory_space<semaphore_mem>> -> memref<!tpu.dma_semaphore, #tpu.memory_space<semaphore_mem>>
    %dma_wait3A_630 = arith.constant 0 : i32
    %dma_wait3A_631 = tpu.memref_slice %arg5[%add3A_598, %dma_wait3A_619, %dma_wait3A_630] : memref<16384x1x1024xf32, #tpu.memory_space<hbm>> -> memref<32x1x1024xf32, #tpu.memory_space<hbm>>
    %dma_wait3A_632 = tpu.memref_squeeze %dma_wait3A_631 : memref<32x1x1024xf32, #tpu.memory_space<hbm>> -> memref<32x1024xf32, #tpu.memory_space<hbm>>
    %dma_wait3A_633 = arith.constant 0 : i32
    %dma_wait3A_634 = arith.constant 0 : i32
    %dma_wait3A_635 = tpu.memref_slice %arg8[%dma_wait3A_618, %dma_wait3A_633, %dma_wait3A_634] : memref<3x32x1024xf32, #tpu.memory_space<vmem>> -> memref<1x32x1024xf32, #tpu.memory_space<vmem>>
    %dma_wait3A_636 = tpu.memref_squeeze %dma_wait3A_635 : memref<1x32x1024xf32, #tpu.memory_space<vmem>> -> memref<32x1024xf32, #tpu.memory_space<vmem>>
    tpu.wait_dma2 semaphore(%dma_wait3A_629 : memref<!tpu.dma_semaphore, #tpu.memory_space<semaphore_mem>>) src(%dma_wait3A_636 : memref<32x1024xf32, #tpu.memory_space<vmem>>) dst(%dma_wait3A_632 : memref<32x1024xf32, #tpu.memory_space<hbm>>)
    %dma_start3A_637 = arith.constant 7 : i32
    %dma_start3A_638 = arith.constant 1 : i32
    %dma_start3A_639 = arith.constant 1 : i32
    %dma_start3A_640 = arith.constant 0 : i32
    %dma_start3A_641 = arith.constant 0 : i32
    %dma_start3A_642 = tpu.memref_slice %arg8[%dma_start3A_638, %dma_start3A_640, %dma_start3A_641] : memref<3x32x1024xf32, #tpu.memory_space<vmem>> -> memref<1x32x1024xf32, #tpu.memory_space<vmem>>
    %dma_start3A_643 = tpu.memref_squeeze %dma_start3A_642 : memref<1x32x1024xf32, #tpu.memory_space<vmem>> -> memref<32x1024xf32, #tpu.memory_space<vmem>>
    %dma_start3A_644 = arith.constant 0 : i32
    %dma_start3A_645 = tpu.memref_slice %arg7[%dma_start3A_637, %dma_start3A_644] : memref<16x32xi32, #tpu.memory_space<vmem>> -> memref<1x32xi32, #tpu.memory_space<vmem>>
    %dma_start3A_646 = tpu.memref_squeeze %dma_start3A_645 : memref<1x32xi32, #tpu.memory_space<vmem>> -> memref<32xi32, #tpu.memory_space<vmem>>
    %dma_start3A_647 = arith.constant 0 : i32
    %dma_start3A_648 = arith.constant 0 : i32
    %dma_start3A_649 = tpu.memref_slice %arg4[%dma_start3A_647, %dma_start3A_648] : memref<520x1024xf32, #tpu.memory_space<hbm>> -> memref<520x1024xf32, #tpu.memory_space<hbm>>
    %dma_start3A_650 = tpu.memref_slice %arg10[%dma_start3A_639] : memref<3x!tpu.dma_semaphore, #tpu.memory_space<semaphore_mem>> -> memref<1x!tpu.dma_semaphore, #tpu.memory_space<semaphore_mem>>
    %dma_start3A_651 = tpu.memref_squeeze %dma_start3A_650 : memref<1x!tpu.dma_semaphore, #tpu.memory_space<semaphore_mem>> -> memref<!tpu.dma_semaphore, #tpu.memory_space<semaphore_mem>>
    tpu.enqueue_indirect_dma source(%dma_start3A_649 : memref<520x1024xf32, #tpu.memory_space<hbm>>) target(%dma_start3A_643 : memref<32x1024xf32, #tpu.memory_space<vmem>>) offsets(%dma_start3A_646 : memref<32xi32, #tpu.memory_space<vmem>>) semaphore(%dma_start3A_651 : memref<!tpu.dma_semaphore, #tpu.memory_space<semaphore_mem>>)
    %dma_wait3A_652 = arith.constant 5 : i32
    %dma_wait3A_653 = arith.constant 2 : i32
    %dma_wait3A_654 = arith.constant 2 : i32
    %dma_wait3A_655 = arith.constant 0 : i32
    %dma_wait3A_656 = arith.constant 0 : i32
    %dma_wait3A_657 = tpu.memref_slice %arg8[%dma_wait3A_653, %dma_wait3A_655, %dma_wait3A_656] : memref<3x32x1024xf32, #tpu.memory_space<vmem>> -> memref<1x32x1024xf32, #tpu.memory_space<vmem>>
    %dma_wait3A_658 = tpu.memref_squeeze %dma_wait3A_657 : memref<1x32x1024xf32, #tpu.memory_space<vmem>> -> memref<32x1024xf32, #tpu.memory_space<vmem>>
    %dma_wait3A_659 = arith.constant 0 : i32
    %dma_wait3A_660 = tpu.memref_slice %arg7[%dma_wait3A_652, %dma_wait3A_659] : memref<16x32xi32, #tpu.memory_space<vmem>> -> memref<1x32xi32, #tpu.memory_space<vmem>>
    %dma_wait3A_661 = tpu.memref_squeeze %dma_wait3A_660 : memref<1x32xi32, #tpu.memory_space<vmem>> -> memref<32xi32, #tpu.memory_space<vmem>>
    %dma_wait3A_662 = arith.constant 0 : i32
    %dma_wait3A_663 = arith.constant 0 : i32
    %dma_wait3A_664 = tpu.memref_slice %arg4[%dma_wait3A_662, %dma_wait3A_663] : memref<520x1024xf32, #tpu.memory_space<hbm>> -> memref<520x1024xf32, #tpu.memory_space<hbm>>
    %dma_wait3A_665 = tpu.memref_slice %arg10[%dma_wait3A_654] : memref<3x!tpu.dma_semaphore, #tpu.memory_space<semaphore_mem>> -> memref<1x!tpu.dma_semaphore, #tpu.memory_space<semaphore_mem>>
    %dma_wait3A_666 = tpu.memref_squeeze %dma_wait3A_665 : memref<1x!tpu.dma_semaphore, #tpu.memory_space<semaphore_mem>> -> memref<!tpu.dma_semaphore, #tpu.memory_space<semaphore_mem>>
    tpu.wait_indirect_dma semaphore(%dma_wait3A_666 : memref<!tpu.dma_semaphore, #tpu.memory_space<semaphore_mem>>) src(%dma_wait3A_664 : memref<520x1024xf32, #tpu.memory_space<hbm>>) dst(%dma_wait3A_658 : memref<32x1024xf32, #tpu.memory_space<vmem>>)
    %add3A_667 = arith.constant 160 : i32
    %add3A_668 = arith.addi %mul3A_2, %add3A_667 : i32
    %dma_start3A_669 = arith.constant 2 : i32
    %dma_start3A_670 = arith.constant 0 : i32
    %dma_start3A_671 = arith.constant 2 : i32
    %dma_start3A_672 = arith.constant 0 : i32
    %dma_start3A_673 = arith.constant 0 : i32
    %dma_start3A_674 = tpu.memref_slice %arg8[%dma_start3A_669, %dma_start3A_672, %dma_start3A_673] : memref<3x32x1024xf32, #tpu.memory_space<vmem>> -> memref<1x32x1024xf32, #tpu.memory_space<vmem>>
    %dma_start3A_675 = tpu.memref_squeeze %dma_start3A_674 : memref<1x32x1024xf32, #tpu.memory_space<vmem>> -> memref<32x1024xf32, #tpu.memory_space<vmem>>
    %dma_start3A_676 = arith.constant 0 : i32
    %dma_start3A_677 = tpu.memref_slice %arg5[%add3A_668, %dma_start3A_670, %dma_start3A_676] : memref<16384x1x1024xf32, #tpu.memory_space<hbm>> -> memref<32x1x1024xf32, #tpu.memory_space<hbm>>
    %dma_start3A_678 = tpu.memref_squeeze %dma_start3A_677 : memref<32x1x1024xf32, #tpu.memory_space<hbm>> -> memref<32x1024xf32, #tpu.memory_space<hbm>>
    %dma_start3A_679 = tpu.memref_slice %arg11[%dma_start3A_671] : memref<3x!tpu.dma_semaphore, #tpu.memory_space<semaphore_mem>> -> memref<1x!tpu.dma_semaphore, #tpu.memory_space<semaphore_mem>>
    %dma_start3A_680 = tpu.memref_squeeze %dma_start3A_679 : memref<1x!tpu.dma_semaphore, #tpu.memory_space<semaphore_mem>> -> memref<!tpu.dma_semaphore, #tpu.memory_space<semaphore_mem>>
    %dma_start3A_681 = arith.constant 0 : i32
    %dma_start3A_682 = tpu.memref_slice %arg5[%add3A_668, %dma_start3A_670, %dma_start3A_681] : memref<16384x1x1024xf32, #tpu.memory_space<hbm>> -> memref<32x1x1024xf32, #tpu.memory_space<hbm>>
    %dma_start3A_683 = tpu.memref_squeeze %dma_start3A_682 : memref<32x1x1024xf32, #tpu.memory_space<hbm>> -> memref<32x1024xf32, #tpu.memory_space<hbm>>
    %dma_start3A_684 = arith.constant 0 : i32
    %dma_start3A_685 = arith.constant 0 : i32
    %dma_start3A_686 = tpu.memref_slice %arg8[%dma_start3A_669, %dma_start3A_684, %dma_start3A_685] : memref<3x32x1024xf32, #tpu.memory_space<vmem>> -> memref<1x32x1024xf32, #tpu.memory_space<vmem>>
    %dma_start3A_687 = tpu.memref_squeeze %dma_start3A_686 : memref<1x32x1024xf32, #tpu.memory_space<vmem>> -> memref<32x1024xf32, #tpu.memory_space<vmem>>
    tpu.enqueue_dma source(%dma_start3A_687 : memref<32x1024xf32, #tpu.memory_space<vmem>>) target(%dma_start3A_683 : memref<32x1024xf32, #tpu.memory_space<hbm>>) target_semaphore(%dma_start3A_680 : memref<!tpu.dma_semaphore, #tpu.memory_space<semaphore_mem>>)
    %dma_wait3A_688 = arith.constant 2 : i32
    %dma_wait3A_689 = arith.constant 0 : i32
    %dma_wait3A_690 = arith.constant 2 : i32
    %dma_wait3A_691 = arith.constant 0 : i32
    %dma_wait3A_692 = arith.constant 0 : i32
    %dma_wait3A_693 = tpu.memref_slice %arg8[%dma_wait3A_688, %dma_wait3A_691, %dma_wait3A_692] : memref<3x32x1024xf32, #tpu.memory_space<vmem>> -> memref<1x32x1024xf32, #tpu.memory_space<vmem>>
    %dma_wait3A_694 = tpu.memref_squeeze %dma_wait3A_693 : memref<1x32x1024xf32, #tpu.memory_space<vmem>> -> memref<32x1024xf32, #tpu.memory_space<vmem>>
    %dma_wait3A_695 = arith.constant 0 : i32
    %dma_wait3A_696 = tpu.memref_slice %arg5[%add3A_668, %dma_wait3A_689, %dma_wait3A_695] : memref<16384x1x1024xf32, #tpu.memory_space<hbm>> -> memref<32x1x1024xf32, #tpu.memory_space<hbm>>
    %dma_wait3A_697 = tpu.memref_squeeze %dma_wait3A_696 : memref<32x1x1024xf32, #tpu.memory_space<hbm>> -> memref<32x1024xf32, #tpu.memory_space<hbm>>
    %dma_wait3A_698 = tpu.memref_slice %arg11[%dma_wait3A_690] : memref<3x!tpu.dma_semaphore, #tpu.memory_space<semaphore_mem>> -> memref<1x!tpu.dma_semaphore, #tpu.memory_space<semaphore_mem>>
    %dma_wait3A_699 = tpu.memref_squeeze %dma_wait3A_698 : memref<1x!tpu.dma_semaphore, #tpu.memory_space<semaphore_mem>> -> memref<!tpu.dma_semaphore, #tpu.memory_space<semaphore_mem>>
    %dma_wait3A_700 = arith.constant 0 : i32
    %dma_wait3A_701 = tpu.memref_slice %arg5[%add3A_668, %dma_wait3A_689, %dma_wait3A_700] : memref<16384x1x1024xf32, #tpu.memory_space<hbm>> -> memref<32x1x1024xf32, #tpu.memory_space<hbm>>
    %dma_wait3A_702 = tpu.memref_squeeze %dma_wait3A_701 : memref<32x1x1024xf32, #tpu.memory_space<hbm>> -> memref<32x1024xf32, #tpu.memory_space<hbm>>
    %dma_wait3A_703 = arith.constant 0 : i32
    %dma_wait3A_704 = arith.constant 0 : i32
    %dma_wait3A_705 = tpu.memref_slice %arg8[%dma_wait3A_688, %dma_wait3A_703, %dma_wait3A_704] : memref<3x32x1024xf32, #tpu.memory_space<vmem>> -> memref<1x32x1024xf32, #tpu.memory_space<vmem>>
    %dma_wait3A_706 = tpu.memref_squeeze %dma_wait3A_705 : memref<1x32x1024xf32, #tpu.memory_space<vmem>> -> memref<32x1024xf32, #tpu.memory_space<vmem>>
    tpu.wait_dma2 semaphore(%dma_wait3A_699 : memref<!tpu.dma_semaphore, #tpu.memory_space<semaphore_mem>>) src(%dma_wait3A_706 : memref<32x1024xf32, #tpu.memory_space<vmem>>) dst(%dma_wait3A_702 : memref<32x1024xf32, #tpu.memory_space<hbm>>)
    %dma_start3A_707 = arith.constant 8 : i32
    %dma_start3A_708 = arith.constant 2 : i32
    %dma_start3A_709 = arith.constant 2 : i32
    %dma_start3A_710 = arith.constant 0 : i32
    %dma_start3A_711 = arith.constant 0 : i32
    %dma_start3A_712 = tpu.memref_slice %arg8[%dma_start3A_708, %dma_start3A_710, %dma_start3A_711] : memref<3x32x1024xf32, #tpu.memory_space<vmem>> -> memref<1x32x1024xf32, #tpu.memory_space<vmem>>
    %dma_start3A_713 = tpu.memref_squeeze %dma_start3A_712 : memref<1x32x1024xf32, #tpu.memory_space<vmem>> -> memref<32x1024xf32, #tpu.memory_space<vmem>>
    %dma_start3A_714 = arith.constant 0 : i32
    %dma_start3A_715 = tpu.memref_slice %arg7[%dma_start3A_707, %dma_start3A_714] : memref<16x32xi32, #tpu.memory_space<vmem>> -> memref<1x32xi32, #tpu.memory_space<vmem>>
    %dma_start3A_716 = tpu.memref_squeeze %dma_start3A_715 : memref<1x32xi32, #tpu.memory_space<vmem>> -> memref<32xi32, #tpu.memory_space<vmem>>
    %dma_start3A_717 = arith.constant 0 : i32
    %dma_start3A_718 = arith.constant 0 : i32
    %dma_start3A_719 = tpu.memref_slice %arg4[%dma_start3A_717, %dma_start3A_718] : memref<520x1024xf32, #tpu.memory_space<hbm>> -> memref<520x1024xf32, #tpu.memory_space<hbm>>
    %dma_start3A_720 = tpu.memref_slice %arg10[%dma_start3A_709] : memref<3x!tpu.dma_semaphore, #tpu.memory_space<semaphore_mem>> -> memref<1x!tpu.dma_semaphore, #tpu.memory_space<semaphore_mem>>
    %dma_start3A_721 = tpu.memref_squeeze %dma_start3A_720 : memref<1x!tpu.dma_semaphore, #tpu.memory_space<semaphore_mem>> -> memref<!tpu.dma_semaphore, #tpu.memory_space<semaphore_mem>>
    tpu.enqueue_indirect_dma source(%dma_start3A_719 : memref<520x1024xf32, #tpu.memory_space<hbm>>) target(%dma_start3A_713 : memref<32x1024xf32, #tpu.memory_space<vmem>>) offsets(%dma_start3A_716 : memref<32xi32, #tpu.memory_space<vmem>>) semaphore(%dma_start3A_721 : memref<!tpu.dma_semaphore, #tpu.memory_space<semaphore_mem>>)
    %dma_wait3A_722 = arith.constant 6 : i32
    %dma_wait3A_723 = arith.constant 0 : i32
    %dma_wait3A_724 = arith.constant 0 : i32
    %dma_wait3A_725 = arith.constant 0 : i32
    %dma_wait3A_726 = arith.constant 0 : i32
    %dma_wait3A_727 = tpu.memref_slice %arg8[%dma_wait3A_723, %dma_wait3A_725, %dma_wait3A_726] : memref<3x32x1024xf32, #tpu.memory_space<vmem>> -> memref<1x32x1024xf32, #tpu.memory_space<vmem>>
    %dma_wait3A_728 = tpu.memref_squeeze %dma_wait3A_727 : memref<1x32x1024xf32, #tpu.memory_space<vmem>> -> memref<32x1024xf32, #tpu.memory_space<vmem>>
    %dma_wait3A_729 = arith.constant 0 : i32
    %dma_wait3A_730 = tpu.memref_slice %arg7[%dma_wait3A_722, %dma_wait3A_729] : memref<16x32xi32, #tpu.memory_space<vmem>> -> memref<1x32xi32, #tpu.memory_space<vmem>>
    %dma_wait3A_731 = tpu.memref_squeeze %dma_wait3A_730 : memref<1x32xi32, #tpu.memory_space<vmem>> -> memref<32xi32, #tpu.memory_space<vmem>>
    %dma_wait3A_732 = arith.constant 0 : i32
    %dma_wait3A_733 = arith.constant 0 : i32
    %dma_wait3A_734 = tpu.memref_slice %arg4[%dma_wait3A_732, %dma_wait3A_733] : memref<520x1024xf32, #tpu.memory_space<hbm>> -> memref<520x1024xf32, #tpu.memory_space<hbm>>
    %dma_wait3A_735 = tpu.memref_slice %arg10[%dma_wait3A_724] : memref<3x!tpu.dma_semaphore, #tpu.memory_space<semaphore_mem>> -> memref<1x!tpu.dma_semaphore, #tpu.memory_space<semaphore_mem>>
    %dma_wait3A_736 = tpu.memref_squeeze %dma_wait3A_735 : memref<1x!tpu.dma_semaphore, #tpu.memory_space<semaphore_mem>> -> memref<!tpu.dma_semaphore, #tpu.memory_space<semaphore_mem>>
    tpu.wait_indirect_dma semaphore(%dma_wait3A_736 : memref<!tpu.dma_semaphore, #tpu.memory_space<semaphore_mem>>) src(%dma_wait3A_734 : memref<520x1024xf32, #tpu.memory_space<hbm>>) dst(%dma_wait3A_728 : memref<32x1024xf32, #tpu.memory_space<vmem>>)
    %add3A_737 = arith.constant 192 : i32
    %add3A_738 = arith.addi %mul3A_2, %add3A_737 : i32
    %dma_start3A_739 = arith.constant 0 : i32
    %dma_start3A_740 = arith.constant 0 : i32
    %dma_start3A_741 = arith.constant 0 : i32
    %dma_start3A_742 = arith.constant 0 : i32
    %dma_start3A_743 = arith.constant 0 : i32
    %dma_start3A_744 = tpu.memref_slice %arg8[%dma_start3A_739, %dma_start3A_742, %dma_start3A_743] : memref<3x32x1024xf32, #tpu.memory_space<vmem>> -> memref<1x32x1024xf32, #tpu.memory_space<vmem>>
    %dma_start3A_745 = tpu.memref_squeeze %dma_start3A_744 : memref<1x32x1024xf32, #tpu.memory_space<vmem>> -> memref<32x1024xf32, #tpu.memory_space<vmem>>
    %dma_start3A_746 = arith.constant 0 : i32
    %dma_start3A_747 = tpu.memref_slice %arg5[%add3A_738, %dma_start3A_740, %dma_start3A_746] : memref<16384x1x1024xf32, #tpu.memory_space<hbm>> -> memref<32x1x1024xf32, #tpu.memory_space<hbm>>
    %dma_start3A_748 = tpu.memref_squeeze %dma_start3A_747 : memref<32x1x1024xf32, #tpu.memory_space<hbm>> -> memref<32x1024xf32, #tpu.memory_space<hbm>>
    %dma_start3A_749 = tpu.memref_slice %arg11[%dma_start3A_741] : memref<3x!tpu.dma_semaphore, #tpu.memory_space<semaphore_mem>> -> memref<1x!tpu.dma_semaphore, #tpu.memory_space<semaphore_mem>>
    %dma_start3A_750 = tpu.memref_squeeze %dma_start3A_749 : memref<1x!tpu.dma_semaphore, #tpu.memory_space<semaphore_mem>> -> memref<!tpu.dma_semaphore, #tpu.memory_space<semaphore_mem>>
    %dma_start3A_751 = arith.constant 0 : i32
    %dma_start3A_752 = tpu.memref_slice %arg5[%add3A_738, %dma_start3A_740, %dma_start3A_751] : memref<16384x1x1024xf32, #tpu.memory_space<hbm>> -> memref<32x1x1024xf32, #tpu.memory_space<hbm>>
    %dma_start3A_753 = tpu.memref_squeeze %dma_start3A_752 : memref<32x1x1024xf32, #tpu.memory_space<hbm>> -> memref<32x1024xf32, #tpu.memory_space<hbm>>
    %dma_start3A_754 = arith.constant 0 : i32
    %dma_start3A_755 = arith.constant 0 : i32
    %dma_start3A_756 = tpu.memref_slice %arg8[%dma_start3A_739, %dma_start3A_754, %dma_start3A_755] : memref<3x32x1024xf32, #tpu.memory_space<vmem>> -> memref<1x32x1024xf32, #tpu.memory_space<vmem>>
    %dma_start3A_757 = tpu.memref_squeeze %dma_start3A_756 : memref<1x32x1024xf32, #tpu.memory_space<vmem>> -> memref<32x1024xf32, #tpu.memory_space<vmem>>
    tpu.enqueue_dma source(%dma_start3A_757 : memref<32x1024xf32, #tpu.memory_space<vmem>>) target(%dma_start3A_753 : memref<32x1024xf32, #tpu.memory_space<hbm>>) target_semaphore(%dma_start3A_750 : memref<!tpu.dma_semaphore, #tpu.memory_space<semaphore_mem>>)
    %dma_wait3A_758 = arith.constant 0 : i32
    %dma_wait3A_759 = arith.constant 0 : i32
    %dma_wait3A_760 = arith.constant 0 : i32
    %dma_wait3A_761 = arith.constant 0 : i32
    %dma_wait3A_762 = arith.constant 0 : i32
    %dma_wait3A_763 = tpu.memref_slice %arg8[%dma_wait3A_758, %dma_wait3A_761, %dma_wait3A_762] : memref<3x32x1024xf32, #tpu.memory_space<vmem>> -> memref<1x32x1024xf32, #tpu.memory_space<vmem>>
    %dma_wait3A_764 = tpu.memref_squeeze %dma_wait3A_763 : memref<1x32x1024xf32, #tpu.memory_space<vmem>> -> memref<32x1024xf32, #tpu.memory_space<vmem>>
    %dma_wait3A_765 = arith.constant 0 : i32
    %dma_wait3A_766 = tpu.memref_slice %arg5[%add3A_738, %dma_wait3A_759, %dma_wait3A_765] : memref<16384x1x1024xf32, #tpu.memory_space<hbm>> -> memref<32x1x1024xf32, #tpu.memory_space<hbm>>
    %dma_wait3A_767 = tpu.memref_squeeze %dma_wait3A_766 : memref<32x1x1024xf32, #tpu.memory_space<hbm>> -> memref<32x1024xf32, #tpu.memory_space<hbm>>
    %dma_wait3A_768 = tpu.memref_slice %arg11[%dma_wait3A_760] : memref<3x!tpu.dma_semaphore, #tpu.memory_space<semaphore_mem>> -> memref<1x!tpu.dma_semaphore, #tpu.memory_space<semaphore_mem>>
    %dma_wait3A_769 = tpu.memref_squeeze %dma_wait3A_768 : memref<1x!tpu.dma_semaphore, #tpu.memory_space<semaphore_mem>> -> memref<!tpu.dma_semaphore, #tpu.memory_space<semaphore_mem>>
    %dma_wait3A_770 = arith.constant 0 : i32
    %dma_wait3A_771 = tpu.memref_slice %arg5[%add3A_738, %dma_wait3A_759, %dma_wait3A_770] : memref<16384x1x1024xf32, #tpu.memory_space<hbm>> -> memref<32x1x1024xf32, #tpu.memory_space<hbm>>
    %dma_wait3A_772 = tpu.memref_squeeze %dma_wait3A_771 : memref<32x1x1024xf32, #tpu.memory_space<hbm>> -> memref<32x1024xf32, #tpu.memory_space<hbm>>
    %dma_wait3A_773 = arith.constant 0 : i32
    %dma_wait3A_774 = arith.constant 0 : i32
    %dma_wait3A_775 = tpu.memref_slice %arg8[%dma_wait3A_758, %dma_wait3A_773, %dma_wait3A_774] : memref<3x32x1024xf32, #tpu.memory_space<vmem>> -> memref<1x32x1024xf32, #tpu.memory_space<vmem>>
    %dma_wait3A_776 = tpu.memref_squeeze %dma_wait3A_775 : memref<1x32x1024xf32, #tpu.memory_space<vmem>> -> memref<32x1024xf32, #tpu.memory_space<vmem>>
    tpu.wait_dma2 semaphore(%dma_wait3A_769 : memref<!tpu.dma_semaphore, #tpu.memory_space<semaphore_mem>>) src(%dma_wait3A_776 : memref<32x1024xf32, #tpu.memory_space<vmem>>) dst(%dma_wait3A_772 : memref<32x1024xf32, #tpu.memory_space<hbm>>)
    %dma_start3A_777 = arith.constant 9 : i32
    %dma_start3A_778 = arith.constant 0 : i32
    %dma_start3A_779 = arith.constant 0 : i32
    %dma_start3A_780 = arith.constant 0 : i32
    %dma_start3A_781 = arith.constant 0 : i32
    %dma_start3A_782 = tpu.memref_slice %arg8[%dma_start3A_778, %dma_start3A_780, %dma_start3A_781] : memref<3x32x1024xf32, #tpu.memory_space<vmem>> -> memref<1x32x1024xf32, #tpu.memory_space<vmem>>
    %dma_start3A_783 = tpu.memref_squeeze %dma_start3A_782 : memref<1x32x1024xf32, #tpu.memory_space<vmem>> -> memref<32x1024xf32, #tpu.memory_space<vmem>>
    %dma_start3A_784 = arith.constant 0 : i32
    %dma_start3A_785 = tpu.memref_slice %arg7[%dma_start3A_777, %dma_start3A_784] : memref<16x32xi32, #tpu.memory_space<vmem>> -> memref<1x32xi32, #tpu.memory_space<vmem>>
    %dma_start3A_786 = tpu.memref_squeeze %dma_start3A_785 : memref<1x32xi32, #tpu.memory_space<vmem>> -> memref<32xi32, #tpu.memory_space<vmem>>
    %dma_start3A_787 = arith.constant 0 : i32
    %dma_start3A_788 = arith.constant 0 : i32
    %dma_start3A_789 = tpu.memref_slice %arg4[%dma_start3A_787, %dma_start3A_788] : memref<520x1024xf32, #tpu.memory_space<hbm>> -> memref<520x1024xf32, #tpu.memory_space<hbm>>
    %dma_start3A_790 = tpu.memref_slice %arg10[%dma_start3A_779] : memref<3x!tpu.dma_semaphore, #tpu.memory_space<semaphore_mem>> -> memref<1x!tpu.dma_semaphore, #tpu.memory_space<semaphore_mem>>
    %dma_start3A_791 = tpu.memref_squeeze %dma_start3A_790 : memref<1x!tpu.dma_semaphore, #tpu.memory_space<semaphore_mem>> -> memref<!tpu.dma_semaphore, #tpu.memory_space<semaphore_mem>>
    tpu.enqueue_indirect_dma source(%dma_start3A_789 : memref<520x1024xf32, #tpu.memory_space<hbm>>) target(%dma_start3A_783 : memref<32x1024xf32, #tpu.memory_space<vmem>>) offsets(%dma_start3A_786 : memref<32xi32, #tpu.memory_space<vmem>>) semaphore(%dma_start3A_791 : memref<!tpu.dma_semaphore, #tpu.memory_space<semaphore_mem>>)
    %dma_wait3A_792 = arith.constant 7 : i32
    %dma_wait3A_793 = arith.constant 1 : i32
    %dma_wait3A_794 = arith.constant 1 : i32
    %dma_wait3A_795 = arith.constant 0 : i32
    %dma_wait3A_796 = arith.constant 0 : i32
    %dma_wait3A_797 = tpu.memref_slice %arg8[%dma_wait3A_793, %dma_wait3A_795, %dma_wait3A_796] : memref<3x32x1024xf32, #tpu.memory_space<vmem>> -> memref<1x32x1024xf32, #tpu.memory_space<vmem>>
    %dma_wait3A_798 = tpu.memref_squeeze %dma_wait3A_797 : memref<1x32x1024xf32, #tpu.memory_space<vmem>> -> memref<32x1024xf32, #tpu.memory_space<vmem>>
    %dma_wait3A_799 = arith.constant 0 : i32
    %dma_wait3A_800 = tpu.memref_slice %arg7[%dma_wait3A_792, %dma_wait3A_799] : memref<16x32xi32, #tpu.memory_space<vmem>> -> memref<1x32xi32, #tpu.memory_space<vmem>>
    %dma_wait3A_801 = tpu.memref_squeeze %dma_wait3A_800 : memref<1x32xi32, #tpu.memory_space<vmem>> -> memref<32xi32, #tpu.memory_space<vmem>>
    %dma_wait3A_802 = arith.constant 0 : i32
    %dma_wait3A_803 = arith.constant 0 : i32
    %dma_wait3A_804 = tpu.memref_slice %arg4[%dma_wait3A_802, %dma_wait3A_803] : memref<520x1024xf32, #tpu.memory_space<hbm>> -> memref<520x1024xf32, #tpu.memory_space<hbm>>
    %dma_wait3A_805 = tpu.memref_slice %arg10[%dma_wait3A_794] : memref<3x!tpu.dma_semaphore, #tpu.memory_space<semaphore_mem>> -> memref<1x!tpu.dma_semaphore, #tpu.memory_space<semaphore_mem>>
    %dma_wait3A_806 = tpu.memref_squeeze %dma_wait3A_805 : memref<1x!tpu.dma_semaphore, #tpu.memory_space<semaphore_mem>> -> memref<!tpu.dma_semaphore, #tpu.memory_space<semaphore_mem>>
    tpu.wait_indirect_dma semaphore(%dma_wait3A_806 : memref<!tpu.dma_semaphore, #tpu.memory_space<semaphore_mem>>) src(%dma_wait3A_804 : memref<520x1024xf32, #tpu.memory_space<hbm>>) dst(%dma_wait3A_798 : memref<32x1024xf32, #tpu.memory_space<vmem>>)
    %add3A_807 = arith.constant 224 : i32
    %add3A_808 = arith.addi %mul3A_2, %add3A_807 : i32
    %dma_start3A_809 = arith.constant 1 : i32
    %dma_start3A_810 = arith.constant 0 : i32
    %dma_start3A_811 = arith.constant 1 : i32
    %dma_start3A_812 = arith.constant 0 : i32
    %dma_start3A_813 = arith.constant 0 : i32
    %dma_start3A_814 = tpu.memref_slice %arg8[%dma_start3A_809, %dma_start3A_812, %dma_start3A_813] : memref<3x32x1024xf32, #tpu.memory_space<vmem>> -> memref<1x32x1024xf32, #tpu.memory_space<vmem>>
    %dma_start3A_815 = tpu.memref_squeeze %dma_start3A_814 : memref<1x32x1024xf32, #tpu.memory_space<vmem>> -> memref<32x1024xf32, #tpu.memory_space<vmem>>
    %dma_start3A_816 = arith.constant 0 : i32
    %dma_start3A_817 = tpu.memref_slice %arg5[%add3A_808, %dma_start3A_810, %dma_start3A_816] : memref<16384x1x1024xf32, #tpu.memory_space<hbm>> -> memref<32x1x1024xf32, #tpu.memory_space<hbm>>
    %dma_start3A_818 = tpu.memref_squeeze %dma_start3A_817 : memref<32x1x1024xf32, #tpu.memory_space<hbm>> -> memref<32x1024xf32, #tpu.memory_space<hbm>>
    %dma_start3A_819 = tpu.memref_slice %arg11[%dma_start3A_811] : memref<3x!tpu.dma_semaphore, #tpu.memory_space<semaphore_mem>> -> memref<1x!tpu.dma_semaphore, #tpu.memory_space<semaphore_mem>>
    %dma_start3A_820 = tpu.memref_squeeze %dma_start3A_819 : memref<1x!tpu.dma_semaphore, #tpu.memory_space<semaphore_mem>> -> memref<!tpu.dma_semaphore, #tpu.memory_space<semaphore_mem>>
    %dma_start3A_821 = arith.constant 0 : i32
    %dma_start3A_822 = tpu.memref_slice %arg5[%add3A_808, %dma_start3A_810, %dma_start3A_821] : memref<16384x1x1024xf32, #tpu.memory_space<hbm>> -> memref<32x1x1024xf32, #tpu.memory_space<hbm>>
    %dma_start3A_823 = tpu.memref_squeeze %dma_start3A_822 : memref<32x1x1024xf32, #tpu.memory_space<hbm>> -> memref<32x1024xf32, #tpu.memory_space<hbm>>
    %dma_start3A_824 = arith.constant 0 : i32
    %dma_start3A_825 = arith.constant 0 : i32
    %dma_start3A_826 = tpu.memref_slice %arg8[%dma_start3A_809, %dma_start3A_824, %dma_start3A_825] : memref<3x32x1024xf32, #tpu.memory_space<vmem>> -> memref<1x32x1024xf32, #tpu.memory_space<vmem>>
    %dma_start3A_827 = tpu.memref_squeeze %dma_start3A_826 : memref<1x32x1024xf32, #tpu.memory_space<vmem>> -> memref<32x1024xf32, #tpu.memory_space<vmem>>
    tpu.enqueue_dma source(%dma_start3A_827 : memref<32x1024xf32, #tpu.memory_space<vmem>>) target(%dma_start3A_823 : memref<32x1024xf32, #tpu.memory_space<hbm>>) target_semaphore(%dma_start3A_820 : memref<!tpu.dma_semaphore, #tpu.memory_space<semaphore_mem>>)
    %dma_wait3A_828 = arith.constant 1 : i32
    %dma_wait3A_829 = arith.constant 0 : i32
    %dma_wait3A_830 = arith.constant 1 : i32
    %dma_wait3A_831 = arith.constant 0 : i32
    %dma_wait3A_832 = arith.constant 0 : i32
    %dma_wait3A_833 = tpu.memref_slice %arg8[%dma_wait3A_828, %dma_wait3A_831, %dma_wait3A_832] : memref<3x32x1024xf32, #tpu.memory_space<vmem>> -> memref<1x32x1024xf32, #tpu.memory_space<vmem>>
    %dma_wait3A_834 = tpu.memref_squeeze %dma_wait3A_833 : memref<1x32x1024xf32, #tpu.memory_space<vmem>> -> memref<32x1024xf32, #tpu.memory_space<vmem>>
    %dma_wait3A_835 = arith.constant 0 : i32
    %dma_wait3A_836 = tpu.memref_slice %arg5[%add3A_808, %dma_wait3A_829, %dma_wait3A_835] : memref<16384x1x1024xf32, #tpu.memory_space<hbm>> -> memref<32x1x1024xf32, #tpu.memory_space<hbm>>
    %dma_wait3A_837 = tpu.memref_squeeze %dma_wait3A_836 : memref<32x1x1024xf32, #tpu.memory_space<hbm>> -> memref<32x1024xf32, #tpu.memory_space<hbm>>
    %dma_wait3A_838 = tpu.memref_slice %arg11[%dma_wait3A_830] : memref<3x!tpu.dma_semaphore, #tpu.memory_space<semaphore_mem>> -> memref<1x!tpu.dma_semaphore, #tpu.memory_space<semaphore_mem>>
    %dma_wait3A_839 = tpu.memref_squeeze %dma_wait3A_838 : memref<1x!tpu.dma_semaphore, #tpu.memory_space<semaphore_mem>> -> memref<!tpu.dma_semaphore, #tpu.memory_space<semaphore_mem>>
    %dma_wait3A_840 = arith.constant 0 : i32
    %dma_wait3A_841 = tpu.memref_slice %arg5[%add3A_808, %dma_wait3A_829, %dma_wait3A_840] : memref<16384x1x1024xf32, #tpu.memory_space<hbm>> -> memref<32x1x1024xf32, #tpu.memory_space<hbm>>
    %dma_wait3A_842 = tpu.memref_squeeze %dma_wait3A_841 : memref<32x1x1024xf32, #tpu.memory_space<hbm>> -> memref<32x1024xf32, #tpu.memory_space<hbm>>
    %dma_wait3A_843 = arith.constant 0 : i32
    %dma_wait3A_844 = arith.constant 0 : i32
    %dma_wait3A_845 = tpu.memref_slice %arg8[%dma_wait3A_828, %dma_wait3A_843, %dma_wait3A_844] : memref<3x32x1024xf32, #tpu.memory_space<vmem>> -> memref<1x32x1024xf32, #tpu.memory_space<vmem>>
    %dma_wait3A_846 = tpu.memref_squeeze %dma_wait3A_845 : memref<1x32x1024xf32, #tpu.memory_space<vmem>> -> memref<32x1024xf32, #tpu.memory_space<vmem>>
    tpu.wait_dma2 semaphore(%dma_wait3A_839 : memref<!tpu.dma_semaphore, #tpu.memory_space<semaphore_mem>>) src(%dma_wait3A_846 : memref<32x1024xf32, #tpu.memory_space<vmem>>) dst(%dma_wait3A_842 : memref<32x1024xf32, #tpu.memory_space<hbm>>)
    %dma_start3A_847 = arith.constant 10 : i32
    %dma_start3A_848 = arith.constant 1 : i32
    %dma_start3A_849 = arith.constant 1 : i32
    %dma_start3A_850 = arith.constant 0 : i32
    %dma_start3A_851 = arith.constant 0 : i32
    %dma_start3A_852 = tpu.memref_slice %arg8[%dma_start3A_848, %dma_start3A_850, %dma_start3A_851] : memref<3x32x1024xf32, #tpu.memory_space<vmem>> -> memref<1x32x1024xf32, #tpu.memory_space<vmem>>
    %dma_start3A_853 = tpu.memref_squeeze %dma_start3A_852 : memref<1x32x1024xf32, #tpu.memory_space<vmem>> -> memref<32x1024xf32, #tpu.memory_space<vmem>>
    %dma_start3A_854 = arith.constant 0 : i32
    %dma_start3A_855 = tpu.memref_slice %arg7[%dma_start3A_847, %dma_start3A_854] : memref<16x32xi32, #tpu.memory_space<vmem>> -> memref<1x32xi32, #tpu.memory_space<vmem>>
    %dma_start3A_856 = tpu.memref_squeeze %dma_start3A_855 : memref<1x32xi32, #tpu.memory_space<vmem>> -> memref<32xi32, #tpu.memory_space<vmem>>
    %dma_start3A_857 = arith.constant 0 : i32
    %dma_start3A_858 = arith.constant 0 : i32
    %dma_start3A_859 = tpu.memref_slice %arg4[%dma_start3A_857, %dma_start3A_858] : memref<520x1024xf32, #tpu.memory_space<hbm>> -> memref<520x1024xf32, #tpu.memory_space<hbm>>
    %dma_start3A_860 = tpu.memref_slice %arg10[%dma_start3A_849] : memref<3x!tpu.dma_semaphore, #tpu.memory_space<semaphore_mem>> -> memref<1x!tpu.dma_semaphore, #tpu.memory_space<semaphore_mem>>
    %dma_start3A_861 = tpu.memref_squeeze %dma_start3A_860 : memref<1x!tpu.dma_semaphore, #tpu.memory_space<semaphore_mem>> -> memref<!tpu.dma_semaphore, #tpu.memory_space<semaphore_mem>>
    tpu.enqueue_indirect_dma source(%dma_start3A_859 : memref<520x1024xf32, #tpu.memory_space<hbm>>) target(%dma_start3A_853 : memref<32x1024xf32, #tpu.memory_space<vmem>>) offsets(%dma_start3A_856 : memref<32xi32, #tpu.memory_space<vmem>>) semaphore(%dma_start3A_861 : memref<!tpu.dma_semaphore, #tpu.memory_space<semaphore_mem>>)
    %dma_wait3A_862 = arith.constant 8 : i32
    %dma_wait3A_863 = arith.constant 2 : i32
    %dma_wait3A_864 = arith.constant 2 : i32
    %dma_wait3A_865 = arith.constant 0 : i32
    %dma_wait3A_866 = arith.constant 0 : i32
    %dma_wait3A_867 = tpu.memref_slice %arg8[%dma_wait3A_863, %dma_wait3A_865, %dma_wait3A_866] : memref<3x32x1024xf32, #tpu.memory_space<vmem>> -> memref<1x32x1024xf32, #tpu.memory_space<vmem>>
    %dma_wait3A_868 = tpu.memref_squeeze %dma_wait3A_867 : memref<1x32x1024xf32, #tpu.memory_space<vmem>> -> memref<32x1024xf32, #tpu.memory_space<vmem>>
    %dma_wait3A_869 = arith.constant 0 : i32
    %dma_wait3A_870 = tpu.memref_slice %arg7[%dma_wait3A_862, %dma_wait3A_869] : memref<16x32xi32, #tpu.memory_space<vmem>> -> memref<1x32xi32, #tpu.memory_space<vmem>>
    %dma_wait3A_871 = tpu.memref_squeeze %dma_wait3A_870 : memref<1x32xi32, #tpu.memory_space<vmem>> -> memref<32xi32, #tpu.memory_space<vmem>>
    %dma_wait3A_872 = arith.constant 0 : i32
    %dma_wait3A_873 = arith.constant 0 : i32
    %dma_wait3A_874 = tpu.memref_slice %arg4[%dma_wait3A_872, %dma_wait3A_873] : memref<520x1024xf32, #tpu.memory_space<hbm>> -> memref<520x1024xf32, #tpu.memory_space<hbm>>
    %dma_wait3A_875 = tpu.memref_slice %arg10[%dma_wait3A_864] : memref<3x!tpu.dma_semaphore, #tpu.memory_space<semaphore_mem>> -> memref<1x!tpu.dma_semaphore, #tpu.memory_space<semaphore_mem>>
    %dma_wait3A_876 = tpu.memref_squeeze %dma_wait3A_875 : memref<1x!tpu.dma_semaphore, #tpu.memory_space<semaphore_mem>> -> memref<!tpu.dma_semaphore, #tpu.memory_space<semaphore_mem>>
    tpu.wait_indirect_dma semaphore(%dma_wait3A_876 : memref<!tpu.dma_semaphore, #tpu.memory_space<semaphore_mem>>) src(%dma_wait3A_874 : memref<520x1024xf32, #tpu.memory_space<hbm>>) dst(%dma_wait3A_868 : memref<32x1024xf32, #tpu.memory_space<vmem>>)
    %add3A_877 = arith.constant 256 : i32
    %add3A_878 = arith.addi %mul3A_2, %add3A_877 : i32
    %dma_start3A_879 = arith.constant 2 : i32
    %dma_start3A_880 = arith.constant 0 : i32
    %dma_start3A_881 = arith.constant 2 : i32
    %dma_start3A_882 = arith.constant 0 : i32
    %dma_start3A_883 = arith.constant 0 : i32
    %dma_start3A_884 = tpu.memref_slice %arg8[%dma_start3A_879, %dma_start3A_882, %dma_start3A_883] : memref<3x32x1024xf32, #tpu.memory_space<vmem>> -> memref<1x32x1024xf32, #tpu.memory_space<vmem>>
    %dma_start3A_885 = tpu.memref_squeeze %dma_start3A_884 : memref<1x32x1024xf32, #tpu.memory_space<vmem>> -> memref<32x1024xf32, #tpu.memory_space<vmem>>
    %dma_start3A_886 = arith.constant 0 : i32
    %dma_start3A_887 = tpu.memref_slice %arg5[%add3A_878, %dma_start3A_880, %dma_start3A_886] : memref<16384x1x1024xf32, #tpu.memory_space<hbm>> -> memref<32x1x1024xf32, #tpu.memory_space<hbm>>
    %dma_start3A_888 = tpu.memref_squeeze %dma_start3A_887 : memref<32x1x1024xf32, #tpu.memory_space<hbm>> -> memref<32x1024xf32, #tpu.memory_space<hbm>>
    %dma_start3A_889 = tpu.memref_slice %arg11[%dma_start3A_881] : memref<3x!tpu.dma_semaphore, #tpu.memory_space<semaphore_mem>> -> memref<1x!tpu.dma_semaphore, #tpu.memory_space<semaphore_mem>>
    %dma_start3A_890 = tpu.memref_squeeze %dma_start3A_889 : memref<1x!tpu.dma_semaphore, #tpu.memory_space<semaphore_mem>> -> memref<!tpu.dma_semaphore, #tpu.memory_space<semaphore_mem>>
    %dma_start3A_891 = arith.constant 0 : i32
    %dma_start3A_892 = tpu.memref_slice %arg5[%add3A_878, %dma_start3A_880, %dma_start3A_891] : memref<16384x1x1024xf32, #tpu.memory_space<hbm>> -> memref<32x1x1024xf32, #tpu.memory_space<hbm>>
    %dma_start3A_893 = tpu.memref_squeeze %dma_start3A_892 : memref<32x1x1024xf32, #tpu.memory_space<hbm>> -> memref<32x1024xf32, #tpu.memory_space<hbm>>
    %dma_start3A_894 = arith.constant 0 : i32
    %dma_start3A_895 = arith.constant 0 : i32
    %dma_start3A_896 = tpu.memref_slice %arg8[%dma_start3A_879, %dma_start3A_894, %dma_start3A_895] : memref<3x32x1024xf32, #tpu.memory_space<vmem>> -> memref<1x32x1024xf32, #tpu.memory_space<vmem>>
    %dma_start3A_897 = tpu.memref_squeeze %dma_start3A_896 : memref<1x32x1024xf32, #tpu.memory_space<vmem>> -> memref<32x1024xf32, #tpu.memory_space<vmem>>
    tpu.enqueue_dma source(%dma_start3A_897 : memref<32x1024xf32, #tpu.memory_space<vmem>>) target(%dma_start3A_893 : memref<32x1024xf32, #tpu.memory_space<hbm>>) target_semaphore(%dma_start3A_890 : memref<!tpu.dma_semaphore, #tpu.memory_space<semaphore_mem>>)
    %dma_wait3A_898 = arith.constant 2 : i32
    %dma_wait3A_899 = arith.constant 0 : i32
    %dma_wait3A_900 = arith.constant 2 : i32
    %dma_wait3A_901 = arith.constant 0 : i32
    %dma_wait3A_902 = arith.constant 0 : i32
    %dma_wait3A_903 = tpu.memref_slice %arg8[%dma_wait3A_898, %dma_wait3A_901, %dma_wait3A_902] : memref<3x32x1024xf32, #tpu.memory_space<vmem>> -> memref<1x32x1024xf32, #tpu.memory_space<vmem>>
    %dma_wait3A_904 = tpu.memref_squeeze %dma_wait3A_903 : memref<1x32x1024xf32, #tpu.memory_space<vmem>> -> memref<32x1024xf32, #tpu.memory_space<vmem>>
    %dma_wait3A_905 = arith.constant 0 : i32
    %dma_wait3A_906 = tpu.memref_slice %arg5[%add3A_878, %dma_wait3A_899, %dma_wait3A_905] : memref<16384x1x1024xf32, #tpu.memory_space<hbm>> -> memref<32x1x1024xf32, #tpu.memory_space<hbm>>
    %dma_wait3A_907 = tpu.memref_squeeze %dma_wait3A_906 : memref<32x1x1024xf32, #tpu.memory_space<hbm>> -> memref<32x1024xf32, #tpu.memory_space<hbm>>
    %dma_wait3A_908 = tpu.memref_slice %arg11[%dma_wait3A_900] : memref<3x!tpu.dma_semaphore, #tpu.memory_space<semaphore_mem>> -> memref<1x!tpu.dma_semaphore, #tpu.memory_space<semaphore_mem>>
    %dma_wait3A_909 = tpu.memref_squeeze %dma_wait3A_908 : memref<1x!tpu.dma_semaphore, #tpu.memory_space<semaphore_mem>> -> memref<!tpu.dma_semaphore, #tpu.memory_space<semaphore_mem>>
    %dma_wait3A_910 = arith.constant 0 : i32
    %dma_wait3A_911 = tpu.memref_slice %arg5[%add3A_878, %dma_wait3A_899, %dma_wait3A_910] : memref<16384x1x1024xf32, #tpu.memory_space<hbm>> -> memref<32x1x1024xf32, #tpu.memory_space<hbm>>
    %dma_wait3A_912 = tpu.memref_squeeze %dma_wait3A_911 : memref<32x1x1024xf32, #tpu.memory_space<hbm>> -> memref<32x1024xf32, #tpu.memory_space<hbm>>
    %dma_wait3A_913 = arith.constant 0 : i32
    %dma_wait3A_914 = arith.constant 0 : i32
    %dma_wait3A_915 = tpu.memref_slice %arg8[%dma_wait3A_898, %dma_wait3A_913, %dma_wait3A_914] : memref<3x32x1024xf32, #tpu.memory_space<vmem>> -> memref<1x32x1024xf32, #tpu.memory_space<vmem>>
    %dma_wait3A_916 = tpu.memref_squeeze %dma_wait3A_915 : memref<1x32x1024xf32, #tpu.memory_space<vmem>> -> memref<32x1024xf32, #tpu.memory_space<vmem>>
    tpu.wait_dma2 semaphore(%dma_wait3A_909 : memref<!tpu.dma_semaphore, #tpu.memory_space<semaphore_mem>>) src(%dma_wait3A_916 : memref<32x1024xf32, #tpu.memory_space<vmem>>) dst(%dma_wait3A_912 : memref<32x1024xf32, #tpu.memory_space<hbm>>)
    %dma_start3A_917 = arith.constant 11 : i32
    %dma_start3A_918 = arith.constant 2 : i32
    %dma_start3A_919 = arith.constant 2 : i32
    %dma_start3A_920 = arith.constant 0 : i32
    %dma_start3A_921 = arith.constant 0 : i32
    %dma_start3A_922 = tpu.memref_slice %arg8[%dma_start3A_918, %dma_start3A_920, %dma_start3A_921] : memref<3x32x1024xf32, #tpu.memory_space<vmem>> -> memref<1x32x1024xf32, #tpu.memory_space<vmem>>
    %dma_start3A_923 = tpu.memref_squeeze %dma_start3A_922 : memref<1x32x1024xf32, #tpu.memory_space<vmem>> -> memref<32x1024xf32, #tpu.memory_space<vmem>>
    %dma_start3A_924 = arith.constant 0 : i32
    %dma_start3A_925 = tpu.memref_slice %arg7[%dma_start3A_917, %dma_start3A_924] : memref<16x32xi32, #tpu.memory_space<vmem>> -> memref<1x32xi32, #tpu.memory_space<vmem>>
    %dma_start3A_926 = tpu.memref_squeeze %dma_start3A_925 : memref<1x32xi32, #tpu.memory_space<vmem>> -> memref<32xi32, #tpu.memory_space<vmem>>
    %dma_start3A_927 = arith.constant 0 : i32
    %dma_start3A_928 = arith.constant 0 : i32
    %dma_start3A_929 = tpu.memref_slice %arg4[%dma_start3A_927, %dma_start3A_928] : memref<520x1024xf32, #tpu.memory_space<hbm>> -> memref<520x1024xf32, #tpu.memory_space<hbm>>
    %dma_start3A_930 = tpu.memref_slice %arg10[%dma_start3A_919] : memref<3x!tpu.dma_semaphore, #tpu.memory_space<semaphore_mem>> -> memref<1x!tpu.dma_semaphore, #tpu.memory_space<semaphore_mem>>
    %dma_start3A_931 = tpu.memref_squeeze %dma_start3A_930 : memref<1x!tpu.dma_semaphore, #tpu.memory_space<semaphore_mem>> -> memref<!tpu.dma_semaphore, #tpu.memory_space<semaphore_mem>>
    tpu.enqueue_indirect_dma source(%dma_start3A_929 : memref<520x1024xf32, #tpu.memory_space<hbm>>) target(%dma_start3A_923 : memref<32x1024xf32, #tpu.memory_space<vmem>>) offsets(%dma_start3A_926 : memref<32xi32, #tpu.memory_space<vmem>>) semaphore(%dma_start3A_931 : memref<!tpu.dma_semaphore, #tpu.memory_space<semaphore_mem>>)
    %dma_wait3A_932 = arith.constant 9 : i32
    %dma_wait3A_933 = arith.constant 0 : i32
    %dma_wait3A_934 = arith.constant 0 : i32
    %dma_wait3A_935 = arith.constant 0 : i32
    %dma_wait3A_936 = arith.constant 0 : i32
    %dma_wait3A_937 = tpu.memref_slice %arg8[%dma_wait3A_933, %dma_wait3A_935, %dma_wait3A_936] : memref<3x32x1024xf32, #tpu.memory_space<vmem>> -> memref<1x32x1024xf32, #tpu.memory_space<vmem>>
    %dma_wait3A_938 = tpu.memref_squeeze %dma_wait3A_937 : memref<1x32x1024xf32, #tpu.memory_space<vmem>> -> memref<32x1024xf32, #tpu.memory_space<vmem>>
    %dma_wait3A_939 = arith.constant 0 : i32
    %dma_wait3A_940 = tpu.memref_slice %arg7[%dma_wait3A_932, %dma_wait3A_939] : memref<16x32xi32, #tpu.memory_space<vmem>> -> memref<1x32xi32, #tpu.memory_space<vmem>>
    %dma_wait3A_941 = tpu.memref_squeeze %dma_wait3A_940 : memref<1x32xi32, #tpu.memory_space<vmem>> -> memref<32xi32, #tpu.memory_space<vmem>>
    %dma_wait3A_942 = arith.constant 0 : i32
    %dma_wait3A_943 = arith.constant 0 : i32
    %dma_wait3A_944 = tpu.memref_slice %arg4[%dma_wait3A_942, %dma_wait3A_943] : memref<520x1024xf32, #tpu.memory_space<hbm>> -> memref<520x1024xf32, #tpu.memory_space<hbm>>
    %dma_wait3A_945 = tpu.memref_slice %arg10[%dma_wait3A_934] : memref<3x!tpu.dma_semaphore, #tpu.memory_space<semaphore_mem>> -> memref<1x!tpu.dma_semaphore, #tpu.memory_space<semaphore_mem>>
    %dma_wait3A_946 = tpu.memref_squeeze %dma_wait3A_945 : memref<1x!tpu.dma_semaphore, #tpu.memory_space<semaphore_mem>> -> memref<!tpu.dma_semaphore, #tpu.memory_space<semaphore_mem>>
    tpu.wait_indirect_dma semaphore(%dma_wait3A_946 : memref<!tpu.dma_semaphore, #tpu.memory_space<semaphore_mem>>) src(%dma_wait3A_944 : memref<520x1024xf32, #tpu.memory_space<hbm>>) dst(%dma_wait3A_938 : memref<32x1024xf32, #tpu.memory_space<vmem>>)
    %add3A_947 = arith.constant 288 : i32
    %add3A_948 = arith.addi %mul3A_2, %add3A_947 : i32
    %dma_start3A_949 = arith.constant 0 : i32
    %dma_start3A_950 = arith.constant 0 : i32
    %dma_start3A_951 = arith.constant 0 : i32
    %dma_start3A_952 = arith.constant 0 : i32
    %dma_start3A_953 = arith.constant 0 : i32
    %dma_start3A_954 = tpu.memref_slice %arg8[%dma_start3A_949, %dma_start3A_952, %dma_start3A_953] : memref<3x32x1024xf32, #tpu.memory_space<vmem>> -> memref<1x32x1024xf32, #tpu.memory_space<vmem>>
    %dma_start3A_955 = tpu.memref_squeeze %dma_start3A_954 : memref<1x32x1024xf32, #tpu.memory_space<vmem>> -> memref<32x1024xf32, #tpu.memory_space<vmem>>
    %dma_start3A_956 = arith.constant 0 : i32
    %dma_start3A_957 = tpu.memref_slice %arg5[%add3A_948, %dma_start3A_950, %dma_start3A_956] : memref<16384x1x1024xf32, #tpu.memory_space<hbm>> -> memref<32x1x1024xf32, #tpu.memory_space<hbm>>
    %dma_start3A_958 = tpu.memref_squeeze %dma_start3A_957 : memref<32x1x1024xf32, #tpu.memory_space<hbm>> -> memref<32x1024xf32, #tpu.memory_space<hbm>>
    %dma_start3A_959 = tpu.memref_slice %arg11[%dma_start3A_951] : memref<3x!tpu.dma_semaphore, #tpu.memory_space<semaphore_mem>> -> memref<1x!tpu.dma_semaphore, #tpu.memory_space<semaphore_mem>>
    %dma_start3A_960 = tpu.memref_squeeze %dma_start3A_959 : memref<1x!tpu.dma_semaphore, #tpu.memory_space<semaphore_mem>> -> memref<!tpu.dma_semaphore, #tpu.memory_space<semaphore_mem>>
    %dma_start3A_961 = arith.constant 0 : i32
    %dma_start3A_962 = tpu.memref_slice %arg5[%add3A_948, %dma_start3A_950, %dma_start3A_961] : memref<16384x1x1024xf32, #tpu.memory_space<hbm>> -> memref<32x1x1024xf32, #tpu.memory_space<hbm>>
    %dma_start3A_963 = tpu.memref_squeeze %dma_start3A_962 : memref<32x1x1024xf32, #tpu.memory_space<hbm>> -> memref<32x1024xf32, #tpu.memory_space<hbm>>
    %dma_start3A_964 = arith.constant 0 : i32
    %dma_start3A_965 = arith.constant 0 : i32
    %dma_start3A_966 = tpu.memref_slice %arg8[%dma_start3A_949, %dma_start3A_964, %dma_start3A_965] : memref<3x32x1024xf32, #tpu.memory_space<vmem>> -> memref<1x32x1024xf32, #tpu.memory_space<vmem>>
    %dma_start3A_967 = tpu.memref_squeeze %dma_start3A_966 : memref<1x32x1024xf32, #tpu.memory_space<vmem>> -> memref<32x1024xf32, #tpu.memory_space<vmem>>
    tpu.enqueue_dma source(%dma_start3A_967 : memref<32x1024xf32, #tpu.memory_space<vmem>>) target(%dma_start3A_963 : memref<32x1024xf32, #tpu.memory_space<hbm>>) target_semaphore(%dma_start3A_960 : memref<!tpu.dma_semaphore, #tpu.memory_space<semaphore_mem>>)
    %dma_wait3A_968 = arith.constant 0 : i32
    %dma_wait3A_969 = arith.constant 0 : i32
    %dma_wait3A_970 = arith.constant 0 : i32
    %dma_wait3A_971 = arith.constant 0 : i32
    %dma_wait3A_972 = arith.constant 0 : i32
    %dma_wait3A_973 = tpu.memref_slice %arg8[%dma_wait3A_968, %dma_wait3A_971, %dma_wait3A_972] : memref<3x32x1024xf32, #tpu.memory_space<vmem>> -> memref<1x32x1024xf32, #tpu.memory_space<vmem>>
    %dma_wait3A_974 = tpu.memref_squeeze %dma_wait3A_973 : memref<1x32x1024xf32, #tpu.memory_space<vmem>> -> memref<32x1024xf32, #tpu.memory_space<vmem>>
    %dma_wait3A_975 = arith.constant 0 : i32
    %dma_wait3A_976 = tpu.memref_slice %arg5[%add3A_948, %dma_wait3A_969, %dma_wait3A_975] : memref<16384x1x1024xf32, #tpu.memory_space<hbm>> -> memref<32x1x1024xf32, #tpu.memory_space<hbm>>
    %dma_wait3A_977 = tpu.memref_squeeze %dma_wait3A_976 : memref<32x1x1024xf32, #tpu.memory_space<hbm>> -> memref<32x1024xf32, #tpu.memory_space<hbm>>
    %dma_wait3A_978 = tpu.memref_slice %arg11[%dma_wait3A_970] : memref<3x!tpu.dma_semaphore, #tpu.memory_space<semaphore_mem>> -> memref<1x!tpu.dma_semaphore, #tpu.memory_space<semaphore_mem>>
    %dma_wait3A_979 = tpu.memref_squeeze %dma_wait3A_978 : memref<1x!tpu.dma_semaphore, #tpu.memory_space<semaphore_mem>> -> memref<!tpu.dma_semaphore, #tpu.memory_space<semaphore_mem>>
    %dma_wait3A_980 = arith.constant 0 : i32
    %dma_wait3A_981 = tpu.memref_slice %arg5[%add3A_948, %dma_wait3A_969, %dma_wait3A_980] : memref<16384x1x1024xf32, #tpu.memory_space<hbm>> -> memref<32x1x1024xf32, #tpu.memory_space<hbm>>
    %dma_wait3A_982 = tpu.memref_squeeze %dma_wait3A_981 : memref<32x1x1024xf32, #tpu.memory_space<hbm>> -> memref<32x1024xf32, #tpu.memory_space<hbm>>
    %dma_wait3A_983 = arith.constant 0 : i32
    %dma_wait3A_984 = arith.constant 0 : i32
    %dma_wait3A_985 = tpu.memref_slice %arg8[%dma_wait3A_968, %dma_wait3A_983, %dma_wait3A_984] : memref<3x32x1024xf32, #tpu.memory_space<vmem>> -> memref<1x32x1024xf32, #tpu.memory_space<vmem>>
    %dma_wait3A_986 = tpu.memref_squeeze %dma_wait3A_985 : memref<1x32x1024xf32, #tpu.memory_space<vmem>> -> memref<32x1024xf32, #tpu.memory_space<vmem>>
    tpu.wait_dma2 semaphore(%dma_wait3A_979 : memref<!tpu.dma_semaphore, #tpu.memory_space<semaphore_mem>>) src(%dma_wait3A_986 : memref<32x1024xf32, #tpu.memory_space<vmem>>) dst(%dma_wait3A_982 : memref<32x1024xf32, #tpu.memory_space<hbm>>)
    %dma_start3A_987 = arith.constant 12 : i32
    %dma_start3A_988 = arith.constant 0 : i32
    %dma_start3A_989 = arith.constant 0 : i32
    %dma_start3A_990 = arith.constant 0 : i32
    %dma_start3A_991 = arith.constant 0 : i32
    %dma_start3A_992 = tpu.memref_slice %arg8[%dma_start3A_988, %dma_start3A_990, %dma_start3A_991] : memref<3x32x1024xf32, #tpu.memory_space<vmem>> -> memref<1x32x1024xf32, #tpu.memory_space<vmem>>
    %dma_start3A_993 = tpu.memref_squeeze %dma_start3A_992 : memref<1x32x1024xf32, #tpu.memory_space<vmem>> -> memref<32x1024xf32, #tpu.memory_space<vmem>>
    %dma_start3A_994 = arith.constant 0 : i32
    %dma_start3A_995 = tpu.memref_slice %arg7[%dma_start3A_987, %dma_start3A_994] : memref<16x32xi32, #tpu.memory_space<vmem>> -> memref<1x32xi32, #tpu.memory_space<vmem>>
    %dma_start3A_996 = tpu.memref_squeeze %dma_start3A_995 : memref<1x32xi32, #tpu.memory_space<vmem>> -> memref<32xi32, #tpu.memory_space<vmem>>
    %dma_start3A_997 = arith.constant 0 : i32
    %dma_start3A_998 = arith.constant 0 : i32
    %dma_start3A_999 = tpu.memref_slice %arg4[%dma_start3A_997, %dma_start3A_998] : memref<520x1024xf32, #tpu.memory_space<hbm>> -> memref<520x1024xf32, #tpu.memory_space<hbm>>
    %dma_start3A_1000 = tpu.memref_slice %arg10[%dma_start3A_989] : memref<3x!tpu.dma_semaphore, #tpu.memory_space<semaphore_mem>> -> memref<1x!tpu.dma_semaphore, #tpu.memory_space<semaphore_mem>>
    %dma_start3A_1001 = tpu.memref_squeeze %dma_start3A_1000 : memref<1x!tpu.dma_semaphore, #tpu.memory_space<semaphore_mem>> -> memref<!tpu.dma_semaphore, #tpu.memory_space<semaphore_mem>>
    tpu.enqueue_indirect_dma source(%dma_start3A_999 : memref<520x1024xf32, #tpu.memory_space<hbm>>) target(%dma_start3A_993 : memref<32x1024xf32, #tpu.memory_space<vmem>>) offsets(%dma_start3A_996 : memref<32xi32, #tpu.memory_space<vmem>>) semaphore(%dma_start3A_1001 : memref<!tpu.dma_semaphore, #tpu.memory_space<semaphore_mem>>)
    %dma_wait3A_1002 = arith.constant 10 : i32
    %dma_wait3A_1003 = arith.constant 1 : i32
    %dma_wait3A_1004 = arith.constant 1 : i32
    %dma_wait3A_1005 = arith.constant 0 : i32
    %dma_wait3A_1006 = arith.constant 0 : i32
    %dma_wait3A_1007 = tpu.memref_slice %arg8[%dma_wait3A_1003, %dma_wait3A_1005, %dma_wait3A_1006] : memref<3x32x1024xf32, #tpu.memory_space<vmem>> -> memref<1x32x1024xf32, #tpu.memory_space<vmem>>
    %dma_wait3A_1008 = tpu.memref_squeeze %dma_wait3A_1007 : memref<1x32x1024xf32, #tpu.memory_space<vmem>> -> memref<32x1024xf32, #tpu.memory_space<vmem>>
    %dma_wait3A_1009 = arith.constant 0 : i32
    %dma_wait3A_1010 = tpu.memref_slice %arg7[%dma_wait3A_1002, %dma_wait3A_1009] : memref<16x32xi32, #tpu.memory_space<vmem>> -> memref<1x32xi32, #tpu.memory_space<vmem>>
    %dma_wait3A_1011 = tpu.memref_squeeze %dma_wait3A_1010 : memref<1x32xi32, #tpu.memory_space<vmem>> -> memref<32xi32, #tpu.memory_space<vmem>>
    %dma_wait3A_1012 = arith.constant 0 : i32
    %dma_wait3A_1013 = arith.constant 0 : i32
    %dma_wait3A_1014 = tpu.memref_slice %arg4[%dma_wait3A_1012, %dma_wait3A_1013] : memref<520x1024xf32, #tpu.memory_space<hbm>> -> memref<520x1024xf32, #tpu.memory_space<hbm>>
    %dma_wait3A_1015 = tpu.memref_slice %arg10[%dma_wait3A_1004] : memref<3x!tpu.dma_semaphore, #tpu.memory_space<semaphore_mem>> -> memref<1x!tpu.dma_semaphore, #tpu.memory_space<semaphore_mem>>
    %dma_wait3A_1016 = tpu.memref_squeeze %dma_wait3A_1015 : memref<1x!tpu.dma_semaphore, #tpu.memory_space<semaphore_mem>> -> memref<!tpu.dma_semaphore, #tpu.memory_space<semaphore_mem>>
    tpu.wait_indirect_dma semaphore(%dma_wait3A_1016 : memref<!tpu.dma_semaphore, #tpu.memory_space<semaphore_mem>>) src(%dma_wait3A_1014 : memref<520x1024xf32, #tpu.memory_space<hbm>>) dst(%dma_wait3A_1008 : memref<32x1024xf32, #tpu.memory_space<vmem>>)
    %add3A_1017 = arith.constant 320 : i32
    %add3A_1018 = arith.addi %mul3A_2, %add3A_1017 : i32
    %dma_start3A_1019 = arith.constant 1 : i32
    %dma_start3A_1020 = arith.constant 0 : i32
    %dma_start3A_1021 = arith.constant 1 : i32
    %dma_start3A_1022 = arith.constant 0 : i32
    %dma_start3A_1023 = arith.constant 0 : i32
    %dma_start3A_1024 = tpu.memref_slice %arg8[%dma_start3A_1019, %dma_start3A_1022, %dma_start3A_1023] : memref<3x32x1024xf32, #tpu.memory_space<vmem>> -> memref<1x32x1024xf32, #tpu.memory_space<vmem>>
    %dma_start3A_1025 = tpu.memref_squeeze %dma_start3A_1024 : memref<1x32x1024xf32, #tpu.memory_space<vmem>> -> memref<32x1024xf32, #tpu.memory_space<vmem>>
    %dma_start3A_1026 = arith.constant 0 : i32
    %dma_start3A_1027 = tpu.memref_slice %arg5[%add3A_1018, %dma_start3A_1020, %dma_start3A_1026] : memref<16384x1x1024xf32, #tpu.memory_space<hbm>> -> memref<32x1x1024xf32, #tpu.memory_space<hbm>>
    %dma_start3A_1028 = tpu.memref_squeeze %dma_start3A_1027 : memref<32x1x1024xf32, #tpu.memory_space<hbm>> -> memref<32x1024xf32, #tpu.memory_space<hbm>>
    %dma_start3A_1029 = tpu.memref_slice %arg11[%dma_start3A_1021] : memref<3x!tpu.dma_semaphore, #tpu.memory_space<semaphore_mem>> -> memref<1x!tpu.dma_semaphore, #tpu.memory_space<semaphore_mem>>
    %dma_start3A_1030 = tpu.memref_squeeze %dma_start3A_1029 : memref<1x!tpu.dma_semaphore, #tpu.memory_space<semaphore_mem>> -> memref<!tpu.dma_semaphore, #tpu.memory_space<semaphore_mem>>
    %dma_start3A_1031 = arith.constant 0 : i32
    %dma_start3A_1032 = tpu.memref_slice %arg5[%add3A_1018, %dma_start3A_1020, %dma_start3A_1031] : memref<16384x1x1024xf32, #tpu.memory_space<hbm>> -> memref<32x1x1024xf32, #tpu.memory_space<hbm>>
    %dma_start3A_1033 = tpu.memref_squeeze %dma_start3A_1032 : memref<32x1x1024xf32, #tpu.memory_space<hbm>> -> memref<32x1024xf32, #tpu.memory_space<hbm>>
    %dma_start3A_1034 = arith.constant 0 : i32
    %dma_start3A_1035 = arith.constant 0 : i32
    %dma_start3A_1036 = tpu.memref_slice %arg8[%dma_start3A_1019, %dma_start3A_1034, %dma_start3A_1035] : memref<3x32x1024xf32, #tpu.memory_space<vmem>> -> memref<1x32x1024xf32, #tpu.memory_space<vmem>>
    %dma_start3A_1037 = tpu.memref_squeeze %dma_start3A_1036 : memref<1x32x1024xf32, #tpu.memory_space<vmem>> -> memref<32x1024xf32, #tpu.memory_space<vmem>>
    tpu.enqueue_dma source(%dma_start3A_1037 : memref<32x1024xf32, #tpu.memory_space<vmem>>) target(%dma_start3A_1033 : memref<32x1024xf32, #tpu.memory_space<hbm>>) target_semaphore(%dma_start3A_1030 : memref<!tpu.dma_semaphore, #tpu.memory_space<semaphore_mem>>)
    %dma_wait3A_1038 = arith.constant 1 : i32
    %dma_wait3A_1039 = arith.constant 0 : i32
    %dma_wait3A_1040 = arith.constant 1 : i32
    %dma_wait3A_1041 = arith.constant 0 : i32
    %dma_wait3A_1042 = arith.constant 0 : i32
    %dma_wait3A_1043 = tpu.memref_slice %arg8[%dma_wait3A_1038, %dma_wait3A_1041, %dma_wait3A_1042] : memref<3x32x1024xf32, #tpu.memory_space<vmem>> -> memref<1x32x1024xf32, #tpu.memory_space<vmem>>
    %dma_wait3A_1044 = tpu.memref_squeeze %dma_wait3A_1043 : memref<1x32x1024xf32, #tpu.memory_space<vmem>> -> memref<32x1024xf32, #tpu.memory_space<vmem>>
    %dma_wait3A_1045 = arith.constant 0 : i32
    %dma_wait3A_1046 = tpu.memref_slice %arg5[%add3A_1018, %dma_wait3A_1039, %dma_wait3A_1045] : memref<16384x1x1024xf32, #tpu.memory_space<hbm>> -> memref<32x1x1024xf32, #tpu.memory_space<hbm>>
    %dma_wait3A_1047 = tpu.memref_squeeze %dma_wait3A_1046 : memref<32x1x1024xf32, #tpu.memory_space<hbm>> -> memref<32x1024xf32, #tpu.memory_space<hbm>>
    %dma_wait3A_1048 = tpu.memref_slice %arg11[%dma_wait3A_1040] : memref<3x!tpu.dma_semaphore, #tpu.memory_space<semaphore_mem>> -> memref<1x!tpu.dma_semaphore, #tpu.memory_space<semaphore_mem>>
    %dma_wait3A_1049 = tpu.memref_squeeze %dma_wait3A_1048 : memref<1x!tpu.dma_semaphore, #tpu.memory_space<semaphore_mem>> -> memref<!tpu.dma_semaphore, #tpu.memory_space<semaphore_mem>>
    %dma_wait3A_1050 = arith.constant 0 : i32
    %dma_wait3A_1051 = tpu.memref_slice %arg5[%add3A_1018, %dma_wait3A_1039, %dma_wait3A_1050] : memref<16384x1x1024xf32, #tpu.memory_space<hbm>> -> memref<32x1x1024xf32, #tpu.memory_space<hbm>>
    %dma_wait3A_1052 = tpu.memref_squeeze %dma_wait3A_1051 : memref<32x1x1024xf32, #tpu.memory_space<hbm>> -> memref<32x1024xf32, #tpu.memory_space<hbm>>
    %dma_wait3A_1053 = arith.constant 0 : i32
    %dma_wait3A_1054 = arith.constant 0 : i32
    %dma_wait3A_1055 = tpu.memref_slice %arg8[%dma_wait3A_1038, %dma_wait3A_1053, %dma_wait3A_1054] : memref<3x32x1024xf32, #tpu.memory_space<vmem>> -> memref<1x32x1024xf32, #tpu.memory_space<vmem>>
    %dma_wait3A_1056 = tpu.memref_squeeze %dma_wait3A_1055 : memref<1x32x1024xf32, #tpu.memory_space<vmem>> -> memref<32x1024xf32, #tpu.memory_space<vmem>>
    tpu.wait_dma2 semaphore(%dma_wait3A_1049 : memref<!tpu.dma_semaphore, #tpu.memory_space<semaphore_mem>>) src(%dma_wait3A_1056 : memref<32x1024xf32, #tpu.memory_space<vmem>>) dst(%dma_wait3A_1052 : memref<32x1024xf32, #tpu.memory_space<hbm>>)
    %dma_start3A_1057 = arith.constant 13 : i32
    %dma_start3A_1058 = arith.constant 1 : i32
    %dma_start3A_1059 = arith.constant 1 : i32
    %dma_start3A_1060 = arith.constant 0 : i32
    %dma_start3A_1061 = arith.constant 0 : i32
    %dma_start3A_1062 = tpu.memref_slice %arg8[%dma_start3A_1058, %dma_start3A_1060, %dma_start3A_1061] : memref<3x32x1024xf32, #tpu.memory_space<vmem>> -> memref<1x32x1024xf32, #tpu.memory_space<vmem>>
    %dma_start3A_1063 = tpu.memref_squeeze %dma_start3A_1062 : memref<1x32x1024xf32, #tpu.memory_space<vmem>> -> memref<32x1024xf32, #tpu.memory_space<vmem>>
    %dma_start3A_1064 = arith.constant 0 : i32
    %dma_start3A_1065 = tpu.memref_slice %arg7[%dma_start3A_1057, %dma_start3A_1064] : memref<16x32xi32, #tpu.memory_space<vmem>> -> memref<1x32xi32, #tpu.memory_space<vmem>>
    %dma_start3A_1066 = tpu.memref_squeeze %dma_start3A_1065 : memref<1x32xi32, #tpu.memory_space<vmem>> -> memref<32xi32, #tpu.memory_space<vmem>>
    %dma_start3A_1067 = arith.constant 0 : i32
    %dma_start3A_1068 = arith.constant 0 : i32
    %dma_start3A_1069 = tpu.memref_slice %arg4[%dma_start3A_1067, %dma_start3A_1068] : memref<520x1024xf32, #tpu.memory_space<hbm>> -> memref<520x1024xf32, #tpu.memory_space<hbm>>
    %dma_start3A_1070 = tpu.memref_slice %arg10[%dma_start3A_1059] : memref<3x!tpu.dma_semaphore, #tpu.memory_space<semaphore_mem>> -> memref<1x!tpu.dma_semaphore, #tpu.memory_space<semaphore_mem>>
    %dma_start3A_1071 = tpu.memref_squeeze %dma_start3A_1070 : memref<1x!tpu.dma_semaphore, #tpu.memory_space<semaphore_mem>> -> memref<!tpu.dma_semaphore, #tpu.memory_space<semaphore_mem>>
    tpu.enqueue_indirect_dma source(%dma_start3A_1069 : memref<520x1024xf32, #tpu.memory_space<hbm>>) target(%dma_start3A_1063 : memref<32x1024xf32, #tpu.memory_space<vmem>>) offsets(%dma_start3A_1066 : memref<32xi32, #tpu.memory_space<vmem>>) semaphore(%dma_start3A_1071 : memref<!tpu.dma_semaphore, #tpu.memory_space<semaphore_mem>>)
    %dma_wait3A_1072 = arith.constant 11 : i32
    %dma_wait3A_1073 = arith.constant 2 : i32
    %dma_wait3A_1074 = arith.constant 2 : i32
    %dma_wait3A_1075 = arith.constant 0 : i32
    %dma_wait3A_1076 = arith.constant 0 : i32
    %dma_wait3A_1077 = tpu.memref_slice %arg8[%dma_wait3A_1073, %dma_wait3A_1075, %dma_wait3A_1076] : memref<3x32x1024xf32, #tpu.memory_space<vmem>> -> memref<1x32x1024xf32, #tpu.memory_space<vmem>>
    %dma_wait3A_1078 = tpu.memref_squeeze %dma_wait3A_1077 : memref<1x32x1024xf32, #tpu.memory_space<vmem>> -> memref<32x1024xf32, #tpu.memory_space<vmem>>
    %dma_wait3A_1079 = arith.constant 0 : i32
    %dma_wait3A_1080 = tpu.memref_slice %arg7[%dma_wait3A_1072, %dma_wait3A_1079] : memref<16x32xi32, #tpu.memory_space<vmem>> -> memref<1x32xi32, #tpu.memory_space<vmem>>
    %dma_wait3A_1081 = tpu.memref_squeeze %dma_wait3A_1080 : memref<1x32xi32, #tpu.memory_space<vmem>> -> memref<32xi32, #tpu.memory_space<vmem>>
    %dma_wait3A_1082 = arith.constant 0 : i32
    %dma_wait3A_1083 = arith.constant 0 : i32
    %dma_wait3A_1084 = tpu.memref_slice %arg4[%dma_wait3A_1082, %dma_wait3A_1083] : memref<520x1024xf32, #tpu.memory_space<hbm>> -> memref<520x1024xf32, #tpu.memory_space<hbm>>
    %dma_wait3A_1085 = tpu.memref_slice %arg10[%dma_wait3A_1074] : memref<3x!tpu.dma_semaphore, #tpu.memory_space<semaphore_mem>> -> memref<1x!tpu.dma_semaphore, #tpu.memory_space<semaphore_mem>>
    %dma_wait3A_1086 = tpu.memref_squeeze %dma_wait3A_1085 : memref<1x!tpu.dma_semaphore, #tpu.memory_space<semaphore_mem>> -> memref<!tpu.dma_semaphore, #tpu.memory_space<semaphore_mem>>
    tpu.wait_indirect_dma semaphore(%dma_wait3A_1086 : memref<!tpu.dma_semaphore, #tpu.memory_space<semaphore_mem>>) src(%dma_wait3A_1084 : memref<520x1024xf32, #tpu.memory_space<hbm>>) dst(%dma_wait3A_1078 : memref<32x1024xf32, #tpu.memory_space<vmem>>)
    %add3A_1087 = arith.constant 352 : i32
    %add3A_1088 = arith.addi %mul3A_2, %add3A_1087 : i32
    %dma_start3A_1089 = arith.constant 2 : i32
    %dma_start3A_1090 = arith.constant 0 : i32
    %dma_start3A_1091 = arith.constant 2 : i32
    %dma_start3A_1092 = arith.constant 0 : i32
    %dma_start3A_1093 = arith.constant 0 : i32
    %dma_start3A_1094 = tpu.memref_slice %arg8[%dma_start3A_1089, %dma_start3A_1092, %dma_start3A_1093] : memref<3x32x1024xf32, #tpu.memory_space<vmem>> -> memref<1x32x1024xf32, #tpu.memory_space<vmem>>
    %dma_start3A_1095 = tpu.memref_squeeze %dma_start3A_1094 : memref<1x32x1024xf32, #tpu.memory_space<vmem>> -> memref<32x1024xf32, #tpu.memory_space<vmem>>
    %dma_start3A_1096 = arith.constant 0 : i32
    %dma_start3A_1097 = tpu.memref_slice %arg5[%add3A_1088, %dma_start3A_1090, %dma_start3A_1096] : memref<16384x1x1024xf32, #tpu.memory_space<hbm>> -> memref<32x1x1024xf32, #tpu.memory_space<hbm>>
    %dma_start3A_1098 = tpu.memref_squeeze %dma_start3A_1097 : memref<32x1x1024xf32, #tpu.memory_space<hbm>> -> memref<32x1024xf32, #tpu.memory_space<hbm>>
    %dma_start3A_1099 = tpu.memref_slice %arg11[%dma_start3A_1091] : memref<3x!tpu.dma_semaphore, #tpu.memory_space<semaphore_mem>> -> memref<1x!tpu.dma_semaphore, #tpu.memory_space<semaphore_mem>>
    %dma_start3A_1100 = tpu.memref_squeeze %dma_start3A_1099 : memref<1x!tpu.dma_semaphore, #tpu.memory_space<semaphore_mem>> -> memref<!tpu.dma_semaphore, #tpu.memory_space<semaphore_mem>>
    %dma_start3A_1101 = arith.constant 0 : i32
    %dma_start3A_1102 = tpu.memref_slice %arg5[%add3A_1088, %dma_start3A_1090, %dma_start3A_1101] : memref<16384x1x1024xf32, #tpu.memory_space<hbm>> -> memref<32x1x1024xf32, #tpu.memory_space<hbm>>
    %dma_start3A_1103 = tpu.memref_squeeze %dma_start3A_1102 : memref<32x1x1024xf32, #tpu.memory_space<hbm>> -> memref<32x1024xf32, #tpu.memory_space<hbm>>
    %dma_start3A_1104 = arith.constant 0 : i32
    %dma_start3A_1105 = arith.constant 0 : i32
    %dma_start3A_1106 = tpu.memref_slice %arg8[%dma_start3A_1089, %dma_start3A_1104, %dma_start3A_1105] : memref<3x32x1024xf32, #tpu.memory_space<vmem>> -> memref<1x32x1024xf32, #tpu.memory_space<vmem>>
    %dma_start3A_1107 = tpu.memref_squeeze %dma_start3A_1106 : memref<1x32x1024xf32, #tpu.memory_space<vmem>> -> memref<32x1024xf32, #tpu.memory_space<vmem>>
    tpu.enqueue_dma source(%dma_start3A_1107 : memref<32x1024xf32, #tpu.memory_space<vmem>>) target(%dma_start3A_1103 : memref<32x1024xf32, #tpu.memory_space<hbm>>) target_semaphore(%dma_start3A_1100 : memref<!tpu.dma_semaphore, #tpu.memory_space<semaphore_mem>>)
    %dma_wait3A_1108 = arith.constant 2 : i32
    %dma_wait3A_1109 = arith.constant 0 : i32
    %dma_wait3A_1110 = arith.constant 2 : i32
    %dma_wait3A_1111 = arith.constant 0 : i32
    %dma_wait3A_1112 = arith.constant 0 : i32
    %dma_wait3A_1113 = tpu.memref_slice %arg8[%dma_wait3A_1108, %dma_wait3A_1111, %dma_wait3A_1112] : memref<3x32x1024xf32, #tpu.memory_space<vmem>> -> memref<1x32x1024xf32, #tpu.memory_space<vmem>>
    %dma_wait3A_1114 = tpu.memref_squeeze %dma_wait3A_1113 : memref<1x32x1024xf32, #tpu.memory_space<vmem>> -> memref<32x1024xf32, #tpu.memory_space<vmem>>
    %dma_wait3A_1115 = arith.constant 0 : i32
    %dma_wait3A_1116 = tpu.memref_slice %arg5[%add3A_1088, %dma_wait3A_1109, %dma_wait3A_1115] : memref<16384x1x1024xf32, #tpu.memory_space<hbm>> -> memref<32x1x1024xf32, #tpu.memory_space<hbm>>
    %dma_wait3A_1117 = tpu.memref_squeeze %dma_wait3A_1116 : memref<32x1x1024xf32, #tpu.memory_space<hbm>> -> memref<32x1024xf32, #tpu.memory_space<hbm>>
    %dma_wait3A_1118 = tpu.memref_slice %arg11[%dma_wait3A_1110] : memref<3x!tpu.dma_semaphore, #tpu.memory_space<semaphore_mem>> -> memref<1x!tpu.dma_semaphore, #tpu.memory_space<semaphore_mem>>
    %dma_wait3A_1119 = tpu.memref_squeeze %dma_wait3A_1118 : memref<1x!tpu.dma_semaphore, #tpu.memory_space<semaphore_mem>> -> memref<!tpu.dma_semaphore, #tpu.memory_space<semaphore_mem>>
    %dma_wait3A_1120 = arith.constant 0 : i32
    %dma_wait3A_1121 = tpu.memref_slice %arg5[%add3A_1088, %dma_wait3A_1109, %dma_wait3A_1120] : memref<16384x1x1024xf32, #tpu.memory_space<hbm>> -> memref<32x1x1024xf32, #tpu.memory_space<hbm>>
    %dma_wait3A_1122 = tpu.memref_squeeze %dma_wait3A_1121 : memref<32x1x1024xf32, #tpu.memory_space<hbm>> -> memref<32x1024xf32, #tpu.memory_space<hbm>>
    %dma_wait3A_1123 = arith.constant 0 : i32
    %dma_wait3A_1124 = arith.constant 0 : i32
    %dma_wait3A_1125 = tpu.memref_slice %arg8[%dma_wait3A_1108, %dma_wait3A_1123, %dma_wait3A_1124] : memref<3x32x1024xf32, #tpu.memory_space<vmem>> -> memref<1x32x1024xf32, #tpu.memory_space<vmem>>
    %dma_wait3A_1126 = tpu.memref_squeeze %dma_wait3A_1125 : memref<1x32x1024xf32, #tpu.memory_space<vmem>> -> memref<32x1024xf32, #tpu.memory_space<vmem>>
    tpu.wait_dma2 semaphore(%dma_wait3A_1119 : memref<!tpu.dma_semaphore, #tpu.memory_space<semaphore_mem>>) src(%dma_wait3A_1126 : memref<32x1024xf32, #tpu.memory_space<vmem>>) dst(%dma_wait3A_1122 : memref<32x1024xf32, #tpu.memory_space<hbm>>)
    %dma_start3A_1127 = arith.constant 14 : i32
    %dma_start3A_1128 = arith.constant 2 : i32
    %dma_start3A_1129 = arith.constant 2 : i32
    %dma_start3A_1130 = arith.constant 0 : i32
    %dma_start3A_1131 = arith.constant 0 : i32
    %dma_start3A_1132 = tpu.memref_slice %arg8[%dma_start3A_1128, %dma_start3A_1130, %dma_start3A_1131] : memref<3x32x1024xf32, #tpu.memory_space<vmem>> -> memref<1x32x1024xf32, #tpu.memory_space<vmem>>
    %dma_start3A_1133 = tpu.memref_squeeze %dma_start3A_1132 : memref<1x32x1024xf32, #tpu.memory_space<vmem>> -> memref<32x1024xf32, #tpu.memory_space<vmem>>
    %dma_start3A_1134 = arith.constant 0 : i32
    %dma_start3A_1135 = tpu.memref_slice %arg7[%dma_start3A_1127, %dma_start3A_1134] : memref<16x32xi32, #tpu.memory_space<vmem>> -> memref<1x32xi32, #tpu.memory_space<vmem>>
    %dma_start3A_1136 = tpu.memref_squeeze %dma_start3A_1135 : memref<1x32xi32, #tpu.memory_space<vmem>> -> memref<32xi32, #tpu.memory_space<vmem>>
    %dma_start3A_1137 = arith.constant 0 : i32
    %dma_start3A_1138 = arith.constant 0 : i32
    %dma_start3A_1139 = tpu.memref_slice %arg4[%dma_start3A_1137, %dma_start3A_1138] : memref<520x1024xf32, #tpu.memory_space<hbm>> -> memref<520x1024xf32, #tpu.memory_space<hbm>>
    %dma_start3A_1140 = tpu.memref_slice %arg10[%dma_start3A_1129] : memref<3x!tpu.dma_semaphore, #tpu.memory_space<semaphore_mem>> -> memref<1x!tpu.dma_semaphore, #tpu.memory_space<semaphore_mem>>
    %dma_start3A_1141 = tpu.memref_squeeze %dma_start3A_1140 : memref<1x!tpu.dma_semaphore, #tpu.memory_space<semaphore_mem>> -> memref<!tpu.dma_semaphore, #tpu.memory_space<semaphore_mem>>
    tpu.enqueue_indirect_dma source(%dma_start3A_1139 : memref<520x1024xf32, #tpu.memory_space<hbm>>) target(%dma_start3A_1133 : memref<32x1024xf32, #tpu.memory_space<vmem>>) offsets(%dma_start3A_1136 : memref<32xi32, #tpu.memory_space<vmem>>) semaphore(%dma_start3A_1141 : memref<!tpu.dma_semaphore, #tpu.memory_space<semaphore_mem>>)
    %dma_wait3A_1142 = arith.constant 12 : i32
    %dma_wait3A_1143 = arith.constant 0 : i32
    %dma_wait3A_1144 = arith.constant 0 : i32
    %dma_wait3A_1145 = arith.constant 0 : i32
    %dma_wait3A_1146 = arith.constant 0 : i32
    %dma_wait3A_1147 = tpu.memref_slice %arg8[%dma_wait3A_1143, %dma_wait3A_1145, %dma_wait3A_1146] : memref<3x32x1024xf32, #tpu.memory_space<vmem>> -> memref<1x32x1024xf32, #tpu.memory_space<vmem>>
    %dma_wait3A_1148 = tpu.memref_squeeze %dma_wait3A_1147 : memref<1x32x1024xf32, #tpu.memory_space<vmem>> -> memref<32x1024xf32, #tpu.memory_space<vmem>>
    %dma_wait3A_1149 = arith.constant 0 : i32
    %dma_wait3A_1150 = tpu.memref_slice %arg7[%dma_wait3A_1142, %dma_wait3A_1149] : memref<16x32xi32, #tpu.memory_space<vmem>> -> memref<1x32xi32, #tpu.memory_space<vmem>>
    %dma_wait3A_1151 = tpu.memref_squeeze %dma_wait3A_1150 : memref<1x32xi32, #tpu.memory_space<vmem>> -> memref<32xi32, #tpu.memory_space<vmem>>
    %dma_wait3A_1152 = arith.constant 0 : i32
    %dma_wait3A_1153 = arith.constant 0 : i32
    %dma_wait3A_1154 = tpu.memref_slice %arg4[%dma_wait3A_1152, %dma_wait3A_1153] : memref<520x1024xf32, #tpu.memory_space<hbm>> -> memref<520x1024xf32, #tpu.memory_space<hbm>>
    %dma_wait3A_1155 = tpu.memref_slice %arg10[%dma_wait3A_1144] : memref<3x!tpu.dma_semaphore, #tpu.memory_space<semaphore_mem>> -> memref<1x!tpu.dma_semaphore, #tpu.memory_space<semaphore_mem>>
    %dma_wait3A_1156 = tpu.memref_squeeze %dma_wait3A_1155 : memref<1x!tpu.dma_semaphore, #tpu.memory_space<semaphore_mem>> -> memref<!tpu.dma_semaphore, #tpu.memory_space<semaphore_mem>>
    tpu.wait_indirect_dma semaphore(%dma_wait3A_1156 : memref<!tpu.dma_semaphore, #tpu.memory_space<semaphore_mem>>) src(%dma_wait3A_1154 : memref<520x1024xf32, #tpu.memory_space<hbm>>) dst(%dma_wait3A_1148 : memref<32x1024xf32, #tpu.memory_space<vmem>>)
    %add3A_1157 = arith.constant 384 : i32
    %add3A_1158 = arith.addi %mul3A_2, %add3A_1157 : i32
    %dma_start3A_1159 = arith.constant 0 : i32
    %dma_start3A_1160 = arith.constant 0 : i32
    %dma_start3A_1161 = arith.constant 0 : i32
    %dma_start3A_1162 = arith.constant 0 : i32
    %dma_start3A_1163 = arith.constant 0 : i32
    %dma_start3A_1164 = tpu.memref_slice %arg8[%dma_start3A_1159, %dma_start3A_1162, %dma_start3A_1163] : memref<3x32x1024xf32, #tpu.memory_space<vmem>> -> memref<1x32x1024xf32, #tpu.memory_space<vmem>>
    %dma_start3A_1165 = tpu.memref_squeeze %dma_start3A_1164 : memref<1x32x1024xf32, #tpu.memory_space<vmem>> -> memref<32x1024xf32, #tpu.memory_space<vmem>>
    %dma_start3A_1166 = arith.constant 0 : i32
    %dma_start3A_1167 = tpu.memref_slice %arg5[%add3A_1158, %dma_start3A_1160, %dma_start3A_1166] : memref<16384x1x1024xf32, #tpu.memory_space<hbm>> -> memref<32x1x1024xf32, #tpu.memory_space<hbm>>
    %dma_start3A_1168 = tpu.memref_squeeze %dma_start3A_1167 : memref<32x1x1024xf32, #tpu.memory_space<hbm>> -> memref<32x1024xf32, #tpu.memory_space<hbm>>
    %dma_start3A_1169 = tpu.memref_slice %arg11[%dma_start3A_1161] : memref<3x!tpu.dma_semaphore, #tpu.memory_space<semaphore_mem>> -> memref<1x!tpu.dma_semaphore, #tpu.memory_space<semaphore_mem>>
    %dma_start3A_1170 = tpu.memref_squeeze %dma_start3A_1169 : memref<1x!tpu.dma_semaphore, #tpu.memory_space<semaphore_mem>> -> memref<!tpu.dma_semaphore, #tpu.memory_space<semaphore_mem>>
    %dma_start3A_1171 = arith.constant 0 : i32
    %dma_start3A_1172 = tpu.memref_slice %arg5[%add3A_1158, %dma_start3A_1160, %dma_start3A_1171] : memref<16384x1x1024xf32, #tpu.memory_space<hbm>> -> memref<32x1x1024xf32, #tpu.memory_space<hbm>>
    %dma_start3A_1173 = tpu.memref_squeeze %dma_start3A_1172 : memref<32x1x1024xf32, #tpu.memory_space<hbm>> -> memref<32x1024xf32, #tpu.memory_space<hbm>>
    %dma_start3A_1174 = arith.constant 0 : i32
    %dma_start3A_1175 = arith.constant 0 : i32
    %dma_start3A_1176 = tpu.memref_slice %arg8[%dma_start3A_1159, %dma_start3A_1174, %dma_start3A_1175] : memref<3x32x1024xf32, #tpu.memory_space<vmem>> -> memref<1x32x1024xf32, #tpu.memory_space<vmem>>
    %dma_start3A_1177 = tpu.memref_squeeze %dma_start3A_1176 : memref<1x32x1024xf32, #tpu.memory_space<vmem>> -> memref<32x1024xf32, #tpu.memory_space<vmem>>
    tpu.enqueue_dma source(%dma_start3A_1177 : memref<32x1024xf32, #tpu.memory_space<vmem>>) target(%dma_start3A_1173 : memref<32x1024xf32, #tpu.memory_space<hbm>>) target_semaphore(%dma_start3A_1170 : memref<!tpu.dma_semaphore, #tpu.memory_space<semaphore_mem>>)
    %dma_wait3A_1178 = arith.constant 0 : i32
    %dma_wait3A_1179 = arith.constant 0 : i32
    %dma_wait3A_1180 = arith.constant 0 : i32
    %dma_wait3A_1181 = arith.constant 0 : i32
    %dma_wait3A_1182 = arith.constant 0 : i32
    %dma_wait3A_1183 = tpu.memref_slice %arg8[%dma_wait3A_1178, %dma_wait3A_1181, %dma_wait3A_1182] : memref<3x32x1024xf32, #tpu.memory_space<vmem>> -> memref<1x32x1024xf32, #tpu.memory_space<vmem>>
    %dma_wait3A_1184 = tpu.memref_squeeze %dma_wait3A_1183 : memref<1x32x1024xf32, #tpu.memory_space<vmem>> -> memref<32x1024xf32, #tpu.memory_space<vmem>>
    %dma_wait3A_1185 = arith.constant 0 : i32
    %dma_wait3A_1186 = tpu.memref_slice %arg5[%add3A_1158, %dma_wait3A_1179, %dma_wait3A_1185] : memref<16384x1x1024xf32, #tpu.memory_space<hbm>> -> memref<32x1x1024xf32, #tpu.memory_space<hbm>>
    %dma_wait3A_1187 = tpu.memref_squeeze %dma_wait3A_1186 : memref<32x1x1024xf32, #tpu.memory_space<hbm>> -> memref<32x1024xf32, #tpu.memory_space<hbm>>
    %dma_wait3A_1188 = tpu.memref_slice %arg11[%dma_wait3A_1180] : memref<3x!tpu.dma_semaphore, #tpu.memory_space<semaphore_mem>> -> memref<1x!tpu.dma_semaphore, #tpu.memory_space<semaphore_mem>>
    %dma_wait3A_1189 = tpu.memref_squeeze %dma_wait3A_1188 : memref<1x!tpu.dma_semaphore, #tpu.memory_space<semaphore_mem>> -> memref<!tpu.dma_semaphore, #tpu.memory_space<semaphore_mem>>
    %dma_wait3A_1190 = arith.constant 0 : i32
    %dma_wait3A_1191 = tpu.memref_slice %arg5[%add3A_1158, %dma_wait3A_1179, %dma_wait3A_1190] : memref<16384x1x1024xf32, #tpu.memory_space<hbm>> -> memref<32x1x1024xf32, #tpu.memory_space<hbm>>
    %dma_wait3A_1192 = tpu.memref_squeeze %dma_wait3A_1191 : memref<32x1x1024xf32, #tpu.memory_space<hbm>> -> memref<32x1024xf32, #tpu.memory_space<hbm>>
    %dma_wait3A_1193 = arith.constant 0 : i32
    %dma_wait3A_1194 = arith.constant 0 : i32
    %dma_wait3A_1195 = tpu.memref_slice %arg8[%dma_wait3A_1178, %dma_wait3A_1193, %dma_wait3A_1194] : memref<3x32x1024xf32, #tpu.memory_space<vmem>> -> memref<1x32x1024xf32, #tpu.memory_space<vmem>>
    %dma_wait3A_1196 = tpu.memref_squeeze %dma_wait3A_1195 : memref<1x32x1024xf32, #tpu.memory_space<vmem>> -> memref<32x1024xf32, #tpu.memory_space<vmem>>
    tpu.wait_dma2 semaphore(%dma_wait3A_1189 : memref<!tpu.dma_semaphore, #tpu.memory_space<semaphore_mem>>) src(%dma_wait3A_1196 : memref<32x1024xf32, #tpu.memory_space<vmem>>) dst(%dma_wait3A_1192 : memref<32x1024xf32, #tpu.memory_space<hbm>>)
    %dma_start3A_1197 = arith.constant 15 : i32
    %dma_start3A_1198 = arith.constant 0 : i32
    %dma_start3A_1199 = arith.constant 0 : i32
    %dma_start3A_1200 = arith.constant 0 : i32
    %dma_start3A_1201 = arith.constant 0 : i32
    %dma_start3A_1202 = tpu.memref_slice %arg8[%dma_start3A_1198, %dma_start3A_1200, %dma_start3A_1201] : memref<3x32x1024xf32, #tpu.memory_space<vmem>> -> memref<1x32x1024xf32, #tpu.memory_space<vmem>>
    %dma_start3A_1203 = tpu.memref_squeeze %dma_start3A_1202 : memref<1x32x1024xf32, #tpu.memory_space<vmem>> -> memref<32x1024xf32, #tpu.memory_space<vmem>>
    %dma_start3A_1204 = arith.constant 0 : i32
    %dma_start3A_1205 = tpu.memref_slice %arg7[%dma_start3A_1197, %dma_start3A_1204] : memref<16x32xi32, #tpu.memory_space<vmem>> -> memref<1x32xi32, #tpu.memory_space<vmem>>
    %dma_start3A_1206 = tpu.memref_squeeze %dma_start3A_1205 : memref<1x32xi32, #tpu.memory_space<vmem>> -> memref<32xi32, #tpu.memory_space<vmem>>
    %dma_start3A_1207 = arith.constant 0 : i32
    %dma_start3A_1208 = arith.constant 0 : i32
    %dma_start3A_1209 = tpu.memref_slice %arg4[%dma_start3A_1207, %dma_start3A_1208] : memref<520x1024xf32, #tpu.memory_space<hbm>> -> memref<520x1024xf32, #tpu.memory_space<hbm>>
    %dma_start3A_1210 = tpu.memref_slice %arg10[%dma_start3A_1199] : memref<3x!tpu.dma_semaphore, #tpu.memory_space<semaphore_mem>> -> memref<1x!tpu.dma_semaphore, #tpu.memory_space<semaphore_mem>>
    %dma_start3A_1211 = tpu.memref_squeeze %dma_start3A_1210 : memref<1x!tpu.dma_semaphore, #tpu.memory_space<semaphore_mem>> -> memref<!tpu.dma_semaphore, #tpu.memory_space<semaphore_mem>>
    tpu.enqueue_indirect_dma source(%dma_start3A_1209 : memref<520x1024xf32, #tpu.memory_space<hbm>>) target(%dma_start3A_1203 : memref<32x1024xf32, #tpu.memory_space<vmem>>) offsets(%dma_start3A_1206 : memref<32xi32, #tpu.memory_space<vmem>>) semaphore(%dma_start3A_1211 : memref<!tpu.dma_semaphore, #tpu.memory_space<semaphore_mem>>)
    %dma_wait3A_1212 = arith.constant 13 : i32
    %dma_wait3A_1213 = arith.constant 1 : i32
    %dma_wait3A_1214 = arith.constant 1 : i32
    %dma_wait3A_1215 = arith.constant 0 : i32
    %dma_wait3A_1216 = arith.constant 0 : i32
    %dma_wait3A_1217 = tpu.memref_slice %arg8[%dma_wait3A_1213, %dma_wait3A_1215, %dma_wait3A_1216] : memref<3x32x1024xf32, #tpu.memory_space<vmem>> -> memref<1x32x1024xf32, #tpu.memory_space<vmem>>
    %dma_wait3A_1218 = tpu.memref_squeeze %dma_wait3A_1217 : memref<1x32x1024xf32, #tpu.memory_space<vmem>> -> memref<32x1024xf32, #tpu.memory_space<vmem>>
    %dma_wait3A_1219 = arith.constant 0 : i32
    %dma_wait3A_1220 = tpu.memref_slice %arg7[%dma_wait3A_1212, %dma_wait3A_1219] : memref<16x32xi32, #tpu.memory_space<vmem>> -> memref<1x32xi32, #tpu.memory_space<vmem>>
    %dma_wait3A_1221 = tpu.memref_squeeze %dma_wait3A_1220 : memref<1x32xi32, #tpu.memory_space<vmem>> -> memref<32xi32, #tpu.memory_space<vmem>>
    %dma_wait3A_1222 = arith.constant 0 : i32
    %dma_wait3A_1223 = arith.constant 0 : i32
    %dma_wait3A_1224 = tpu.memref_slice %arg4[%dma_wait3A_1222, %dma_wait3A_1223] : memref<520x1024xf32, #tpu.memory_space<hbm>> -> memref<520x1024xf32, #tpu.memory_space<hbm>>
    %dma_wait3A_1225 = tpu.memref_slice %arg10[%dma_wait3A_1214] : memref<3x!tpu.dma_semaphore, #tpu.memory_space<semaphore_mem>> -> memref<1x!tpu.dma_semaphore, #tpu.memory_space<semaphore_mem>>
    %dma_wait3A_1226 = tpu.memref_squeeze %dma_wait3A_1225 : memref<1x!tpu.dma_semaphore, #tpu.memory_space<semaphore_mem>> -> memref<!tpu.dma_semaphore, #tpu.memory_space<semaphore_mem>>
    tpu.wait_indirect_dma semaphore(%dma_wait3A_1226 : memref<!tpu.dma_semaphore, #tpu.memory_space<semaphore_mem>>) src(%dma_wait3A_1224 : memref<520x1024xf32, #tpu.memory_space<hbm>>) dst(%dma_wait3A_1218 : memref<32x1024xf32, #tpu.memory_space<vmem>>)
    %add3A_1227 = arith.constant 416 : i32
    %add3A_1228 = arith.addi %mul3A_2, %add3A_1227 : i32
    %dma_start3A_1229 = arith.constant 1 : i32
    %dma_start3A_1230 = arith.constant 0 : i32
    %dma_start3A_1231 = arith.constant 1 : i32
    %dma_start3A_1232 = arith.constant 0 : i32
    %dma_start3A_1233 = arith.constant 0 : i32
    %dma_start3A_1234 = tpu.memref_slice %arg8[%dma_start3A_1229, %dma_start3A_1232, %dma_start3A_1233] : memref<3x32x1024xf32, #tpu.memory_space<vmem>> -> memref<1x32x1024xf32, #tpu.memory_space<vmem>>
    %dma_start3A_1235 = tpu.memref_squeeze %dma_start3A_1234 : memref<1x32x1024xf32, #tpu.memory_space<vmem>> -> memref<32x1024xf32, #tpu.memory_space<vmem>>
    %dma_start3A_1236 = arith.constant 0 : i32
    %dma_start3A_1237 = tpu.memref_slice %arg5[%add3A_1228, %dma_start3A_1230, %dma_start3A_1236] : memref<16384x1x1024xf32, #tpu.memory_space<hbm>> -> memref<32x1x1024xf32, #tpu.memory_space<hbm>>
    %dma_start3A_1238 = tpu.memref_squeeze %dma_start3A_1237 : memref<32x1x1024xf32, #tpu.memory_space<hbm>> -> memref<32x1024xf32, #tpu.memory_space<hbm>>
    %dma_start3A_1239 = tpu.memref_slice %arg11[%dma_start3A_1231] : memref<3x!tpu.dma_semaphore, #tpu.memory_space<semaphore_mem>> -> memref<1x!tpu.dma_semaphore, #tpu.memory_space<semaphore_mem>>
    %dma_start3A_1240 = tpu.memref_squeeze %dma_start3A_1239 : memref<1x!tpu.dma_semaphore, #tpu.memory_space<semaphore_mem>> -> memref<!tpu.dma_semaphore, #tpu.memory_space<semaphore_mem>>
    %dma_start3A_1241 = arith.constant 0 : i32
    %dma_start3A_1242 = tpu.memref_slice %arg5[%add3A_1228, %dma_start3A_1230, %dma_start3A_1241] : memref<16384x1x1024xf32, #tpu.memory_space<hbm>> -> memref<32x1x1024xf32, #tpu.memory_space<hbm>>
    %dma_start3A_1243 = tpu.memref_squeeze %dma_start3A_1242 : memref<32x1x1024xf32, #tpu.memory_space<hbm>> -> memref<32x1024xf32, #tpu.memory_space<hbm>>
    %dma_start3A_1244 = arith.constant 0 : i32
    %dma_start3A_1245 = arith.constant 0 : i32
    %dma_start3A_1246 = tpu.memref_slice %arg8[%dma_start3A_1229, %dma_start3A_1244, %dma_start3A_1245] : memref<3x32x1024xf32, #tpu.memory_space<vmem>> -> memref<1x32x1024xf32, #tpu.memory_space<vmem>>
    %dma_start3A_1247 = tpu.memref_squeeze %dma_start3A_1246 : memref<1x32x1024xf32, #tpu.memory_space<vmem>> -> memref<32x1024xf32, #tpu.memory_space<vmem>>
    tpu.enqueue_dma source(%dma_start3A_1247 : memref<32x1024xf32, #tpu.memory_space<vmem>>) target(%dma_start3A_1243 : memref<32x1024xf32, #tpu.memory_space<hbm>>) target_semaphore(%dma_start3A_1240 : memref<!tpu.dma_semaphore, #tpu.memory_space<semaphore_mem>>)
    %dma_wait3A_1248 = arith.constant 14 : i32
    %dma_wait3A_1249 = arith.constant 2 : i32
    %dma_wait3A_1250 = arith.constant 2 : i32
    %dma_wait3A_1251 = arith.constant 0 : i32
    %dma_wait3A_1252 = arith.constant 0 : i32
    %dma_wait3A_1253 = tpu.memref_slice %arg8[%dma_wait3A_1249, %dma_wait3A_1251, %dma_wait3A_1252] : memref<3x32x1024xf32, #tpu.memory_space<vmem>> -> memref<1x32x1024xf32, #tpu.memory_space<vmem>>
    %dma_wait3A_1254 = tpu.memref_squeeze %dma_wait3A_1253 : memref<1x32x1024xf32, #tpu.memory_space<vmem>> -> memref<32x1024xf32, #tpu.memory_space<vmem>>
    %dma_wait3A_1255 = arith.constant 0 : i32
    %dma_wait3A_1256 = tpu.memref_slice %arg7[%dma_wait3A_1248, %dma_wait3A_1255] : memref<16x32xi32, #tpu.memory_space<vmem>> -> memref<1x32xi32, #tpu.memory_space<vmem>>
    %dma_wait3A_1257 = tpu.memref_squeeze %dma_wait3A_1256 : memref<1x32xi32, #tpu.memory_space<vmem>> -> memref<32xi32, #tpu.memory_space<vmem>>
    %dma_wait3A_1258 = arith.constant 0 : i32
    %dma_wait3A_1259 = arith.constant 0 : i32
    %dma_wait3A_1260 = tpu.memref_slice %arg4[%dma_wait3A_1258, %dma_wait3A_1259] : memref<520x1024xf32, #tpu.memory_space<hbm>> -> memref<520x1024xf32, #tpu.memory_space<hbm>>
    %dma_wait3A_1261 = tpu.memref_slice %arg10[%dma_wait3A_1250] : memref<3x!tpu.dma_semaphore, #tpu.memory_space<semaphore_mem>> -> memref<1x!tpu.dma_semaphore, #tpu.memory_space<semaphore_mem>>
    %dma_wait3A_1262 = tpu.memref_squeeze %dma_wait3A_1261 : memref<1x!tpu.dma_semaphore, #tpu.memory_space<semaphore_mem>> -> memref<!tpu.dma_semaphore, #tpu.memory_space<semaphore_mem>>
    tpu.wait_indirect_dma semaphore(%dma_wait3A_1262 : memref<!tpu.dma_semaphore, #tpu.memory_space<semaphore_mem>>) src(%dma_wait3A_1260 : memref<520x1024xf32, #tpu.memory_space<hbm>>) dst(%dma_wait3A_1254 : memref<32x1024xf32, #tpu.memory_space<vmem>>)
    %add3A_1263 = arith.constant 448 : i32
    %add3A_1264 = arith.addi %mul3A_2, %add3A_1263 : i32
    %dma_start3A_1265 = arith.constant 2 : i32
    %dma_start3A_1266 = arith.constant 0 : i32
    %dma_start3A_1267 = arith.constant 2 : i32
    %dma_start3A_1268 = arith.constant 0 : i32
    %dma_start3A_1269 = arith.constant 0 : i32
    %dma_start3A_1270 = tpu.memref_slice %arg8[%dma_start3A_1265, %dma_start3A_1268, %dma_start3A_1269] : memref<3x32x1024xf32, #tpu.memory_space<vmem>> -> memref<1x32x1024xf32, #tpu.memory_space<vmem>>
    %dma_start3A_1271 = tpu.memref_squeeze %dma_start3A_1270 : memref<1x32x1024xf32, #tpu.memory_space<vmem>> -> memref<32x1024xf32, #tpu.memory_space<vmem>>
    %dma_start3A_1272 = arith.constant 0 : i32
    %dma_start3A_1273 = tpu.memref_slice %arg5[%add3A_1264, %dma_start3A_1266, %dma_start3A_1272] : memref<16384x1x1024xf32, #tpu.memory_space<hbm>> -> memref<32x1x1024xf32, #tpu.memory_space<hbm>>
    %dma_start3A_1274 = tpu.memref_squeeze %dma_start3A_1273 : memref<32x1x1024xf32, #tpu.memory_space<hbm>> -> memref<32x1024xf32, #tpu.memory_space<hbm>>
    %dma_start3A_1275 = tpu.memref_slice %arg11[%dma_start3A_1267] : memref<3x!tpu.dma_semaphore, #tpu.memory_space<semaphore_mem>> -> memref<1x!tpu.dma_semaphore, #tpu.memory_space<semaphore_mem>>
    %dma_start3A_1276 = tpu.memref_squeeze %dma_start3A_1275 : memref<1x!tpu.dma_semaphore, #tpu.memory_space<semaphore_mem>> -> memref<!tpu.dma_semaphore, #tpu.memory_space<semaphore_mem>>
    %dma_start3A_1277 = arith.constant 0 : i32
    %dma_start3A_1278 = tpu.memref_slice %arg5[%add3A_1264, %dma_start3A_1266, %dma_start3A_1277] : memref<16384x1x1024xf32, #tpu.memory_space<hbm>> -> memref<32x1x1024xf32, #tpu.memory_space<hbm>>
    %dma_start3A_1279 = tpu.memref_squeeze %dma_start3A_1278 : memref<32x1x1024xf32, #tpu.memory_space<hbm>> -> memref<32x1024xf32, #tpu.memory_space<hbm>>
    %dma_start3A_1280 = arith.constant 0 : i32
    %dma_start3A_1281 = arith.constant 0 : i32
    %dma_start3A_1282 = tpu.memref_slice %arg8[%dma_start3A_1265, %dma_start3A_1280, %dma_start3A_1281] : memref<3x32x1024xf32, #tpu.memory_space<vmem>> -> memref<1x32x1024xf32, #tpu.memory_space<vmem>>
    %dma_start3A_1283 = tpu.memref_squeeze %dma_start3A_1282 : memref<1x32x1024xf32, #tpu.memory_space<vmem>> -> memref<32x1024xf32, #tpu.memory_space<vmem>>
    tpu.enqueue_dma source(%dma_start3A_1283 : memref<32x1024xf32, #tpu.memory_space<vmem>>) target(%dma_start3A_1279 : memref<32x1024xf32, #tpu.memory_space<hbm>>) target_semaphore(%dma_start3A_1276 : memref<!tpu.dma_semaphore, #tpu.memory_space<semaphore_mem>>)
    %dma_wait3A_1284 = arith.constant 15 : i32
    %dma_wait3A_1285 = arith.constant 0 : i32
    %dma_wait3A_1286 = arith.constant 0 : i32
    %dma_wait3A_1287 = arith.constant 0 : i32
    %dma_wait3A_1288 = arith.constant 0 : i32
    %dma_wait3A_1289 = tpu.memref_slice %arg8[%dma_wait3A_1285, %dma_wait3A_1287, %dma_wait3A_1288] : memref<3x32x1024xf32, #tpu.memory_space<vmem>> -> memref<1x32x1024xf32, #tpu.memory_space<vmem>>
    %dma_wait3A_1290 = tpu.memref_squeeze %dma_wait3A_1289 : memref<1x32x1024xf32, #tpu.memory_space<vmem>> -> memref<32x1024xf32, #tpu.memory_space<vmem>>
    %dma_wait3A_1291 = arith.constant 0 : i32
    %dma_wait3A_1292 = tpu.memref_slice %arg7[%dma_wait3A_1284, %dma_wait3A_1291] : memref<16x32xi32, #tpu.memory_space<vmem>> -> memref<1x32xi32, #tpu.memory_space<vmem>>
    %dma_wait3A_1293 = tpu.memref_squeeze %dma_wait3A_1292 : memref<1x32xi32, #tpu.memory_space<vmem>> -> memref<32xi32, #tpu.memory_space<vmem>>
    %dma_wait3A_1294 = arith.constant 0 : i32
    %dma_wait3A_1295 = arith.constant 0 : i32
    %dma_wait3A_1296 = tpu.memref_slice %arg4[%dma_wait3A_1294, %dma_wait3A_1295] : memref<520x1024xf32, #tpu.memory_space<hbm>> -> memref<520x1024xf32, #tpu.memory_space<hbm>>
    %dma_wait3A_1297 = tpu.memref_slice %arg10[%dma_wait3A_1286] : memref<3x!tpu.dma_semaphore, #tpu.memory_space<semaphore_mem>> -> memref<1x!tpu.dma_semaphore, #tpu.memory_space<semaphore_mem>>
    %dma_wait3A_1298 = tpu.memref_squeeze %dma_wait3A_1297 : memref<1x!tpu.dma_semaphore, #tpu.memory_space<semaphore_mem>> -> memref<!tpu.dma_semaphore, #tpu.memory_space<semaphore_mem>>
    tpu.wait_indirect_dma semaphore(%dma_wait3A_1298 : memref<!tpu.dma_semaphore, #tpu.memory_space<semaphore_mem>>) src(%dma_wait3A_1296 : memref<520x1024xf32, #tpu.memory_space<hbm>>) dst(%dma_wait3A_1290 : memref<32x1024xf32, #tpu.memory_space<vmem>>)
    %add3A_1299 = arith.constant 480 : i32
    %add3A_1300 = arith.addi %mul3A_2, %add3A_1299 : i32
    %dma_start3A_1301 = arith.constant 0 : i32
    %dma_start3A_1302 = arith.constant 0 : i32
    %dma_start3A_1303 = arith.constant 0 : i32
    %dma_start3A_1304 = arith.constant 0 : i32
    %dma_start3A_1305 = arith.constant 0 : i32
    %dma_start3A_1306 = tpu.memref_slice %arg8[%dma_start3A_1301, %dma_start3A_1304, %dma_start3A_1305] : memref<3x32x1024xf32, #tpu.memory_space<vmem>> -> memref<1x32x1024xf32, #tpu.memory_space<vmem>>
    %dma_start3A_1307 = tpu.memref_squeeze %dma_start3A_1306 : memref<1x32x1024xf32, #tpu.memory_space<vmem>> -> memref<32x1024xf32, #tpu.memory_space<vmem>>
    %dma_start3A_1308 = arith.constant 0 : i32
    %dma_start3A_1309 = tpu.memref_slice %arg5[%add3A_1300, %dma_start3A_1302, %dma_start3A_1308] : memref<16384x1x1024xf32, #tpu.memory_space<hbm>> -> memref<32x1x1024xf32, #tpu.memory_space<hbm>>
    %dma_start3A_1310 = tpu.memref_squeeze %dma_start3A_1309 : memref<32x1x1024xf32, #tpu.memory_space<hbm>> -> memref<32x1024xf32, #tpu.memory_space<hbm>>
    %dma_start3A_1311 = tpu.memref_slice %arg11[%dma_start3A_1303] : memref<3x!tpu.dma_semaphore, #tpu.memory_space<semaphore_mem>> -> memref<1x!tpu.dma_semaphore, #tpu.memory_space<semaphore_mem>>
    %dma_start3A_1312 = tpu.memref_squeeze %dma_start3A_1311 : memref<1x!tpu.dma_semaphore, #tpu.memory_space<semaphore_mem>> -> memref<!tpu.dma_semaphore, #tpu.memory_space<semaphore_mem>>
    %dma_start3A_1313 = arith.constant 0 : i32
    %dma_start3A_1314 = tpu.memref_slice %arg5[%add3A_1300, %dma_start3A_1302, %dma_start3A_1313] : memref<16384x1x1024xf32, #tpu.memory_space<hbm>> -> memref<32x1x1024xf32, #tpu.memory_space<hbm>>
    %dma_start3A_1315 = tpu.memref_squeeze %dma_start3A_1314 : memref<32x1x1024xf32, #tpu.memory_space<hbm>> -> memref<32x1024xf32, #tpu.memory_space<hbm>>
    %dma_start3A_1316 = arith.constant 0 : i32
    %dma_start3A_1317 = arith.constant 0 : i32
    %dma_start3A_1318 = tpu.memref_slice %arg8[%dma_start3A_1301, %dma_start3A_1316, %dma_start3A_1317] : memref<3x32x1024xf32, #tpu.memory_space<vmem>> -> memref<1x32x1024xf32, #tpu.memory_space<vmem>>
    %dma_start3A_1319 = tpu.memref_squeeze %dma_start3A_1318 : memref<1x32x1024xf32, #tpu.memory_space<vmem>> -> memref<32x1024xf32, #tpu.memory_space<vmem>>
    tpu.enqueue_dma source(%dma_start3A_1319 : memref<32x1024xf32, #tpu.memory_space<vmem>>) target(%dma_start3A_1315 : memref<32x1024xf32, #tpu.memory_space<hbm>>) target_semaphore(%dma_start3A_1312 : memref<!tpu.dma_semaphore, #tpu.memory_space<semaphore_mem>>)
    %dma_wait3A_1320 = arith.constant 0 : i32
    %dma_wait3A_1321 = arith.constant 0 : i32
    %dma_wait3A_1322 = arith.constant 0 : i32
    %dma_wait3A_1323 = arith.constant 0 : i32
    %dma_wait3A_1324 = arith.constant 0 : i32
    %dma_wait3A_1325 = tpu.memref_slice %arg8[%dma_wait3A_1320, %dma_wait3A_1323, %dma_wait3A_1324] : memref<3x32x1024xf32, #tpu.memory_space<vmem>> -> memref<1x32x1024xf32, #tpu.memory_space<vmem>>
    %dma_wait3A_1326 = tpu.memref_squeeze %dma_wait3A_1325 : memref<1x32x1024xf32, #tpu.memory_space<vmem>> -> memref<32x1024xf32, #tpu.memory_space<vmem>>
    %dma_wait3A_1327 = arith.constant 0 : i32
    %dma_wait3A_1328 = tpu.memref_slice %arg5[%add3A_1300, %dma_wait3A_1321, %dma_wait3A_1327] : memref<16384x1x1024xf32, #tpu.memory_space<hbm>> -> memref<32x1x1024xf32, #tpu.memory_space<hbm>>
    %dma_wait3A_1329 = tpu.memref_squeeze %dma_wait3A_1328 : memref<32x1x1024xf32, #tpu.memory_space<hbm>> -> memref<32x1024xf32, #tpu.memory_space<hbm>>
    %dma_wait3A_1330 = tpu.memref_slice %arg11[%dma_wait3A_1322] : memref<3x!tpu.dma_semaphore, #tpu.memory_space<semaphore_mem>> -> memref<1x!tpu.dma_semaphore, #tpu.memory_space<semaphore_mem>>
    %dma_wait3A_1331 = tpu.memref_squeeze %dma_wait3A_1330 : memref<1x!tpu.dma_semaphore, #tpu.memory_space<semaphore_mem>> -> memref<!tpu.dma_semaphore, #tpu.memory_space<semaphore_mem>>
    %dma_wait3A_1332 = arith.constant 0 : i32
    %dma_wait3A_1333 = tpu.memref_slice %arg5[%add3A_1300, %dma_wait3A_1321, %dma_wait3A_1332] : memref<16384x1x1024xf32, #tpu.memory_space<hbm>> -> memref<32x1x1024xf32, #tpu.memory_space<hbm>>
    %dma_wait3A_1334 = tpu.memref_squeeze %dma_wait3A_1333 : memref<32x1x1024xf32, #tpu.memory_space<hbm>> -> memref<32x1024xf32, #tpu.memory_space<hbm>>
    %dma_wait3A_1335 = arith.constant 0 : i32
    %dma_wait3A_1336 = arith.constant 0 : i32
    %dma_wait3A_1337 = tpu.memref_slice %arg8[%dma_wait3A_1320, %dma_wait3A_1335, %dma_wait3A_1336] : memref<3x32x1024xf32, #tpu.memory_space<vmem>> -> memref<1x32x1024xf32, #tpu.memory_space<vmem>>
    %dma_wait3A_1338 = tpu.memref_squeeze %dma_wait3A_1337 : memref<1x32x1024xf32, #tpu.memory_space<vmem>> -> memref<32x1024xf32, #tpu.memory_space<vmem>>
    tpu.wait_dma2 semaphore(%dma_wait3A_1331 : memref<!tpu.dma_semaphore, #tpu.memory_space<semaphore_mem>>) src(%dma_wait3A_1338 : memref<32x1024xf32, #tpu.memory_space<vmem>>) dst(%dma_wait3A_1334 : memref<32x1024xf32, #tpu.memory_space<hbm>>)
    %dma_wait3A_1339 = arith.constant 1 : i32
    %dma_wait3A_1340 = arith.constant 0 : i32
    %dma_wait3A_1341 = arith.constant 1 : i32
    %dma_wait3A_1342 = arith.constant 0 : i32
    %dma_wait3A_1343 = arith.constant 0 : i32
    %dma_wait3A_1344 = tpu.memref_slice %arg8[%dma_wait3A_1339, %dma_wait3A_1342, %dma_wait3A_1343] : memref<3x32x1024xf32, #tpu.memory_space<vmem>> -> memref<1x32x1024xf32, #tpu.memory_space<vmem>>
    %dma_wait3A_1345 = tpu.memref_squeeze %dma_wait3A_1344 : memref<1x32x1024xf32, #tpu.memory_space<vmem>> -> memref<32x1024xf32, #tpu.memory_space<vmem>>
    %dma_wait3A_1346 = arith.constant 0 : i32
    %dma_wait3A_1347 = tpu.memref_slice %arg5[%add3A_1228, %dma_wait3A_1340, %dma_wait3A_1346] : memref<16384x1x1024xf32, #tpu.memory_space<hbm>> -> memref<32x1x1024xf32, #tpu.memory_space<hbm>>
    %dma_wait3A_1348 = tpu.memref_squeeze %dma_wait3A_1347 : memref<32x1x1024xf32, #tpu.memory_space<hbm>> -> memref<32x1024xf32, #tpu.memory_space<hbm>>
    %dma_wait3A_1349 = tpu.memref_slice %arg11[%dma_wait3A_1341] : memref<3x!tpu.dma_semaphore, #tpu.memory_space<semaphore_mem>> -> memref<1x!tpu.dma_semaphore, #tpu.memory_space<semaphore_mem>>
    %dma_wait3A_1350 = tpu.memref_squeeze %dma_wait3A_1349 : memref<1x!tpu.dma_semaphore, #tpu.memory_space<semaphore_mem>> -> memref<!tpu.dma_semaphore, #tpu.memory_space<semaphore_mem>>
    %dma_wait3A_1351 = arith.constant 0 : i32
    %dma_wait3A_1352 = tpu.memref_slice %arg5[%add3A_1228, %dma_wait3A_1340, %dma_wait3A_1351] : memref<16384x1x1024xf32, #tpu.memory_space<hbm>> -> memref<32x1x1024xf32, #tpu.memory_space<hbm>>
    %dma_wait3A_1353 = tpu.memref_squeeze %dma_wait3A_1352 : memref<32x1x1024xf32, #tpu.memory_space<hbm>> -> memref<32x1024xf32, #tpu.memory_space<hbm>>
    %dma_wait3A_1354 = arith.constant 0 : i32
    %dma_wait3A_1355 = arith.constant 0 : i32
    %dma_wait3A_1356 = tpu.memref_slice %arg8[%dma_wait3A_1339, %dma_wait3A_1354, %dma_wait3A_1355] : memref<3x32x1024xf32, #tpu.memory_space<vmem>> -> memref<1x32x1024xf32, #tpu.memory_space<vmem>>
    %dma_wait3A_1357 = tpu.memref_squeeze %dma_wait3A_1356 : memref<1x32x1024xf32, #tpu.memory_space<vmem>> -> memref<32x1024xf32, #tpu.memory_space<vmem>>
    tpu.wait_dma2 semaphore(%dma_wait3A_1350 : memref<!tpu.dma_semaphore, #tpu.memory_space<semaphore_mem>>) src(%dma_wait3A_1357 : memref<32x1024xf32, #tpu.memory_space<vmem>>) dst(%dma_wait3A_1353 : memref<32x1024xf32, #tpu.memory_space<hbm>>)
    %dma_wait3A_1358 = arith.constant 2 : i32
    %dma_wait3A_1359 = arith.constant 0 : i32
    %dma_wait3A_1360 = arith.constant 2 : i32
    %dma_wait3A_1361 = arith.constant 0 : i32
    %dma_wait3A_1362 = arith.constant 0 : i32
    %dma_wait3A_1363 = tpu.memref_slice %arg8[%dma_wait3A_1358, %dma_wait3A_1361, %dma_wait3A_1362] : memref<3x32x1024xf32, #tpu.memory_space<vmem>> -> memref<1x32x1024xf32, #tpu.memory_space<vmem>>
    %dma_wait3A_1364 = tpu.memref_squeeze %dma_wait3A_1363 : memref<1x32x1024xf32, #tpu.memory_space<vmem>> -> memref<32x1024xf32, #tpu.memory_space<vmem>>
    %dma_wait3A_1365 = arith.constant 0 : i32
    %dma_wait3A_1366 = tpu.memref_slice %arg5[%add3A_1264, %dma_wait3A_1359, %dma_wait3A_1365] : memref<16384x1x1024xf32, #tpu.memory_space<hbm>> -> memref<32x1x1024xf32, #tpu.memory_space<hbm>>
    %dma_wait3A_1367 = tpu.memref_squeeze %dma_wait3A_1366 : memref<32x1x1024xf32, #tpu.memory_space<hbm>> -> memref<32x1024xf32, #tpu.memory_space<hbm>>
    %dma_wait3A_1368 = tpu.memref_slice %arg11[%dma_wait3A_1360] : memref<3x!tpu.dma_semaphore, #tpu.memory_space<semaphore_mem>> -> memref<1x!tpu.dma_semaphore, #tpu.memory_space<semaphore_mem>>
    %dma_wait3A_1369 = tpu.memref_squeeze %dma_wait3A_1368 : memref<1x!tpu.dma_semaphore, #tpu.memory_space<semaphore_mem>> -> memref<!tpu.dma_semaphore, #tpu.memory_space<semaphore_mem>>
    %dma_wait3A_1370 = arith.constant 0 : i32
    %dma_wait3A_1371 = tpu.memref_slice %arg5[%add3A_1264, %dma_wait3A_1359, %dma_wait3A_1370] : memref<16384x1x1024xf32, #tpu.memory_space<hbm>> -> memref<32x1x1024xf32, #tpu.memory_space<hbm>>
    %dma_wait3A_1372 = tpu.memref_squeeze %dma_wait3A_1371 : memref<32x1x1024xf32, #tpu.memory_space<hbm>> -> memref<32x1024xf32, #tpu.memory_space<hbm>>
    %dma_wait3A_1373 = arith.constant 0 : i32
    %dma_wait3A_1374 = arith.constant 0 : i32
    %dma_wait3A_1375 = tpu.memref_slice %arg8[%dma_wait3A_1358, %dma_wait3A_1373, %dma_wait3A_1374] : memref<3x32x1024xf32, #tpu.memory_space<vmem>> -> memref<1x32x1024xf32, #tpu.memory_space<vmem>>
    %dma_wait3A_1376 = tpu.memref_squeeze %dma_wait3A_1375 : memref<1x32x1024xf32, #tpu.memory_space<vmem>> -> memref<32x1024xf32, #tpu.memory_space<vmem>>
    tpu.wait_dma2 semaphore(%dma_wait3A_1369 : memref<!tpu.dma_semaphore, #tpu.memory_space<semaphore_mem>>) src(%dma_wait3A_1376 : memref<32x1024xf32, #tpu.memory_space<vmem>>) dst(%dma_wait3A_1372 : memref<32x1024xf32, #tpu.memory_space<hbm>>)
    return
  }
}

</mosaic_0001>

<sc_bundles>
// kernel: _lookup.3.cloned.1.call-start
scs
__scs_entry_jumppad:
0x0: {  	(pc) =	sbr.rel $0x88, $3  }
0x1: {  	(tag) =	ssettag $0x0;
	lr =	simm.s32 $0x1  }
0x2: {  	[smem:$0x3F9E] =	sst lr;
	_ =	strace $0xD0000000  }
0x3: {  	_ = 	snop  }
0x4: {  	_ = 	snop  }
0x5: {  	_ = 	snop  }
0x6: {  	_ = 	snop  }
0x7: {  	_ = 	snop  }
__scs_overlays_trampoline_lowered:
0x8: {  	[smem:$0x3FAD] =	sst s0  }
0x9: {  	[smem:$0x3FAE] =	sst s1  }
0xa: {  	[smem:$0x3FAF] =	sst s2  }
0xb: {  	[smem:$0x3FB0] =	sst s3  }
0xc: {  	[smem:$0x3FB1] =	sst s4  }
0xd: {  	[smem:$0x3FB2] =	sst s5  }
0xe: {  	[smem:$0x3FB3] =	sst s6  }
0xf: {  	[smem:$0x3FB4] =	sst s7  }
0x10: {  	[smem:$0x3FB5] =	sst s8  }
0x11: {  	[smem:$0x3FB6] =	sst s9;
	s0 =	simm.s32 @!p0 $0x0  }
0x12: {  	s1 =	sld [smem:$0x3F9C];
	s0 =	simm.s32 @p0 $0x1  }
0x13: {  	[smem:$0x3FB7] =	sst s0;
	s0 =	simm.s32 @!p1 $0x0  }
0x14: {  	s2 =	sld [smem:$0x3F9B];
	s0 =	simm.s32 @p1 $0x1  }
0x15: {  	[smem:$0x3FB8] =	sst s0;
	s0 =	simm.s32 @!p2 $0x0  }
0x16: {  	s3 =	sld [smem:$0x3FDB];
	s0 =	simm.s32 @p2 $0x1  }
0x17: {  	s4 =	simm.s32 $0x1BF5;
	[smem:$0x3FBA] =	sst s0  }
0x18: {  	s0 =	sld [smem:$0x3F9D];
	_ =	swait.ge [sflag:s4], $0x0  }
0x19: {  	s7 =	sld [smem:$0x3F9E]  }
0x1a: {  	s8 =	sadd.s32 $0xFFFFE003, lr  }
0x1b: {  	s9 =	sadd.s32 $0xFFFFFEF7, lr;
	s5 =	simm.s32 $0xFFFFFFFF;
	p2 =	slt.u32 s8, $0xFFFFF086  }
0x1c: {  	p1 =	slt.u32 s9, $0xF7A;
	s5 =	simm.s32 @!p2 $0x0  }
0x1d: {  	s5 =	simm.s32 @p1 $0x1;
	p0 =	seq.s32 s7, s2  }
0x1e: {  	s7 =	smul.u32 @!p0 $0xF7A, s2;
	p2 =	seq.s32 @!p0 s5, $0x0  }
0x1f: {  	s9 =	smul.u32 $0xF7A, s1;
	s8 =	simm.s32 @!p0 $0x1BF5;
	p2 =	por !p2, p0  }
0x20: {  	[sflag:s8] =	ssyncset.s32 @!p0 $0xFFFFF086;
	s6 =	sadd.s32 @!p0 s3, s7;
	s7 =	simm.s32 @!p0 $0x108  }
0x21: {  	s3 =	sadd.s32 s3, s9;
	s6 =	sadd.s32 @!p0 $0x88, s6;
	s7 =	simm.s32 @p2 $0x1082  }
0x22: {  	[simem:s7], [sflag:s8] =	dma.local @!p0 [hbm:s6], $0xF7A  }
0x23: {  	s9 =	sor.u32 $0xD0000000, s2;
	s6 =	simm.s32 $0x108;
	_ =	swait.ge @!p0 [sflag:s8], $0x0  }
0x24: {  	s3 =	sadd.s32 $0x88, s3;
	s6 =	simm.s32 @!p1 $0x1082;
	[sflag:s4] =	ssyncset.s32 $0xFFFFF086  }
0x25: {  	[simem:s6], [sflag:s4] =	dma.local [hbm:s3], $0xF7A  }
0x26: {  	[smem:$0x3F9E] =	sst s1;
	(tag) =	ssettag s2;
	_ =	strace s9  }
0x27: {  	s1 =	sld [smem:$0x3FAE]  }
0x28: {  	s2 =	sld [smem:$0x3FAF]  }
0x29: {  	s4 =	sld [smem:$0x3FB1]  }
0x2a: {  	p0 =	seq.s32 s5, $0x0;
	s5 =	sld [smem:$0x3FB2]  }
0x2b: {  	s6 =	sld [smem:$0x3FB3]  }
0x2c: {  	s7 =	sld [smem:$0x3FB4]  }
0x2d: {  	s3 =	simm.s32 $0x108;
	s8 =	sld [smem:$0x3FB5]  }
0x2e: {  	s3 =	simm.s32 @!p0 $0x1082;
	s9 =	sld [smem:$0x3FB6]  }
0x2f: {  	lr =	sadd.s32 s0, s3;
	s0 =	sld [smem:$0x3FAD]  }
0x30: {  	s3 =	sld [smem:$0x3FB0]  }
0x31: {  	[smem:$0x3FB9] =	sst s10  }
0x32: {  	s10 =	sld [smem:$0x3FB7];
	_ =	sdelay $0x3  }
0x33: {  	p0 =	seq.s32 s10, $0x1;
	s10 =	sld [smem:$0x3FB9];
	_ =	sdelay $0x3  }
0x34: {  	[smem:$0x3FB9] =	sst s10  }
0x35: {  	s10 =	sld [smem:$0x3FB8];
	_ =	sdelay $0x3  }
0x36: {  	p1 =	seq.s32 s10, $0x1;
	s10 =	sld [smem:$0x3FB9];
	_ =	sdelay $0x3  }
0x37: {  	[smem:$0x3FB9] =	sst s10  }
0x38: {  	s10 =	sld [smem:$0x3FBA]  }
0x39: {  	_ = 	snop;
	(pc) =	sbr.ind lr, $3  }
0x3a: {  	_ = 	snop  }
0x3b: {  	_ = 	snop  }
0x3c: {  	p2 =	seq.s32 s10, $0x1;
	s10 =	sld [smem:$0x3FB9]  }
0x3d: {  	_ =	shalt  }
0x3e: {  	_ =	shalt  }
0x3f: {  	_ =	shalt  }
0x40: {  	_ =	shalt  }
0x41: {  	_ =	shalt  }
0x42: {  	_ =	shalt  }
0x43: {  	_ =	shalt  }
0x44: {  	_ =	shalt  }
0x45: {  	_ =	shalt  }
0x46: {  	_ =	shalt  }
0x47: {  	_ =	shalt  }
0x48: {  	_ =	shalt  }
0x49: {  	_ =	shalt  }
0x4a: {  	_ =	shalt  }
0x4b: {  	_ =	shalt  }
0x4c: {  	_ =	shalt  }
0x4d: {  	_ =	shalt  }
0x4e: {  	_ =	shalt  }
0x4f: {  	_ =	shalt  }
0x50: {  	_ =	shalt  }
0x51: {  	_ =	shalt  }
0x52: {  	_ =	shalt  }
0x53: {  	_ =	shalt  }
0x54: {  	_ =	shalt  }
0x55: {  	_ =	shalt  }
0x56: {  	_ =	shalt  }
0x57: {  	_ =	shalt  }
0x58: {  	_ =	shalt  }
0x59: {  	_ =	shalt  }
0x5a: {  	_ =	shalt  }
0x5b: {  	_ =	shalt  }
0x5c: {  	_ =	shalt  }
0x5d: {  	_ =	shalt  }
0x5e: {  	_ =	shalt  }
0x5f: {  	_ =	shalt  }
0x60: {  	_ =	shalt  }
0x61: {  	_ =	shalt  }
0x62: {  	_ =	shalt  }
0x63: {  	_ =	shalt  }
0x64: {  	_ =	shalt  }
0x65: {  	_ =	shalt  }
0x66: {  	_ =	shalt  }
0x67: {  	_ =	shalt  }
0x68: {  	_ =	shalt  }
0x69: {  	_ =	shalt  }
0x6a: {  	_ =	shalt  }
0x6b: {  	_ =	shalt  }
0x6c: {  	_ =	shalt  }
0x6d: {  	_ =	shalt  }
0x6e: {  	_ =	shalt  }
0x6f: {  	_ =	shalt  }
0x70: {  	_ =	shalt  }
0x71: {  	_ =	shalt  }
0x72: {  	_ =	shalt  }
0x73: {  	_ =	shalt  }
0x74: {  	_ =	shalt  }
0x75: {  	_ =	shalt  }
0x76: {  	_ =	shalt  }
0x77: {  	_ =	shalt  }
0x78: {  	_ =	shalt  }
0x79: {  	_ =	shalt  }
0x7a: {  	_ =	shalt  }
0x7b: {  	_ =	shalt  }
0x7c: {  	_ =	shalt  }
0x7d: {  	_ =	shalt  }
0x7e: {  	_ =	shalt  }
0x7f: {  	_ =	shalt  }
0x80: {  	_ =	shalt  }
0x81: {  	_ =	shalt  }
0x82: {  	_ =	shalt  }
0x83: {  	_ =	shalt  }
0x84: {  	_ =	shalt  }
0x85: {  	_ =	shalt  }
0x86: {  	_ =	shalt  }
0x87: {  	_ =	shalt  }
.Lfunc_end0:
.L_simem_size_0:
called_computation_lowered:
.L_overlay_start_0:
0x88: {  	s2 =	sld [smem:$0x3FD9]  }
0x89: {  	s3 =	sld [smem:$0x3FFE];
	_ =	sdelay $0x1  }
0x8a: {  	s1 =	srdreg.scid  }
0x8b: {  	s0 =	sand.u32 $0x1, s1  }
0x8c: {  	s18 =	sshll.u32 s0, $0xA;
	s2 =	sadd.s32 s3, s2  }
0x8d: {  	s2 =	sadd.s32 s2, s18  }
0x8e: {  	[smem:$0x3FC5] =	sst s2  }
0x8f: {  	_ = 	snop  }
0x90: {  	s2 =	sld [smem:$0x3FC9]  }
0x91: {  	s19 =	sld [smem:$0x3FC8]  }
0x92: {  	s4 =	sld [smem:$0x3FC7]  }
0x93: {  	s5 =	sld [smem:$0x3FD0];
	(tm) =	ssettm $0x1  }
0x94: {  	s6 =	sld [smem:$0x3FFB];
	_ =	sdelay $0x3  }
0x95: {  	_ =	strace s6  }
0x96: {  	s6 =	sld [smem:$0x3FFC];
	_ =	sdelay $0x3  }
0x97: {  	_ =	strace s6  }
0x98: {  	s6 =	sld [smem:$0x3FFD];
	_ =	sdelay $0x3  }
0x99: {  	_ =	strace s6  }
0x9a: {  	_ =	strace $0x8FFFFFFF  }
0x9b: {  	s20 =	sld [smem:$0x3FDB];
	_ =	sdelay $0x1  }
0x9c: {  	s7 =	simm.s32 $_scs_section_size  }
0x9d: {  	s8 =	simm.s32 $_size__tile_overlayer_lowered;
	s9 =	simm.s32 $_tile_overlayer_lowered  }
0x9e: {  	s23 =	simm.s32 $0x1BFF;
	s22 =	sshll.u32 s9, $0x1;
	s6 =	sadd.s32 s7, s20  }
0x9f: {  	s10 =	simm.s32 $0x0;
	s21 =	sshll.u32 s8, $0x1;
	s8 =	sadd.s32 s22, s6  }
0xa0: {  	[timem:s10], [sflag:s23] =	dma.local [hbm:s8], s21  }
0xa1: {  	_ =	swait.ge [sflag:s23], s21  }
0xa2: {  	s7 =	ssub.s32 $0x0, s21;
	[sflag:s23] =	ssyncset.done $0x0  }
0xa3: {  	[sflag:s23] =	ssyncadd.s32 s7;
	_ =	sdelay $0x1  }
0xa4: {  	s24 =	simm.s32 $0x1B8B  }
0xa5: {  	_ =	swait.ge [sflag:s24], $0x1  }
0xa6: {  	[sflag:s24] =	ssyncset.done $0x0  }
0xa7: {  	s25 =	simm.s32 $0x1B8E;
	[sflag:s24] =	ssyncadd.s32 $0xFFFFFFFF  }
0xa8: {  	s26 =	simm.s32 $execute0_lowered;
	[smem:$0x3FD2] =	sst s25  }
0xa9: {  	s7 =	sshll.u32 s26, $0x1;
	_ =	strace $0x80000046;
	[dreg:$0x1] =	wrdreg $0xFFFFFFFF  }
0xaa: {  	s28 =	simm.s32 $_size_execute0_lowered;
	s6 =	sadd.s32 s6, s7;
	[dreg:$0x0] =	wrdreg $0x0  }
0xab: {  	s7 =	sshll.u32 s28, $0x1;
	[dreg:$0x2] =	wrdreg s6  }
0xac: {  	[dreg:$0x3] =	wrdreg s7  }
0xad: {  	[dreg:$0x4] =	wrdreg $0xC0  }
0xae: {  	_ =	task [dreg:s10], $0x5FFFF  }
0xaf: {  	[dreg:$0x1] =	wrdreg $0xFFFFFFFF  }
0xb0: {  	[dreg:$0x0] =	wrdreg $0x60  }
0xb1: {  	[dreg:$0x2] =	wrdreg s2  }
0xb2: {  	[dreg:$0x3] =	wrdreg s19  }
0xb3: {  	[dreg:$0x4] =	wrdreg s4  }
0xb4: {  	[dreg:$0x5] =	wrdreg s5  }
0xb5: {  	[dreg:$0x6] =	wrdreg $0x9  }
0xb6: {  	_ =	task.clear_ibuf [dreg:s10], $0x7FFFF;
	_ =	strace $0x90000046  }
0xb7: {  	s29 =	simm.s32 $0x9;
	_ =	strace $0x80000048  }
0xb8: {  	_ =	swait.ge [sflag:s29], $0x1  }
0xb9: {  	[sflag:s29] =	ssyncadd.s32 $0xFFFFFFFF  }
0xba: {  	_ =	strace $0x90000048  }
0xbb: {  	_ =	sfence  }
0xbc: {  	s30 =	sld [smem:$0x0];
	_ =	sdelay $0x2  }
0xbd: {  	s31 =	sshll.u32 s1, $0xD;
	s1 =	sshrl.u32 s1, $0x2  }
0xbe: {  	s3 =	sand.u32 $0x4000, s31;
	s1 =	sadd.s32 s1, s30  }
0xbf: {  	s0 =	sor.u32 s3, s0;
	s1 =	sshll.u32 s1, $0x11  }
0xc0: {  	s0 =	sor.u32 s1, s0  }
0xc1: {  	s0 =	sadd.s32 $0x8F2B, s0  }
0xc2: {  	[sflag:s0] =	ssyncadd.remote.s32 $0x1  }
0xc3: {  	_ =	sfence.sel $0xFFFF  }
0xc4: {  	[dreg:$0x0] =	wrdreg $0xFFFFFFFF;
	(pc) =	sbr.abs _section_cstart, $3  }
0xc5: {  	[dreg:$0x1] =	wrdreg $0xFFFFFFFF  }
0xc6: {  	_ =	task.clear_ibuf [dreg:s10], $0x2FFFF;
	_ =	strace $0x9FFFFFFF  }
0xc7: {  	(tm) =	ssettm $0x7FFFFFFF  }
tec
execute0_lowered:
.L_overlay_start_1:
0x0: {  	(tag) =	ssettag $0x1  }
0x1: {  	s0 =	rddreg [dreg:$0x0]  }
0x2: {  	s3 =	rddreg [dreg:$0x2]  }
0x3: {  	s1 =	rddreg [dreg:$0x3]  }
0x4: {  	s2 =	srdreg.scid;
	s5 =	stileid.u32  }
0x5: {  	s4 =	simm.s32 $0x0;
	s30 =	simm.s32 $0x80;
	s31 =	simm.s32 $0x400  }
0x6: {  	s25 =	simm.s32 $0x0;
	s2 =	sand.u32 $0x1, s2;
	s5 =	sshll.u32 s5, $0xA  }
0x7: {  	[smem:$0x7FF] =	sst s4;
	s9 =	sadd.s32 $0x300, s3;
	s6 =	sshll.u32 s2, $0x9  }
0x8: {  	s2 =	ssub.s32 $0x2, s2;
	_ =	strace $0x80000047;
	s5 =	sor.u32 s6, s5  }
0x9: {  	s26 =	sshrl.u32 s2, $0x1;
	s6 =	sadd.s32 $0x100, s3;
	s7 =	sshrl.u32 s5, $0x3  }
0xa: {  	s2 =	ssub.s32 s2, s26;
	s28 =	sshll.u32 s5, $0x7;
	s5 =	simm.s32 $0x5  }
0xb: {  	s0 =	sadd.s32 s0, s7;
	s7 =	sadd.s32 $0x200, s3;
	s8 =	sadd.s32 s1, s28  }
0xc: {  	s29 =	smax.u32 s2, $0x1;
	s2 =	simm.s32 $0x1;
	[dreg:$0x5] =	wrdreg s0  }
0xd: {  	s0 =	sadd.s32 $0x1000, s8;
	s11 =	sadd.s32 $0x2000, s8;
	s12 =	sadd.s32 $0x3000, s8  }
0xe: {  	s13 =	sadd.s32 $0x4000, s8;
	s14 =	sadd.s32 $0x5000, s8;
	s15 =	sadd.s32 $0x6000, s8  }
0xf: {  	s16 =	sadd.s32 $0x7000, s8;
	s17 =	sadd.s32 $0x8000, s8;
	s18 =	sadd.s32 $0x9000, s8  }
0x10: {  	v2 =	vlaneseq.u32;
	s19 =	sadd.s32 $0xA000, s8;
	s20 =	sadd.s32 $0xB000, s8;
	s21 =	sadd.s32 $0xC000, s8  }
0x11: {  	vm0 =	vmmov $0xffff;
	v1 =	vshrl.u32 v2, $0x3;
	s22 =	sadd.s32 $0xD000, s8;
	s23 =	sadd.s32 $0xE000, s8;
	[dreg:$0x7] =	wrdreg s29  }
0x12: {  	v0 =	vand.u32 $0x7, v2;
	v2 =	vor.u32 $0x8, v2;
	v1 =	vmul.u32 $0x8, v1;
	s24 =	sadd.s32 $0xF000, s8;
	[dreg:$0x6] =	wrdreg s0;
	s0 =	simm.s32 $0x2  }
.LBB2_1:
0x13: {  	[dreg:$0x8] =	wrdreg s25  }
0x14: {  	s1 =	rddreg [dreg:$0x5];
	s25 =	simm.s32 $0x8  }
0x15: {  	[tilespmem:s4], [sflag:$0x8] =	stream.linear.gather [hbm4b:s1+s4], $0x200, $0x38;
	[tilespmem:$0x18A00] =	vst v63  }
0x16: {  	_ =	swait.ge [sflag:s25], $0x200  }
0x17: {  	[sflag:s25] =	ssyncset.done $0x0  }
0x18: {  	[sflag:s25] =	ssyncadd.s32 $0xFFFFFE00  }
0x19: {  	s10 =	simm.s32 $0x20;
	s26 =	simm.s32 $0x200;
	s1 =	rddreg [dreg:$0x1]  }
0x1a: {  	[tilespmem:s26], [sflag:$0x1] =	stream.indirect.gather [hbm4b:s1+s10], $0x1, s4, s10, $0xb8;
	[tilespmem:$0x18A00] =	vst v63  }
0x1b: {  	s26 =	simm.s32 $0x280  }
0x1c: {  	[tilespmem:s26], [sflag:$0x1] =	stream.indirect.gather [hbm4b:s1+s10], $0x1, s10, s10, $0xb8;
	[tilespmem:$0x18A00] =	vst v63  }
0x1d: {  	s25 =	simm.s32 $0x40;
	s26 =	simm.s32 $0x300  }
0x1e: {  	[tilespmem:s26], [sflag:$0x1] =	stream.indirect.gather [hbm4b:s1+s10], $0x1, s25, s10, $0xb8;
	[tilespmem:$0x18A00] =	vst v63  }
0x1f: {  	s25 =	simm.s32 $0x60;
	s26 =	simm.s32 $0x380  }
0x20: {  	[tilespmem:s26], [sflag:$0x1] =	stream.indirect.gather [hbm4b:s1+s10], $0x1, s25, s10, $0xb8;
	[tilespmem:$0x18A00] =	vst v63  }
0x21: {  	_ = 	snop  }
0x22: {  	[tilespmem:s31], [sflag:$0x1] =	stream.indirect.gather [hbm4b:s1+s10], $0x1, s30, s10, $0xb8;
	[tilespmem:$0x18A00] =	vst v63  }
0x23: {  	s25 =	simm.s32 $0xA0;
	s26 =	simm.s32 $0x480  }
0x24: {  	[tilespmem:s26], [sflag:$0x1] =	stream.indirect.gather [hbm4b:s1+s10], $0x1, s25, s10, $0xb8;
	[tilespmem:$0x18A00] =	vst v63  }
0x25: {  	s25 =	simm.s32 $0xC0;
	s26 =	simm.s32 $0x500  }
0x26: {  	[tilespmem:s26], [sflag:$0x1] =	stream.indirect.gather [hbm4b:s1+s10], $0x1, s25, s10, $0xb8;
	[tilespmem:$0x18A00] =	vst v63  }
0x27: {  	s25 =	simm.s32 $0xE0;
	s26 =	simm.s32 $0x580  }
0x28: {  	[tilespmem:s26], [sflag:$0x1] =	stream.indirect.gather [hbm4b:s1+s10], $0x1, s25, s10, $0xb8;
	[tilespmem:$0x18A00] =	vst v63  }
0x29: {  	s25 =	simm.s32 $0x100;
	s26 =	simm.s32 $0x600  }
0x2a: {  	[tilespmem:s26], [sflag:$0x1] =	stream.indirect.gather [hbm4b:s1+s10], $0x1, s25, s10, $0xb8;
	[tilespmem:$0x18A00] =	vst v63  }
0x2b: {  	s25 =	simm.s32 $0x120;
	s26 =	simm.s32 $0x680  }
0x2c: {  	[tilespmem:s26], [sflag:$0x1] =	stream.indirect.gather [hbm4b:s1+s10], $0x1, s25, s10, $0xb8;
	[tilespmem:$0x18A00] =	vst v63  }
0x2d: {  	s25 =	simm.s32 $0x140;
	s26 =	simm.s32 $0x700  }
0x2e: {  	[tilespmem:s26], [sflag:$0x1] =	stream.indirect.gather [hbm4b:s1+s10], $0x1, s25, s10, $0xb8;
	[tilespmem:$0x18A00] =	vst v63  }
0x2f: {  	s25 =	simm.s32 $0x160;
	s26 =	simm.s32 $0x780  }
0x30: {  	[tilespmem:s26], [sflag:$0x1] =	stream.indirect.gather [hbm4b:s1+s10], $0x1, s25, s10, $0xb8;
	[tilespmem:$0x18A00] =	vst v63  }
0x31: {  	s25 =	simm.s32 $0x180;
	s26 =	simm.s32 $0x800  }
0x32: {  	[tilespmem:s26], [sflag:$0x1] =	stream.indirect.gather [hbm4b:s1+s10], $0x1, s25, s10, $0xb8;
	[tilespmem:$0x18A00] =	vst v63  }
0x33: {  	s25 =	simm.s32 $0x1A0;
	s26 =	simm.s32 $0x880  }
0x34: {  	[tilespmem:s26], [sflag:$0x1] =	stream.indirect.gather [hbm4b:s1+s10], $0x1, s25, s10, $0xb8;
	[tilespmem:$0x18A00] =	vst v63  }
0x35: {  	s25 =	simm.s32 $0x1C0;
	s26 =	simm.s32 $0x900  }
0x36: {  	[tilespmem:s26], [sflag:$0x1] =	stream.indirect.gather [hbm4b:s1+s10], $0x1, s25, s10, $0xb8;
	[tilespmem:$0x18A00] =	vst v63  }
0x37: {  	s25 =	simm.s32 $0x1E0;
	s26 =	simm.s32 $0x980  }
0x38: {  	[tilespmem:s26], [sflag:$0x1] =	stream.indirect.gather [hbm4b:s1+s10], $0x1, s25, s10, $0xb8;
	[tilespmem:$0x18A00] =	vst v63  }
0x39: {  	_ =	swait.ge [sflag:s2], $0x20  }
0x3a: {  	[sflag:s2] =	ssyncset.done $0x0  }
0x3b: {  	[sflag:s2] =	ssyncadd.s32 $0xFFFFFFE0  }
0x3c: {  	_ =	swait.ge [sflag:s2], $0x20  }
0x3d: {  	[sflag:s2] =	ssyncset.done $0x0  }
0x3e: {  	[sflag:s2] =	ssyncadd.s32 $0xFFFFFFE0  }
0x3f: {  	_ =	swait.ge [sflag:s2], $0x20  }
0x40: {  	[sflag:s2] =	ssyncset.done $0x0  }
0x41: {  	[sflag:s2] =	ssyncadd.s32 $0xFFFFFFE0  }
0x42: {  	_ =	swait.ge [sflag:s2], $0x20  }
0x43: {  	[sflag:s2] =	ssyncset.done $0x0  }
0x44: {  	[sflag:s2] =	ssyncadd.s32 $0xFFFFFFE0  }
0x45: {  	_ =	swait.ge [sflag:s2], $0x20  }
0x46: {  	[sflag:s2] =	ssyncset.done $0x0  }
0x47: {  	[sflag:s2] =	ssyncadd.s32 $0xFFFFFFE0  }
0x48: {  	_ =	swait.ge [sflag:s2], $0x20  }
0x49: {  	[sflag:s2] =	ssyncset.done $0x0  }
0x4a: {  	[sflag:s2] =	ssyncadd.s32 $0xFFFFFFE0  }
0x4b: {  	_ =	swait.ge [sflag:s2], $0x20  }
0x4c: {  	[sflag:s2] =	ssyncset.done $0x0  }
0x4d: {  	[sflag:s2] =	ssyncadd.s32 $0xFFFFFFE0  }
0x4e: {  	_ =	swait.ge [sflag:s2], $0x20  }
0x4f: {  	[sflag:s2] =	ssyncset.done $0x0  }
0x50: {  	[sflag:s2] =	ssyncadd.s32 $0xFFFFFFE0  }
0x51: {  	_ =	swait.ge [sflag:s2], $0x20  }
0x52: {  	[sflag:s2] =	ssyncset.done $0x0  }
0x53: {  	[sflag:s2] =	ssyncadd.s32 $0xFFFFFFE0  }
0x54: {  	_ =	swait.ge [sflag:s2], $0x20  }
0x55: {  	[sflag:s2] =	ssyncset.done $0x0  }
0x56: {  	[sflag:s2] =	ssyncadd.s32 $0xFFFFFFE0  }
0x57: {  	_ =	swait.ge [sflag:s2], $0x20  }
0x58: {  	[sflag:s2] =	ssyncset.done $0x0  }
0x59: {  	[sflag:s2] =	ssyncadd.s32 $0xFFFFFFE0  }
0x5a: {  	_ =	swait.ge [sflag:s2], $0x20  }
0x5b: {  	[sflag:s2] =	ssyncset.done $0x0  }
0x5c: {  	[sflag:s2] =	ssyncadd.s32 $0xFFFFFFE0  }
0x5d: {  	_ =	swait.ge [sflag:s2], $0x20  }
0x5e: {  	[sflag:s2] =	ssyncset.done $0x0  }
0x5f: {  	[sflag:s2] =	ssyncadd.s32 $0xFFFFFFE0  }
0x60: {  	_ =	swait.ge [sflag:s2], $0x20  }
0x61: {  	[sflag:s2] =	ssyncset.done $0x0  }
0x62: {  	[sflag:s2] =	ssyncadd.s32 $0xFFFFFFE0  }
0x63: {  	_ =	swait.ge [sflag:s2], $0x20  }
0x64: {  	[sflag:s2] =	ssyncset.done $0x0  }
0x65: {  	[sflag:s2] =	ssyncadd.s32 $0xFFFFFFE0  }
0x66: {  	_ =	swait.ge [sflag:s2], $0x20  }
0x67: {  	[sflag:s2] =	ssyncset.done $0x0  }
0x68: {  	[sflag:s2] =	ssyncadd.s32 $0xFFFFFFE0  }
0x69: {  	v3 =	vld [tilespmem:$0x200];
	_ =	sdelay $0x4  }
0x6a: {  	v4 =	vshll.u32 v3, $0x3  }
0x6b: {  	v3 =	vand.u32 $0x7, v3;
	v4 =	vand.u32 $0xFFFFFFC0, v4  }
0x6c: {  	v3 =	vor.u32 v3, v4  }
0x6d: {  	v4 =	vperm.xlane v3, v0;
	_ =	sdelay $0x1  }
0x6e: {  	v4 =	vadd.s32 v1, v4;
	_ =	sdelay $0x3  }
0x6f: {  	s25 =	simm.s32 $0xA00  }
0x70: {  	[tilespmem:s25], [sflag:$0x2] =	stream.indirect_vreg.gather [hbm4b:s3+s4], $0x80, v4, vm0, $0xb8;
	[tilespmem:$0x18A00] =	vst v63  }
0x71: {  	s26 =	simm.s32 $0x1200;
	v3 =	vperm.xlane v3, v2  }
0x72: {  	[tilespmem:s26], [sflag:$0x2] =	stream.indirect_vreg.gather [hbm4b:s6+s4], $0x80, v4, vm0, $0xb8;
	[tilespmem:$0x18A00] =	vst v63  }
0x73: {  	s10 =	simm.s32 $0x1A00;
	v3 =	vadd.s32 v1, v3  }
0x74: {  	[tilespmem:s10], [sflag:$0x2] =	stream.indirect_vreg.gather [hbm4b:s7+s4], $0x80, v4, vm0, $0xb8;
	[tilespmem:$0x18A00] =	vst v63  }
0x75: {  	s25 =	simm.s32 $0x2200  }
0x76: {  	[tilespmem:s25], [sflag:$0x2] =	stream.indirect_vreg.gather [hbm4b:s9+s4], $0x80, v4, vm0, $0xb8;
	[tilespmem:$0x18A00] =	vst v63  }
0x77: {  	s26 =	simm.s32 $0x2A00  }
0x78: {  	[tilespmem:s26], [sflag:$0x2] =	stream.indirect_vreg.gather [hbm4b:s3+s4], $0x80, v3, vm0, $0xb8;
	[tilespmem:$0x18A00] =	vst v63  }
0x79: {  	s10 =	simm.s32 $0x3200  }
0x7a: {  	[tilespmem:s10], [sflag:$0x2] =	stream.indirect_vreg.gather [hbm4b:s6+s4], $0x80, v3, vm0, $0xb8;
	[tilespmem:$0x18A00] =	vst v63  }
0x7b: {  	s25 =	simm.s32 $0x3A00  }
0x7c: {  	[tilespmem:s25], [sflag:$0x2] =	stream.indirect_vreg.gather [hbm4b:s7+s4], $0x80, v3, vm0, $0xb8;
	[tilespmem:$0x18A00] =	vst v63  }
0x7d: {  	s26 =	simm.s32 $0x4200  }
0x7e: {  	[tilespmem:s26], [sflag:$0x2] =	stream.indirect_vreg.gather [hbm4b:s9+s4], $0x80, v3, vm0, $0xb8;
	[tilespmem:$0x18A00] =	vst v63  }
0x7f: {  	v3 =	vld [tilespmem:$0x210];
	_ =	sdelay $0x4  }
0x80: {  	v59 =	vshll.u32 v3, $0x3  }
0x81: {  	v3 =	vand.u32 $0x7, v3;
	v4 =	vand.u32 $0xFFFFFFC0, v59  }
0x82: {  	v3 =	vor.u32 v3, v4  }
0x83: {  	v4 =	vperm.xlane v3, v0;
	_ =	sdelay $0x1  }
0x84: {  	v4 =	vadd.s32 v1, v4;
	_ =	sdelay $0x3  }
0x85: {  	s10 =	simm.s32 $0x4A00  }
0x86: {  	[tilespmem:s10], [sflag:$0x2] =	stream.indirect_vreg.gather [hbm4b:s3+s4], $0x80, v4, vm0, $0xb8;
	[tilespmem:$0x18A00] =	vst v63  }
0x87: {  	s25 =	simm.s32 $0x5200;
	v3 =	vperm.xlane v3, v2  }
0x88: {  	[tilespmem:s25], [sflag:$0x2] =	stream.indirect_vreg.gather [hbm4b:s6+s4], $0x80, v4, vm0, $0xb8;
	[tilespmem:$0x18A00] =	vst v63  }
0x89: {  	s26 =	simm.s32 $0x5A00;
	v3 =	vadd.s32 v1, v3  }
0x8a: {  	[tilespmem:s26], [sflag:$0x2] =	stream.indirect_vreg.gather [hbm4b:s7+s4], $0x80, v4, vm0, $0xb8;
	[tilespmem:$0x18A00] =	vst v63  }
0x8b: {  	s10 =	simm.s32 $0x6200  }
0x8c: {  	[tilespmem:s10], [sflag:$0x2] =	stream.indirect_vreg.gather [hbm4b:s9+s4], $0x80, v4, vm0, $0xb8;
	[tilespmem:$0x18A00] =	vst v63  }
0x8d: {  	s25 =	simm.s32 $0x6A00  }
0x8e: {  	[tilespmem:s25], [sflag:$0x2] =	stream.indirect_vreg.gather [hbm4b:s3+s4], $0x80, v3, vm0, $0xb8;
	[tilespmem:$0x18A00] =	vst v63  }
0x8f: {  	s26 =	simm.s32 $0x7200  }
0x90: {  	[tilespmem:s26], [sflag:$0x2] =	stream.indirect_vreg.gather [hbm4b:s6+s4], $0x80, v3, vm0, $0xb8;
	[tilespmem:$0x18A00] =	vst v63  }
0x91: {  	s10 =	simm.s32 $0x7A00  }
0x92: {  	[tilespmem:s10], [sflag:$0x2] =	stream.indirect_vreg.gather [hbm4b:s7+s4], $0x80, v3, vm0, $0xb8;
	[tilespmem:$0x18A00] =	vst v63  }
0x93: {  	s25 =	simm.s32 $0x8200  }
0x94: {  	[tilespmem:s25], [sflag:$0x2] =	stream.indirect_vreg.gather [hbm4b:s9+s4], $0x80, v3, vm0, $0xb8;
	[tilespmem:$0x18A00] =	vst v63  }
0x95: {  	v3 =	vld [tilespmem:$0x280];
	_ =	sdelay $0x4  }
0x96: {  	v60 =	vshll.u32 v3, $0x3  }
0x97: {  	v3 =	vand.u32 $0x7, v3;
	v4 =	vand.u32 $0xFFFFFFC0, v60  }
0x98: {  	v3 =	vor.u32 v3, v4  }
0x99: {  	v4 =	vperm.xlane v3, v0;
	_ =	sdelay $0x1  }
0x9a: {  	v4 =	vadd.s32 v1, v4;
	_ =	sdelay $0x3  }
0x9b: {  	s26 =	simm.s32 $0x8A00  }
0x9c: {  	[tilespmem:s26], [sflag:$0x3] =	stream.indirect_vreg.gather [hbm4b:s3+s4], $0x80, v4, vm0, $0xb8;
	[tilespmem:$0x18A00] =	vst v63  }
0x9d: {  	s10 =	simm.s32 $0x9200;
	v3 =	vperm.xlane v3, v2  }
0x9e: {  	[tilespmem:s10], [sflag:$0x3] =	stream.indirect_vreg.gather [hbm4b:s6+s4], $0x80, v4, vm0, $0xb8;
	[tilespmem:$0x18A00] =	vst v63  }
0x9f: {  	s25 =	simm.s32 $0x9A00;
	v3 =	vadd.s32 v1, v3  }
0xa0: {  	[tilespmem:s25], [sflag:$0x3] =	stream.indirect_vreg.gather [hbm4b:s7+s4], $0x80, v4, vm0, $0xb8;
	[tilespmem:$0x18A00] =	vst v63  }
0xa1: {  	s26 =	simm.s32 $0xA200  }
0xa2: {  	[tilespmem:s26], [sflag:$0x3] =	stream.indirect_vreg.gather [hbm4b:s9+s4], $0x80, v4, vm0, $0xb8;
	[tilespmem:$0x18A00] =	vst v63  }
0xa3: {  	s10 =	simm.s32 $0xAA00  }
0xa4: {  	[tilespmem:s10], [sflag:$0x3] =	stream.indirect_vreg.gather [hbm4b:s3+s4], $0x80, v3, vm0, $0xb8;
	[tilespmem:$0x18A00] =	vst v63  }
0xa5: {  	s25 =	simm.s32 $0xB200  }
0xa6: {  	[tilespmem:s25], [sflag:$0x3] =	stream.indirect_vreg.gather [hbm4b:s6+s4], $0x80, v3, vm0, $0xb8;
	[tilespmem:$0x18A00] =	vst v63  }
0xa7: {  	s26 =	simm.s32 $0xBA00  }
0xa8: {  	[tilespmem:s26], [sflag:$0x3] =	stream.indirect_vreg.gather [hbm4b:s7+s4], $0x80, v3, vm0, $0xb8;
	[tilespmem:$0x18A00] =	vst v63  }
0xa9: {  	s10 =	simm.s32 $0xC200  }
0xaa: {  	[tilespmem:s10], [sflag:$0x3] =	stream.indirect_vreg.gather [hbm4b:s9+s4], $0x80, v3, vm0, $0xb8;
	[tilespmem:$0x18A00] =	vst v63  }
0xab: {  	v3 =	vld [tilespmem:$0x290];
	_ =	sdelay $0x4  }
0xac: {  	v61 =	vshll.u32 v3, $0x3  }
0xad: {  	v3 =	vand.u32 $0x7, v3;
	v4 =	vand.u32 $0xFFFFFFC0, v61  }
0xae: {  	v3 =	vor.u32 v3, v4  }
0xaf: {  	v4 =	vperm.xlane v3, v0;
	_ =	sdelay $0x1  }
0xb0: {  	v4 =	vadd.s32 v1, v4;
	_ =	sdelay $0x3  }
0xb1: {  	s25 =	simm.s32 $0xCA00  }
0xb2: {  	[tilespmem:s25], [sflag:$0x3] =	stream.indirect_vreg.gather [hbm4b:s3+s4], $0x80, v4, vm0, $0xb8;
	[tilespmem:$0x18A00] =	vst v63  }
0xb3: {  	s26 =	simm.s32 $0xD200;
	v3 =	vperm.xlane v3, v2  }
0xb4: {  	[tilespmem:s26], [sflag:$0x3] =	stream.indirect_vreg.gather [hbm4b:s6+s4], $0x80, v4, vm0, $0xb8;
	[tilespmem:$0x18A00] =	vst v63  }
0xb5: {  	s10 =	simm.s32 $0xDA00;
	v3 =	vadd.s32 v1, v3  }
0xb6: {  	[tilespmem:s10], [sflag:$0x3] =	stream.indirect_vreg.gather [hbm4b:s7+s4], $0x80, v4, vm0, $0xb8;
	[tilespmem:$0x18A00] =	vst v63  }
0xb7: {  	s25 =	simm.s32 $0xE200  }
0xb8: {  	[tilespmem:s25], [sflag:$0x3] =	stream.indirect_vreg.gather [hbm4b:s9+s4], $0x80, v4, vm0, $0xb8;
	[tilespmem:$0x18A00] =	vst v63  }
0xb9: {  	s26 =	simm.s32 $0xEA00  }
0xba: {  	[tilespmem:s26], [sflag:$0x3] =	stream.indirect_vreg.gather [hbm4b:s3+s4], $0x80, v3, vm0, $0xb8;
	[tilespmem:$0x18A00] =	vst v63  }
0xbb: {  	s10 =	simm.s32 $0xF200  }
0xbc: {  	[tilespmem:s10], [sflag:$0x3] =	stream.indirect_vreg.gather [hbm4b:s6+s4], $0x80, v3, vm0, $0xb8;
	[tilespmem:$0x18A00] =	vst v63  }
0xbd: {  	s25 =	simm.s32 $0xFA00  }
0xbe: {  	[tilespmem:s25], [sflag:$0x3] =	stream.indirect_vreg.gather [hbm4b:s7+s4], $0x80, v3, vm0, $0xb8;
	[tilespmem:$0x18A00] =	vst v63  }
0xbf: {  	s26 =	simm.s32 $0x10200  }
0xc0: {  	[tilespmem:s26], [sflag:$0x3] =	stream.indirect_vreg.gather [hbm4b:s9+s4], $0x80, v3, vm0, $0xb8;
	[tilespmem:$0x18A00] =	vst v63  }
0xc1: {  	v3 =	vld [tilespmem:$0x300];
	_ =	sdelay $0x4  }
0xc2: {  	v62 =	vshll.u32 v3, $0x3  }
0xc3: {  	v3 =	vand.u32 $0x7, v3;
	v4 =	vand.u32 $0xFFFFFFC0, v62  }
0xc4: {  	v3 =	vor.u32 v3, v4  }
0xc5: {  	v4 =	vperm.xlane v3, v0;
	_ =	sdelay $0x1  }
0xc6: {  	v4 =	vadd.s32 v1, v4;
	_ =	sdelay $0x3  }
0xc7: {  	s10 =	simm.s32 $0x10A00  }
0xc8: {  	[tilespmem:s10], [sflag:$0x4] =	stream.indirect_vreg.gather [hbm4b:s3+s4], $0x80, v4, vm0, $0xb8;
	[tilespmem:$0x18A00] =	vst v63  }
0xc9: {  	s25 =	simm.s32 $0x11200;
	v3 =	vperm.xlane v3, v2  }
0xca: {  	[tilespmem:s25], [sflag:$0x4] =	stream.indirect_vreg.gather [hbm4b:s6+s4], $0x80, v4, vm0, $0xb8;
	[tilespmem:$0x18A00] =	vst v63  }
0xcb: {  	s26 =	simm.s32 $0x11A00;
	v3 =	vadd.s32 v1, v3  }
0xcc: {  	[tilespmem:s26], [sflag:$0x4] =	stream.indirect_vreg.gather [hbm4b:s7+s4], $0x80, v4, vm0, $0xb8;
	[tilespmem:$0x18A00] =	vst v63  }
0xcd: {  	s10 =	simm.s32 $0x12200  }
0xce: {  	[tilespmem:s10], [sflag:$0x4] =	stream.indirect_vreg.gather [hbm4b:s9+s4], $0x80, v4, vm0, $0xb8;
	[tilespmem:$0x18A00] =	vst v63  }
0xcf: {  	s25 =	simm.s32 $0x12A00  }
0xd0: {  	[tilespmem:s25], [sflag:$0x4] =	stream.indirect_vreg.gather [hbm4b:s3+s4], $0x80, v3, vm0, $0xb8;
	[tilespmem:$0x18A00] =	vst v63  }
0xd1: {  	s26 =	simm.s32 $0x13200  }
0xd2: {  	[tilespmem:s26], [sflag:$0x4] =	stream.indirect_vreg.gather [hbm4b:s6+s4], $0x80, v3, vm0, $0xb8;
	[tilespmem:$0x18A00] =	vst v63  }
0xd3: {  	s10 =	simm.s32 $0x13A00  }
0xd4: {  	[tilespmem:s10], [sflag:$0x4] =	stream.indirect_vreg.gather [hbm4b:s7+s4], $0x80, v3, vm0, $0xb8;
	[tilespmem:$0x18A00] =	vst v63  }
0xd5: {  	s25 =	simm.s32 $0x14200  }
0xd6: {  	[tilespmem:s25], [sflag:$0x4] =	stream.indirect_vreg.gather [hbm4b:s9+s4], $0x80, v3, vm0, $0xb8;
	[tilespmem:$0x18A00] =	vst v63  }
0xd7: {  	v3 =	vld [tilespmem:$0x310];
	_ =	sdelay $0x4  }
0xd8: {  	v63 =	vshll.u32 v3, $0x3  }
0xd9: {  	v3 =	vand.u32 $0x7, v3;
	v4 =	vand.u32 $0xFFFFFFC0, v63  }
0xda: {  	v3 =	vor.u32 v3, v4  }
0xdb: {  	v4 =	vperm.xlane v3, v0;
	_ =	sdelay $0x1  }
0xdc: {  	v4 =	vadd.s32 v1, v4;
	_ =	sdelay $0x3  }
0xdd: {  	s26 =	simm.s32 $0x14A00  }
0xde: {  	[tilespmem:s26], [sflag:$0x4] =	stream.indirect_vreg.gather [hbm4b:s3+s4], $0x80, v4, vm0, $0xb8;
	[tilespmem:$0x18A00] =	vst v63  }
0xdf: {  	s10 =	simm.s32 $0x15200;
	v3 =	vperm.xlane v3, v2  }
0xe0: {  	[tilespmem:s10], [sflag:$0x4] =	stream.indirect_vreg.gather [hbm4b:s6+s4], $0x80, v4, vm0, $0xb8;
	[tilespmem:$0x18A00] =	vst v63  }
0xe1: {  	s25 =	simm.s32 $0x15A00;
	v3 =	vadd.s32 v1, v3  }
0xe2: {  	[tilespmem:s25], [sflag:$0x4] =	stream.indirect_vreg.gather [hbm4b:s7+s4], $0x80, v4, vm0, $0xb8;
	[tilespmem:$0x18A00] =	vst v63  }
0xe3: {  	s26 =	simm.s32 $0x16200  }
0xe4: {  	[tilespmem:s26], [sflag:$0x4] =	stream.indirect_vreg.gather [hbm4b:s9+s4], $0x80, v4, vm0, $0xb8;
	[tilespmem:$0x18A00] =	vst v63  }
0xe5: {  	s10 =	simm.s32 $0x16A00  }
0xe6: {  	[tilespmem:s10], [sflag:$0x4] =	stream.indirect_vreg.gather [hbm4b:s3+s4], $0x80, v3, vm0, $0xb8;
	[tilespmem:$0x18A00] =	vst v63  }
0xe7: {  	s25 =	simm.s32 $0x17200  }
0xe8: {  	[tilespmem:s25], [sflag:$0x4] =	stream.indirect_vreg.gather [hbm4b:s6+s4], $0x80, v3, vm0, $0xb8;
	[tilespmem:$0x18A00] =	vst v63  }
0xe9: {  	s26 =	simm.s32 $0x17A00  }
0xea: {  	[tilespmem:s26], [sflag:$0x4] =	stream.indirect_vreg.gather [hbm4b:s7+s4], $0x80, v3, vm0, $0xb8;
	[tilespmem:$0x18A00] =	vst v63  }
0xeb: {  	s10 =	simm.s32 $0x18200  }
0xec: {  	[tilespmem:s10], [sflag:$0x4] =	stream.indirect_vreg.gather [hbm4b:s9+s4], $0x80, v3, vm0, $0xb8;
	[tilespmem:$0x18A00] =	vst v63  }
0xed: {  	_ =	swait.ge [sflag:s0], $0x8000  }
0xee: {  	[sflag:s0] =	ssyncset.done $0x0  }
0xef: {  	s25 =	simm.s32 $0xA00;
	[sflag:s0] =	ssyncadd.s32 $0xFFFF8000  }
0xf0: {  	[hbm4b:s8+s30] =	stream.strided.scatter [tilespmem:s25], [sflag:$0x5], $0x400, s31, s30, $0x38;
	[tilespmem:$0x18A00] =	vst v63  }
0xf1: {  	s26 =	simm.s32 $0xE00;
	s10 =	sadd.s32 $0x10, s8  }
0xf2: {  	[hbm4b:s10+s30] =	stream.strided.scatter [tilespmem:s26], [sflag:$0x5], $0x400, s31, s30, $0x38;
	[tilespmem:$0x18A00] =	vst v63  }
0xf3: {  	s26 =	simm.s32 $0x1200;
	s10 =	sadd.s32 $0x20, s8  }
0xf4: {  	[hbm4b:s10+s30] =	stream.strided.scatter [tilespmem:s26], [sflag:$0x5], $0x400, s31, s30, $0x38;
	[tilespmem:$0x18A00] =	vst v63  }
0xf5: {  	s26 =	simm.s32 $0x1600;
	s10 =	sadd.s32 $0x30, s8  }
0xf6: {  	[hbm4b:s10+s30] =	stream.strided.scatter [tilespmem:s26], [sflag:$0x5], $0x400, s31, s30, $0x38;
	[tilespmem:$0x18A00] =	vst v63  }
0xf7: {  	s26 =	simm.s32 $0x1A00;
	s10 =	sadd.s32 $0x40, s8  }
0xf8: {  	[hbm4b:s10+s30] =	stream.strided.scatter [tilespmem:s26], [sflag:$0x5], $0x400, s31, s30, $0x38;
	[tilespmem:$0x18A00] =	vst v63  }
0xf9: {  	s28 =	sadd.s32 $0x70, s8;
	s26 =	simm.s32 $0x1E00;
	s10 =	sadd.s32 $0x50, s8  }
0xfa: {  	[hbm4b:s10+s30] =	stream.strided.scatter [tilespmem:s26], [sflag:$0x5], $0x400, s31, s30, $0x38;
	[tilespmem:$0x18A00] =	vst v63  }
0xfb: {  	s29 =	sadd.s32 $0x400, s8;
	s25 =	simm.s32 $0x2200;
	s26 =	sadd.s32 $0x60, s8  }
0xfc: {  	[hbm4b:s26+s30] =	stream.strided.scatter [tilespmem:s25], [sflag:$0x5], $0x400, s31, s30, $0x38;
	[tilespmem:$0x18A00] =	vst v63  }
0xfd: {  	s1 =	simm.s32 $0x2600;
	s26 =	simm.s32 $0x2000;
	s25 =	simm.s32 $0x10000  }
.LBB2_2:
0xfe: {  	[hbm4b:s28+s30] =	stream.strided.scatter [tilespmem:s1], [sflag:$0x5], $0x400, s31, s30, $0x38;
	[tilespmem:$0x18A00] =	vst v63  }
0xff: {  	s1 =	smov.u32 s26;
	s26 =	smov.u32 s25  }
0x100: {  	s10 =	sadd.s32 $0x8000, s25;
	s26 =	sshra.s32 s26, $0x2;
	s28 =	sadd.s32 $0xA00, s1  }
0x101: {  	[hbm4b:s29+s30] =	stream.strided.scatter [tilespmem:s28], [sflag:$0x5], $0x400, s31, s30, $0x38;
	[tilespmem:$0x18A00] =	vst v63  }
0x102: {  	p0 =	sne.s32 s25, $0x18000;
	s25 =	sadd.s32 $0xE00, s1;
	s28 =	sadd.s32 $0x10, s29  }
0x103: {  	[hbm4b:s28+s30] =	stream.strided.scatter [tilespmem:s25], [sflag:$0x5], $0x400, s31, s30, $0x38;
	[tilespmem:$0x18A00] =	vst v63  }
0x104: {  	s25 =	sadd.s32 $0x1200, s1;
	s28 =	sadd.s32 $0x20, s29  }
0x105: {  	[hbm4b:s28+s30] =	stream.strided.scatter [tilespmem:s25], [sflag:$0x5], $0x400, s31, s30, $0x38;
	[tilespmem:$0x18A00] =	vst v63  }
0x106: {  	s25 =	sadd.s32 $0x1600, s1;
	s28 =	sadd.s32 $0x30, s29  }
0x107: {  	[hbm4b:s28+s30] =	stream.strided.scatter [tilespmem:s25], [sflag:$0x5], $0x400, s31, s30, $0x38;
	[tilespmem:$0x18A00] =	vst v63  }
0x108: {  	s25 =	sadd.s32 $0x1A00, s1;
	s28 =	sadd.s32 $0x40, s29  }
0x109: {  	[hbm4b:s28+s30] =	stream.strided.scatter [tilespmem:s25], [sflag:$0x5], $0x400, s31, s30, $0x38;
	[tilespmem:$0x18A00] =	vst v63  }
.Ltmp0:
0x10a: {  	s25 =	sadd.s32 $0x1E00, s1;
	s28 =	sadd.s32 $0x50, s29;
	(pc) =	sbr.rel @p0 .LBB2_2-.Ltmp0, $4  }
0x10b: {  	[hbm4b:s28+s30] =	stream.strided.scatter [tilespmem:s25], [sflag:$0x5], $0x400, s31, s30, $0x38;
	[tilespmem:$0x18A00] =	vst v63  }
0x10c: {  	s25 =	sadd.s32 $0x2200, s1;
	s28 =	sadd.s32 $0x60, s29;
	s1 =	sadd.s32 $0x2600, s1  }
0x10d: {  	[hbm4b:s28+s30] =	stream.strided.scatter [tilespmem:s25], [sflag:$0x5], $0x400, s31, s30, $0x38;
	[tilespmem:$0x18A00] =	vst v63  }
0x10e: {  	s28 =	sadd.s32 $0x70, s29;
	s29 =	sadd.s32 $0x400, s29;
	s25 =	smov.u32 s10  }
0x10f: {  	[hbm4b:s28+s30] =	stream.strided.scatter [tilespmem:s1], [sflag:$0x5], $0x400, s31, s30, $0x38;
	[tilespmem:$0x18A00] =	vst v63  }
0x110: {  	s10 =	sadd.s32 $0xA00, s26  }
0x111: {  	[hbm4b:s29+s30] =	stream.strided.scatter [tilespmem:s10], [sflag:$0x5], $0x400, s31, s30, $0x38;
	[tilespmem:$0x18A00] =	vst v63  }
0x112: {  	s25 =	sadd.s32 $0xE00, s26;
	s10 =	sadd.s32 $0x10, s29  }
0x113: {  	[hbm4b:s10+s30] =	stream.strided.scatter [tilespmem:s25], [sflag:$0x5], $0x400, s31, s30, $0x38;
	[tilespmem:$0x18A00] =	vst v63  }
0x114: {  	s10 =	sadd.s32 $0x1200, s26;
	s25 =	sadd.s32 $0x20, s29  }
0x115: {  	[hbm4b:s25+s30] =	stream.strided.scatter [tilespmem:s10], [sflag:$0x5], $0x400, s31, s30, $0x38;
	[tilespmem:$0x18A00] =	vst v63  }
0x116: {  	s10 =	sadd.s32 $0x1600, s26;
	s25 =	sadd.s32 $0x30, s29  }
0x117: {  	[hbm4b:s25+s30] =	stream.strided.scatter [tilespmem:s10], [sflag:$0x5], $0x400, s31, s30, $0x38;
	[tilespmem:$0x18A00] =	vst v63  }
0x118: {  	s10 =	sadd.s32 $0x1A00, s26;
	s25 =	sadd.s32 $0x40, s29  }
0x119: {  	[hbm4b:s25+s30] =	stream.strided.scatter [tilespmem:s10], [sflag:$0x5], $0x400, s31, s30, $0x38;
	[tilespmem:$0x18A00] =	vst v63  }
0x11a: {  	s10 =	sadd.s32 $0x1E00, s26;
	s25 =	sadd.s32 $0x50, s29  }
0x11b: {  	[hbm4b:s25+s30] =	stream.strided.scatter [tilespmem:s10], [sflag:$0x5], $0x400, s31, s30, $0x38;
	[tilespmem:$0x18A00] =	vst v63  }
0x11c: {  	s10 =	sadd.s32 $0x2200, s26;
	s25 =	sadd.s32 $0x60, s29  }
0x11d: {  	[hbm4b:s25+s30] =	stream.strided.scatter [tilespmem:s10], [sflag:$0x5], $0x400, s31, s30, $0x38;
	[tilespmem:$0x18A00] =	vst v63  }
0x11e: {  	s10 =	sadd.s32 $0x2600, s26;
	s25 =	sadd.s32 $0x70, s29  }
0x11f: {  	[hbm4b:s25+s30] =	stream.strided.scatter [tilespmem:s10], [sflag:$0x5], $0x400, s31, s30, $0x38;
	[tilespmem:$0x18A00] =	vst v63  }
0x120: {  	_ =	swait.ge [sflag:s5], $0x8000  }
0x121: {  	[sflag:s5] =	ssyncset.done $0x0  }
0x122: {  	[sflag:s5] =	ssyncadd.s32 $0xFFFF8000  }
0x123: {  	v3 =	vld [tilespmem:$0x380];
	_ =	sdelay $0x4  }
0x124: {  	v4 =	vshll.u32 v3, $0x3  }
0x125: {  	v3 =	vand.u32 $0x7, v3;
	v4 =	vand.u32 $0xFFFFFFC0, v4  }
0x126: {  	v3 =	vor.u32 v3, v4  }
0x127: {  	v4 =	vperm.xlane v3, v0;
	_ =	sdelay $0x1  }
0x128: {  	v4 =	vadd.s32 v1, v4;
	_ =	sdelay $0x3  }
0x129: {  	s1 =	simm.s32 $0x0;
	s26 =	simm.s32 $0xA00  }
0x12a: {  	[tilespmem:s26], [sflag:$0x2] =	stream.indirect_vreg.gather [hbm4b:s3+s1], $0x80, v4, vm0, $0xb8;
	[tilespmem:$0x18A00] =	vst v63  }
0x12b: {  	s25 =	simm.s32 $0x1200;
	v3 =	vperm.xlane v3, v2  }
0x12c: {  	[tilespmem:s25], [sflag:$0x2] =	stream.indirect_vreg.gather [hbm4b:s6+s1], $0x80, v4, vm0, $0xb8;
	[tilespmem:$0x18A00] =	vst v63  }
0x12d: {  	v3 =	vadd.s32 v1, v3;
	s26 =	simm.s32 $0x1A00  }
0x12e: {  	[tilespmem:s26], [sflag:$0x2] =	stream.indirect_vreg.gather [hbm4b:s7+s1], $0x80, v4, vm0, $0xb8;
	[tilespmem:$0x18A00] =	vst v63  }
0x12f: {  	s25 =	simm.s32 $0x2200  }
0x130: {  	[tilespmem:s25], [sflag:$0x2] =	stream.indirect_vreg.gather [hbm4b:s9+s1], $0x80, v4, vm0, $0xb8;
	[tilespmem:$0x18A00] =	vst v63  }
0x131: {  	s26 =	simm.s32 $0x2A00  }
0x132: {  	[tilespmem:s26], [sflag:$0x2] =	stream.indirect_vreg.gather [hbm4b:s3+s1], $0x80, v3, vm0, $0xb8;
	[tilespmem:$0x18A00] =	vst v63  }
0x133: {  	s25 =	simm.s32 $0x3200  }
0x134: {  	[tilespmem:s25], [sflag:$0x2] =	stream.indirect_vreg.gather [hbm4b:s6+s1], $0x80, v3, vm0, $0xb8;
	[tilespmem:$0x18A00] =	vst v63  }
0x135: {  	s26 =	simm.s32 $0x3A00  }
0x136: {  	[tilespmem:s26], [sflag:$0x2] =	stream.indirect_vreg.gather [hbm4b:s7+s1], $0x80, v3, vm0, $0xb8;
	[tilespmem:$0x18A00] =	vst v63  }
0x137: {  	s25 =	simm.s32 $0x4200  }
0x138: {  	[tilespmem:s25], [sflag:$0x2] =	stream.indirect_vreg.gather [hbm4b:s9+s1], $0x80, v3, vm0, $0xb8;
	[tilespmem:$0x18A00] =	vst v63  }
0x139: {  	v3 =	vld [tilespmem:$0x390];
	_ =	sdelay $0x4  }
0x13a: {  	v63 =	vshll.u32 v3, $0x3  }
0x13b: {  	v3 =	vand.u32 $0x7, v3;
	v4 =	vand.u32 $0xFFFFFFC0, v63  }
0x13c: {  	v3 =	vor.u32 v3, v4  }
0x13d: {  	v4 =	vperm.xlane v3, v0;
	_ =	sdelay $0x1  }
0x13e: {  	v4 =	vadd.s32 v1, v4;
	_ =	sdelay $0x3  }
0x13f: {  	s26 =	simm.s32 $0x4A00  }
0x140: {  	[tilespmem:s26], [sflag:$0x2] =	stream.indirect_vreg.gather [hbm4b:s3+s1], $0x80, v4, vm0, $0xb8;
	[tilespmem:$0x18A00] =	vst v63  }
0x141: {  	s25 =	simm.s32 $0x5200;
	v3 =	vperm.xlane v3, v2  }
0x142: {  	[tilespmem:s25], [sflag:$0x2] =	stream.indirect_vreg.gather [hbm4b:s6+s1], $0x80, v4, vm0, $0xb8;
	[tilespmem:$0x18A00] =	vst v63  }
0x143: {  	v3 =	vadd.s32 v1, v3;
	s26 =	simm.s32 $0x5A00  }
0x144: {  	[tilespmem:s26], [sflag:$0x2] =	stream.indirect_vreg.gather [hbm4b:s7+s1], $0x80, v4, vm0, $0xb8;
	[tilespmem:$0x18A00] =	vst v63  }
0x145: {  	s25 =	simm.s32 $0x6200  }
0x146: {  	[tilespmem:s25], [sflag:$0x2] =	stream.indirect_vreg.gather [hbm4b:s9+s1], $0x80, v4, vm0, $0xb8;
	[tilespmem:$0x18A00] =	vst v63  }
0x147: {  	s26 =	simm.s32 $0x6A00  }
0x148: {  	[tilespmem:s26], [sflag:$0x2] =	stream.indirect_vreg.gather [hbm4b:s3+s1], $0x80, v3, vm0, $0xb8;
	[tilespmem:$0x18A00] =	vst v63  }
0x149: {  	s25 =	simm.s32 $0x7200  }
0x14a: {  	[tilespmem:s25], [sflag:$0x2] =	stream.indirect_vreg.gather [hbm4b:s6+s1], $0x80, v3, vm0, $0xb8;
	[tilespmem:$0x18A00] =	vst v63  }
0x14b: {  	s26 =	simm.s32 $0x7A00  }
0x14c: {  	[tilespmem:s26], [sflag:$0x2] =	stream.indirect_vreg.gather [hbm4b:s7+s1], $0x80, v3, vm0, $0xb8;
	[tilespmem:$0x18A00] =	vst v63  }
0x14d: {  	s25 =	simm.s32 $0x8200;
	s26 =	simm.s32 $0x3  }
0x14e: {  	[tilespmem:s25], [sflag:$0x2] =	stream.indirect_vreg.gather [hbm4b:s9+s1], $0x80, v3, vm0, $0xb8;
	[tilespmem:$0x18A00] =	vst v63  }
0x14f: {  	_ =	swait.ge [sflag:s26], $0x8000  }
0x150: {  	[sflag:s26] =	ssyncset.done $0x0  }
0x151: {  	s10 =	simm.s32 $0x8A00;
	s29 =	rddreg [dreg:$0x6];
	[sflag:s26] =	ssyncadd.s32 $0xFFFF8000  }
0x152: {  	[hbm4b:s29+s30] =	stream.strided.scatter [tilespmem:s10], [sflag:$0x6], $0x400, s31, s30, $0x38;
	[tilespmem:$0x18A00] =	vst v63  }
0x153: {  	s25 =	simm.s32 $0x8E00;
	s26 =	sadd.s32 $0x10, s29  }
0x154: {  	[hbm4b:s26+s30] =	stream.strided.scatter [tilespmem:s25], [sflag:$0x6], $0x400, s31, s30, $0x38;
	[tilespmem:$0x18A00] =	vst v63  }
0x155: {  	s25 =	simm.s32 $0x9200;
	s26 =	sadd.s32 $0x20, s29  }
0x156: {  	[hbm4b:s26+s30] =	stream.strided.scatter [tilespmem:s25], [sflag:$0x6], $0x400, s31, s30, $0x38;
	[tilespmem:$0x18A00] =	vst v63  }
0x157: {  	s25 =	simm.s32 $0x9600;
	s26 =	sadd.s32 $0x30, s29  }
0x158: {  	[hbm4b:s26+s30] =	stream.strided.scatter [tilespmem:s25], [sflag:$0x6], $0x400, s31, s30, $0x38;
	[tilespmem:$0x18A00] =	vst v63  }
0x159: {  	s25 =	simm.s32 $0x9A00;
	s26 =	sadd.s32 $0x40, s29  }
0x15a: {  	[hbm4b:s26+s30] =	stream.strided.scatter [tilespmem:s25], [sflag:$0x6], $0x400, s31, s30, $0x38;
	[tilespmem:$0x18A00] =	vst v63  }
0x15b: {  	s1 =	simm.s32 $0xA600;
	s25 =	simm.s32 $0x9E00;
	s26 =	sadd.s32 $0x50, s29  }
0x15c: {  	[hbm4b:s26+s30] =	stream.strided.scatter [tilespmem:s25], [sflag:$0x6], $0x400, s31, s30, $0x38;
	[tilespmem:$0x18A00] =	vst v63  }
0x15d: {  	s28 =	sadd.s32 $0x70, s29;
	s25 =	simm.s32 $0xA200;
	s26 =	sadd.s32 $0x60, s29  }
0x15e: {  	[hbm4b:s26+s30] =	stream.strided.scatter [tilespmem:s25], [sflag:$0x6], $0x400, s31, s30, $0x38;
	[tilespmem:$0x18A00] =	vst v63  }
0x15f: {  	s29 =	sadd.s32 $0x400, s29;
	s26 =	simm.s32 $0x2000;
	s25 =	simm.s32 $0x10000  }
.LBB2_4:
0x160: {  	[hbm4b:s28+s30] =	stream.strided.scatter [tilespmem:s1], [sflag:$0x6], $0x400, s31, s30, $0x38;
	[tilespmem:$0x18A00] =	vst v63  }
0x161: {  	s1 =	smov.u32 s26;
	s10 =	smov.u32 s25  }
0x162: {  	s26 =	sshra.s32 s10, $0x2;
	s10 =	sadd.s32 $0x8000, s25;
	s28 =	sadd.s32 $0x8A00, s1  }
0x163: {  	[hbm4b:s29+s30] =	stream.strided.scatter [tilespmem:s28], [sflag:$0x6], $0x400, s31, s30, $0x38;
	[tilespmem:$0x18A00] =	vst v63  }
0x164: {  	p0 =	sne.s32 s25, $0x18000;
	s25 =	sadd.s32 $0x8E00, s1;
	s28 =	sadd.s32 $0x10, s29  }
0x165: {  	[hbm4b:s28+s30] =	stream.strided.scatter [tilespmem:s25], [sflag:$0x6], $0x400, s31, s30, $0x38;
	[tilespmem:$0x18A00] =	vst v63  }
0x166: {  	s25 =	sadd.s32 $0x9200, s1;
	s28 =	sadd.s32 $0x20, s29  }
0x167: {  	[hbm4b:s28+s30] =	stream.strided.scatter [tilespmem:s25], [sflag:$0x6], $0x400, s31, s30, $0x38;
	[tilespmem:$0x18A00] =	vst v63  }
0x168: {  	s25 =	sadd.s32 $0x9600, s1;
	s28 =	sadd.s32 $0x30, s29  }
0x169: {  	[hbm4b:s28+s30] =	stream.strided.scatter [tilespmem:s25], [sflag:$0x6], $0x400, s31, s30, $0x38;
	[tilespmem:$0x18A00] =	vst v63  }
0x16a: {  	s25 =	sadd.s32 $0x9A00, s1;
	s28 =	sadd.s32 $0x40, s29  }
0x16b: {  	[hbm4b:s28+s30] =	stream.strided.scatter [tilespmem:s25], [sflag:$0x6], $0x400, s31, s30, $0x38;
	[tilespmem:$0x18A00] =	vst v63  }
.Ltmp1:
0x16c: {  	s25 =	sadd.s32 $0x9E00, s1;
	s28 =	sadd.s32 $0x50, s29;
	(pc) =	sbr.rel @p0 .LBB2_4-.Ltmp1, $4  }
0x16d: {  	[hbm4b:s28+s30] =	stream.strided.scatter [tilespmem:s25], [sflag:$0x6], $0x400, s31, s30, $0x38;
	[tilespmem:$0x18A00] =	vst v63  }
0x16e: {  	s25 =	sadd.s32 $0xA200, s1;
	s28 =	sadd.s32 $0x60, s29;
	s1 =	sadd.s32 $0xA600, s1  }
0x16f: {  	[hbm4b:s28+s30] =	stream.strided.scatter [tilespmem:s25], [sflag:$0x6], $0x400, s31, s30, $0x38;
	[tilespmem:$0x18A00] =	vst v63  }
0x170: {  	s28 =	sadd.s32 $0x70, s29;
	s29 =	sadd.s32 $0x400, s29;
	s25 =	smov.u32 s10  }
0x171: {  	[hbm4b:s28+s30] =	stream.strided.scatter [tilespmem:s1], [sflag:$0x6], $0x400, s31, s30, $0x38;
	[tilespmem:$0x18A00] =	vst v63  }
0x172: {  	s10 =	sadd.s32 $0x8A00, s26  }
0x173: {  	[hbm4b:s29+s30] =	stream.strided.scatter [tilespmem:s10], [sflag:$0x6], $0x400, s31, s30, $0x38;
	[tilespmem:$0x18A00] =	vst v63  }
0x174: {  	s25 =	sadd.s32 $0x8E00, s26;
	s10 =	sadd.s32 $0x10, s29  }
0x175: {  	[hbm4b:s10+s30] =	stream.strided.scatter [tilespmem:s25], [sflag:$0x6], $0x400, s31, s30, $0x38;
	[tilespmem:$0x18A00] =	vst v63  }
0x176: {  	s10 =	sadd.s32 $0x9200, s26;
	s25 =	sadd.s32 $0x20, s29  }
0x177: {  	[hbm4b:s25+s30] =	stream.strided.scatter [tilespmem:s10], [sflag:$0x6], $0x400, s31, s30, $0x38;
	[tilespmem:$0x18A00] =	vst v63  }
0x178: {  	s10 =	sadd.s32 $0x9600, s26;
	s25 =	sadd.s32 $0x30, s29  }
0x179: {  	[hbm4b:s25+s30] =	stream.strided.scatter [tilespmem:s10], [sflag:$0x6], $0x400, s31, s30, $0x38;
	[tilespmem:$0x18A00] =	vst v63  }
0x17a: {  	s10 =	sadd.s32 $0x9A00, s26;
	s25 =	sadd.s32 $0x40, s29  }
0x17b: {  	[hbm4b:s25+s30] =	stream.strided.scatter [tilespmem:s10], [sflag:$0x6], $0x400, s31, s30, $0x38;
	[tilespmem:$0x18A00] =	vst v63  }
0x17c: {  	s10 =	sadd.s32 $0x9E00, s26;
	s25 =	sadd.s32 $0x50, s29  }
0x17d: {  	[hbm4b:s25+s30] =	stream.strided.scatter [tilespmem:s10], [sflag:$0x6], $0x400, s31, s30, $0x38;
	[tilespmem:$0x18A00] =	vst v63  }
0x17e: {  	s10 =	sadd.s32 $0xA200, s26;
	s25 =	sadd.s32 $0x60, s29  }
0x17f: {  	[hbm4b:s25+s30] =	stream.strided.scatter [tilespmem:s10], [sflag:$0x6], $0x400, s31, s30, $0x38;
	[tilespmem:$0x18A00] =	vst v63  }
0x180: {  	s25 =	sadd.s32 $0xA600, s26;
	s26 =	sadd.s32 $0x70, s29  }
0x181: {  	[hbm4b:s26+s30] =	stream.strided.scatter [tilespmem:s25], [sflag:$0x6], $0x400, s31, s30, $0x38;
	[tilespmem:$0x18A00] =	vst v63  }
0x182: {  	s25 =	simm.s32 $0x6  }
0x183: {  	_ =	swait.ge [sflag:s25], $0x8000  }
0x184: {  	[sflag:s25] =	ssyncset.done $0x0  }
0x185: {  	[sflag:s25] =	ssyncadd.s32 $0xFFFF8000  }
0x186: {  	v3 =	vld [tilespmem:$0x400];
	_ =	sdelay $0x4  }
0x187: {  	v4 =	vshll.u32 v3, $0x3  }
0x188: {  	v3 =	vand.u32 $0x7, v3;
	v4 =	vand.u32 $0xFFFFFFC0, v4  }
0x189: {  	v3 =	vor.u32 v3, v4  }
0x18a: {  	v4 =	vperm.xlane v3, v0;
	_ =	sdelay $0x1  }
0x18b: {  	v4 =	vadd.s32 v1, v4;
	_ =	sdelay $0x3  }
0x18c: {  	s1 =	simm.s32 $0x0;
	s26 =	simm.s32 $0x8A00  }
0x18d: {  	[tilespmem:s26], [sflag:$0x3] =	stream.indirect_vreg.gather [hbm4b:s3+s1], $0x80, v4, vm0, $0xb8;
	[tilespmem:$0x18A00] =	vst v63  }
0x18e: {  	s25 =	simm.s32 $0x9200;
	v3 =	vperm.xlane v3, v2  }
0x18f: {  	[tilespmem:s25], [sflag:$0x3] =	stream.indirect_vreg.gather [hbm4b:s6+s1], $0x80, v4, vm0, $0xb8;
	[tilespmem:$0x18A00] =	vst v63  }
0x190: {  	v3 =	vadd.s32 v1, v3;
	s26 =	simm.s32 $0x9A00  }
0x191: {  	[tilespmem:s26], [sflag:$0x3] =	stream.indirect_vreg.gather [hbm4b:s7+s1], $0x80, v4, vm0, $0xb8;
	[tilespmem:$0x18A00] =	vst v63  }
0x192: {  	s25 =	simm.s32 $0xA200  }
0x193: {  	[tilespmem:s25], [sflag:$0x3] =	stream.indirect_vreg.gather [hbm4b:s9+s1], $0x80, v4, vm0, $0xb8;
	[tilespmem:$0x18A00] =	vst v63  }
0x194: {  	s26 =	simm.s32 $0xAA00  }
0x195: {  	[tilespmem:s26], [sflag:$0x3] =	stream.indirect_vreg.gather [hbm4b:s3+s1], $0x80, v3, vm0, $0xb8;
	[tilespmem:$0x18A00] =	vst v63  }
0x196: {  	s25 =	simm.s32 $0xB200  }
0x197: {  	[tilespmem:s25], [sflag:$0x3] =	stream.indirect_vreg.gather [hbm4b:s6+s1], $0x80, v3, vm0, $0xb8;
	[tilespmem:$0x18A00] =	vst v63  }
0x198: {  	s26 =	simm.s32 $0xBA00  }
0x199: {  	[tilespmem:s26], [sflag:$0x3] =	stream.indirect_vreg.gather [hbm4b:s7+s1], $0x80, v3, vm0, $0xb8;
	[tilespmem:$0x18A00] =	vst v63  }
0x19a: {  	s25 =	simm.s32 $0xC200  }
0x19b: {  	[tilespmem:s25], [sflag:$0x3] =	stream.indirect_vreg.gather [hbm4b:s9+s1], $0x80, v3, vm0, $0xb8;
	[tilespmem:$0x18A00] =	vst v63  }
0x19c: {  	v3 =	vld [tilespmem:$0x410];
	_ =	sdelay $0x4  }
0x19d: {  	v63 =	vshll.u32 v3, $0x3  }
0x19e: {  	v3 =	vand.u32 $0x7, v3;
	v4 =	vand.u32 $0xFFFFFFC0, v63  }
0x19f: {  	v3 =	vor.u32 v3, v4  }
0x1a0: {  	v4 =	vperm.xlane v3, v0;
	_ =	sdelay $0x1  }
0x1a1: {  	v4 =	vadd.s32 v1, v4;
	_ =	sdelay $0x3  }
0x1a2: {  	s26 =	simm.s32 $0xCA00  }
0x1a3: {  	[tilespmem:s26], [sflag:$0x3] =	stream.indirect_vreg.gather [hbm4b:s3+s1], $0x80, v4, vm0, $0xb8;
	[tilespmem:$0x18A00] =	vst v63  }
0x1a4: {  	s25 =	simm.s32 $0xD200;
	v3 =	vperm.xlane v3, v2  }
0x1a5: {  	[tilespmem:s25], [sflag:$0x3] =	stream.indirect_vreg.gather [hbm4b:s6+s1], $0x80, v4, vm0, $0xb8;
	[tilespmem:$0x18A00] =	vst v63  }
0x1a6: {  	v3 =	vadd.s32 v1, v3;
	s26 =	simm.s32 $0xDA00  }
0x1a7: {  	[tilespmem:s26], [sflag:$0x3] =	stream.indirect_vreg.gather [hbm4b:s7+s1], $0x80, v4, vm0, $0xb8;
	[tilespmem:$0x18A00] =	vst v63  }
0x1a8: {  	s25 =	simm.s32 $0xE200  }
0x1a9: {  	[tilespmem:s25], [sflag:$0x3] =	stream.indirect_vreg.gather [hbm4b:s9+s1], $0x80, v4, vm0, $0xb8;
	[tilespmem:$0x18A00] =	vst v63  }
0x1aa: {  	s26 =	simm.s32 $0xEA00  }
0x1ab: {  	[tilespmem:s26], [sflag:$0x3] =	stream.indirect_vreg.gather [hbm4b:s3+s1], $0x80, v3, vm0, $0xb8;
	[tilespmem:$0x18A00] =	vst v63  }
0x1ac: {  	s25 =	simm.s32 $0xF200  }
0x1ad: {  	[tilespmem:s25], [sflag:$0x3] =	stream.indirect_vreg.gather [hbm4b:s6+s1], $0x80, v3, vm0, $0xb8;
	[tilespmem:$0x18A00] =	vst v63  }
0x1ae: {  	s26 =	simm.s32 $0xFA00  }
0x1af: {  	[tilespmem:s26], [sflag:$0x3] =	stream.indirect_vreg.gather [hbm4b:s7+s1], $0x80, v3, vm0, $0xb8;
	[tilespmem:$0x18A00] =	vst v63  }
0x1b0: {  	s25 =	simm.s32 $0x10200;
	s26 =	simm.s32 $0x4  }
0x1b1: {  	[tilespmem:s25], [sflag:$0x3] =	stream.indirect_vreg.gather [hbm4b:s9+s1], $0x80, v3, vm0, $0xb8;
	[tilespmem:$0x18A00] =	vst v63  }
0x1b2: {  	_ =	swait.ge [sflag:s26], $0x8000  }
0x1b3: {  	[sflag:s26] =	ssyncset.done $0x0  }
0x1b4: {  	s10 =	simm.s32 $0x10A00;
	[sflag:s26] =	ssyncadd.s32 $0xFFFF8000  }
0x1b5: {  	[hbm4b:s11+s30] =	stream.strided.scatter [tilespmem:s10], [sflag:$0x7], $0x400, s31, s30, $0x38;
	[tilespmem:$0x18A00] =	vst v63  }
0x1b6: {  	s25 =	simm.s32 $0x10E00;
	s26 =	sadd.s32 $0x10, s11  }
0x1b7: {  	[hbm4b:s26+s30] =	stream.strided.scatter [tilespmem:s25], [sflag:$0x7], $0x400, s31, s30, $0x38;
	[tilespmem:$0x18A00] =	vst v63  }
0x1b8: {  	s25 =	simm.s32 $0x11200;
	s26 =	sadd.s32 $0x20, s11  }
0x1b9: {  	[hbm4b:s26+s30] =	stream.strided.scatter [tilespmem:s25], [sflag:$0x7], $0x400, s31, s30, $0x38;
	[tilespmem:$0x18A00] =	vst v63  }
0x1ba: {  	s25 =	simm.s32 $0x11600;
	s26 =	sadd.s32 $0x30, s11  }
0x1bb: {  	[hbm4b:s26+s30] =	stream.strided.scatter [tilespmem:s25], [sflag:$0x7], $0x400, s31, s30, $0x38;
	[tilespmem:$0x18A00] =	vst v63  }
0x1bc: {  	s25 =	simm.s32 $0x11A00;
	s26 =	sadd.s32 $0x40, s11  }
0x1bd: {  	[hbm4b:s26+s30] =	stream.strided.scatter [tilespmem:s25], [sflag:$0x7], $0x400, s31, s30, $0x38;
	[tilespmem:$0x18A00] =	vst v63  }
0x1be: {  	s28 =	sadd.s32 $0x70, s11;
	s25 =	simm.s32 $0x11E00;
	s26 =	sadd.s32 $0x50, s11  }
0x1bf: {  	[hbm4b:s26+s30] =	stream.strided.scatter [tilespmem:s25], [sflag:$0x7], $0x400, s31, s30, $0x38;
	[tilespmem:$0x18A00] =	vst v63  }
0x1c0: {  	s29 =	sadd.s32 $0x400, s11;
	s25 =	simm.s32 $0x12200;
	s26 =	sadd.s32 $0x60, s11  }
0x1c1: {  	[hbm4b:s26+s30] =	stream.strided.scatter [tilespmem:s25], [sflag:$0x7], $0x400, s31, s30, $0x38;
	[tilespmem:$0x18A00] =	vst v63  }
0x1c2: {  	s1 =	simm.s32 $0x12600;
	s26 =	simm.s32 $0x2000;
	s25 =	simm.s32 $0x10000  }
.LBB2_6:
0x1c3: {  	[hbm4b:s28+s30] =	stream.strided.scatter [tilespmem:s1], [sflag:$0x7], $0x400, s31, s30, $0x38;
	[tilespmem:$0x18A00] =	vst v63  }
0x1c4: {  	s1 =	smov.u32 s26;
	s10 =	smov.u32 s25  }
0x1c5: {  	s26 =	sshra.s32 s10, $0x2;
	s10 =	sadd.s32 $0x8000, s25;
	s28 =	sadd.s32 $0x10A00, s1  }
0x1c6: {  	[hbm4b:s29+s30] =	stream.strided.scatter [tilespmem:s28], [sflag:$0x7], $0x400, s31, s30, $0x38;
	[tilespmem:$0x18A00] =	vst v63  }
0x1c7: {  	p0 =	sne.s32 s25, $0x18000;
	s25 =	sadd.s32 $0x10E00, s1;
	s28 =	sadd.s32 $0x10, s29  }
0x1c8: {  	[hbm4b:s28+s30] =	stream.strided.scatter [tilespmem:s25], [sflag:$0x7], $0x400, s31, s30, $0x38;
	[tilespmem:$0x18A00] =	vst v63  }
0x1c9: {  	s25 =	sadd.s32 $0x11200, s1;
	s28 =	sadd.s32 $0x20, s29  }
0x1ca: {  	[hbm4b:s28+s30] =	stream.strided.scatter [tilespmem:s25], [sflag:$0x7], $0x400, s31, s30, $0x38;
	[tilespmem:$0x18A00] =	vst v63  }
0x1cb: {  	s25 =	sadd.s32 $0x11600, s1;
	s28 =	sadd.s32 $0x30, s29  }
0x1cc: {  	[hbm4b:s28+s30] =	stream.strided.scatter [tilespmem:s25], [sflag:$0x7], $0x400, s31, s30, $0x38;
	[tilespmem:$0x18A00] =	vst v63  }
0x1cd: {  	s25 =	sadd.s32 $0x11A00, s1;
	s28 =	sadd.s32 $0x40, s29  }
0x1ce: {  	[hbm4b:s28+s30] =	stream.strided.scatter [tilespmem:s25], [sflag:$0x7], $0x400, s31, s30, $0x38;
	[tilespmem:$0x18A00] =	vst v63  }
.Ltmp2:
0x1cf: {  	s25 =	sadd.s32 $0x11E00, s1;
	s28 =	sadd.s32 $0x50, s29;
	(pc) =	sbr.rel @p0 .LBB2_6-.Ltmp2, $4  }
0x1d0: {  	[hbm4b:s28+s30] =	stream.strided.scatter [tilespmem:s25], [sflag:$0x7], $0x400, s31, s30, $0x38;
	[tilespmem:$0x18A00] =	vst v63  }
0x1d1: {  	s25 =	sadd.s32 $0x12200, s1;
	s28 =	sadd.s32 $0x60, s29;
	s1 =	sadd.s32 $0x12600, s1  }
0x1d2: {  	[hbm4b:s28+s30] =	stream.strided.scatter [tilespmem:s25], [sflag:$0x7], $0x400, s31, s30, $0x38;
	[tilespmem:$0x18A00] =	vst v63  }
0x1d3: {  	s28 =	sadd.s32 $0x70, s29;
	s29 =	sadd.s32 $0x400, s29;
	s25 =	smov.u32 s10  }
0x1d4: {  	[hbm4b:s28+s30] =	stream.strided.scatter [tilespmem:s1], [sflag:$0x7], $0x400, s31, s30, $0x38;
	[tilespmem:$0x18A00] =	vst v63  }
0x1d5: {  	s10 =	sadd.s32 $0x10A00, s26  }
0x1d6: {  	[hbm4b:s29+s30] =	stream.strided.scatter [tilespmem:s10], [sflag:$0x7], $0x400, s31, s30, $0x38;
	[tilespmem:$0x18A00] =	vst v63  }
0x1d7: {  	s25 =	sadd.s32 $0x10E00, s26;
	s10 =	sadd.s32 $0x10, s29  }
0x1d8: {  	[hbm4b:s10+s30] =	stream.strided.scatter [tilespmem:s25], [sflag:$0x7], $0x400, s31, s30, $0x38;
	[tilespmem:$0x18A00] =	vst v63  }
0x1d9: {  	s10 =	sadd.s32 $0x11200, s26;
	s25 =	sadd.s32 $0x20, s29  }
0x1da: {  	[hbm4b:s25+s30] =	stream.strided.scatter [tilespmem:s10], [sflag:$0x7], $0x400, s31, s30, $0x38;
	[tilespmem:$0x18A00] =	vst v63  }
0x1db: {  	s10 =	sadd.s32 $0x11600, s26;
	s25 =	sadd.s32 $0x30, s29  }
0x1dc: {  	[hbm4b:s25+s30] =	stream.strided.scatter [tilespmem:s10], [sflag:$0x7], $0x400, s31, s30, $0x38;
	[tilespmem:$0x18A00] =	vst v63  }
0x1dd: {  	s10 =	sadd.s32 $0x11A00, s26;
	s25 =	sadd.s32 $0x40, s29  }
0x1de: {  	[hbm4b:s25+s30] =	stream.strided.scatter [tilespmem:s10], [sflag:$0x7], $0x400, s31, s30, $0x38;
	[tilespmem:$0x18A00] =	vst v63  }
0x1df: {  	s10 =	sadd.s32 $0x11E00, s26;
	s25 =	sadd.s32 $0x50, s29  }
0x1e0: {  	[hbm4b:s25+s30] =	stream.strided.scatter [tilespmem:s10], [sflag:$0x7], $0x400, s31, s30, $0x38;
	[tilespmem:$0x18A00] =	vst v63  }
0x1e1: {  	s10 =	sadd.s32 $0x12200, s26;
	s25 =	sadd.s32 $0x60, s29  }
0x1e2: {  	[hbm4b:s25+s30] =	stream.strided.scatter [tilespmem:s10], [sflag:$0x7], $0x400, s31, s30, $0x38;
	[tilespmem:$0x18A00] =	vst v63  }
0x1e3: {  	s25 =	sadd.s32 $0x12600, s26;
	s26 =	sadd.s32 $0x70, s29;
	s10 =	simm.s32 $0x7  }
0x1e4: {  	[hbm4b:s26+s30] =	stream.strided.scatter [tilespmem:s25], [sflag:$0x7], $0x400, s31, s30, $0x38;
	[tilespmem:$0x18A00] =	vst v63  }
0x1e5: {  	_ =	swait.ge [sflag:s10], $0x8000  }
0x1e6: {  	[sflag:s10] =	ssyncset.done $0x0  }
0x1e7: {  	[sflag:s10] =	ssyncadd.s32 $0xFFFF8000  }
0x1e8: {  	v3 =	vld [tilespmem:$0x480];
	_ =	sdelay $0x4  }
0x1e9: {  	v4 =	vshll.u32 v3, $0x3  }
0x1ea: {  	v3 =	vand.u32 $0x7, v3;
	v4 =	vand.u32 $0xFFFFFFC0, v4  }
0x1eb: {  	v3 =	vor.u32 v3, v4  }
0x1ec: {  	v4 =	vperm.xlane v3, v0;
	_ =	sdelay $0x1  }
0x1ed: {  	v4 =	vadd.s32 v1, v4;
	_ =	sdelay $0x3  }
0x1ee: {  	s1 =	simm.s32 $0x0;
	s25 =	simm.s32 $0x10A00  }
0x1ef: {  	[tilespmem:s25], [sflag:$0x4] =	stream.indirect_vreg.gather [hbm4b:s3+s1], $0x80, v4, vm0, $0xb8;
	[tilespmem:$0x18A00] =	vst v63  }
0x1f0: {  	s26 =	simm.s32 $0x11200;
	v3 =	vperm.xlane v3, v2  }
0x1f1: {  	[tilespmem:s26], [sflag:$0x4] =	stream.indirect_vreg.gather [hbm4b:s6+s1], $0x80, v4, vm0, $0xb8;
	[tilespmem:$0x18A00] =	vst v63  }
0x1f2: {  	v3 =	vadd.s32 v1, v3;
	s25 =	simm.s32 $0x11A00  }
0x1f3: {  	[tilespmem:s25], [sflag:$0x4] =	stream.indirect_vreg.gather [hbm4b:s7+s1], $0x80, v4, vm0, $0xb8;
	[tilespmem:$0x18A00] =	vst v63  }
0x1f4: {  	s26 =	simm.s32 $0x12200  }
0x1f5: {  	[tilespmem:s26], [sflag:$0x4] =	stream.indirect_vreg.gather [hbm4b:s9+s1], $0x80, v4, vm0, $0xb8;
	[tilespmem:$0x18A00] =	vst v63  }
0x1f6: {  	s25 =	simm.s32 $0x12A00  }
0x1f7: {  	[tilespmem:s25], [sflag:$0x4] =	stream.indirect_vreg.gather [hbm4b:s3+s1], $0x80, v3, vm0, $0xb8;
	[tilespmem:$0x18A00] =	vst v63  }
0x1f8: {  	s26 =	simm.s32 $0x13200  }
0x1f9: {  	[tilespmem:s26], [sflag:$0x4] =	stream.indirect_vreg.gather [hbm4b:s6+s1], $0x80, v3, vm0, $0xb8;
	[tilespmem:$0x18A00] =	vst v63  }
0x1fa: {  	s25 =	simm.s32 $0x13A00  }
0x1fb: {  	[tilespmem:s25], [sflag:$0x4] =	stream.indirect_vreg.gather [hbm4b:s7+s1], $0x80, v3, vm0, $0xb8;
	[tilespmem:$0x18A00] =	vst v63  }
0x1fc: {  	s26 =	simm.s32 $0x14200  }
0x1fd: {  	[tilespmem:s26], [sflag:$0x4] =	stream.indirect_vreg.gather [hbm4b:s9+s1], $0x80, v3, vm0, $0xb8;
	[tilespmem:$0x18A00] =	vst v63  }
0x1fe: {  	v3 =	vld [tilespmem:$0x490];
	_ =	sdelay $0x4  }
0x1ff: {  	v63 =	vshll.u32 v3, $0x3  }
0x200: {  	v3 =	vand.u32 $0x7, v3;
	v4 =	vand.u32 $0xFFFFFFC0, v63  }
0x201: {  	v3 =	vor.u32 v3, v4  }
0x202: {  	v4 =	vperm.xlane v3, v0;
	_ =	sdelay $0x1  }
0x203: {  	v4 =	vadd.s32 v1, v4;
	_ =	sdelay $0x3  }
0x204: {  	s25 =	simm.s32 $0x14A00  }
0x205: {  	[tilespmem:s25], [sflag:$0x4] =	stream.indirect_vreg.gather [hbm4b:s3+s1], $0x80, v4, vm0, $0xb8;
	[tilespmem:$0x18A00] =	vst v63  }
0x206: {  	s26 =	simm.s32 $0x15200;
	v3 =	vperm.xlane v3, v2  }
0x207: {  	[tilespmem:s26], [sflag:$0x4] =	stream.indirect_vreg.gather [hbm4b:s6+s1], $0x80, v4, vm0, $0xb8;
	[tilespmem:$0x18A00] =	vst v63  }
0x208: {  	v3 =	vadd.s32 v1, v3;
	s25 =	simm.s32 $0x15A00  }
0x209: {  	[tilespmem:s25], [sflag:$0x4] =	stream.indirect_vreg.gather [hbm4b:s7+s1], $0x80, v4, vm0, $0xb8;
	[tilespmem:$0x18A00] =	vst v63  }
0x20a: {  	s26 =	simm.s32 $0x16200  }
0x20b: {  	[tilespmem:s26], [sflag:$0x4] =	stream.indirect_vreg.gather [hbm4b:s9+s1], $0x80, v4, vm0, $0xb8;
	[tilespmem:$0x18A00] =	vst v63  }
0x20c: {  	s25 =	simm.s32 $0x16A00  }
0x20d: {  	[tilespmem:s25], [sflag:$0x4] =	stream.indirect_vreg.gather [hbm4b:s3+s1], $0x80, v3, vm0, $0xb8;
	[tilespmem:$0x18A00] =	vst v63  }
0x20e: {  	s26 =	simm.s32 $0x17200  }
0x20f: {  	[tilespmem:s26], [sflag:$0x4] =	stream.indirect_vreg.gather [hbm4b:s6+s1], $0x80, v3, vm0, $0xb8;
	[tilespmem:$0x18A00] =	vst v63  }
0x210: {  	s25 =	simm.s32 $0x17A00  }
0x211: {  	[tilespmem:s25], [sflag:$0x4] =	stream.indirect_vreg.gather [hbm4b:s7+s1], $0x80, v3, vm0, $0xb8;
	[tilespmem:$0x18A00] =	vst v63  }
0x212: {  	s26 =	simm.s32 $0x18200  }
0x213: {  	[tilespmem:s26], [sflag:$0x4] =	stream.indirect_vreg.gather [hbm4b:s9+s1], $0x80, v3, vm0, $0xb8;
	[tilespmem:$0x18A00] =	vst v63  }
0x214: {  	_ =	swait.ge [sflag:s0], $0x8000  }
0x215: {  	[sflag:s0] =	ssyncset.done $0x0  }
0x216: {  	s10 =	simm.s32 $0xA00;
	[sflag:s0] =	ssyncadd.s32 $0xFFFF8000  }
0x217: {  	[hbm4b:s12+s30] =	stream.strided.scatter [tilespmem:s10], [sflag:$0x5], $0x400, s31, s30, $0x38;
	[tilespmem:$0x18A00] =	vst v63  }
0x218: {  	s25 =	simm.s32 $0xE00;
	s26 =	sadd.s32 $0x10, s12  }
0x219: {  	[hbm4b:s26+s30] =	stream.strided.scatter [tilespmem:s25], [sflag:$0x5], $0x400, s31, s30, $0x38;
	[tilespmem:$0x18A00] =	vst v63  }
0x21a: {  	s25 =	simm.s32 $0x1200;
	s26 =	sadd.s32 $0x20, s12  }
0x21b: {  	[hbm4b:s26+s30] =	stream.strided.scatter [tilespmem:s25], [sflag:$0x5], $0x400, s31, s30, $0x38;
	[tilespmem:$0x18A00] =	vst v63  }
0x21c: {  	s25 =	simm.s32 $0x1600;
	s26 =	sadd.s32 $0x30, s12  }
0x21d: {  	[hbm4b:s26+s30] =	stream.strided.scatter [tilespmem:s25], [sflag:$0x5], $0x400, s31, s30, $0x38;
	[tilespmem:$0x18A00] =	vst v63  }
0x21e: {  	s25 =	simm.s32 $0x1A00;
	s26 =	sadd.s32 $0x40, s12  }
0x21f: {  	[hbm4b:s26+s30] =	stream.strided.scatter [tilespmem:s25], [sflag:$0x5], $0x400, s31, s30, $0x38;
	[tilespmem:$0x18A00] =	vst v63  }
0x220: {  	s28 =	sadd.s32 $0x70, s12;
	s25 =	simm.s32 $0x1E00;
	s26 =	sadd.s32 $0x50, s12  }
0x221: {  	[hbm4b:s26+s30] =	stream.strided.scatter [tilespmem:s25], [sflag:$0x5], $0x400, s31, s30, $0x38;
	[tilespmem:$0x18A00] =	vst v63  }
0x222: {  	s29 =	sadd.s32 $0x400, s12;
	s25 =	simm.s32 $0x2200;
	s26 =	sadd.s32 $0x60, s12  }
0x223: {  	[hbm4b:s26+s30] =	stream.strided.scatter [tilespmem:s25], [sflag:$0x5], $0x400, s31, s30, $0x38;
	[tilespmem:$0x18A00] =	vst v63  }
0x224: {  	s1 =	simm.s32 $0x2600;
	s26 =	simm.s32 $0x2000;
	s25 =	simm.s32 $0x10000  }
.LBB2_8:
0x225: {  	[hbm4b:s28+s30] =	stream.strided.scatter [tilespmem:s1], [sflag:$0x5], $0x400, s31, s30, $0x38;
	[tilespmem:$0x18A00] =	vst v63  }
0x226: {  	s1 =	smov.u32 s26;
	s10 =	smov.u32 s25  }
0x227: {  	s26 =	sshra.s32 s10, $0x2;
	s10 =	sadd.s32 $0x8000, s25;
	s28 =	sadd.s32 $0xA00, s1  }
0x228: {  	[hbm4b:s29+s30] =	stream.strided.scatter [tilespmem:s28], [sflag:$0x5], $0x400, s31, s30, $0x38;
	[tilespmem:$0x18A00] =	vst v63  }
0x229: {  	p0 =	sne.s32 s25, $0x18000;
	s25 =	sadd.s32 $0xE00, s1;
	s28 =	sadd.s32 $0x10, s29  }
0x22a: {  	[hbm4b:s28+s30] =	stream.strided.scatter [tilespmem:s25], [sflag:$0x5], $0x400, s31, s30, $0x38;
	[tilespmem:$0x18A00] =	vst v63  }
0x22b: {  	s25 =	sadd.s32 $0x1200, s1;
	s28 =	sadd.s32 $0x20, s29  }
0x22c: {  	[hbm4b:s28+s30] =	stream.strided.scatter [tilespmem:s25], [sflag:$0x5], $0x400, s31, s30, $0x38;
	[tilespmem:$0x18A00] =	vst v63  }
0x22d: {  	s25 =	sadd.s32 $0x1600, s1;
	s28 =	sadd.s32 $0x30, s29  }
0x22e: {  	[hbm4b:s28+s30] =	stream.strided.scatter [tilespmem:s25], [sflag:$0x5], $0x400, s31, s30, $0x38;
	[tilespmem:$0x18A00] =	vst v63  }
0x22f: {  	s25 =	sadd.s32 $0x1A00, s1;
	s28 =	sadd.s32 $0x40, s29  }
0x230: {  	[hbm4b:s28+s30] =	stream.strided.scatter [tilespmem:s25], [sflag:$0x5], $0x400, s31, s30, $0x38;
	[tilespmem:$0x18A00] =	vst v63  }
.Ltmp3:
0x231: {  	s25 =	sadd.s32 $0x1E00, s1;
	s28 =	sadd.s32 $0x50, s29;
	(pc) =	sbr.rel @p0 .LBB2_8-.Ltmp3, $4  }
0x232: {  	[hbm4b:s28+s30] =	stream.strided.scatter [tilespmem:s25], [sflag:$0x5], $0x400, s31, s30, $0x38;
	[tilespmem:$0x18A00] =	vst v63  }
0x233: {  	s25 =	sadd.s32 $0x2200, s1;
	s28 =	sadd.s32 $0x60, s29;
	s1 =	sadd.s32 $0x2600, s1  }
0x234: {  	[hbm4b:s28+s30] =	stream.strided.scatter [tilespmem:s25], [sflag:$0x5], $0x400, s31, s30, $0x38;
	[tilespmem:$0x18A00] =	vst v63  }
0x235: {  	s28 =	sadd.s32 $0x70, s29;
	s29 =	sadd.s32 $0x400, s29;
	s25 =	smov.u32 s10  }
0x236: {  	[hbm4b:s28+s30] =	stream.strided.scatter [tilespmem:s1], [sflag:$0x5], $0x400, s31, s30, $0x38;
	[tilespmem:$0x18A00] =	vst v63  }
0x237: {  	s10 =	sadd.s32 $0xA00, s26  }
0x238: {  	[hbm4b:s29+s30] =	stream.strided.scatter [tilespmem:s10], [sflag:$0x5], $0x400, s31, s30, $0x38;
	[tilespmem:$0x18A00] =	vst v63  }
0x239: {  	s25 =	sadd.s32 $0xE00, s26;
	s10 =	sadd.s32 $0x10, s29  }
0x23a: {  	[hbm4b:s10+s30] =	stream.strided.scatter [tilespmem:s25], [sflag:$0x5], $0x400, s31, s30, $0x38;
	[tilespmem:$0x18A00] =	vst v63  }
0x23b: {  	s10 =	sadd.s32 $0x1200, s26;
	s25 =	sadd.s32 $0x20, s29  }
0x23c: {  	[hbm4b:s25+s30] =	stream.strided.scatter [tilespmem:s10], [sflag:$0x5], $0x400, s31, s30, $0x38;
	[tilespmem:$0x18A00] =	vst v63  }
0x23d: {  	s10 =	sadd.s32 $0x1600, s26;
	s25 =	sadd.s32 $0x30, s29  }
0x23e: {  	[hbm4b:s25+s30] =	stream.strided.scatter [tilespmem:s10], [sflag:$0x5], $0x400, s31, s30, $0x38;
	[tilespmem:$0x18A00] =	vst v63  }
0x23f: {  	s10 =	sadd.s32 $0x1A00, s26;
	s25 =	sadd.s32 $0x40, s29  }
0x240: {  	[hbm4b:s25+s30] =	stream.strided.scatter [tilespmem:s10], [sflag:$0x5], $0x400, s31, s30, $0x38;
	[tilespmem:$0x18A00] =	vst v63  }
0x241: {  	s10 =	sadd.s32 $0x1E00, s26;
	s25 =	sadd.s32 $0x50, s29  }
0x242: {  	[hbm4b:s25+s30] =	stream.strided.scatter [tilespmem:s10], [sflag:$0x5], $0x400, s31, s30, $0x38;
	[tilespmem:$0x18A00] =	vst v63  }
0x243: {  	s10 =	sadd.s32 $0x2200, s26;
	s25 =	sadd.s32 $0x60, s29  }
0x244: {  	[hbm4b:s25+s30] =	stream.strided.scatter [tilespmem:s10], [sflag:$0x5], $0x400, s31, s30, $0x38;
	[tilespmem:$0x18A00] =	vst v63  }
0x245: {  	s10 =	sadd.s32 $0x2600, s26;
	s25 =	sadd.s32 $0x70, s29  }
0x246: {  	[hbm4b:s25+s30] =	stream.strided.scatter [tilespmem:s10], [sflag:$0x5], $0x400, s31, s30, $0x38;
	[tilespmem:$0x18A00] =	vst v63  }
0x247: {  	_ =	swait.ge [sflag:s5], $0x8000  }
0x248: {  	[sflag:s5] =	ssyncset.done $0x0  }
0x249: {  	[sflag:s5] =	ssyncadd.s32 $0xFFFF8000  }
0x24a: {  	v3 =	vld [tilespmem:$0x500];
	_ =	sdelay $0x4  }
0x24b: {  	v4 =	vshll.u32 v3, $0x3  }
0x24c: {  	v3 =	vand.u32 $0x7, v3;
	v4 =	vand.u32 $0xFFFFFFC0, v4  }
0x24d: {  	v3 =	vor.u32 v3, v4  }
0x24e: {  	v4 =	vperm.xlane v3, v0;
	_ =	sdelay $0x1  }
0x24f: {  	v4 =	vadd.s32 v1, v4;
	_ =	sdelay $0x3  }
0x250: {  	s1 =	simm.s32 $0x0;
	s26 =	simm.s32 $0xA00  }
0x251: {  	[tilespmem:s26], [sflag:$0x2] =	stream.indirect_vreg.gather [hbm4b:s3+s1], $0x80, v4, vm0, $0xb8;
	[tilespmem:$0x18A00] =	vst v63  }
0x252: {  	s25 =	simm.s32 $0x1200;
	v3 =	vperm.xlane v3, v2  }
0x253: {  	[tilespmem:s25], [sflag:$0x2] =	stream.indirect_vreg.gather [hbm4b:s6+s1], $0x80, v4, vm0, $0xb8;
	[tilespmem:$0x18A00] =	vst v63  }
0x254: {  	v3 =	vadd.s32 v1, v3;
	s26 =	simm.s32 $0x1A00  }
0x255: {  	[tilespmem:s26], [sflag:$0x2] =	stream.indirect_vreg.gather [hbm4b:s7+s1], $0x80, v4, vm0, $0xb8;
	[tilespmem:$0x18A00] =	vst v63  }
0x256: {  	s25 =	simm.s32 $0x2200  }
0x257: {  	[tilespmem:s25], [sflag:$0x2] =	stream.indirect_vreg.gather [hbm4b:s9+s1], $0x80, v4, vm0, $0xb8;
	[tilespmem:$0x18A00] =	vst v63  }
0x258: {  	s26 =	simm.s32 $0x2A00  }
0x259: {  	[tilespmem:s26], [sflag:$0x2] =	stream.indirect_vreg.gather [hbm4b:s3+s1], $0x80, v3, vm0, $0xb8;
	[tilespmem:$0x18A00] =	vst v63  }
0x25a: {  	s25 =	simm.s32 $0x3200  }
0x25b: {  	[tilespmem:s25], [sflag:$0x2] =	stream.indirect_vreg.gather [hbm4b:s6+s1], $0x80, v3, vm0, $0xb8;
	[tilespmem:$0x18A00] =	vst v63  }
0x25c: {  	s26 =	simm.s32 $0x3A00  }
0x25d: {  	[tilespmem:s26], [sflag:$0x2] =	stream.indirect_vreg.gather [hbm4b:s7+s1], $0x80, v3, vm0, $0xb8;
	[tilespmem:$0x18A00] =	vst v63  }
0x25e: {  	s25 =	simm.s32 $0x4200  }
0x25f: {  	[tilespmem:s25], [sflag:$0x2] =	stream.indirect_vreg.gather [hbm4b:s9+s1], $0x80, v3, vm0, $0xb8;
	[tilespmem:$0x18A00] =	vst v63  }
0x260: {  	v3 =	vld [tilespmem:$0x510];
	_ =	sdelay $0x4  }
0x261: {  	v63 =	vshll.u32 v3, $0x3  }
0x262: {  	v3 =	vand.u32 $0x7, v3;
	v4 =	vand.u32 $0xFFFFFFC0, v63  }
0x263: {  	v3 =	vor.u32 v3, v4  }
0x264: {  	v4 =	vperm.xlane v3, v0;
	_ =	sdelay $0x1  }
0x265: {  	v4 =	vadd.s32 v1, v4;
	_ =	sdelay $0x3  }
0x266: {  	s26 =	simm.s32 $0x4A00  }
0x267: {  	[tilespmem:s26], [sflag:$0x2] =	stream.indirect_vreg.gather [hbm4b:s3+s1], $0x80, v4, vm0, $0xb8;
	[tilespmem:$0x18A00] =	vst v63  }
0x268: {  	s25 =	simm.s32 $0x5200;
	v3 =	vperm.xlane v3, v2  }
0x269: {  	[tilespmem:s25], [sflag:$0x2] =	stream.indirect_vreg.gather [hbm4b:s6+s1], $0x80, v4, vm0, $0xb8;
	[tilespmem:$0x18A00] =	vst v63  }
0x26a: {  	v3 =	vadd.s32 v1, v3;
	s26 =	simm.s32 $0x5A00  }
0x26b: {  	[tilespmem:s26], [sflag:$0x2] =	stream.indirect_vreg.gather [hbm4b:s7+s1], $0x80, v4, vm0, $0xb8;
	[tilespmem:$0x18A00] =	vst v63  }
0x26c: {  	s25 =	simm.s32 $0x6200  }
0x26d: {  	[tilespmem:s25], [sflag:$0x2] =	stream.indirect_vreg.gather [hbm4b:s9+s1], $0x80, v4, vm0, $0xb8;
	[tilespmem:$0x18A00] =	vst v63  }
0x26e: {  	s26 =	simm.s32 $0x6A00  }
0x26f: {  	[tilespmem:s26], [sflag:$0x2] =	stream.indirect_vreg.gather [hbm4b:s3+s1], $0x80, v3, vm0, $0xb8;
	[tilespmem:$0x18A00] =	vst v63  }
0x270: {  	s25 =	simm.s32 $0x7200  }
0x271: {  	[tilespmem:s25], [sflag:$0x2] =	stream.indirect_vreg.gather [hbm4b:s6+s1], $0x80, v3, vm0, $0xb8;
	[tilespmem:$0x18A00] =	vst v63  }
0x272: {  	s26 =	simm.s32 $0x7A00  }
0x273: {  	[tilespmem:s26], [sflag:$0x2] =	stream.indirect_vreg.gather [hbm4b:s7+s1], $0x80, v3, vm0, $0xb8;
	[tilespmem:$0x18A00] =	vst v63  }
0x274: {  	s25 =	simm.s32 $0x8200;
	s26 =	simm.s32 $0x3  }
0x275: {  	[tilespmem:s25], [sflag:$0x2] =	stream.indirect_vreg.gather [hbm4b:s9+s1], $0x80, v3, vm0, $0xb8;
	[tilespmem:$0x18A00] =	vst v63  }
0x276: {  	_ =	swait.ge [sflag:s26], $0x8000  }
0x277: {  	[sflag:s26] =	ssyncset.done $0x0  }
0x278: {  	s10 =	simm.s32 $0x8A00;
	[sflag:s26] =	ssyncadd.s32 $0xFFFF8000  }
0x279: {  	[hbm4b:s13+s30] =	stream.strided.scatter [tilespmem:s10], [sflag:$0x6], $0x400, s31, s30, $0x38;
	[tilespmem:$0x18A00] =	vst v63  }
0x27a: {  	s25 =	simm.s32 $0x8E00;
	s26 =	sadd.s32 $0x10, s13  }
0x27b: {  	[hbm4b:s26+s30] =	stream.strided.scatter [tilespmem:s25], [sflag:$0x6], $0x400, s31, s30, $0x38;
	[tilespmem:$0x18A00] =	vst v63  }
0x27c: {  	s25 =	simm.s32 $0x9200;
	s26 =	sadd.s32 $0x20, s13  }
0x27d: {  	[hbm4b:s26+s30] =	stream.strided.scatter [tilespmem:s25], [sflag:$0x6], $0x400, s31, s30, $0x38;
	[tilespmem:$0x18A00] =	vst v63  }
0x27e: {  	s25 =	simm.s32 $0x9600;
	s26 =	sadd.s32 $0x30, s13  }
0x27f: {  	[hbm4b:s26+s30] =	stream.strided.scatter [tilespmem:s25], [sflag:$0x6], $0x400, s31, s30, $0x38;
	[tilespmem:$0x18A00] =	vst v63  }
0x280: {  	s25 =	simm.s32 $0x9A00;
	s26 =	sadd.s32 $0x40, s13  }
0x281: {  	[hbm4b:s26+s30] =	stream.strided.scatter [tilespmem:s25], [sflag:$0x6], $0x400, s31, s30, $0x38;
	[tilespmem:$0x18A00] =	vst v63  }
0x282: {  	s28 =	sadd.s32 $0x70, s13;
	s25 =	simm.s32 $0x9E00;
	s26 =	sadd.s32 $0x50, s13  }
0x283: {  	[hbm4b:s26+s30] =	stream.strided.scatter [tilespmem:s25], [sflag:$0x6], $0x400, s31, s30, $0x38;
	[tilespmem:$0x18A00] =	vst v63  }
0x284: {  	s29 =	sadd.s32 $0x400, s13;
	s25 =	simm.s32 $0xA200;
	s26 =	sadd.s32 $0x60, s13  }
0x285: {  	[hbm4b:s26+s30] =	stream.strided.scatter [tilespmem:s25], [sflag:$0x6], $0x400, s31, s30, $0x38;
	[tilespmem:$0x18A00] =	vst v63  }
0x286: {  	s1 =	simm.s32 $0xA600;
	s26 =	simm.s32 $0x2000;
	s25 =	simm.s32 $0x10000  }
.LBB2_10:
0x287: {  	[hbm4b:s28+s30] =	stream.strided.scatter [tilespmem:s1], [sflag:$0x6], $0x400, s31, s30, $0x38;
	[tilespmem:$0x18A00] =	vst v63  }
0x288: {  	s1 =	smov.u32 s26;
	s10 =	smov.u32 s25  }
0x289: {  	s26 =	sshra.s32 s10, $0x2;
	s10 =	sadd.s32 $0x8000, s25;
	s28 =	sadd.s32 $0x8A00, s1  }
0x28a: {  	[hbm4b:s29+s30] =	stream.strided.scatter [tilespmem:s28], [sflag:$0x6], $0x400, s31, s30, $0x38;
	[tilespmem:$0x18A00] =	vst v63  }
0x28b: {  	p0 =	sne.s32 s25, $0x18000;
	s25 =	sadd.s32 $0x8E00, s1;
	s28 =	sadd.s32 $0x10, s29  }
0x28c: {  	[hbm4b:s28+s30] =	stream.strided.scatter [tilespmem:s25], [sflag:$0x6], $0x400, s31, s30, $0x38;
	[tilespmem:$0x18A00] =	vst v63  }
0x28d: {  	s25 =	sadd.s32 $0x9200, s1;
	s28 =	sadd.s32 $0x20, s29  }
0x28e: {  	[hbm4b:s28+s30] =	stream.strided.scatter [tilespmem:s25], [sflag:$0x6], $0x400, s31, s30, $0x38;
	[tilespmem:$0x18A00] =	vst v63  }
0x28f: {  	s25 =	sadd.s32 $0x9600, s1;
	s28 =	sadd.s32 $0x30, s29  }
0x290: {  	[hbm4b:s28+s30] =	stream.strided.scatter [tilespmem:s25], [sflag:$0x6], $0x400, s31, s30, $0x38;
	[tilespmem:$0x18A00] =	vst v63  }
0x291: {  	s25 =	sadd.s32 $0x9A00, s1;
	s28 =	sadd.s32 $0x40, s29  }
0x292: {  	[hbm4b:s28+s30] =	stream.strided.scatter [tilespmem:s25], [sflag:$0x6], $0x400, s31, s30, $0x38;
	[tilespmem:$0x18A00] =	vst v63  }
.Ltmp4:
0x293: {  	s25 =	sadd.s32 $0x9E00, s1;
	s28 =	sadd.s32 $0x50, s29;
	(pc) =	sbr.rel @p0 .LBB2_10-.Ltmp4, $4  }
0x294: {  	[hbm4b:s28+s30] =	stream.strided.scatter [tilespmem:s25], [sflag:$0x6], $0x400, s31, s30, $0x38;
	[tilespmem:$0x18A00] =	vst v63  }
0x295: {  	s25 =	sadd.s32 $0xA200, s1;
	s28 =	sadd.s32 $0x60, s29;
	s1 =	sadd.s32 $0xA600, s1  }
0x296: {  	[hbm4b:s28+s30] =	stream.strided.scatter [tilespmem:s25], [sflag:$0x6], $0x400, s31, s30, $0x38;
	[tilespmem:$0x18A00] =	vst v63  }
0x297: {  	s28 =	sadd.s32 $0x70, s29;
	s29 =	sadd.s32 $0x400, s29;
	s25 =	smov.u32 s10  }
0x298: {  	[hbm4b:s28+s30] =	stream.strided.scatter [tilespmem:s1], [sflag:$0x6], $0x400, s31, s30, $0x38;
	[tilespmem:$0x18A00] =	vst v63  }
0x299: {  	s10 =	sadd.s32 $0x8A00, s26  }
0x29a: {  	[hbm4b:s29+s30] =	stream.strided.scatter [tilespmem:s10], [sflag:$0x6], $0x400, s31, s30, $0x38;
	[tilespmem:$0x18A00] =	vst v63  }
0x29b: {  	s25 =	sadd.s32 $0x8E00, s26;
	s10 =	sadd.s32 $0x10, s29  }
0x29c: {  	[hbm4b:s10+s30] =	stream.strided.scatter [tilespmem:s25], [sflag:$0x6], $0x400, s31, s30, $0x38;
	[tilespmem:$0x18A00] =	vst v63  }
0x29d: {  	s10 =	sadd.s32 $0x9200, s26;
	s25 =	sadd.s32 $0x20, s29  }
0x29e: {  	[hbm4b:s25+s30] =	stream.strided.scatter [tilespmem:s10], [sflag:$0x6], $0x400, s31, s30, $0x38;
	[tilespmem:$0x18A00] =	vst v63  }
0x29f: {  	s10 =	sadd.s32 $0x9600, s26;
	s25 =	sadd.s32 $0x30, s29  }
0x2a0: {  	[hbm4b:s25+s30] =	stream.strided.scatter [tilespmem:s10], [sflag:$0x6], $0x400, s31, s30, $0x38;
	[tilespmem:$0x18A00] =	vst v63  }
0x2a1: {  	s10 =	sadd.s32 $0x9A00, s26;
	s25 =	sadd.s32 $0x40, s29  }
0x2a2: {  	[hbm4b:s25+s30] =	stream.strided.scatter [tilespmem:s10], [sflag:$0x6], $0x400, s31, s30, $0x38;
	[tilespmem:$0x18A00] =	vst v63  }
0x2a3: {  	s10 =	sadd.s32 $0x9E00, s26;
	s25 =	sadd.s32 $0x50, s29  }
0x2a4: {  	[hbm4b:s25+s30] =	stream.strided.scatter [tilespmem:s10], [sflag:$0x6], $0x400, s31, s30, $0x38;
	[tilespmem:$0x18A00] =	vst v63  }
0x2a5: {  	s10 =	sadd.s32 $0xA200, s26;
	s25 =	sadd.s32 $0x60, s29  }
0x2a6: {  	[hbm4b:s25+s30] =	stream.strided.scatter [tilespmem:s10], [sflag:$0x6], $0x400, s31, s30, $0x38;
	[tilespmem:$0x18A00] =	vst v63  }
0x2a7: {  	s25 =	sadd.s32 $0xA600, s26;
	s26 =	sadd.s32 $0x70, s29  }
0x2a8: {  	[hbm4b:s26+s30] =	stream.strided.scatter [tilespmem:s25], [sflag:$0x6], $0x400, s31, s30, $0x38;
	[tilespmem:$0x18A00] =	vst v63  }
0x2a9: {  	s25 =	simm.s32 $0x6  }
0x2aa: {  	_ =	swait.ge [sflag:s25], $0x8000  }
0x2ab: {  	[sflag:s25] =	ssyncset.done $0x0  }
0x2ac: {  	[sflag:s25] =	ssyncadd.s32 $0xFFFF8000  }
0x2ad: {  	v3 =	vld [tilespmem:$0x580];
	_ =	sdelay $0x4  }
0x2ae: {  	v4 =	vshll.u32 v3, $0x3  }
0x2af: {  	v3 =	vand.u32 $0x7, v3;
	v4 =	vand.u32 $0xFFFFFFC0, v4  }
0x2b0: {  	v3 =	vor.u32 v3, v4  }
0x2b1: {  	v4 =	vperm.xlane v3, v0;
	_ =	sdelay $0x1  }
0x2b2: {  	v4 =	vadd.s32 v1, v4;
	_ =	sdelay $0x3  }
0x2b3: {  	s1 =	simm.s32 $0x0;
	s26 =	simm.s32 $0x8A00  }
0x2b4: {  	[tilespmem:s26], [sflag:$0x3] =	stream.indirect_vreg.gather [hbm4b:s3+s1], $0x80, v4, vm0, $0xb8;
	[tilespmem:$0x18A00] =	vst v63  }
0x2b5: {  	s25 =	simm.s32 $0x9200;
	v3 =	vperm.xlane v3, v2  }
0x2b6: {  	[tilespmem:s25], [sflag:$0x3] =	stream.indirect_vreg.gather [hbm4b:s6+s1], $0x80, v4, vm0, $0xb8;
	[tilespmem:$0x18A00] =	vst v63  }
0x2b7: {  	v3 =	vadd.s32 v1, v3;
	s26 =	simm.s32 $0x9A00  }
0x2b8: {  	[tilespmem:s26], [sflag:$0x3] =	stream.indirect_vreg.gather [hbm4b:s7+s1], $0x80, v4, vm0, $0xb8;
	[tilespmem:$0x18A00] =	vst v63  }
0x2b9: {  	s25 =	simm.s32 $0xA200  }
0x2ba: {  	[tilespmem:s25], [sflag:$0x3] =	stream.indirect_vreg.gather [hbm4b:s9+s1], $0x80, v4, vm0, $0xb8;
	[tilespmem:$0x18A00] =	vst v63  }
0x2bb: {  	s26 =	simm.s32 $0xAA00  }
0x2bc: {  	[tilespmem:s26], [sflag:$0x3] =	stream.indirect_vreg.gather [hbm4b:s3+s1], $0x80, v3, vm0, $0xb8;
	[tilespmem:$0x18A00] =	vst v63  }
0x2bd: {  	s25 =	simm.s32 $0xB200  }
0x2be: {  	[tilespmem:s25], [sflag:$0x3] =	stream.indirect_vreg.gather [hbm4b:s6+s1], $0x80, v3, vm0, $0xb8;
	[tilespmem:$0x18A00] =	vst v63  }
0x2bf: {  	s26 =	simm.s32 $0xBA00  }
0x2c0: {  	[tilespmem:s26], [sflag:$0x3] =	stream.indirect_vreg.gather [hbm4b:s7+s1], $0x80, v3, vm0, $0xb8;
	[tilespmem:$0x18A00] =	vst v63  }
0x2c1: {  	s25 =	simm.s32 $0xC200  }
0x2c2: {  	[tilespmem:s25], [sflag:$0x3] =	stream.indirect_vreg.gather [hbm4b:s9+s1], $0x80, v3, vm0, $0xb8;
	[tilespmem:$0x18A00] =	vst v63  }
0x2c3: {  	v3 =	vld [tilespmem:$0x590];
	_ =	sdelay $0x4  }
0x2c4: {  	v63 =	vshll.u32 v3, $0x3  }
0x2c5: {  	v3 =	vand.u32 $0x7, v3;
	v4 =	vand.u32 $0xFFFFFFC0, v63  }
0x2c6: {  	v3 =	vor.u32 v3, v4  }
0x2c7: {  	v4 =	vperm.xlane v3, v0;
	_ =	sdelay $0x1  }
0x2c8: {  	v4 =	vadd.s32 v1, v4;
	_ =	sdelay $0x3  }
0x2c9: {  	s26 =	simm.s32 $0xCA00  }
0x2ca: {  	[tilespmem:s26], [sflag:$0x3] =	stream.indirect_vreg.gather [hbm4b:s3+s1], $0x80, v4, vm0, $0xb8;
	[tilespmem:$0x18A00] =	vst v63  }
0x2cb: {  	s25 =	simm.s32 $0xD200;
	v3 =	vperm.xlane v3, v2  }
0x2cc: {  	[tilespmem:s25], [sflag:$0x3] =	stream.indirect_vreg.gather [hbm4b:s6+s1], $0x80, v4, vm0, $0xb8;
	[tilespmem:$0x18A00] =	vst v63  }
0x2cd: {  	v3 =	vadd.s32 v1, v3;
	s26 =	simm.s32 $0xDA00  }
0x2ce: {  	[tilespmem:s26], [sflag:$0x3] =	stream.indirect_vreg.gather [hbm4b:s7+s1], $0x80, v4, vm0, $0xb8;
	[tilespmem:$0x18A00] =	vst v63  }
0x2cf: {  	s25 =	simm.s32 $0xE200  }
0x2d0: {  	[tilespmem:s25], [sflag:$0x3] =	stream.indirect_vreg.gather [hbm4b:s9+s1], $0x80, v4, vm0, $0xb8;
	[tilespmem:$0x18A00] =	vst v63  }
0x2d1: {  	s26 =	simm.s32 $0xEA00  }
0x2d2: {  	[tilespmem:s26], [sflag:$0x3] =	stream.indirect_vreg.gather [hbm4b:s3+s1], $0x80, v3, vm0, $0xb8;
	[tilespmem:$0x18A00] =	vst v63  }
0x2d3: {  	s25 =	simm.s32 $0xF200  }
0x2d4: {  	[tilespmem:s25], [sflag:$0x3] =	stream.indirect_vreg.gather [hbm4b:s6+s1], $0x80, v3, vm0, $0xb8;
	[tilespmem:$0x18A00] =	vst v63  }
0x2d5: {  	s26 =	simm.s32 $0xFA00  }
0x2d6: {  	[tilespmem:s26], [sflag:$0x3] =	stream.indirect_vreg.gather [hbm4b:s7+s1], $0x80, v3, vm0, $0xb8;
	[tilespmem:$0x18A00] =	vst v63  }
0x2d7: {  	s25 =	simm.s32 $0x10200;
	s26 =	simm.s32 $0x4  }
0x2d8: {  	[tilespmem:s25], [sflag:$0x3] =	stream.indirect_vreg.gather [hbm4b:s9+s1], $0x80, v3, vm0, $0xb8;
	[tilespmem:$0x18A00] =	vst v63  }
0x2d9: {  	_ =	swait.ge [sflag:s26], $0x8000  }
0x2da: {  	[sflag:s26] =	ssyncset.done $0x0  }
0x2db: {  	s10 =	simm.s32 $0x10A00;
	[sflag:s26] =	ssyncadd.s32 $0xFFFF8000  }
0x2dc: {  	[hbm4b:s14+s30] =	stream.strided.scatter [tilespmem:s10], [sflag:$0x7], $0x400, s31, s30, $0x38;
	[tilespmem:$0x18A00] =	vst v63  }
0x2dd: {  	s25 =	simm.s32 $0x10E00;
	s26 =	sadd.s32 $0x10, s14  }
0x2de: {  	[hbm4b:s26+s30] =	stream.strided.scatter [tilespmem:s25], [sflag:$0x7], $0x400, s31, s30, $0x38;
	[tilespmem:$0x18A00] =	vst v63  }
0x2df: {  	s25 =	simm.s32 $0x11200;
	s26 =	sadd.s32 $0x20, s14  }
0x2e0: {  	[hbm4b:s26+s30] =	stream.strided.scatter [tilespmem:s25], [sflag:$0x7], $0x400, s31, s30, $0x38;
	[tilespmem:$0x18A00] =	vst v63  }
0x2e1: {  	s25 =	simm.s32 $0x11600;
	s26 =	sadd.s32 $0x30, s14  }
0x2e2: {  	[hbm4b:s26+s30] =	stream.strided.scatter [tilespmem:s25], [sflag:$0x7], $0x400, s31, s30, $0x38;
	[tilespmem:$0x18A00] =	vst v63  }
0x2e3: {  	s25 =	simm.s32 $0x11A00;
	s26 =	sadd.s32 $0x40, s14  }
0x2e4: {  	[hbm4b:s26+s30] =	stream.strided.scatter [tilespmem:s25], [sflag:$0x7], $0x400, s31, s30, $0x38;
	[tilespmem:$0x18A00] =	vst v63  }
0x2e5: {  	s28 =	sadd.s32 $0x70, s14;
	s25 =	simm.s32 $0x11E00;
	s26 =	sadd.s32 $0x50, s14  }
0x2e6: {  	[hbm4b:s26+s30] =	stream.strided.scatter [tilespmem:s25], [sflag:$0x7], $0x400, s31, s30, $0x38;
	[tilespmem:$0x18A00] =	vst v63  }
0x2e7: {  	s29 =	sadd.s32 $0x400, s14;
	s25 =	simm.s32 $0x12200;
	s26 =	sadd.s32 $0x60, s14  }
0x2e8: {  	[hbm4b:s26+s30] =	stream.strided.scatter [tilespmem:s25], [sflag:$0x7], $0x400, s31, s30, $0x38;
	[tilespmem:$0x18A00] =	vst v63  }
0x2e9: {  	s1 =	simm.s32 $0x12600;
	s26 =	simm.s32 $0x2000;
	s25 =	simm.s32 $0x10000  }
.LBB2_12:
0x2ea: {  	[hbm4b:s28+s30] =	stream.strided.scatter [tilespmem:s1], [sflag:$0x7], $0x400, s31, s30, $0x38;
	[tilespmem:$0x18A00] =	vst v63  }
0x2eb: {  	s1 =	smov.u32 s26;
	s10 =	smov.u32 s25  }
0x2ec: {  	s26 =	sshra.s32 s10, $0x2;
	s10 =	sadd.s32 $0x8000, s25;
	s28 =	sadd.s32 $0x10A00, s1  }
0x2ed: {  	[hbm4b:s29+s30] =	stream.strided.scatter [tilespmem:s28], [sflag:$0x7], $0x400, s31, s30, $0x38;
	[tilespmem:$0x18A00] =	vst v63  }
0x2ee: {  	p0 =	sne.s32 s25, $0x18000;
	s25 =	sadd.s32 $0x10E00, s1;
	s28 =	sadd.s32 $0x10, s29  }
0x2ef: {  	[hbm4b:s28+s30] =	stream.strided.scatter [tilespmem:s25], [sflag:$0x7], $0x400, s31, s30, $0x38;
	[tilespmem:$0x18A00] =	vst v63  }
0x2f0: {  	s25 =	sadd.s32 $0x11200, s1;
	s28 =	sadd.s32 $0x20, s29  }
0x2f1: {  	[hbm4b:s28+s30] =	stream.strided.scatter [tilespmem:s25], [sflag:$0x7], $0x400, s31, s30, $0x38;
	[tilespmem:$0x18A00] =	vst v63  }
0x2f2: {  	s25 =	sadd.s32 $0x11600, s1;
	s28 =	sadd.s32 $0x30, s29  }
0x2f3: {  	[hbm4b:s28+s30] =	stream.strided.scatter [tilespmem:s25], [sflag:$0x7], $0x400, s31, s30, $0x38;
	[tilespmem:$0x18A00] =	vst v63  }
0x2f4: {  	s25 =	sadd.s32 $0x11A00, s1;
	s28 =	sadd.s32 $0x40, s29  }
0x2f5: {  	[hbm4b:s28+s30] =	stream.strided.scatter [tilespmem:s25], [sflag:$0x7], $0x400, s31, s30, $0x38;
	[tilespmem:$0x18A00] =	vst v63  }
.Ltmp5:
0x2f6: {  	s25 =	sadd.s32 $0x11E00, s1;
	s28 =	sadd.s32 $0x50, s29;
	(pc) =	sbr.rel @p0 .LBB2_12-.Ltmp5, $4  }
0x2f7: {  	[hbm4b:s28+s30] =	stream.strided.scatter [tilespmem:s25], [sflag:$0x7], $0x400, s31, s30, $0x38;
	[tilespmem:$0x18A00] =	vst v63  }
0x2f8: {  	s25 =	sadd.s32 $0x12200, s1;
	s28 =	sadd.s32 $0x60, s29;
	s1 =	sadd.s32 $0x12600, s1  }
0x2f9: {  	[hbm4b:s28+s30] =	stream.strided.scatter [tilespmem:s25], [sflag:$0x7], $0x400, s31, s30, $0x38;
	[tilespmem:$0x18A00] =	vst v63  }
0x2fa: {  	s28 =	sadd.s32 $0x70, s29;
	s29 =	sadd.s32 $0x400, s29;
	s25 =	smov.u32 s10  }
0x2fb: {  	[hbm4b:s28+s30] =	stream.strided.scatter [tilespmem:s1], [sflag:$0x7], $0x400, s31, s30, $0x38;
	[tilespmem:$0x18A00] =	vst v63  }
0x2fc: {  	s10 =	sadd.s32 $0x10A00, s26  }
0x2fd: {  	[hbm4b:s29+s30] =	stream.strided.scatter [tilespmem:s10], [sflag:$0x7], $0x400, s31, s30, $0x38;
	[tilespmem:$0x18A00] =	vst v63  }
0x2fe: {  	s25 =	sadd.s32 $0x10E00, s26;
	s10 =	sadd.s32 $0x10, s29  }
0x2ff: {  	[hbm4b:s10+s30] =	stream.strided.scatter [tilespmem:s25], [sflag:$0x7], $0x400, s31, s30, $0x38;
	[tilespmem:$0x18A00] =	vst v63  }
0x300: {  	s10 =	sadd.s32 $0x11200, s26;
	s25 =	sadd.s32 $0x20, s29  }
0x301: {  	[hbm4b:s25+s30] =	stream.strided.scatter [tilespmem:s10], [sflag:$0x7], $0x400, s31, s30, $0x38;
	[tilespmem:$0x18A00] =	vst v63  }
0x302: {  	s10 =	sadd.s32 $0x11600, s26;
	s25 =	sadd.s32 $0x30, s29  }
0x303: {  	[hbm4b:s25+s30] =	stream.strided.scatter [tilespmem:s10], [sflag:$0x7], $0x400, s31, s30, $0x38;
	[tilespmem:$0x18A00] =	vst v63  }
0x304: {  	s10 =	sadd.s32 $0x11A00, s26;
	s25 =	sadd.s32 $0x40, s29  }
0x305: {  	[hbm4b:s25+s30] =	stream.strided.scatter [tilespmem:s10], [sflag:$0x7], $0x400, s31, s30, $0x38;
	[tilespmem:$0x18A00] =	vst v63  }
0x306: {  	s10 =	sadd.s32 $0x11E00, s26;
	s25 =	sadd.s32 $0x50, s29  }
0x307: {  	[hbm4b:s25+s30] =	stream.strided.scatter [tilespmem:s10], [sflag:$0x7], $0x400, s31, s30, $0x38;
	[tilespmem:$0x18A00] =	vst v63  }
0x308: {  	s10 =	sadd.s32 $0x12200, s26;
	s25 =	sadd.s32 $0x60, s29  }
0x309: {  	[hbm4b:s25+s30] =	stream.strided.scatter [tilespmem:s10], [sflag:$0x7], $0x400, s31, s30, $0x38;
	[tilespmem:$0x18A00] =	vst v63  }
0x30a: {  	s25 =	sadd.s32 $0x12600, s26;
	s26 =	sadd.s32 $0x70, s29;
	s10 =	simm.s32 $0x7  }
0x30b: {  	[hbm4b:s26+s30] =	stream.strided.scatter [tilespmem:s25], [sflag:$0x7], $0x400, s31, s30, $0x38;
	[tilespmem:$0x18A00] =	vst v63  }
0x30c: {  	_ =	swait.ge [sflag:s10], $0x8000  }
0x30d: {  	[sflag:s10] =	ssyncset.done $0x0  }
0x30e: {  	[sflag:s10] =	ssyncadd.s32 $0xFFFF8000  }
0x30f: {  	v3 =	vld [tilespmem:$0x600];
	_ =	sdelay $0x4  }
0x310: {  	v4 =	vshll.u32 v3, $0x3  }
0x311: {  	v3 =	vand.u32 $0x7, v3;
	v4 =	vand.u32 $0xFFFFFFC0, v4  }
0x312: {  	v3 =	vor.u32 v3, v4  }
0x313: {  	v4 =	vperm.xlane v3, v0;
	_ =	sdelay $0x1  }
0x314: {  	v4 =	vadd.s32 v1, v4;
	_ =	sdelay $0x3  }
0x315: {  	s1 =	simm.s32 $0x0;
	s25 =	simm.s32 $0x10A00  }
0x316: {  	[tilespmem:s25], [sflag:$0x4] =	stream.indirect_vreg.gather [hbm4b:s3+s1], $0x80, v4, vm0, $0xb8;
	[tilespmem:$0x18A00] =	vst v63  }
0x317: {  	s26 =	simm.s32 $0x11200;
	v3 =	vperm.xlane v3, v2  }
0x318: {  	[tilespmem:s26], [sflag:$0x4] =	stream.indirect_vreg.gather [hbm4b:s6+s1], $0x80, v4, vm0, $0xb8;
	[tilespmem:$0x18A00] =	vst v63  }
0x319: {  	v3 =	vadd.s32 v1, v3;
	s25 =	simm.s32 $0x11A00  }
0x31a: {  	[tilespmem:s25], [sflag:$0x4] =	stream.indirect_vreg.gather [hbm4b:s7+s1], $0x80, v4, vm0, $0xb8;
	[tilespmem:$0x18A00] =	vst v63  }
0x31b: {  	s26 =	simm.s32 $0x12200  }
0x31c: {  	[tilespmem:s26], [sflag:$0x4] =	stream.indirect_vreg.gather [hbm4b:s9+s1], $0x80, v4, vm0, $0xb8;
	[tilespmem:$0x18A00] =	vst v63  }
0x31d: {  	s25 =	simm.s32 $0x12A00  }
0x31e: {  	[tilespmem:s25], [sflag:$0x4] =	stream.indirect_vreg.gather [hbm4b:s3+s1], $0x80, v3, vm0, $0xb8;
	[tilespmem:$0x18A00] =	vst v63  }
0x31f: {  	s26 =	simm.s32 $0x13200  }
0x320: {  	[tilespmem:s26], [sflag:$0x4] =	stream.indirect_vreg.gather [hbm4b:s6+s1], $0x80, v3, vm0, $0xb8;
	[tilespmem:$0x18A00] =	vst v63  }
0x321: {  	s25 =	simm.s32 $0x13A00  }
0x322: {  	[tilespmem:s25], [sflag:$0x4] =	stream.indirect_vreg.gather [hbm4b:s7+s1], $0x80, v3, vm0, $0xb8;
	[tilespmem:$0x18A00] =	vst v63  }
0x323: {  	s26 =	simm.s32 $0x14200  }
0x324: {  	[tilespmem:s26], [sflag:$0x4] =	stream.indirect_vreg.gather [hbm4b:s9+s1], $0x80, v3, vm0, $0xb8;
	[tilespmem:$0x18A00] =	vst v63  }
0x325: {  	v3 =	vld [tilespmem:$0x610];
	_ =	sdelay $0x4  }
0x326: {  	v63 =	vshll.u32 v3, $0x3  }
0x327: {  	v3 =	vand.u32 $0x7, v3;
	v4 =	vand.u32 $0xFFFFFFC0, v63  }
0x328: {  	v3 =	vor.u32 v3, v4  }
0x329: {  	v4 =	vperm.xlane v3, v0;
	_ =	sdelay $0x1  }
0x32a: {  	v4 =	vadd.s32 v1, v4;
	_ =	sdelay $0x3  }
0x32b: {  	s25 =	simm.s32 $0x14A00  }
0x32c: {  	[tilespmem:s25], [sflag:$0x4] =	stream.indirect_vreg.gather [hbm4b:s3+s1], $0x80, v4, vm0, $0xb8;
	[tilespmem:$0x18A00] =	vst v63  }
0x32d: {  	s26 =	simm.s32 $0x15200;
	v3 =	vperm.xlane v3, v2  }
0x32e: {  	[tilespmem:s26], [sflag:$0x4] =	stream.indirect_vreg.gather [hbm4b:s6+s1], $0x80, v4, vm0, $0xb8;
	[tilespmem:$0x18A00] =	vst v63  }
0x32f: {  	v3 =	vadd.s32 v1, v3;
	s25 =	simm.s32 $0x15A00  }
0x330: {  	[tilespmem:s25], [sflag:$0x4] =	stream.indirect_vreg.gather [hbm4b:s7+s1], $0x80, v4, vm0, $0xb8;
	[tilespmem:$0x18A00] =	vst v63  }
0x331: {  	s26 =	simm.s32 $0x16200  }
0x332: {  	[tilespmem:s26], [sflag:$0x4] =	stream.indirect_vreg.gather [hbm4b:s9+s1], $0x80, v4, vm0, $0xb8;
	[tilespmem:$0x18A00] =	vst v63  }
0x333: {  	s25 =	simm.s32 $0x16A00  }
0x334: {  	[tilespmem:s25], [sflag:$0x4] =	stream.indirect_vreg.gather [hbm4b:s3+s1], $0x80, v3, vm0, $0xb8;
	[tilespmem:$0x18A00] =	vst v63  }
0x335: {  	s26 =	simm.s32 $0x17200  }
0x336: {  	[tilespmem:s26], [sflag:$0x4] =	stream.indirect_vreg.gather [hbm4b:s6+s1], $0x80, v3, vm0, $0xb8;
	[tilespmem:$0x18A00] =	vst v63  }
0x337: {  	s25 =	simm.s32 $0x17A00  }
0x338: {  	[tilespmem:s25], [sflag:$0x4] =	stream.indirect_vreg.gather [hbm4b:s7+s1], $0x80, v3, vm0, $0xb8;
	[tilespmem:$0x18A00] =	vst v63  }
0x339: {  	s26 =	simm.s32 $0x18200  }
0x33a: {  	[tilespmem:s26], [sflag:$0x4] =	stream.indirect_vreg.gather [hbm4b:s9+s1], $0x80, v3, vm0, $0xb8;
	[tilespmem:$0x18A00] =	vst v63  }
0x33b: {  	_ =	swait.ge [sflag:s0], $0x8000  }
0x33c: {  	[sflag:s0] =	ssyncset.done $0x0  }
0x33d: {  	s10 =	simm.s32 $0xA00;
	[sflag:s0] =	ssyncadd.s32 $0xFFFF8000  }
0x33e: {  	[hbm4b:s15+s30] =	stream.strided.scatter [tilespmem:s10], [sflag:$0x5], $0x400, s31, s30, $0x38;
	[tilespmem:$0x18A00] =	vst v63  }
0x33f: {  	s25 =	simm.s32 $0xE00;
	s26 =	sadd.s32 $0x10, s15  }
0x340: {  	[hbm4b:s26+s30] =	stream.strided.scatter [tilespmem:s25], [sflag:$0x5], $0x400, s31, s30, $0x38;
	[tilespmem:$0x18A00] =	vst v63  }
0x341: {  	s25 =	simm.s32 $0x1200;
	s26 =	sadd.s32 $0x20, s15  }
0x342: {  	[hbm4b:s26+s30] =	stream.strided.scatter [tilespmem:s25], [sflag:$0x5], $0x400, s31, s30, $0x38;
	[tilespmem:$0x18A00] =	vst v63  }
0x343: {  	s25 =	simm.s32 $0x1600;
	s26 =	sadd.s32 $0x30, s15  }
0x344: {  	[hbm4b:s26+s30] =	stream.strided.scatter [tilespmem:s25], [sflag:$0x5], $0x400, s31, s30, $0x38;
	[tilespmem:$0x18A00] =	vst v63  }
0x345: {  	s25 =	simm.s32 $0x1A00;
	s26 =	sadd.s32 $0x40, s15  }
0x346: {  	[hbm4b:s26+s30] =	stream.strided.scatter [tilespmem:s25], [sflag:$0x5], $0x400, s31, s30, $0x38;
	[tilespmem:$0x18A00] =	vst v63  }
0x347: {  	s28 =	sadd.s32 $0x70, s15;
	s25 =	simm.s32 $0x1E00;
	s26 =	sadd.s32 $0x50, s15  }
0x348: {  	[hbm4b:s26+s30] =	stream.strided.scatter [tilespmem:s25], [sflag:$0x5], $0x400, s31, s30, $0x38;
	[tilespmem:$0x18A00] =	vst v63  }
0x349: {  	s29 =	sadd.s32 $0x400, s15;
	s25 =	simm.s32 $0x2200;
	s26 =	sadd.s32 $0x60, s15  }
0x34a: {  	[hbm4b:s26+s30] =	stream.strided.scatter [tilespmem:s25], [sflag:$0x5], $0x400, s31, s30, $0x38;
	[tilespmem:$0x18A00] =	vst v63  }
0x34b: {  	s1 =	simm.s32 $0x2600;
	s26 =	simm.s32 $0x2000;
	s25 =	simm.s32 $0x10000  }
.LBB2_14:
0x34c: {  	[hbm4b:s28+s30] =	stream.strided.scatter [tilespmem:s1], [sflag:$0x5], $0x400, s31, s30, $0x38;
	[tilespmem:$0x18A00] =	vst v63  }
0x34d: {  	s1 =	smov.u32 s26;
	s10 =	smov.u32 s25  }
0x34e: {  	s26 =	sshra.s32 s10, $0x2;
	s10 =	sadd.s32 $0x8000, s25;
	s28 =	sadd.s32 $0xA00, s1  }
0x34f: {  	[hbm4b:s29+s30] =	stream.strided.scatter [tilespmem:s28], [sflag:$0x5], $0x400, s31, s30, $0x38;
	[tilespmem:$0x18A00] =	vst v63  }
0x350: {  	p0 =	sne.s32 s25, $0x18000;
	s25 =	sadd.s32 $0xE00, s1;
	s28 =	sadd.s32 $0x10, s29  }
0x351: {  	[hbm4b:s28+s30] =	stream.strided.scatter [tilespmem:s25], [sflag:$0x5], $0x400, s31, s30, $0x38;
	[tilespmem:$0x18A00] =	vst v63  }
0x352: {  	s25 =	sadd.s32 $0x1200, s1;
	s28 =	sadd.s32 $0x20, s29  }
0x353: {  	[hbm4b:s28+s30] =	stream.strided.scatter [tilespmem:s25], [sflag:$0x5], $0x400, s31, s30, $0x38;
	[tilespmem:$0x18A00] =	vst v63  }
0x354: {  	s25 =	sadd.s32 $0x1600, s1;
	s28 =	sadd.s32 $0x30, s29  }
0x355: {  	[hbm4b:s28+s30] =	stream.strided.scatter [tilespmem:s25], [sflag:$0x5], $0x400, s31, s30, $0x38;
	[tilespmem:$0x18A00] =	vst v63  }
0x356: {  	s25 =	sadd.s32 $0x1A00, s1;
	s28 =	sadd.s32 $0x40, s29  }
0x357: {  	[hbm4b:s28+s30] =	stream.strided.scatter [tilespmem:s25], [sflag:$0x5], $0x400, s31, s30, $0x38;
	[tilespmem:$0x18A00] =	vst v63  }
.Ltmp6:
0x358: {  	s25 =	sadd.s32 $0x1E00, s1;
	s28 =	sadd.s32 $0x50, s29;
	(pc) =	sbr.rel @p0 .LBB2_14-.Ltmp6, $4  }
0x359: {  	[hbm4b:s28+s30] =	stream.strided.scatter [tilespmem:s25], [sflag:$0x5], $0x400, s31, s30, $0x38;
	[tilespmem:$0x18A00] =	vst v63  }
0x35a: {  	s25 =	sadd.s32 $0x2200, s1;
	s28 =	sadd.s32 $0x60, s29;
	s1 =	sadd.s32 $0x2600, s1  }
0x35b: {  	[hbm4b:s28+s30] =	stream.strided.scatter [tilespmem:s25], [sflag:$0x5], $0x400, s31, s30, $0x38;
	[tilespmem:$0x18A00] =	vst v63  }
0x35c: {  	s28 =	sadd.s32 $0x70, s29;
	s29 =	sadd.s32 $0x400, s29;
	s25 =	smov.u32 s10  }
0x35d: {  	[hbm4b:s28+s30] =	stream.strided.scatter [tilespmem:s1], [sflag:$0x5], $0x400, s31, s30, $0x38;
	[tilespmem:$0x18A00] =	vst v63  }
0x35e: {  	s10 =	sadd.s32 $0xA00, s26  }
0x35f: {  	[hbm4b:s29+s30] =	stream.strided.scatter [tilespmem:s10], [sflag:$0x5], $0x400, s31, s30, $0x38;
	[tilespmem:$0x18A00] =	vst v63  }
0x360: {  	s25 =	sadd.s32 $0xE00, s26;
	s10 =	sadd.s32 $0x10, s29  }
0x361: {  	[hbm4b:s10+s30] =	stream.strided.scatter [tilespmem:s25], [sflag:$0x5], $0x400, s31, s30, $0x38;
	[tilespmem:$0x18A00] =	vst v63  }
0x362: {  	s10 =	sadd.s32 $0x1200, s26;
	s25 =	sadd.s32 $0x20, s29  }
0x363: {  	[hbm4b:s25+s30] =	stream.strided.scatter [tilespmem:s10], [sflag:$0x5], $0x400, s31, s30, $0x38;
	[tilespmem:$0x18A00] =	vst v63  }
0x364: {  	s10 =	sadd.s32 $0x1600, s26;
	s25 =	sadd.s32 $0x30, s29  }
0x365: {  	[hbm4b:s25+s30] =	stream.strided.scatter [tilespmem:s10], [sflag:$0x5], $0x400, s31, s30, $0x38;
	[tilespmem:$0x18A00] =	vst v63  }
0x366: {  	s10 =	sadd.s32 $0x1A00, s26;
	s25 =	sadd.s32 $0x40, s29  }
0x367: {  	[hbm4b:s25+s30] =	stream.strided.scatter [tilespmem:s10], [sflag:$0x5], $0x400, s31, s30, $0x38;
	[tilespmem:$0x18A00] =	vst v63  }
0x368: {  	s10 =	sadd.s32 $0x1E00, s26;
	s25 =	sadd.s32 $0x50, s29  }
0x369: {  	[hbm4b:s25+s30] =	stream.strided.scatter [tilespmem:s10], [sflag:$0x5], $0x400, s31, s30, $0x38;
	[tilespmem:$0x18A00] =	vst v63  }
0x36a: {  	s10 =	sadd.s32 $0x2200, s26;
	s25 =	sadd.s32 $0x60, s29  }
0x36b: {  	[hbm4b:s25+s30] =	stream.strided.scatter [tilespmem:s10], [sflag:$0x5], $0x400, s31, s30, $0x38;
	[tilespmem:$0x18A00] =	vst v63  }
0x36c: {  	s10 =	sadd.s32 $0x2600, s26;
	s25 =	sadd.s32 $0x70, s29  }
0x36d: {  	[hbm4b:s25+s30] =	stream.strided.scatter [tilespmem:s10], [sflag:$0x5], $0x400, s31, s30, $0x38;
	[tilespmem:$0x18A00] =	vst v63  }
0x36e: {  	_ =	swait.ge [sflag:s5], $0x8000  }
0x36f: {  	[sflag:s5] =	ssyncset.done $0x0  }
0x370: {  	[sflag:s5] =	ssyncadd.s32 $0xFFFF8000  }
0x371: {  	v3 =	vld [tilespmem:$0x680];
	_ =	sdelay $0x4  }
0x372: {  	v4 =	vshll.u32 v3, $0x3  }
0x373: {  	v3 =	vand.u32 $0x7, v3;
	v4 =	vand.u32 $0xFFFFFFC0, v4  }
0x374: {  	v3 =	vor.u32 v3, v4  }
0x375: {  	v4 =	vperm.xlane v3, v0;
	_ =	sdelay $0x1  }
0x376: {  	v4 =	vadd.s32 v1, v4;
	_ =	sdelay $0x3  }
0x377: {  	s1 =	simm.s32 $0x0;
	s26 =	simm.s32 $0xA00  }
0x378: {  	[tilespmem:s26], [sflag:$0x2] =	stream.indirect_vreg.gather [hbm4b:s3+s1], $0x80, v4, vm0, $0xb8;
	[tilespmem:$0x18A00] =	vst v63  }
0x379: {  	s25 =	simm.s32 $0x1200;
	v3 =	vperm.xlane v3, v2  }
0x37a: {  	[tilespmem:s25], [sflag:$0x2] =	stream.indirect_vreg.gather [hbm4b:s6+s1], $0x80, v4, vm0, $0xb8;
	[tilespmem:$0x18A00] =	vst v63  }
0x37b: {  	v3 =	vadd.s32 v1, v3;
	s26 =	simm.s32 $0x1A00  }
0x37c: {  	[tilespmem:s26], [sflag:$0x2] =	stream.indirect_vreg.gather [hbm4b:s7+s1], $0x80, v4, vm0, $0xb8;
	[tilespmem:$0x18A00] =	vst v63  }
0x37d: {  	s25 =	simm.s32 $0x2200  }
0x37e: {  	[tilespmem:s25], [sflag:$0x2] =	stream.indirect_vreg.gather [hbm4b:s9+s1], $0x80, v4, vm0, $0xb8;
	[tilespmem:$0x18A00] =	vst v63  }
0x37f: {  	s26 =	simm.s32 $0x2A00  }
0x380: {  	[tilespmem:s26], [sflag:$0x2] =	stream.indirect_vreg.gather [hbm4b:s3+s1], $0x80, v3, vm0, $0xb8;
	[tilespmem:$0x18A00] =	vst v63  }
0x381: {  	s25 =	simm.s32 $0x3200  }
0x382: {  	[tilespmem:s25], [sflag:$0x2] =	stream.indirect_vreg.gather [hbm4b:s6+s1], $0x80, v3, vm0, $0xb8;
	[tilespmem:$0x18A00] =	vst v63  }
0x383: {  	s26 =	simm.s32 $0x3A00  }
0x384: {  	[tilespmem:s26], [sflag:$0x2] =	stream.indirect_vreg.gather [hbm4b:s7+s1], $0x80, v3, vm0, $0xb8;
	[tilespmem:$0x18A00] =	vst v63  }
0x385: {  	s25 =	simm.s32 $0x4200  }
0x386: {  	[tilespmem:s25], [sflag:$0x2] =	stream.indirect_vreg.gather [hbm4b:s9+s1], $0x80, v3, vm0, $0xb8;
	[tilespmem:$0x18A00] =	vst v63  }
0x387: {  	v3 =	vld [tilespmem:$0x690];
	_ =	sdelay $0x4  }
0x388: {  	v63 =	vshll.u32 v3, $0x3  }
0x389: {  	v3 =	vand.u32 $0x7, v3;
	v4 =	vand.u32 $0xFFFFFFC0, v63  }
0x38a: {  	v3 =	vor.u32 v3, v4  }
0x38b: {  	v4 =	vperm.xlane v3, v0;
	_ =	sdelay $0x1  }
0x38c: {  	v4 =	vadd.s32 v1, v4;
	_ =	sdelay $0x3  }
0x38d: {  	s26 =	simm.s32 $0x4A00  }
0x38e: {  	[tilespmem:s26], [sflag:$0x2] =	stream.indirect_vreg.gather [hbm4b:s3+s1], $0x80, v4, vm0, $0xb8;
	[tilespmem:$0x18A00] =	vst v63  }
0x38f: {  	s25 =	simm.s32 $0x5200;
	v3 =	vperm.xlane v3, v2  }
0x390: {  	[tilespmem:s25], [sflag:$0x2] =	stream.indirect_vreg.gather [hbm4b:s6+s1], $0x80, v4, vm0, $0xb8;
	[tilespmem:$0x18A00] =	vst v63  }
0x391: {  	v3 =	vadd.s32 v1, v3;
	s26 =	simm.s32 $0x5A00  }
0x392: {  	[tilespmem:s26], [sflag:$0x2] =	stream.indirect_vreg.gather [hbm4b:s7+s1], $0x80, v4, vm0, $0xb8;
	[tilespmem:$0x18A00] =	vst v63  }
0x393: {  	s25 =	simm.s32 $0x6200  }
0x394: {  	[tilespmem:s25], [sflag:$0x2] =	stream.indirect_vreg.gather [hbm4b:s9+s1], $0x80, v4, vm0, $0xb8;
	[tilespmem:$0x18A00] =	vst v63  }
0x395: {  	s26 =	simm.s32 $0x6A00  }
0x396: {  	[tilespmem:s26], [sflag:$0x2] =	stream.indirect_vreg.gather [hbm4b:s3+s1], $0x80, v3, vm0, $0xb8;
	[tilespmem:$0x18A00] =	vst v63  }
0x397: {  	s25 =	simm.s32 $0x7200  }
0x398: {  	[tilespmem:s25], [sflag:$0x2] =	stream.indirect_vreg.gather [hbm4b:s6+s1], $0x80, v3, vm0, $0xb8;
	[tilespmem:$0x18A00] =	vst v63  }
0x399: {  	s26 =	simm.s32 $0x7A00  }
0x39a: {  	[tilespmem:s26], [sflag:$0x2] =	stream.indirect_vreg.gather [hbm4b:s7+s1], $0x80, v3, vm0, $0xb8;
	[tilespmem:$0x18A00] =	vst v63  }
0x39b: {  	s25 =	simm.s32 $0x8200;
	s26 =	simm.s32 $0x3  }
0x39c: {  	[tilespmem:s25], [sflag:$0x2] =	stream.indirect_vreg.gather [hbm4b:s9+s1], $0x80, v3, vm0, $0xb8;
	[tilespmem:$0x18A00] =	vst v63  }
0x39d: {  	_ =	swait.ge [sflag:s26], $0x8000  }
0x39e: {  	[sflag:s26] =	ssyncset.done $0x0  }
0x39f: {  	s10 =	simm.s32 $0x8A00;
	[sflag:s26] =	ssyncadd.s32 $0xFFFF8000  }
0x3a0: {  	[hbm4b:s16+s30] =	stream.strided.scatter [tilespmem:s10], [sflag:$0x6], $0x400, s31, s30, $0x38;
	[tilespmem:$0x18A00] =	vst v63  }
0x3a1: {  	s25 =	simm.s32 $0x8E00;
	s26 =	sadd.s32 $0x10, s16  }
0x3a2: {  	[hbm4b:s26+s30] =	stream.strided.scatter [tilespmem:s25], [sflag:$0x6], $0x400, s31, s30, $0x38;
	[tilespmem:$0x18A00] =	vst v63  }
0x3a3: {  	s25 =	simm.s32 $0x9200;
	s26 =	sadd.s32 $0x20, s16  }
0x3a4: {  	[hbm4b:s26+s30] =	stream.strided.scatter [tilespmem:s25], [sflag:$0x6], $0x400, s31, s30, $0x38;
	[tilespmem:$0x18A00] =	vst v63  }
0x3a5: {  	s25 =	simm.s32 $0x9600;
	s26 =	sadd.s32 $0x30, s16  }
0x3a6: {  	[hbm4b:s26+s30] =	stream.strided.scatter [tilespmem:s25], [sflag:$0x6], $0x400, s31, s30, $0x38;
	[tilespmem:$0x18A00] =	vst v63  }
0x3a7: {  	s25 =	simm.s32 $0x9A00;
	s26 =	sadd.s32 $0x40, s16  }
0x3a8: {  	[hbm4b:s26+s30] =	stream.strided.scatter [tilespmem:s25], [sflag:$0x6], $0x400, s31, s30, $0x38;
	[tilespmem:$0x18A00] =	vst v63  }
0x3a9: {  	s28 =	sadd.s32 $0x70, s16;
	s25 =	simm.s32 $0x9E00;
	s26 =	sadd.s32 $0x50, s16  }
0x3aa: {  	[hbm4b:s26+s30] =	stream.strided.scatter [tilespmem:s25], [sflag:$0x6], $0x400, s31, s30, $0x38;
	[tilespmem:$0x18A00] =	vst v63  }
0x3ab: {  	s29 =	sadd.s32 $0x400, s16;
	s25 =	simm.s32 $0xA200;
	s26 =	sadd.s32 $0x60, s16  }
0x3ac: {  	[hbm4b:s26+s30] =	stream.strided.scatter [tilespmem:s25], [sflag:$0x6], $0x400, s31, s30, $0x38;
	[tilespmem:$0x18A00] =	vst v63  }
0x3ad: {  	s1 =	simm.s32 $0xA600;
	s26 =	simm.s32 $0x2000;
	s25 =	simm.s32 $0x10000  }
.LBB2_16:
0x3ae: {  	[hbm4b:s28+s30] =	stream.strided.scatter [tilespmem:s1], [sflag:$0x6], $0x400, s31, s30, $0x38;
	[tilespmem:$0x18A00] =	vst v63  }
0x3af: {  	s1 =	smov.u32 s26;
	s10 =	smov.u32 s25  }
0x3b0: {  	s26 =	sshra.s32 s10, $0x2;
	s10 =	sadd.s32 $0x8000, s25;
	s28 =	sadd.s32 $0x8A00, s1  }
0x3b1: {  	[hbm4b:s29+s30] =	stream.strided.scatter [tilespmem:s28], [sflag:$0x6], $0x400, s31, s30, $0x38;
	[tilespmem:$0x18A00] =	vst v63  }
0x3b2: {  	p0 =	sne.s32 s25, $0x18000;
	s25 =	sadd.s32 $0x8E00, s1;
	s28 =	sadd.s32 $0x10, s29  }
0x3b3: {  	[hbm4b:s28+s30] =	stream.strided.scatter [tilespmem:s25], [sflag:$0x6], $0x400, s31, s30, $0x38;
	[tilespmem:$0x18A00] =	vst v63  }
0x3b4: {  	s25 =	sadd.s32 $0x9200, s1;
	s28 =	sadd.s32 $0x20, s29  }
0x3b5: {  	[hbm4b:s28+s30] =	stream.strided.scatter [tilespmem:s25], [sflag:$0x6], $0x400, s31, s30, $0x38;
	[tilespmem:$0x18A00] =	vst v63  }
0x3b6: {  	s25 =	sadd.s32 $0x9600, s1;
	s28 =	sadd.s32 $0x30, s29  }
0x3b7: {  	[hbm4b:s28+s30] =	stream.strided.scatter [tilespmem:s25], [sflag:$0x6], $0x400, s31, s30, $0x38;
	[tilespmem:$0x18A00] =	vst v63  }
0x3b8: {  	s25 =	sadd.s32 $0x9A00, s1;
	s28 =	sadd.s32 $0x40, s29  }
0x3b9: {  	[hbm4b:s28+s30] =	stream.strided.scatter [tilespmem:s25], [sflag:$0x6], $0x400, s31, s30, $0x38;
	[tilespmem:$0x18A00] =	vst v63  }
.Ltmp7:
0x3ba: {  	s25 =	sadd.s32 $0x9E00, s1;
	s28 =	sadd.s32 $0x50, s29;
	(pc) =	sbr.rel @p0 .LBB2_16-.Ltmp7, $4  }
0x3bb: {  	[hbm4b:s28+s30] =	stream.strided.scatter [tilespmem:s25], [sflag:$0x6], $0x400, s31, s30, $0x38;
	[tilespmem:$0x18A00] =	vst v63  }
0x3bc: {  	s25 =	sadd.s32 $0xA200, s1;
	s28 =	sadd.s32 $0x60, s29;
	s1 =	sadd.s32 $0xA600, s1  }
0x3bd: {  	[hbm4b:s28+s30] =	stream.strided.scatter [tilespmem:s25], [sflag:$0x6], $0x400, s31, s30, $0x38;
	[tilespmem:$0x18A00] =	vst v63  }
0x3be: {  	s28 =	sadd.s32 $0x70, s29;
	s29 =	sadd.s32 $0x400, s29;
	s25 =	smov.u32 s10  }
0x3bf: {  	[hbm4b:s28+s30] =	stream.strided.scatter [tilespmem:s1], [sflag:$0x6], $0x400, s31, s30, $0x38;
	[tilespmem:$0x18A00] =	vst v63  }
0x3c0: {  	s10 =	sadd.s32 $0x8A00, s26  }
0x3c1: {  	[hbm4b:s29+s30] =	stream.strided.scatter [tilespmem:s10], [sflag:$0x6], $0x400, s31, s30, $0x38;
	[tilespmem:$0x18A00] =	vst v63  }
0x3c2: {  	s25 =	sadd.s32 $0x8E00, s26;
	s10 =	sadd.s32 $0x10, s29  }
0x3c3: {  	[hbm4b:s10+s30] =	stream.strided.scatter [tilespmem:s25], [sflag:$0x6], $0x400, s31, s30, $0x38;
	[tilespmem:$0x18A00] =	vst v63  }
0x3c4: {  	s10 =	sadd.s32 $0x9200, s26;
	s25 =	sadd.s32 $0x20, s29  }
0x3c5: {  	[hbm4b:s25+s30] =	stream.strided.scatter [tilespmem:s10], [sflag:$0x6], $0x400, s31, s30, $0x38;
	[tilespmem:$0x18A00] =	vst v63  }
0x3c6: {  	s10 =	sadd.s32 $0x9600, s26;
	s25 =	sadd.s32 $0x30, s29  }
0x3c7: {  	[hbm4b:s25+s30] =	stream.strided.scatter [tilespmem:s10], [sflag:$0x6], $0x400, s31, s30, $0x38;
	[tilespmem:$0x18A00] =	vst v63  }
0x3c8: {  	s10 =	sadd.s32 $0x9A00, s26;
	s25 =	sadd.s32 $0x40, s29  }
0x3c9: {  	[hbm4b:s25+s30] =	stream.strided.scatter [tilespmem:s10], [sflag:$0x6], $0x400, s31, s30, $0x38;
	[tilespmem:$0x18A00] =	vst v63  }
0x3ca: {  	s10 =	sadd.s32 $0x9E00, s26;
	s25 =	sadd.s32 $0x50, s29  }
0x3cb: {  	[hbm4b:s25+s30] =	stream.strided.scatter [tilespmem:s10], [sflag:$0x6], $0x400, s31, s30, $0x38;
	[tilespmem:$0x18A00] =	vst v63  }
0x3cc: {  	s10 =	sadd.s32 $0xA200, s26;
	s25 =	sadd.s32 $0x60, s29  }
0x3cd: {  	[hbm4b:s25+s30] =	stream.strided.scatter [tilespmem:s10], [sflag:$0x6], $0x400, s31, s30, $0x38;
	[tilespmem:$0x18A00] =	vst v63  }
0x3ce: {  	s25 =	sadd.s32 $0xA600, s26;
	s26 =	sadd.s32 $0x70, s29  }
0x3cf: {  	[hbm4b:s26+s30] =	stream.strided.scatter [tilespmem:s25], [sflag:$0x6], $0x400, s31, s30, $0x38;
	[tilespmem:$0x18A00] =	vst v63  }
0x3d0: {  	s25 =	simm.s32 $0x6  }
0x3d1: {  	_ =	swait.ge [sflag:s25], $0x8000  }
0x3d2: {  	[sflag:s25] =	ssyncset.done $0x0  }
0x3d3: {  	[sflag:s25] =	ssyncadd.s32 $0xFFFF8000  }
0x3d4: {  	v3 =	vld [tilespmem:$0x700];
	_ =	sdelay $0x4  }
0x3d5: {  	v4 =	vshll.u32 v3, $0x3  }
0x3d6: {  	v3 =	vand.u32 $0x7, v3;
	v4 =	vand.u32 $0xFFFFFFC0, v4  }
0x3d7: {  	v3 =	vor.u32 v3, v4  }
0x3d8: {  	v4 =	vperm.xlane v3, v0;
	_ =	sdelay $0x1  }
0x3d9: {  	v4 =	vadd.s32 v1, v4;
	_ =	sdelay $0x3  }
0x3da: {  	s1 =	simm.s32 $0x0;
	s26 =	simm.s32 $0x8A00  }
0x3db: {  	[tilespmem:s26], [sflag:$0x3] =	stream.indirect_vreg.gather [hbm4b:s3+s1], $0x80, v4, vm0, $0xb8;
	[tilespmem:$0x18A00] =	vst v63  }
0x3dc: {  	s25 =	simm.s32 $0x9200;
	v3 =	vperm.xlane v3, v2  }
0x3dd: {  	[tilespmem:s25], [sflag:$0x3] =	stream.indirect_vreg.gather [hbm4b:s6+s1], $0x80, v4, vm0, $0xb8;
	[tilespmem:$0x18A00] =	vst v63  }
0x3de: {  	v3 =	vadd.s32 v1, v3;
	s26 =	simm.s32 $0x9A00  }
0x3df: {  	[tilespmem:s26], [sflag:$0x3] =	stream.indirect_vreg.gather [hbm4b:s7+s1], $0x80, v4, vm0, $0xb8;
	[tilespmem:$0x18A00] =	vst v63  }
0x3e0: {  	s25 =	simm.s32 $0xA200  }
0x3e1: {  	[tilespmem:s25], [sflag:$0x3] =	stream.indirect_vreg.gather [hbm4b:s9+s1], $0x80, v4, vm0, $0xb8;
	[tilespmem:$0x18A00] =	vst v63  }
0x3e2: {  	s26 =	simm.s32 $0xAA00  }
0x3e3: {  	[tilespmem:s26], [sflag:$0x3] =	stream.indirect_vreg.gather [hbm4b:s3+s1], $0x80, v3, vm0, $0xb8;
	[tilespmem:$0x18A00] =	vst v63  }
0x3e4: {  	s25 =	simm.s32 $0xB200  }
0x3e5: {  	[tilespmem:s25], [sflag:$0x3] =	stream.indirect_vreg.gather [hbm4b:s6+s1], $0x80, v3, vm0, $0xb8;
	[tilespmem:$0x18A00] =	vst v63  }
0x3e6: {  	s26 =	simm.s32 $0xBA00  }
0x3e7: {  	[tilespmem:s26], [sflag:$0x3] =	stream.indirect_vreg.gather [hbm4b:s7+s1], $0x80, v3, vm0, $0xb8;
	[tilespmem:$0x18A00] =	vst v63  }
0x3e8: {  	s25 =	simm.s32 $0xC200  }
0x3e9: {  	[tilespmem:s25], [sflag:$0x3] =	stream.indirect_vreg.gather [hbm4b:s9+s1], $0x80, v3, vm0, $0xb8;
	[tilespmem:$0x18A00] =	vst v63  }
0x3ea: {  	v3 =	vld [tilespmem:$0x710];
	_ =	sdelay $0x4  }
0x3eb: {  	v63 =	vshll.u32 v3, $0x3  }
0x3ec: {  	v3 =	vand.u32 $0x7, v3;
	v4 =	vand.u32 $0xFFFFFFC0, v63  }
0x3ed: {  	v3 =	vor.u32 v3, v4  }
0x3ee: {  	v4 =	vperm.xlane v3, v0;
	_ =	sdelay $0x1  }
0x3ef: {  	v4 =	vadd.s32 v1, v4;
	_ =	sdelay $0x3  }
0x3f0: {  	s26 =	simm.s32 $0xCA00  }
0x3f1: {  	[tilespmem:s26], [sflag:$0x3] =	stream.indirect_vreg.gather [hbm4b:s3+s1], $0x80, v4, vm0, $0xb8;
	[tilespmem:$0x18A00] =	vst v63  }
0x3f2: {  	s25 =	simm.s32 $0xD200;
	v3 =	vperm.xlane v3, v2  }
0x3f3: {  	[tilespmem:s25], [sflag:$0x3] =	stream.indirect_vreg.gather [hbm4b:s6+s1], $0x80, v4, vm0, $0xb8;
	[tilespmem:$0x18A00] =	vst v63  }
0x3f4: {  	v3 =	vadd.s32 v1, v3;
	s26 =	simm.s32 $0xDA00  }
0x3f5: {  	[tilespmem:s26], [sflag:$0x3] =	stream.indirect_vreg.gather [hbm4b:s7+s1], $0x80, v4, vm0, $0xb8;
	[tilespmem:$0x18A00] =	vst v63  }
0x3f6: {  	s25 =	simm.s32 $0xE200  }
0x3f7: {  	[tilespmem:s25], [sflag:$0x3] =	stream.indirect_vreg.gather [hbm4b:s9+s1], $0x80, v4, vm0, $0xb8;
	[tilespmem:$0x18A00] =	vst v63  }
0x3f8: {  	s26 =	simm.s32 $0xEA00  }
0x3f9: {  	[tilespmem:s26], [sflag:$0x3] =	stream.indirect_vreg.gather [hbm4b:s3+s1], $0x80, v3, vm0, $0xb8;
	[tilespmem:$0x18A00] =	vst v63  }
0x3fa: {  	s25 =	simm.s32 $0xF200  }
0x3fb: {  	[tilespmem:s25], [sflag:$0x3] =	stream.indirect_vreg.gather [hbm4b:s6+s1], $0x80, v3, vm0, $0xb8;
	[tilespmem:$0x18A00] =	vst v63  }
0x3fc: {  	s26 =	simm.s32 $0xFA00  }
0x3fd: {  	[tilespmem:s26], [sflag:$0x3] =	stream.indirect_vreg.gather [hbm4b:s7+s1], $0x80, v3, vm0, $0xb8;
	[tilespmem:$0x18A00] =	vst v63  }
0x3fe: {  	s25 =	simm.s32 $0x10200;
	s26 =	simm.s32 $0x4  }
0x3ff: {  	[tilespmem:s25], [sflag:$0x3] =	stream.indirect_vreg.gather [hbm4b:s9+s1], $0x80, v3, vm0, $0xb8;
	[tilespmem:$0x18A00] =	vst v63  }
0x400: {  	_ =	swait.ge [sflag:s26], $0x8000  }
0x401: {  	[sflag:s26] =	ssyncset.done $0x0  }
0x402: {  	s10 =	simm.s32 $0x10A00;
	[sflag:s26] =	ssyncadd.s32 $0xFFFF8000  }
0x403: {  	[hbm4b:s17+s30] =	stream.strided.scatter [tilespmem:s10], [sflag:$0x7], $0x400, s31, s30, $0x38;
	[tilespmem:$0x18A00] =	vst v63  }
0x404: {  	s25 =	simm.s32 $0x10E00;
	s26 =	sadd.s32 $0x10, s17  }
0x405: {  	[hbm4b:s26+s30] =	stream.strided.scatter [tilespmem:s25], [sflag:$0x7], $0x400, s31, s30, $0x38;
	[tilespmem:$0x18A00] =	vst v63  }
0x406: {  	s25 =	simm.s32 $0x11200;
	s26 =	sadd.s32 $0x20, s17  }
0x407: {  	[hbm4b:s26+s30] =	stream.strided.scatter [tilespmem:s25], [sflag:$0x7], $0x400, s31, s30, $0x38;
	[tilespmem:$0x18A00] =	vst v63  }
0x408: {  	s25 =	simm.s32 $0x11600;
	s26 =	sadd.s32 $0x30, s17  }
0x409: {  	[hbm4b:s26+s30] =	stream.strided.scatter [tilespmem:s25], [sflag:$0x7], $0x400, s31, s30, $0x38;
	[tilespmem:$0x18A00] =	vst v63  }
0x40a: {  	s25 =	simm.s32 $0x11A00;
	s26 =	sadd.s32 $0x40, s17  }
0x40b: {  	[hbm4b:s26+s30] =	stream.strided.scatter [tilespmem:s25], [sflag:$0x7], $0x400, s31, s30, $0x38;
	[tilespmem:$0x18A00] =	vst v63  }
0x40c: {  	s28 =	sadd.s32 $0x70, s17;
	s25 =	simm.s32 $0x11E00;
	s26 =	sadd.s32 $0x50, s17  }
0x40d: {  	[hbm4b:s26+s30] =	stream.strided.scatter [tilespmem:s25], [sflag:$0x7], $0x400, s31, s30, $0x38;
	[tilespmem:$0x18A00] =	vst v63  }
0x40e: {  	s29 =	sadd.s32 $0x400, s17;
	s25 =	simm.s32 $0x12200;
	s26 =	sadd.s32 $0x60, s17  }
0x40f: {  	[hbm4b:s26+s30] =	stream.strided.scatter [tilespmem:s25], [sflag:$0x7], $0x400, s31, s30, $0x38;
	[tilespmem:$0x18A00] =	vst v63  }
0x410: {  	s1 =	simm.s32 $0x12600;
	s26 =	simm.s32 $0x2000;
	s25 =	simm.s32 $0x10000  }
.LBB2_18:
0x411: {  	[hbm4b:s28+s30] =	stream.strided.scatter [tilespmem:s1], [sflag:$0x7], $0x400, s31, s30, $0x38;
	[tilespmem:$0x18A00] =	vst v63  }
0x412: {  	s1 =	smov.u32 s26;
	s10 =	smov.u32 s25  }
0x413: {  	s26 =	sshra.s32 s10, $0x2;
	s10 =	sadd.s32 $0x8000, s25;
	s28 =	sadd.s32 $0x10A00, s1  }
0x414: {  	[hbm4b:s29+s30] =	stream.strided.scatter [tilespmem:s28], [sflag:$0x7], $0x400, s31, s30, $0x38;
	[tilespmem:$0x18A00] =	vst v63  }
0x415: {  	p0 =	sne.s32 s25, $0x18000;
	s25 =	sadd.s32 $0x10E00, s1;
	s28 =	sadd.s32 $0x10, s29  }
0x416: {  	[hbm4b:s28+s30] =	stream.strided.scatter [tilespmem:s25], [sflag:$0x7], $0x400, s31, s30, $0x38;
	[tilespmem:$0x18A00] =	vst v63  }
0x417: {  	s25 =	sadd.s32 $0x11200, s1;
	s28 =	sadd.s32 $0x20, s29  }
0x418: {  	[hbm4b:s28+s30] =	stream.strided.scatter [tilespmem:s25], [sflag:$0x7], $0x400, s31, s30, $0x38;
	[tilespmem:$0x18A00] =	vst v63  }
0x419: {  	s25 =	sadd.s32 $0x11600, s1;
	s28 =	sadd.s32 $0x30, s29  }
0x41a: {  	[hbm4b:s28+s30] =	stream.strided.scatter [tilespmem:s25], [sflag:$0x7], $0x400, s31, s30, $0x38;
	[tilespmem:$0x18A00] =	vst v63  }
0x41b: {  	s25 =	sadd.s32 $0x11A00, s1;
	s28 =	sadd.s32 $0x40, s29  }
0x41c: {  	[hbm4b:s28+s30] =	stream.strided.scatter [tilespmem:s25], [sflag:$0x7], $0x400, s31, s30, $0x38;
	[tilespmem:$0x18A00] =	vst v63  }
.Ltmp8:
0x41d: {  	s25 =	sadd.s32 $0x11E00, s1;
	s28 =	sadd.s32 $0x50, s29;
	(pc) =	sbr.rel @p0 .LBB2_18-.Ltmp8, $4  }
0x41e: {  	[hbm4b:s28+s30] =	stream.strided.scatter [tilespmem:s25], [sflag:$0x7], $0x400, s31, s30, $0x38;
	[tilespmem:$0x18A00] =	vst v63  }
0x41f: {  	s25 =	sadd.s32 $0x12200, s1;
	s28 =	sadd.s32 $0x60, s29;
	s1 =	sadd.s32 $0x12600, s1  }
0x420: {  	[hbm4b:s28+s30] =	stream.strided.scatter [tilespmem:s25], [sflag:$0x7], $0x400, s31, s30, $0x38;
	[tilespmem:$0x18A00] =	vst v63  }
0x421: {  	s28 =	sadd.s32 $0x70, s29;
	s29 =	sadd.s32 $0x400, s29;
	s25 =	smov.u32 s10  }
0x422: {  	[hbm4b:s28+s30] =	stream.strided.scatter [tilespmem:s1], [sflag:$0x7], $0x400, s31, s30, $0x38;
	[tilespmem:$0x18A00] =	vst v63  }
0x423: {  	s10 =	sadd.s32 $0x10A00, s26  }
0x424: {  	[hbm4b:s29+s30] =	stream.strided.scatter [tilespmem:s10], [sflag:$0x7], $0x400, s31, s30, $0x38;
	[tilespmem:$0x18A00] =	vst v63  }
0x425: {  	s25 =	sadd.s32 $0x10E00, s26;
	s10 =	sadd.s32 $0x10, s29  }
0x426: {  	[hbm4b:s10+s30] =	stream.strided.scatter [tilespmem:s25], [sflag:$0x7], $0x400, s31, s30, $0x38;
	[tilespmem:$0x18A00] =	vst v63  }
0x427: {  	s10 =	sadd.s32 $0x11200, s26;
	s25 =	sadd.s32 $0x20, s29  }
0x428: {  	[hbm4b:s25+s30] =	stream.strided.scatter [tilespmem:s10], [sflag:$0x7], $0x400, s31, s30, $0x38;
	[tilespmem:$0x18A00] =	vst v63  }
0x429: {  	s10 =	sadd.s32 $0x11600, s26;
	s25 =	sadd.s32 $0x30, s29  }
0x42a: {  	[hbm4b:s25+s30] =	stream.strided.scatter [tilespmem:s10], [sflag:$0x7], $0x400, s31, s30, $0x38;
	[tilespmem:$0x18A00] =	vst v63  }
0x42b: {  	s10 =	sadd.s32 $0x11A00, s26;
	s25 =	sadd.s32 $0x40, s29  }
0x42c: {  	[hbm4b:s25+s30] =	stream.strided.scatter [tilespmem:s10], [sflag:$0x7], $0x400, s31, s30, $0x38;
	[tilespmem:$0x18A00] =	vst v63  }
0x42d: {  	s10 =	sadd.s32 $0x11E00, s26;
	s25 =	sadd.s32 $0x50, s29  }
0x42e: {  	[hbm4b:s25+s30] =	stream.strided.scatter [tilespmem:s10], [sflag:$0x7], $0x400, s31, s30, $0x38;
	[tilespmem:$0x18A00] =	vst v63  }
0x42f: {  	s10 =	sadd.s32 $0x12200, s26;
	s25 =	sadd.s32 $0x60, s29  }
0x430: {  	[hbm4b:s25+s30] =	stream.strided.scatter [tilespmem:s10], [sflag:$0x7], $0x400, s31, s30, $0x38;
	[tilespmem:$0x18A00] =	vst v63  }
0x431: {  	s25 =	sadd.s32 $0x12600, s26;
	s26 =	sadd.s32 $0x70, s29;
	s10 =	simm.s32 $0x7  }
0x432: {  	[hbm4b:s26+s30] =	stream.strided.scatter [tilespmem:s25], [sflag:$0x7], $0x400, s31, s30, $0x38;
	[tilespmem:$0x18A00] =	vst v63  }
0x433: {  	_ =	swait.ge [sflag:s10], $0x8000  }
0x434: {  	[sflag:s10] =	ssyncset.done $0x0  }
0x435: {  	[sflag:s10] =	ssyncadd.s32 $0xFFFF8000  }
0x436: {  	v3 =	vld [tilespmem:$0x780];
	_ =	sdelay $0x4  }
0x437: {  	v4 =	vshll.u32 v3, $0x3  }
0x438: {  	v3 =	vand.u32 $0x7, v3;
	v4 =	vand.u32 $0xFFFFFFC0, v4  }
0x439: {  	v3 =	vor.u32 v3, v4  }
0x43a: {  	v4 =	vperm.xlane v3, v0;
	_ =	sdelay $0x1  }
0x43b: {  	v4 =	vadd.s32 v1, v4;
	_ =	sdelay $0x3  }
0x43c: {  	s1 =	simm.s32 $0x0;
	s25 =	simm.s32 $0x10A00  }
0x43d: {  	[tilespmem:s25], [sflag:$0x4] =	stream.indirect_vreg.gather [hbm4b:s3+s1], $0x80, v4, vm0, $0xb8;
	[tilespmem:$0x18A00] =	vst v63  }
0x43e: {  	s26 =	simm.s32 $0x11200;
	v3 =	vperm.xlane v3, v2  }
0x43f: {  	[tilespmem:s26], [sflag:$0x4] =	stream.indirect_vreg.gather [hbm4b:s6+s1], $0x80, v4, vm0, $0xb8;
	[tilespmem:$0x18A00] =	vst v63  }
0x440: {  	v3 =	vadd.s32 v1, v3;
	s25 =	simm.s32 $0x11A00  }
0x441: {  	[tilespmem:s25], [sflag:$0x4] =	stream.indirect_vreg.gather [hbm4b:s7+s1], $0x80, v4, vm0, $0xb8;
	[tilespmem:$0x18A00] =	vst v63  }
0x442: {  	s26 =	simm.s32 $0x12200  }
0x443: {  	[tilespmem:s26], [sflag:$0x4] =	stream.indirect_vreg.gather [hbm4b:s9+s1], $0x80, v4, vm0, $0xb8;
	[tilespmem:$0x18A00] =	vst v63  }
0x444: {  	s25 =	simm.s32 $0x12A00  }
0x445: {  	[tilespmem:s25], [sflag:$0x4] =	stream.indirect_vreg.gather [hbm4b:s3+s1], $0x80, v3, vm0, $0xb8;
	[tilespmem:$0x18A00] =	vst v63  }
0x446: {  	s26 =	simm.s32 $0x13200  }
0x447: {  	[tilespmem:s26], [sflag:$0x4] =	stream.indirect_vreg.gather [hbm4b:s6+s1], $0x80, v3, vm0, $0xb8;
	[tilespmem:$0x18A00] =	vst v63  }
0x448: {  	s25 =	simm.s32 $0x13A00  }
0x449: {  	[tilespmem:s25], [sflag:$0x4] =	stream.indirect_vreg.gather [hbm4b:s7+s1], $0x80, v3, vm0, $0xb8;
	[tilespmem:$0x18A00] =	vst v63  }
0x44a: {  	s26 =	simm.s32 $0x14200  }
0x44b: {  	[tilespmem:s26], [sflag:$0x4] =	stream.indirect_vreg.gather [hbm4b:s9+s1], $0x80, v3, vm0, $0xb8;
	[tilespmem:$0x18A00] =	vst v63  }
0x44c: {  	v3 =	vld [tilespmem:$0x790];
	_ =	sdelay $0x4  }
0x44d: {  	v63 =	vshll.u32 v3, $0x3  }
0x44e: {  	v3 =	vand.u32 $0x7, v3;
	v4 =	vand.u32 $0xFFFFFFC0, v63  }
0x44f: {  	v3 =	vor.u32 v3, v4  }
0x450: {  	v4 =	vperm.xlane v3, v0;
	_ =	sdelay $0x1  }
0x451: {  	v4 =	vadd.s32 v1, v4;
	_ =	sdelay $0x3  }
0x452: {  	s25 =	simm.s32 $0x14A00  }
0x453: {  	[tilespmem:s25], [sflag:$0x4] =	stream.indirect_vreg.gather [hbm4b:s3+s1], $0x80, v4, vm0, $0xb8;
	[tilespmem:$0x18A00] =	vst v63  }
0x454: {  	s26 =	simm.s32 $0x15200;
	v3 =	vperm.xlane v3, v2  }
0x455: {  	[tilespmem:s26], [sflag:$0x4] =	stream.indirect_vreg.gather [hbm4b:s6+s1], $0x80, v4, vm0, $0xb8;
	[tilespmem:$0x18A00] =	vst v63  }
0x456: {  	v3 =	vadd.s32 v1, v3;
	s25 =	simm.s32 $0x15A00  }
0x457: {  	[tilespmem:s25], [sflag:$0x4] =	stream.indirect_vreg.gather [hbm4b:s7+s1], $0x80, v4, vm0, $0xb8;
	[tilespmem:$0x18A00] =	vst v63  }
0x458: {  	s26 =	simm.s32 $0x16200  }
0x459: {  	[tilespmem:s26], [sflag:$0x4] =	stream.indirect_vreg.gather [hbm4b:s9+s1], $0x80, v4, vm0, $0xb8;
	[tilespmem:$0x18A00] =	vst v63  }
0x45a: {  	s25 =	simm.s32 $0x16A00  }
0x45b: {  	[tilespmem:s25], [sflag:$0x4] =	stream.indirect_vreg.gather [hbm4b:s3+s1], $0x80, v3, vm0, $0xb8;
	[tilespmem:$0x18A00] =	vst v63  }
0x45c: {  	s26 =	simm.s32 $0x17200  }
0x45d: {  	[tilespmem:s26], [sflag:$0x4] =	stream.indirect_vreg.gather [hbm4b:s6+s1], $0x80, v3, vm0, $0xb8;
	[tilespmem:$0x18A00] =	vst v63  }
0x45e: {  	s25 =	simm.s32 $0x17A00  }
0x45f: {  	[tilespmem:s25], [sflag:$0x4] =	stream.indirect_vreg.gather [hbm4b:s7+s1], $0x80, v3, vm0, $0xb8;
	[tilespmem:$0x18A00] =	vst v63  }
0x460: {  	s26 =	simm.s32 $0x18200  }
0x461: {  	[tilespmem:s26], [sflag:$0x4] =	stream.indirect_vreg.gather [hbm4b:s9+s1], $0x80, v3, vm0, $0xb8;
	[tilespmem:$0x18A00] =	vst v63  }
0x462: {  	_ =	swait.ge [sflag:s0], $0x8000  }
0x463: {  	[sflag:s0] =	ssyncset.done $0x0  }
0x464: {  	s10 =	simm.s32 $0xA00;
	[sflag:s0] =	ssyncadd.s32 $0xFFFF8000  }
0x465: {  	[hbm4b:s18+s30] =	stream.strided.scatter [tilespmem:s10], [sflag:$0x5], $0x400, s31, s30, $0x38;
	[tilespmem:$0x18A00] =	vst v63  }
0x466: {  	s25 =	simm.s32 $0xE00;
	s26 =	sadd.s32 $0x10, s18  }
0x467: {  	[hbm4b:s26+s30] =	stream.strided.scatter [tilespmem:s25], [sflag:$0x5], $0x400, s31, s30, $0x38;
	[tilespmem:$0x18A00] =	vst v63  }
0x468: {  	s25 =	simm.s32 $0x1200;
	s26 =	sadd.s32 $0x20, s18  }
0x469: {  	[hbm4b:s26+s30] =	stream.strided.scatter [tilespmem:s25], [sflag:$0x5], $0x400, s31, s30, $0x38;
	[tilespmem:$0x18A00] =	vst v63  }
0x46a: {  	s25 =	simm.s32 $0x1600;
	s26 =	sadd.s32 $0x30, s18  }
0x46b: {  	[hbm4b:s26+s30] =	stream.strided.scatter [tilespmem:s25], [sflag:$0x5], $0x400, s31, s30, $0x38;
	[tilespmem:$0x18A00] =	vst v63  }
0x46c: {  	s25 =	simm.s32 $0x1A00;
	s26 =	sadd.s32 $0x40, s18  }
0x46d: {  	[hbm4b:s26+s30] =	stream.strided.scatter [tilespmem:s25], [sflag:$0x5], $0x400, s31, s30, $0x38;
	[tilespmem:$0x18A00] =	vst v63  }
0x46e: {  	s28 =	sadd.s32 $0x70, s18;
	s25 =	simm.s32 $0x1E00;
	s26 =	sadd.s32 $0x50, s18  }
0x46f: {  	[hbm4b:s26+s30] =	stream.strided.scatter [tilespmem:s25], [sflag:$0x5], $0x400, s31, s30, $0x38;
	[tilespmem:$0x18A00] =	vst v63  }
0x470: {  	s29 =	sadd.s32 $0x400, s18;
	s25 =	simm.s32 $0x2200;
	s26 =	sadd.s32 $0x60, s18  }
0x471: {  	[hbm4b:s26+s30] =	stream.strided.scatter [tilespmem:s25], [sflag:$0x5], $0x400, s31, s30, $0x38;
	[tilespmem:$0x18A00] =	vst v63  }
0x472: {  	s1 =	simm.s32 $0x2600;
	s26 =	simm.s32 $0x2000;
	s25 =	simm.s32 $0x10000  }
.LBB2_20:
0x473: {  	[hbm4b:s28+s30] =	stream.strided.scatter [tilespmem:s1], [sflag:$0x5], $0x400, s31, s30, $0x38;
	[tilespmem:$0x18A00] =	vst v63  }
0x474: {  	s1 =	smov.u32 s26;
	s10 =	smov.u32 s25  }
0x475: {  	s26 =	sshra.s32 s10, $0x2;
	s10 =	sadd.s32 $0x8000, s25;
	s28 =	sadd.s32 $0xA00, s1  }
0x476: {  	[hbm4b:s29+s30] =	stream.strided.scatter [tilespmem:s28], [sflag:$0x5], $0x400, s31, s30, $0x38;
	[tilespmem:$0x18A00] =	vst v63  }
0x477: {  	p0 =	sne.s32 s25, $0x18000;
	s25 =	sadd.s32 $0xE00, s1;
	s28 =	sadd.s32 $0x10, s29  }
0x478: {  	[hbm4b:s28+s30] =	stream.strided.scatter [tilespmem:s25], [sflag:$0x5], $0x400, s31, s30, $0x38;
	[tilespmem:$0x18A00] =	vst v63  }
0x479: {  	s25 =	sadd.s32 $0x1200, s1;
	s28 =	sadd.s32 $0x20, s29  }
0x47a: {  	[hbm4b:s28+s30] =	stream.strided.scatter [tilespmem:s25], [sflag:$0x5], $0x400, s31, s30, $0x38;
	[tilespmem:$0x18A00] =	vst v63  }
0x47b: {  	s25 =	sadd.s32 $0x1600, s1;
	s28 =	sadd.s32 $0x30, s29  }
0x47c: {  	[hbm4b:s28+s30] =	stream.strided.scatter [tilespmem:s25], [sflag:$0x5], $0x400, s31, s30, $0x38;
	[tilespmem:$0x18A00] =	vst v63  }
0x47d: {  	s25 =	sadd.s32 $0x1A00, s1;
	s28 =	sadd.s32 $0x40, s29  }
0x47e: {  	[hbm4b:s28+s30] =	stream.strided.scatter [tilespmem:s25], [sflag:$0x5], $0x400, s31, s30, $0x38;
	[tilespmem:$0x18A00] =	vst v63  }
.Ltmp9:
0x47f: {  	s25 =	sadd.s32 $0x1E00, s1;
	s28 =	sadd.s32 $0x50, s29;
	(pc) =	sbr.rel @p0 .LBB2_20-.Ltmp9, $4  }
0x480: {  	[hbm4b:s28+s30] =	stream.strided.scatter [tilespmem:s25], [sflag:$0x5], $0x400, s31, s30, $0x38;
	[tilespmem:$0x18A00] =	vst v63  }
0x481: {  	s25 =	sadd.s32 $0x2200, s1;
	s28 =	sadd.s32 $0x60, s29;
	s1 =	sadd.s32 $0x2600, s1  }
0x482: {  	[hbm4b:s28+s30] =	stream.strided.scatter [tilespmem:s25], [sflag:$0x5], $0x400, s31, s30, $0x38;
	[tilespmem:$0x18A00] =	vst v63  }
0x483: {  	s28 =	sadd.s32 $0x70, s29;
	s29 =	sadd.s32 $0x400, s29;
	s25 =	smov.u32 s10  }
0x484: {  	[hbm4b:s28+s30] =	stream.strided.scatter [tilespmem:s1], [sflag:$0x5], $0x400, s31, s30, $0x38;
	[tilespmem:$0x18A00] =	vst v63  }
0x485: {  	s10 =	sadd.s32 $0xA00, s26  }
0x486: {  	[hbm4b:s29+s30] =	stream.strided.scatter [tilespmem:s10], [sflag:$0x5], $0x400, s31, s30, $0x38;
	[tilespmem:$0x18A00] =	vst v63  }
0x487: {  	s25 =	sadd.s32 $0xE00, s26;
	s10 =	sadd.s32 $0x10, s29  }
0x488: {  	[hbm4b:s10+s30] =	stream.strided.scatter [tilespmem:s25], [sflag:$0x5], $0x400, s31, s30, $0x38;
	[tilespmem:$0x18A00] =	vst v63  }
0x489: {  	s10 =	sadd.s32 $0x1200, s26;
	s25 =	sadd.s32 $0x20, s29  }
0x48a: {  	[hbm4b:s25+s30] =	stream.strided.scatter [tilespmem:s10], [sflag:$0x5], $0x400, s31, s30, $0x38;
	[tilespmem:$0x18A00] =	vst v63  }
0x48b: {  	s10 =	sadd.s32 $0x1600, s26;
	s25 =	sadd.s32 $0x30, s29  }
0x48c: {  	[hbm4b:s25+s30] =	stream.strided.scatter [tilespmem:s10], [sflag:$0x5], $0x400, s31, s30, $0x38;
	[tilespmem:$0x18A00] =	vst v63  }
0x48d: {  	s10 =	sadd.s32 $0x1A00, s26;
	s25 =	sadd.s32 $0x40, s29  }
0x48e: {  	[hbm4b:s25+s30] =	stream.strided.scatter [tilespmem:s10], [sflag:$0x5], $0x400, s31, s30, $0x38;
	[tilespmem:$0x18A00] =	vst v63  }
0x48f: {  	s10 =	sadd.s32 $0x1E00, s26;
	s25 =	sadd.s32 $0x50, s29  }
0x490: {  	[hbm4b:s25+s30] =	stream.strided.scatter [tilespmem:s10], [sflag:$0x5], $0x400, s31, s30, $0x38;
	[tilespmem:$0x18A00] =	vst v63  }
0x491: {  	s10 =	sadd.s32 $0x2200, s26;
	s25 =	sadd.s32 $0x60, s29  }
0x492: {  	[hbm4b:s25+s30] =	stream.strided.scatter [tilespmem:s10], [sflag:$0x5], $0x400, s31, s30, $0x38;
	[tilespmem:$0x18A00] =	vst v63  }
0x493: {  	s10 =	sadd.s32 $0x2600, s26;
	s25 =	sadd.s32 $0x70, s29  }
0x494: {  	[hbm4b:s25+s30] =	stream.strided.scatter [tilespmem:s10], [sflag:$0x5], $0x400, s31, s30, $0x38;
	[tilespmem:$0x18A00] =	vst v63  }
0x495: {  	_ =	swait.ge [sflag:s5], $0x8000  }
0x496: {  	[sflag:s5] =	ssyncset.done $0x0  }
0x497: {  	[sflag:s5] =	ssyncadd.s32 $0xFFFF8000  }
0x498: {  	v3 =	vld [tilespmem:$0x800];
	_ =	sdelay $0x4  }
0x499: {  	v4 =	vshll.u32 v3, $0x3  }
0x49a: {  	v3 =	vand.u32 $0x7, v3;
	v4 =	vand.u32 $0xFFFFFFC0, v4  }
0x49b: {  	v3 =	vor.u32 v3, v4  }
0x49c: {  	v4 =	vperm.xlane v3, v0;
	_ =	sdelay $0x1  }
0x49d: {  	v4 =	vadd.s32 v1, v4;
	_ =	sdelay $0x3  }
0x49e: {  	s1 =	simm.s32 $0x0;
	s26 =	simm.s32 $0xA00  }
0x49f: {  	[tilespmem:s26], [sflag:$0x2] =	stream.indirect_vreg.gather [hbm4b:s3+s1], $0x80, v4, vm0, $0xb8;
	[tilespmem:$0x18A00] =	vst v63  }
0x4a0: {  	s25 =	simm.s32 $0x1200;
	v3 =	vperm.xlane v3, v2  }
0x4a1: {  	[tilespmem:s25], [sflag:$0x2] =	stream.indirect_vreg.gather [hbm4b:s6+s1], $0x80, v4, vm0, $0xb8;
	[tilespmem:$0x18A00] =	vst v63  }
0x4a2: {  	v3 =	vadd.s32 v1, v3;
	s26 =	simm.s32 $0x1A00  }
0x4a3: {  	[tilespmem:s26], [sflag:$0x2] =	stream.indirect_vreg.gather [hbm4b:s7+s1], $0x80, v4, vm0, $0xb8;
	[tilespmem:$0x18A00] =	vst v63  }
0x4a4: {  	s25 =	simm.s32 $0x2200  }
0x4a5: {  	[tilespmem:s25], [sflag:$0x2] =	stream.indirect_vreg.gather [hbm4b:s9+s1], $0x80, v4, vm0, $0xb8;
	[tilespmem:$0x18A00] =	vst v63  }
0x4a6: {  	s26 =	simm.s32 $0x2A00  }
0x4a7: {  	[tilespmem:s26], [sflag:$0x2] =	stream.indirect_vreg.gather [hbm4b:s3+s1], $0x80, v3, vm0, $0xb8;
	[tilespmem:$0x18A00] =	vst v63  }
0x4a8: {  	s25 =	simm.s32 $0x3200  }
0x4a9: {  	[tilespmem:s25], [sflag:$0x2] =	stream.indirect_vreg.gather [hbm4b:s6+s1], $0x80, v3, vm0, $0xb8;
	[tilespmem:$0x18A00] =	vst v63  }
0x4aa: {  	s26 =	simm.s32 $0x3A00  }
0x4ab: {  	[tilespmem:s26], [sflag:$0x2] =	stream.indirect_vreg.gather [hbm4b:s7+s1], $0x80, v3, vm0, $0xb8;
	[tilespmem:$0x18A00] =	vst v63  }
0x4ac: {  	s25 =	simm.s32 $0x4200  }
0x4ad: {  	[tilespmem:s25], [sflag:$0x2] =	stream.indirect_vreg.gather [hbm4b:s9+s1], $0x80, v3, vm0, $0xb8;
	[tilespmem:$0x18A00] =	vst v63  }
0x4ae: {  	v3 =	vld [tilespmem:$0x810];
	_ =	sdelay $0x4  }
0x4af: {  	v63 =	vshll.u32 v3, $0x3  }
0x4b0: {  	v3 =	vand.u32 $0x7, v3;
	v4 =	vand.u32 $0xFFFFFFC0, v63  }
0x4b1: {  	v3 =	vor.u32 v3, v4  }
0x4b2: {  	v4 =	vperm.xlane v3, v0;
	_ =	sdelay $0x1  }
0x4b3: {  	v4 =	vadd.s32 v1, v4;
	_ =	sdelay $0x3  }
0x4b4: {  	s26 =	simm.s32 $0x4A00  }
0x4b5: {  	[tilespmem:s26], [sflag:$0x2] =	stream.indirect_vreg.gather [hbm4b:s3+s1], $0x80, v4, vm0, $0xb8;
	[tilespmem:$0x18A00] =	vst v63  }
0x4b6: {  	s25 =	simm.s32 $0x5200;
	v3 =	vperm.xlane v3, v2  }
0x4b7: {  	[tilespmem:s25], [sflag:$0x2] =	stream.indirect_vreg.gather [hbm4b:s6+s1], $0x80, v4, vm0, $0xb8;
	[tilespmem:$0x18A00] =	vst v63  }
0x4b8: {  	v3 =	vadd.s32 v1, v3;
	s26 =	simm.s32 $0x5A00  }
0x4b9: {  	[tilespmem:s26], [sflag:$0x2] =	stream.indirect_vreg.gather [hbm4b:s7+s1], $0x80, v4, vm0, $0xb8;
	[tilespmem:$0x18A00] =	vst v63  }
0x4ba: {  	s25 =	simm.s32 $0x6200  }
0x4bb: {  	[tilespmem:s25], [sflag:$0x2] =	stream.indirect_vreg.gather [hbm4b:s9+s1], $0x80, v4, vm0, $0xb8;
	[tilespmem:$0x18A00] =	vst v63  }
0x4bc: {  	s26 =	simm.s32 $0x6A00  }
0x4bd: {  	[tilespmem:s26], [sflag:$0x2] =	stream.indirect_vreg.gather [hbm4b:s3+s1], $0x80, v3, vm0, $0xb8;
	[tilespmem:$0x18A00] =	vst v63  }
0x4be: {  	s25 =	simm.s32 $0x7200  }
0x4bf: {  	[tilespmem:s25], [sflag:$0x2] =	stream.indirect_vreg.gather [hbm4b:s6+s1], $0x80, v3, vm0, $0xb8;
	[tilespmem:$0x18A00] =	vst v63  }
0x4c0: {  	s26 =	simm.s32 $0x7A00  }
0x4c1: {  	[tilespmem:s26], [sflag:$0x2] =	stream.indirect_vreg.gather [hbm4b:s7+s1], $0x80, v3, vm0, $0xb8;
	[tilespmem:$0x18A00] =	vst v63  }
0x4c2: {  	s25 =	simm.s32 $0x8200;
	s26 =	simm.s32 $0x3  }
0x4c3: {  	[tilespmem:s25], [sflag:$0x2] =	stream.indirect_vreg.gather [hbm4b:s9+s1], $0x80, v3, vm0, $0xb8;
	[tilespmem:$0x18A00] =	vst v63  }
0x4c4: {  	_ =	swait.ge [sflag:s26], $0x8000  }
0x4c5: {  	[sflag:s26] =	ssyncset.done $0x0  }
0x4c6: {  	s10 =	simm.s32 $0x8A00;
	[sflag:s26] =	ssyncadd.s32 $0xFFFF8000  }
0x4c7: {  	[hbm4b:s19+s30] =	stream.strided.scatter [tilespmem:s10], [sflag:$0x6], $0x400, s31, s30, $0x38;
	[tilespmem:$0x18A00] =	vst v63  }
0x4c8: {  	s25 =	simm.s32 $0x8E00;
	s26 =	sadd.s32 $0x10, s19  }
0x4c9: {  	[hbm4b:s26+s30] =	stream.strided.scatter [tilespmem:s25], [sflag:$0x6], $0x400, s31, s30, $0x38;
	[tilespmem:$0x18A00] =	vst v63  }
0x4ca: {  	s25 =	simm.s32 $0x9200;
	s26 =	sadd.s32 $0x20, s19  }
0x4cb: {  	[hbm4b:s26+s30] =	stream.strided.scatter [tilespmem:s25], [sflag:$0x6], $0x400, s31, s30, $0x38;
	[tilespmem:$0x18A00] =	vst v63  }
0x4cc: {  	s25 =	simm.s32 $0x9600;
	s26 =	sadd.s32 $0x30, s19  }
0x4cd: {  	[hbm4b:s26+s30] =	stream.strided.scatter [tilespmem:s25], [sflag:$0x6], $0x400, s31, s30, $0x38;
	[tilespmem:$0x18A00] =	vst v63  }
0x4ce: {  	s25 =	simm.s32 $0x9A00;
	s26 =	sadd.s32 $0x40, s19  }
0x4cf: {  	[hbm4b:s26+s30] =	stream.strided.scatter [tilespmem:s25], [sflag:$0x6], $0x400, s31, s30, $0x38;
	[tilespmem:$0x18A00] =	vst v63  }
0x4d0: {  	s28 =	sadd.s32 $0x70, s19;
	s25 =	simm.s32 $0x9E00;
	s26 =	sadd.s32 $0x50, s19  }
0x4d1: {  	[hbm4b:s26+s30] =	stream.strided.scatter [tilespmem:s25], [sflag:$0x6], $0x400, s31, s30, $0x38;
	[tilespmem:$0x18A00] =	vst v63  }
0x4d2: {  	s29 =	sadd.s32 $0x400, s19;
	s25 =	simm.s32 $0xA200;
	s26 =	sadd.s32 $0x60, s19  }
0x4d3: {  	[hbm4b:s26+s30] =	stream.strided.scatter [tilespmem:s25], [sflag:$0x6], $0x400, s31, s30, $0x38;
	[tilespmem:$0x18A00] =	vst v63  }
0x4d4: {  	s1 =	simm.s32 $0xA600;
	s26 =	simm.s32 $0x2000;
	s25 =	simm.s32 $0x10000  }
.LBB2_22:
0x4d5: {  	[hbm4b:s28+s30] =	stream.strided.scatter [tilespmem:s1], [sflag:$0x6], $0x400, s31, s30, $0x38;
	[tilespmem:$0x18A00] =	vst v63  }
0x4d6: {  	s1 =	smov.u32 s26;
	s10 =	smov.u32 s25  }
0x4d7: {  	s26 =	sshra.s32 s10, $0x2;
	s10 =	sadd.s32 $0x8000, s25;
	s28 =	sadd.s32 $0x8A00, s1  }
0x4d8: {  	[hbm4b:s29+s30] =	stream.strided.scatter [tilespmem:s28], [sflag:$0x6], $0x400, s31, s30, $0x38;
	[tilespmem:$0x18A00] =	vst v63  }
0x4d9: {  	p0 =	sne.s32 s25, $0x18000;
	s25 =	sadd.s32 $0x8E00, s1;
	s28 =	sadd.s32 $0x10, s29  }
0x4da: {  	[hbm4b:s28+s30] =	stream.strided.scatter [tilespmem:s25], [sflag:$0x6], $0x400, s31, s30, $0x38;
	[tilespmem:$0x18A00] =	vst v63  }
0x4db: {  	s25 =	sadd.s32 $0x9200, s1;
	s28 =	sadd.s32 $0x20, s29  }
0x4dc: {  	[hbm4b:s28+s30] =	stream.strided.scatter [tilespmem:s25], [sflag:$0x6], $0x400, s31, s30, $0x38;
	[tilespmem:$0x18A00] =	vst v63  }
0x4dd: {  	s25 =	sadd.s32 $0x9600, s1;
	s28 =	sadd.s32 $0x30, s29  }
0x4de: {  	[hbm4b:s28+s30] =	stream.strided.scatter [tilespmem:s25], [sflag:$0x6], $0x400, s31, s30, $0x38;
	[tilespmem:$0x18A00] =	vst v63  }
0x4df: {  	s25 =	sadd.s32 $0x9A00, s1;
	s28 =	sadd.s32 $0x40, s29  }
0x4e0: {  	[hbm4b:s28+s30] =	stream.strided.scatter [tilespmem:s25], [sflag:$0x6], $0x400, s31, s30, $0x38;
	[tilespmem:$0x18A00] =	vst v63  }
.Ltmp10:
0x4e1: {  	s25 =	sadd.s32 $0x9E00, s1;
	s28 =	sadd.s32 $0x50, s29;
	(pc) =	sbr.rel @p0 .LBB2_22-.Ltmp10, $4  }
0x4e2: {  	[hbm4b:s28+s30] =	stream.strided.scatter [tilespmem:s25], [sflag:$0x6], $0x400, s31, s30, $0x38;
	[tilespmem:$0x18A00] =	vst v63  }
0x4e3: {  	s25 =	sadd.s32 $0xA200, s1;
	s28 =	sadd.s32 $0x60, s29;
	s1 =	sadd.s32 $0xA600, s1  }
0x4e4: {  	[hbm4b:s28+s30] =	stream.strided.scatter [tilespmem:s25], [sflag:$0x6], $0x400, s31, s30, $0x38;
	[tilespmem:$0x18A00] =	vst v63  }
0x4e5: {  	s28 =	sadd.s32 $0x70, s29;
	s29 =	sadd.s32 $0x400, s29;
	s25 =	smov.u32 s10  }
0x4e6: {  	[hbm4b:s28+s30] =	stream.strided.scatter [tilespmem:s1], [sflag:$0x6], $0x400, s31, s30, $0x38;
	[tilespmem:$0x18A00] =	vst v63  }
0x4e7: {  	s10 =	sadd.s32 $0x8A00, s26  }
0x4e8: {  	[hbm4b:s29+s30] =	stream.strided.scatter [tilespmem:s10], [sflag:$0x6], $0x400, s31, s30, $0x38;
	[tilespmem:$0x18A00] =	vst v63  }
0x4e9: {  	s25 =	sadd.s32 $0x8E00, s26;
	s10 =	sadd.s32 $0x10, s29  }
0x4ea: {  	[hbm4b:s10+s30] =	stream.strided.scatter [tilespmem:s25], [sflag:$0x6], $0x400, s31, s30, $0x38;
	[tilespmem:$0x18A00] =	vst v63  }
0x4eb: {  	s10 =	sadd.s32 $0x9200, s26;
	s25 =	sadd.s32 $0x20, s29  }
0x4ec: {  	[hbm4b:s25+s30] =	stream.strided.scatter [tilespmem:s10], [sflag:$0x6], $0x400, s31, s30, $0x38;
	[tilespmem:$0x18A00] =	vst v63  }
0x4ed: {  	s10 =	sadd.s32 $0x9600, s26;
	s25 =	sadd.s32 $0x30, s29  }
0x4ee: {  	[hbm4b:s25+s30] =	stream.strided.scatter [tilespmem:s10], [sflag:$0x6], $0x400, s31, s30, $0x38;
	[tilespmem:$0x18A00] =	vst v63  }
0x4ef: {  	s10 =	sadd.s32 $0x9A00, s26;
	s25 =	sadd.s32 $0x40, s29  }
0x4f0: {  	[hbm4b:s25+s30] =	stream.strided.scatter [tilespmem:s10], [sflag:$0x6], $0x400, s31, s30, $0x38;
	[tilespmem:$0x18A00] =	vst v63  }
0x4f1: {  	s10 =	sadd.s32 $0x9E00, s26;
	s25 =	sadd.s32 $0x50, s29  }
0x4f2: {  	[hbm4b:s25+s30] =	stream.strided.scatter [tilespmem:s10], [sflag:$0x6], $0x400, s31, s30, $0x38;
	[tilespmem:$0x18A00] =	vst v63  }
0x4f3: {  	s10 =	sadd.s32 $0xA200, s26;
	s25 =	sadd.s32 $0x60, s29  }
0x4f4: {  	[hbm4b:s25+s30] =	stream.strided.scatter [tilespmem:s10], [sflag:$0x6], $0x400, s31, s30, $0x38;
	[tilespmem:$0x18A00] =	vst v63  }
0x4f5: {  	s25 =	sadd.s32 $0xA600, s26;
	s26 =	sadd.s32 $0x70, s29  }
0x4f6: {  	[hbm4b:s26+s30] =	stream.strided.scatter [tilespmem:s25], [sflag:$0x6], $0x400, s31, s30, $0x38;
	[tilespmem:$0x18A00] =	vst v63  }
0x4f7: {  	s25 =	simm.s32 $0x6  }
0x4f8: {  	_ =	swait.ge [sflag:s25], $0x8000  }
0x4f9: {  	[sflag:s25] =	ssyncset.done $0x0  }
0x4fa: {  	[sflag:s25] =	ssyncadd.s32 $0xFFFF8000  }
0x4fb: {  	v3 =	vld [tilespmem:$0x880];
	_ =	sdelay $0x4  }
0x4fc: {  	v4 =	vshll.u32 v3, $0x3  }
0x4fd: {  	v3 =	vand.u32 $0x7, v3;
	v4 =	vand.u32 $0xFFFFFFC0, v4  }
0x4fe: {  	v3 =	vor.u32 v3, v4  }
0x4ff: {  	v4 =	vperm.xlane v3, v0;
	_ =	sdelay $0x1  }
0x500: {  	v4 =	vadd.s32 v1, v4;
	_ =	sdelay $0x3  }
0x501: {  	s1 =	simm.s32 $0x0;
	s26 =	simm.s32 $0x8A00  }
0x502: {  	[tilespmem:s26], [sflag:$0x3] =	stream.indirect_vreg.gather [hbm4b:s3+s1], $0x80, v4, vm0, $0xb8;
	[tilespmem:$0x18A00] =	vst v63  }
0x503: {  	s25 =	simm.s32 $0x9200;
	v3 =	vperm.xlane v3, v2  }
0x504: {  	[tilespmem:s25], [sflag:$0x3] =	stream.indirect_vreg.gather [hbm4b:s6+s1], $0x80, v4, vm0, $0xb8;
	[tilespmem:$0x18A00] =	vst v63  }
0x505: {  	v3 =	vadd.s32 v1, v3;
	s26 =	simm.s32 $0x9A00  }
0x506: {  	[tilespmem:s26], [sflag:$0x3] =	stream.indirect_vreg.gather [hbm4b:s7+s1], $0x80, v4, vm0, $0xb8;
	[tilespmem:$0x18A00] =	vst v63  }
0x507: {  	s25 =	simm.s32 $0xA200  }
0x508: {  	[tilespmem:s25], [sflag:$0x3] =	stream.indirect_vreg.gather [hbm4b:s9+s1], $0x80, v4, vm0, $0xb8;
	[tilespmem:$0x18A00] =	vst v63  }
0x509: {  	s26 =	simm.s32 $0xAA00  }
0x50a: {  	[tilespmem:s26], [sflag:$0x3] =	stream.indirect_vreg.gather [hbm4b:s3+s1], $0x80, v3, vm0, $0xb8;
	[tilespmem:$0x18A00] =	vst v63  }
0x50b: {  	s25 =	simm.s32 $0xB200  }
0x50c: {  	[tilespmem:s25], [sflag:$0x3] =	stream.indirect_vreg.gather [hbm4b:s6+s1], $0x80, v3, vm0, $0xb8;
	[tilespmem:$0x18A00] =	vst v63  }
0x50d: {  	s26 =	simm.s32 $0xBA00  }
0x50e: {  	[tilespmem:s26], [sflag:$0x3] =	stream.indirect_vreg.gather [hbm4b:s7+s1], $0x80, v3, vm0, $0xb8;
	[tilespmem:$0x18A00] =	vst v63  }
0x50f: {  	s25 =	simm.s32 $0xC200  }
0x510: {  	[tilespmem:s25], [sflag:$0x3] =	stream.indirect_vreg.gather [hbm4b:s9+s1], $0x80, v3, vm0, $0xb8;
	[tilespmem:$0x18A00] =	vst v63  }
0x511: {  	v3 =	vld [tilespmem:$0x890];
	_ =	sdelay $0x4  }
0x512: {  	v63 =	vshll.u32 v3, $0x3  }
0x513: {  	v3 =	vand.u32 $0x7, v3;
	v4 =	vand.u32 $0xFFFFFFC0, v63  }
0x514: {  	v3 =	vor.u32 v3, v4  }
0x515: {  	v4 =	vperm.xlane v3, v0;
	_ =	sdelay $0x1  }
0x516: {  	v4 =	vadd.s32 v1, v4;
	_ =	sdelay $0x3  }
0x517: {  	s26 =	simm.s32 $0xCA00  }
0x518: {  	[tilespmem:s26], [sflag:$0x3] =	stream.indirect_vreg.gather [hbm4b:s3+s1], $0x80, v4, vm0, $0xb8;
	[tilespmem:$0x18A00] =	vst v63  }
0x519: {  	s25 =	simm.s32 $0xD200;
	v3 =	vperm.xlane v3, v2  }
0x51a: {  	[tilespmem:s25], [sflag:$0x3] =	stream.indirect_vreg.gather [hbm4b:s6+s1], $0x80, v4, vm0, $0xb8;
	[tilespmem:$0x18A00] =	vst v63  }
0x51b: {  	v3 =	vadd.s32 v1, v3;
	s26 =	simm.s32 $0xDA00  }
0x51c: {  	[tilespmem:s26], [sflag:$0x3] =	stream.indirect_vreg.gather [hbm4b:s7+s1], $0x80, v4, vm0, $0xb8;
	[tilespmem:$0x18A00] =	vst v63  }
0x51d: {  	s25 =	simm.s32 $0xE200  }
0x51e: {  	[tilespmem:s25], [sflag:$0x3] =	stream.indirect_vreg.gather [hbm4b:s9+s1], $0x80, v4, vm0, $0xb8;
	[tilespmem:$0x18A00] =	vst v63  }
0x51f: {  	s26 =	simm.s32 $0xEA00  }
0x520: {  	[tilespmem:s26], [sflag:$0x3] =	stream.indirect_vreg.gather [hbm4b:s3+s1], $0x80, v3, vm0, $0xb8;
	[tilespmem:$0x18A00] =	vst v63  }
0x521: {  	s25 =	simm.s32 $0xF200  }
0x522: {  	[tilespmem:s25], [sflag:$0x3] =	stream.indirect_vreg.gather [hbm4b:s6+s1], $0x80, v3, vm0, $0xb8;
	[tilespmem:$0x18A00] =	vst v63  }
0x523: {  	s26 =	simm.s32 $0xFA00  }
0x524: {  	[tilespmem:s26], [sflag:$0x3] =	stream.indirect_vreg.gather [hbm4b:s7+s1], $0x80, v3, vm0, $0xb8;
	[tilespmem:$0x18A00] =	vst v63  }
0x525: {  	s25 =	simm.s32 $0x10200;
	s26 =	simm.s32 $0x4  }
0x526: {  	[tilespmem:s25], [sflag:$0x3] =	stream.indirect_vreg.gather [hbm4b:s9+s1], $0x80, v3, vm0, $0xb8;
	[tilespmem:$0x18A00] =	vst v63  }
0x527: {  	_ =	swait.ge [sflag:s26], $0x8000  }
0x528: {  	[sflag:s26] =	ssyncset.done $0x0  }
0x529: {  	s10 =	simm.s32 $0x10A00;
	[sflag:s26] =	ssyncadd.s32 $0xFFFF8000  }
0x52a: {  	[hbm4b:s20+s30] =	stream.strided.scatter [tilespmem:s10], [sflag:$0x7], $0x400, s31, s30, $0x38;
	[tilespmem:$0x18A00] =	vst v63  }
0x52b: {  	s25 =	simm.s32 $0x10E00;
	s26 =	sadd.s32 $0x10, s20  }
0x52c: {  	[hbm4b:s26+s30] =	stream.strided.scatter [tilespmem:s25], [sflag:$0x7], $0x400, s31, s30, $0x38;
	[tilespmem:$0x18A00] =	vst v63  }
0x52d: {  	s25 =	simm.s32 $0x11200;
	s26 =	sadd.s32 $0x20, s20  }
0x52e: {  	[hbm4b:s26+s30] =	stream.strided.scatter [tilespmem:s25], [sflag:$0x7], $0x400, s31, s30, $0x38;
	[tilespmem:$0x18A00] =	vst v63  }
0x52f: {  	s25 =	simm.s32 $0x11600;
	s26 =	sadd.s32 $0x30, s20  }
0x530: {  	[hbm4b:s26+s30] =	stream.strided.scatter [tilespmem:s25], [sflag:$0x7], $0x400, s31, s30, $0x38;
	[tilespmem:$0x18A00] =	vst v63  }
0x531: {  	s25 =	simm.s32 $0x11A00;
	s26 =	sadd.s32 $0x40, s20  }
0x532: {  	[hbm4b:s26+s30] =	stream.strided.scatter [tilespmem:s25], [sflag:$0x7], $0x400, s31, s30, $0x38;
	[tilespmem:$0x18A00] =	vst v63  }
0x533: {  	s28 =	sadd.s32 $0x70, s20;
	s25 =	simm.s32 $0x11E00;
	s26 =	sadd.s32 $0x50, s20  }
0x534: {  	[hbm4b:s26+s30] =	stream.strided.scatter [tilespmem:s25], [sflag:$0x7], $0x400, s31, s30, $0x38;
	[tilespmem:$0x18A00] =	vst v63  }
0x535: {  	s29 =	sadd.s32 $0x400, s20;
	s25 =	simm.s32 $0x12200;
	s26 =	sadd.s32 $0x60, s20  }
0x536: {  	[hbm4b:s26+s30] =	stream.strided.scatter [tilespmem:s25], [sflag:$0x7], $0x400, s31, s30, $0x38;
	[tilespmem:$0x18A00] =	vst v63  }
0x537: {  	s1 =	simm.s32 $0x12600;
	s26 =	simm.s32 $0x2000;
	s25 =	simm.s32 $0x10000  }
.LBB2_24:
0x538: {  	[hbm4b:s28+s30] =	stream.strided.scatter [tilespmem:s1], [sflag:$0x7], $0x400, s31, s30, $0x38;
	[tilespmem:$0x18A00] =	vst v63  }
0x539: {  	s1 =	smov.u32 s26;
	s10 =	smov.u32 s25  }
0x53a: {  	s26 =	sshra.s32 s10, $0x2;
	s10 =	sadd.s32 $0x8000, s25;
	s28 =	sadd.s32 $0x10A00, s1  }
0x53b: {  	[hbm4b:s29+s30] =	stream.strided.scatter [tilespmem:s28], [sflag:$0x7], $0x400, s31, s30, $0x38;
	[tilespmem:$0x18A00] =	vst v63  }
0x53c: {  	p0 =	sne.s32 s25, $0x18000;
	s25 =	sadd.s32 $0x10E00, s1;
	s28 =	sadd.s32 $0x10, s29  }
0x53d: {  	[hbm4b:s28+s30] =	stream.strided.scatter [tilespmem:s25], [sflag:$0x7], $0x400, s31, s30, $0x38;
	[tilespmem:$0x18A00] =	vst v63  }
0x53e: {  	s25 =	sadd.s32 $0x11200, s1;
	s28 =	sadd.s32 $0x20, s29  }
0x53f: {  	[hbm4b:s28+s30] =	stream.strided.scatter [tilespmem:s25], [sflag:$0x7], $0x400, s31, s30, $0x38;
	[tilespmem:$0x18A00] =	vst v63  }
0x540: {  	s25 =	sadd.s32 $0x11600, s1;
	s28 =	sadd.s32 $0x30, s29  }
0x541: {  	[hbm4b:s28+s30] =	stream.strided.scatter [tilespmem:s25], [sflag:$0x7], $0x400, s31, s30, $0x38;
	[tilespmem:$0x18A00] =	vst v63  }
0x542: {  	s25 =	sadd.s32 $0x11A00, s1;
	s28 =	sadd.s32 $0x40, s29  }
0x543: {  	[hbm4b:s28+s30] =	stream.strided.scatter [tilespmem:s25], [sflag:$0x7], $0x400, s31, s30, $0x38;
	[tilespmem:$0x18A00] =	vst v63  }
.Ltmp11:
0x544: {  	s25 =	sadd.s32 $0x11E00, s1;
	s28 =	sadd.s32 $0x50, s29;
	(pc) =	sbr.rel @p0 .LBB2_24-.Ltmp11, $4  }
0x545: {  	[hbm4b:s28+s30] =	stream.strided.scatter [tilespmem:s25], [sflag:$0x7], $0x400, s31, s30, $0x38;
	[tilespmem:$0x18A00] =	vst v63  }
0x546: {  	s25 =	sadd.s32 $0x12200, s1;
	s28 =	sadd.s32 $0x60, s29;
	s1 =	sadd.s32 $0x12600, s1  }
0x547: {  	[hbm4b:s28+s30] =	stream.strided.scatter [tilespmem:s25], [sflag:$0x7], $0x400, s31, s30, $0x38;
	[tilespmem:$0x18A00] =	vst v63  }
0x548: {  	s28 =	sadd.s32 $0x70, s29;
	s29 =	sadd.s32 $0x400, s29;
	s25 =	smov.u32 s10  }
0x549: {  	[hbm4b:s28+s30] =	stream.strided.scatter [tilespmem:s1], [sflag:$0x7], $0x400, s31, s30, $0x38;
	[tilespmem:$0x18A00] =	vst v63  }
0x54a: {  	s10 =	sadd.s32 $0x10A00, s26  }
0x54b: {  	[hbm4b:s29+s30] =	stream.strided.scatter [tilespmem:s10], [sflag:$0x7], $0x400, s31, s30, $0x38;
	[tilespmem:$0x18A00] =	vst v63  }
0x54c: {  	s25 =	sadd.s32 $0x10E00, s26;
	s10 =	sadd.s32 $0x10, s29  }
0x54d: {  	[hbm4b:s10+s30] =	stream.strided.scatter [tilespmem:s25], [sflag:$0x7], $0x400, s31, s30, $0x38;
	[tilespmem:$0x18A00] =	vst v63  }
0x54e: {  	s10 =	sadd.s32 $0x11200, s26;
	s25 =	sadd.s32 $0x20, s29  }
0x54f: {  	[hbm4b:s25+s30] =	stream.strided.scatter [tilespmem:s10], [sflag:$0x7], $0x400, s31, s30, $0x38;
	[tilespmem:$0x18A00] =	vst v63  }
0x550: {  	s10 =	sadd.s32 $0x11600, s26;
	s25 =	sadd.s32 $0x30, s29  }
0x551: {  	[hbm4b:s25+s30] =	stream.strided.scatter [tilespmem:s10], [sflag:$0x7], $0x400, s31, s30, $0x38;
	[tilespmem:$0x18A00] =	vst v63  }
0x552: {  	s10 =	sadd.s32 $0x11A00, s26;
	s25 =	sadd.s32 $0x40, s29  }
0x553: {  	[hbm4b:s25+s30] =	stream.strided.scatter [tilespmem:s10], [sflag:$0x7], $0x400, s31, s30, $0x38;
	[tilespmem:$0x18A00] =	vst v63  }
0x554: {  	s10 =	sadd.s32 $0x11E00, s26;
	s25 =	sadd.s32 $0x50, s29  }
0x555: {  	[hbm4b:s25+s30] =	stream.strided.scatter [tilespmem:s10], [sflag:$0x7], $0x400, s31, s30, $0x38;
	[tilespmem:$0x18A00] =	vst v63  }
0x556: {  	s10 =	sadd.s32 $0x12200, s26;
	s25 =	sadd.s32 $0x60, s29  }
0x557: {  	[hbm4b:s25+s30] =	stream.strided.scatter [tilespmem:s10], [sflag:$0x7], $0x400, s31, s30, $0x38;
	[tilespmem:$0x18A00] =	vst v63  }
0x558: {  	s25 =	sadd.s32 $0x12600, s26;
	s26 =	sadd.s32 $0x70, s29;
	s10 =	simm.s32 $0x7  }
0x559: {  	[hbm4b:s26+s30] =	stream.strided.scatter [tilespmem:s25], [sflag:$0x7], $0x400, s31, s30, $0x38;
	[tilespmem:$0x18A00] =	vst v63  }
0x55a: {  	_ =	swait.ge [sflag:s10], $0x8000  }
0x55b: {  	[sflag:s10] =	ssyncset.done $0x0  }
0x55c: {  	[sflag:s10] =	ssyncadd.s32 $0xFFFF8000  }
0x55d: {  	v3 =	vld [tilespmem:$0x900];
	_ =	sdelay $0x4  }
0x55e: {  	v4 =	vshll.u32 v3, $0x3  }
0x55f: {  	v3 =	vand.u32 $0x7, v3;
	v4 =	vand.u32 $0xFFFFFFC0, v4  }
0x560: {  	v3 =	vor.u32 v3, v4  }
0x561: {  	v4 =	vperm.xlane v3, v0;
	_ =	sdelay $0x1  }
0x562: {  	v4 =	vadd.s32 v1, v4;
	_ =	sdelay $0x3  }
0x563: {  	s1 =	simm.s32 $0x0;
	s25 =	simm.s32 $0x10A00  }
0x564: {  	[tilespmem:s25], [sflag:$0x4] =	stream.indirect_vreg.gather [hbm4b:s3+s1], $0x80, v4, vm0, $0xb8;
	[tilespmem:$0x18A00] =	vst v63  }
0x565: {  	s26 =	simm.s32 $0x11200;
	v3 =	vperm.xlane v3, v2  }
0x566: {  	[tilespmem:s26], [sflag:$0x4] =	stream.indirect_vreg.gather [hbm4b:s6+s1], $0x80, v4, vm0, $0xb8;
	[tilespmem:$0x18A00] =	vst v63  }
0x567: {  	v3 =	vadd.s32 v1, v3;
	s25 =	simm.s32 $0x11A00  }
0x568: {  	[tilespmem:s25], [sflag:$0x4] =	stream.indirect_vreg.gather [hbm4b:s7+s1], $0x80, v4, vm0, $0xb8;
	[tilespmem:$0x18A00] =	vst v63  }
0x569: {  	s26 =	simm.s32 $0x12200  }
0x56a: {  	[tilespmem:s26], [sflag:$0x4] =	stream.indirect_vreg.gather [hbm4b:s9+s1], $0x80, v4, vm0, $0xb8;
	[tilespmem:$0x18A00] =	vst v63  }
0x56b: {  	s25 =	simm.s32 $0x12A00  }
0x56c: {  	[tilespmem:s25], [sflag:$0x4] =	stream.indirect_vreg.gather [hbm4b:s3+s1], $0x80, v3, vm0, $0xb8;
	[tilespmem:$0x18A00] =	vst v63  }
0x56d: {  	s26 =	simm.s32 $0x13200  }
0x56e: {  	[tilespmem:s26], [sflag:$0x4] =	stream.indirect_vreg.gather [hbm4b:s6+s1], $0x80, v3, vm0, $0xb8;
	[tilespmem:$0x18A00] =	vst v63  }
0x56f: {  	s25 =	simm.s32 $0x13A00  }
0x570: {  	[tilespmem:s25], [sflag:$0x4] =	stream.indirect_vreg.gather [hbm4b:s7+s1], $0x80, v3, vm0, $0xb8;
	[tilespmem:$0x18A00] =	vst v63  }
0x571: {  	s26 =	simm.s32 $0x14200  }
0x572: {  	[tilespmem:s26], [sflag:$0x4] =	stream.indirect_vreg.gather [hbm4b:s9+s1], $0x80, v3, vm0, $0xb8;
	[tilespmem:$0x18A00] =	vst v63  }
0x573: {  	v3 =	vld [tilespmem:$0x910];
	_ =	sdelay $0x4  }
0x574: {  	v63 =	vshll.u32 v3, $0x3  }
0x575: {  	v3 =	vand.u32 $0x7, v3;
	v4 =	vand.u32 $0xFFFFFFC0, v63  }
0x576: {  	v3 =	vor.u32 v3, v4  }
0x577: {  	v4 =	vperm.xlane v3, v0;
	_ =	sdelay $0x1  }
0x578: {  	v4 =	vadd.s32 v1, v4;
	_ =	sdelay $0x3  }
0x579: {  	s25 =	simm.s32 $0x14A00  }
0x57a: {  	[tilespmem:s25], [sflag:$0x4] =	stream.indirect_vreg.gather [hbm4b:s3+s1], $0x80, v4, vm0, $0xb8;
	[tilespmem:$0x18A00] =	vst v63  }
0x57b: {  	s26 =	simm.s32 $0x15200;
	v3 =	vperm.xlane v3, v2  }
0x57c: {  	[tilespmem:s26], [sflag:$0x4] =	stream.indirect_vreg.gather [hbm4b:s6+s1], $0x80, v4, vm0, $0xb8;
	[tilespmem:$0x18A00] =	vst v63  }
0x57d: {  	v3 =	vadd.s32 v1, v3;
	s25 =	simm.s32 $0x15A00  }
0x57e: {  	[tilespmem:s25], [sflag:$0x4] =	stream.indirect_vreg.gather [hbm4b:s7+s1], $0x80, v4, vm0, $0xb8;
	[tilespmem:$0x18A00] =	vst v63  }
0x57f: {  	s26 =	simm.s32 $0x16200  }
0x580: {  	[tilespmem:s26], [sflag:$0x4] =	stream.indirect_vreg.gather [hbm4b:s9+s1], $0x80, v4, vm0, $0xb8;
	[tilespmem:$0x18A00] =	vst v63  }
0x581: {  	s25 =	simm.s32 $0x16A00  }
0x582: {  	[tilespmem:s25], [sflag:$0x4] =	stream.indirect_vreg.gather [hbm4b:s3+s1], $0x80, v3, vm0, $0xb8;
	[tilespmem:$0x18A00] =	vst v63  }
0x583: {  	s26 =	simm.s32 $0x17200  }
0x584: {  	[tilespmem:s26], [sflag:$0x4] =	stream.indirect_vreg.gather [hbm4b:s6+s1], $0x80, v3, vm0, $0xb8;
	[tilespmem:$0x18A00] =	vst v63  }
0x585: {  	s25 =	simm.s32 $0x17A00  }
0x586: {  	[tilespmem:s25], [sflag:$0x4] =	stream.indirect_vreg.gather [hbm4b:s7+s1], $0x80, v3, vm0, $0xb8;
	[tilespmem:$0x18A00] =	vst v63  }
0x587: {  	s26 =	simm.s32 $0x18200  }
0x588: {  	[tilespmem:s26], [sflag:$0x4] =	stream.indirect_vreg.gather [hbm4b:s9+s1], $0x80, v3, vm0, $0xb8;
	[tilespmem:$0x18A00] =	vst v63  }
0x589: {  	_ =	swait.ge [sflag:s0], $0x8000  }
0x58a: {  	[sflag:s0] =	ssyncset.done $0x0  }
0x58b: {  	s10 =	simm.s32 $0xA00;
	[sflag:s0] =	ssyncadd.s32 $0xFFFF8000  }
0x58c: {  	[hbm4b:s21+s30] =	stream.strided.scatter [tilespmem:s10], [sflag:$0x5], $0x400, s31, s30, $0x38;
	[tilespmem:$0x18A00] =	vst v63  }
0x58d: {  	s25 =	simm.s32 $0xE00;
	s26 =	sadd.s32 $0x10, s21  }
0x58e: {  	[hbm4b:s26+s30] =	stream.strided.scatter [tilespmem:s25], [sflag:$0x5], $0x400, s31, s30, $0x38;
	[tilespmem:$0x18A00] =	vst v63  }
0x58f: {  	s25 =	simm.s32 $0x1200;
	s26 =	sadd.s32 $0x20, s21  }
0x590: {  	[hbm4b:s26+s30] =	stream.strided.scatter [tilespmem:s25], [sflag:$0x5], $0x400, s31, s30, $0x38;
	[tilespmem:$0x18A00] =	vst v63  }
0x591: {  	s25 =	simm.s32 $0x1600;
	s26 =	sadd.s32 $0x30, s21  }
0x592: {  	[hbm4b:s26+s30] =	stream.strided.scatter [tilespmem:s25], [sflag:$0x5], $0x400, s31, s30, $0x38;
	[tilespmem:$0x18A00] =	vst v63  }
0x593: {  	s25 =	simm.s32 $0x1A00;
	s26 =	sadd.s32 $0x40, s21  }
0x594: {  	[hbm4b:s26+s30] =	stream.strided.scatter [tilespmem:s25], [sflag:$0x5], $0x400, s31, s30, $0x38;
	[tilespmem:$0x18A00] =	vst v63  }
0x595: {  	s28 =	sadd.s32 $0x70, s21;
	s25 =	simm.s32 $0x1E00;
	s26 =	sadd.s32 $0x50, s21  }
0x596: {  	[hbm4b:s26+s30] =	stream.strided.scatter [tilespmem:s25], [sflag:$0x5], $0x400, s31, s30, $0x38;
	[tilespmem:$0x18A00] =	vst v63  }
0x597: {  	s29 =	sadd.s32 $0x400, s21;
	s25 =	simm.s32 $0x2200;
	s26 =	sadd.s32 $0x60, s21  }
0x598: {  	[hbm4b:s26+s30] =	stream.strided.scatter [tilespmem:s25], [sflag:$0x5], $0x400, s31, s30, $0x38;
	[tilespmem:$0x18A00] =	vst v63  }
0x599: {  	s1 =	simm.s32 $0x2600;
	s26 =	simm.s32 $0x2000;
	s25 =	simm.s32 $0x10000  }
.LBB2_26:
0x59a: {  	[hbm4b:s28+s30] =	stream.strided.scatter [tilespmem:s1], [sflag:$0x5], $0x400, s31, s30, $0x38;
	[tilespmem:$0x18A00] =	vst v63  }
0x59b: {  	s1 =	smov.u32 s26;
	s10 =	smov.u32 s25  }
0x59c: {  	s26 =	sshra.s32 s10, $0x2;
	s10 =	sadd.s32 $0x8000, s25;
	s28 =	sadd.s32 $0xA00, s1  }
0x59d: {  	[hbm4b:s29+s30] =	stream.strided.scatter [tilespmem:s28], [sflag:$0x5], $0x400, s31, s30, $0x38;
	[tilespmem:$0x18A00] =	vst v63  }
0x59e: {  	p0 =	sne.s32 s25, $0x18000;
	s25 =	sadd.s32 $0xE00, s1;
	s28 =	sadd.s32 $0x10, s29  }
0x59f: {  	[hbm4b:s28+s30] =	stream.strided.scatter [tilespmem:s25], [sflag:$0x5], $0x400, s31, s30, $0x38;
	[tilespmem:$0x18A00] =	vst v63  }
0x5a0: {  	s25 =	sadd.s32 $0x1200, s1;
	s28 =	sadd.s32 $0x20, s29  }
0x5a1: {  	[hbm4b:s28+s30] =	stream.strided.scatter [tilespmem:s25], [sflag:$0x5], $0x400, s31, s30, $0x38;
	[tilespmem:$0x18A00] =	vst v63  }
0x5a2: {  	s25 =	sadd.s32 $0x1600, s1;
	s28 =	sadd.s32 $0x30, s29  }
0x5a3: {  	[hbm4b:s28+s30] =	stream.strided.scatter [tilespmem:s25], [sflag:$0x5], $0x400, s31, s30, $0x38;
	[tilespmem:$0x18A00] =	vst v63  }
0x5a4: {  	s25 =	sadd.s32 $0x1A00, s1;
	s28 =	sadd.s32 $0x40, s29  }
0x5a5: {  	[hbm4b:s28+s30] =	stream.strided.scatter [tilespmem:s25], [sflag:$0x5], $0x400, s31, s30, $0x38;
	[tilespmem:$0x18A00] =	vst v63  }
.Ltmp12:
0x5a6: {  	s25 =	sadd.s32 $0x1E00, s1;
	s28 =	sadd.s32 $0x50, s29;
	(pc) =	sbr.rel @p0 .LBB2_26-.Ltmp12, $4  }
0x5a7: {  	[hbm4b:s28+s30] =	stream.strided.scatter [tilespmem:s25], [sflag:$0x5], $0x400, s31, s30, $0x38;
	[tilespmem:$0x18A00] =	vst v63  }
0x5a8: {  	s25 =	sadd.s32 $0x2200, s1;
	s28 =	sadd.s32 $0x60, s29;
	s1 =	sadd.s32 $0x2600, s1  }
0x5a9: {  	[hbm4b:s28+s30] =	stream.strided.scatter [tilespmem:s25], [sflag:$0x5], $0x400, s31, s30, $0x38;
	[tilespmem:$0x18A00] =	vst v63  }
0x5aa: {  	s28 =	sadd.s32 $0x70, s29;
	s29 =	sadd.s32 $0x400, s29;
	s25 =	smov.u32 s10  }
0x5ab: {  	[hbm4b:s28+s30] =	stream.strided.scatter [tilespmem:s1], [sflag:$0x5], $0x400, s31, s30, $0x38;
	[tilespmem:$0x18A00] =	vst v63  }
0x5ac: {  	s10 =	sadd.s32 $0xA00, s26  }
0x5ad: {  	[hbm4b:s29+s30] =	stream.strided.scatter [tilespmem:s10], [sflag:$0x5], $0x400, s31, s30, $0x38;
	[tilespmem:$0x18A00] =	vst v63  }
0x5ae: {  	s25 =	sadd.s32 $0xE00, s26;
	s10 =	sadd.s32 $0x10, s29  }
0x5af: {  	[hbm4b:s10+s30] =	stream.strided.scatter [tilespmem:s25], [sflag:$0x5], $0x400, s31, s30, $0x38;
	[tilespmem:$0x18A00] =	vst v63  }
0x5b0: {  	s10 =	sadd.s32 $0x1200, s26;
	s25 =	sadd.s32 $0x20, s29  }
0x5b1: {  	[hbm4b:s25+s30] =	stream.strided.scatter [tilespmem:s10], [sflag:$0x5], $0x400, s31, s30, $0x38;
	[tilespmem:$0x18A00] =	vst v63  }
0x5b2: {  	s10 =	sadd.s32 $0x1600, s26;
	s25 =	sadd.s32 $0x30, s29  }
0x5b3: {  	[hbm4b:s25+s30] =	stream.strided.scatter [tilespmem:s10], [sflag:$0x5], $0x400, s31, s30, $0x38;
	[tilespmem:$0x18A00] =	vst v63  }
0x5b4: {  	s10 =	sadd.s32 $0x1A00, s26;
	s25 =	sadd.s32 $0x40, s29  }
0x5b5: {  	[hbm4b:s25+s30] =	stream.strided.scatter [tilespmem:s10], [sflag:$0x5], $0x400, s31, s30, $0x38;
	[tilespmem:$0x18A00] =	vst v63  }
0x5b6: {  	s10 =	sadd.s32 $0x1E00, s26;
	s25 =	sadd.s32 $0x50, s29  }
0x5b7: {  	[hbm4b:s25+s30] =	stream.strided.scatter [tilespmem:s10], [sflag:$0x5], $0x400, s31, s30, $0x38;
	[tilespmem:$0x18A00] =	vst v63  }
0x5b8: {  	s10 =	sadd.s32 $0x2200, s26;
	s25 =	sadd.s32 $0x60, s29  }
0x5b9: {  	[hbm4b:s25+s30] =	stream.strided.scatter [tilespmem:s10], [sflag:$0x5], $0x400, s31, s30, $0x38;
	[tilespmem:$0x18A00] =	vst v63  }
0x5ba: {  	s10 =	sadd.s32 $0x2600, s26;
	s25 =	sadd.s32 $0x70, s29  }
0x5bb: {  	[hbm4b:s25+s30] =	stream.strided.scatter [tilespmem:s10], [sflag:$0x5], $0x400, s31, s30, $0x38;
	[tilespmem:$0x18A00] =	vst v63  }
0x5bc: {  	_ =	swait.ge [sflag:s5], $0x8000  }
0x5bd: {  	[sflag:s5] =	ssyncset.done $0x0  }
0x5be: {  	[sflag:s5] =	ssyncadd.s32 $0xFFFF8000  }
0x5bf: {  	v3 =	vld [tilespmem:$0x980];
	_ =	sdelay $0x4  }
0x5c0: {  	v4 =	vshll.u32 v3, $0x3  }
0x5c1: {  	v3 =	vand.u32 $0x7, v3;
	v4 =	vand.u32 $0xFFFFFFC0, v4  }
0x5c2: {  	v3 =	vor.u32 v3, v4  }
0x5c3: {  	v4 =	vperm.xlane v3, v0;
	_ =	sdelay $0x1  }
0x5c4: {  	v4 =	vadd.s32 v1, v4;
	_ =	sdelay $0x3  }
0x5c5: {  	s1 =	simm.s32 $0x0;
	s26 =	simm.s32 $0xA00  }
0x5c6: {  	[tilespmem:s26], [sflag:$0x2] =	stream.indirect_vreg.gather [hbm4b:s3+s1], $0x80, v4, vm0, $0xb8;
	[tilespmem:$0x18A00] =	vst v63  }
0x5c7: {  	s25 =	simm.s32 $0x1200;
	v3 =	vperm.xlane v3, v2  }
0x5c8: {  	[tilespmem:s25], [sflag:$0x2] =	stream.indirect_vreg.gather [hbm4b:s6+s1], $0x80, v4, vm0, $0xb8;
	[tilespmem:$0x18A00] =	vst v63  }
0x5c9: {  	v3 =	vadd.s32 v1, v3;
	s26 =	simm.s32 $0x1A00  }
0x5ca: {  	[tilespmem:s26], [sflag:$0x2] =	stream.indirect_vreg.gather [hbm4b:s7+s1], $0x80, v4, vm0, $0xb8;
	[tilespmem:$0x18A00] =	vst v63  }
0x5cb: {  	s25 =	simm.s32 $0x2200  }
0x5cc: {  	[tilespmem:s25], [sflag:$0x2] =	stream.indirect_vreg.gather [hbm4b:s9+s1], $0x80, v4, vm0, $0xb8;
	[tilespmem:$0x18A00] =	vst v63  }
0x5cd: {  	s26 =	simm.s32 $0x2A00  }
0x5ce: {  	[tilespmem:s26], [sflag:$0x2] =	stream.indirect_vreg.gather [hbm4b:s3+s1], $0x80, v3, vm0, $0xb8;
	[tilespmem:$0x18A00] =	vst v63  }
0x5cf: {  	s25 =	simm.s32 $0x3200  }
0x5d0: {  	[tilespmem:s25], [sflag:$0x2] =	stream.indirect_vreg.gather [hbm4b:s6+s1], $0x80, v3, vm0, $0xb8;
	[tilespmem:$0x18A00] =	vst v63  }
0x5d1: {  	s26 =	simm.s32 $0x3A00  }
0x5d2: {  	[tilespmem:s26], [sflag:$0x2] =	stream.indirect_vreg.gather [hbm4b:s7+s1], $0x80, v3, vm0, $0xb8;
	[tilespmem:$0x18A00] =	vst v63  }
0x5d3: {  	s25 =	simm.s32 $0x4200  }
0x5d4: {  	[tilespmem:s25], [sflag:$0x2] =	stream.indirect_vreg.gather [hbm4b:s9+s1], $0x80, v3, vm0, $0xb8;
	[tilespmem:$0x18A00] =	vst v63  }
0x5d5: {  	v3 =	vld [tilespmem:$0x990];
	_ =	sdelay $0x4  }
0x5d6: {  	v63 =	vshll.u32 v3, $0x3  }
0x5d7: {  	v3 =	vand.u32 $0x7, v3;
	v4 =	vand.u32 $0xFFFFFFC0, v63  }
0x5d8: {  	v3 =	vor.u32 v3, v4  }
0x5d9: {  	v4 =	vperm.xlane v3, v0;
	_ =	sdelay $0x1  }
0x5da: {  	v4 =	vadd.s32 v1, v4;
	_ =	sdelay $0x3  }
0x5db: {  	s26 =	simm.s32 $0x4A00  }
0x5dc: {  	[tilespmem:s26], [sflag:$0x2] =	stream.indirect_vreg.gather [hbm4b:s3+s1], $0x80, v4, vm0, $0xb8;
	[tilespmem:$0x18A00] =	vst v63  }
0x5dd: {  	s25 =	simm.s32 $0x5200;
	v3 =	vperm.xlane v3, v2  }
0x5de: {  	[tilespmem:s25], [sflag:$0x2] =	stream.indirect_vreg.gather [hbm4b:s6+s1], $0x80, v4, vm0, $0xb8;
	[tilespmem:$0x18A00] =	vst v63  }
0x5df: {  	v3 =	vadd.s32 v1, v3;
	s26 =	simm.s32 $0x5A00  }
0x5e0: {  	[tilespmem:s26], [sflag:$0x2] =	stream.indirect_vreg.gather [hbm4b:s7+s1], $0x80, v4, vm0, $0xb8;
	[tilespmem:$0x18A00] =	vst v63  }
0x5e1: {  	s25 =	simm.s32 $0x6200  }
0x5e2: {  	[tilespmem:s25], [sflag:$0x2] =	stream.indirect_vreg.gather [hbm4b:s9+s1], $0x80, v4, vm0, $0xb8;
	[tilespmem:$0x18A00] =	vst v63  }
0x5e3: {  	s26 =	simm.s32 $0x6A00  }
0x5e4: {  	[tilespmem:s26], [sflag:$0x2] =	stream.indirect_vreg.gather [hbm4b:s3+s1], $0x80, v3, vm0, $0xb8;
	[tilespmem:$0x18A00] =	vst v63  }
0x5e5: {  	s25 =	simm.s32 $0x7200  }
0x5e6: {  	[tilespmem:s25], [sflag:$0x2] =	stream.indirect_vreg.gather [hbm4b:s6+s1], $0x80, v3, vm0, $0xb8;
	[tilespmem:$0x18A00] =	vst v63  }
0x5e7: {  	s26 =	simm.s32 $0x7A00  }
0x5e8: {  	[tilespmem:s26], [sflag:$0x2] =	stream.indirect_vreg.gather [hbm4b:s7+s1], $0x80, v3, vm0, $0xb8;
	[tilespmem:$0x18A00] =	vst v63  }
0x5e9: {  	s25 =	simm.s32 $0x8200;
	s26 =	simm.s32 $0x3  }
0x5ea: {  	[tilespmem:s25], [sflag:$0x2] =	stream.indirect_vreg.gather [hbm4b:s9+s1], $0x80, v3, vm0, $0xb8;
	[tilespmem:$0x18A00] =	vst v63  }
0x5eb: {  	_ =	swait.ge [sflag:s26], $0x8000  }
0x5ec: {  	[sflag:s26] =	ssyncset.done $0x0  }
0x5ed: {  	s10 =	simm.s32 $0x8A00;
	[sflag:s26] =	ssyncadd.s32 $0xFFFF8000  }
0x5ee: {  	[hbm4b:s22+s30] =	stream.strided.scatter [tilespmem:s10], [sflag:$0x6], $0x400, s31, s30, $0x38;
	[tilespmem:$0x18A00] =	vst v63  }
0x5ef: {  	s25 =	simm.s32 $0x8E00;
	s26 =	sadd.s32 $0x10, s22  }
0x5f0: {  	[hbm4b:s26+s30] =	stream.strided.scatter [tilespmem:s25], [sflag:$0x6], $0x400, s31, s30, $0x38;
	[tilespmem:$0x18A00] =	vst v63  }
0x5f1: {  	s25 =	simm.s32 $0x9200;
	s26 =	sadd.s32 $0x20, s22  }
0x5f2: {  	[hbm4b:s26+s30] =	stream.strided.scatter [tilespmem:s25], [sflag:$0x6], $0x400, s31, s30, $0x38;
	[tilespmem:$0x18A00] =	vst v63  }
0x5f3: {  	s25 =	simm.s32 $0x9600;
	s26 =	sadd.s32 $0x30, s22  }
0x5f4: {  	[hbm4b:s26+s30] =	stream.strided.scatter [tilespmem:s25], [sflag:$0x6], $0x400, s31, s30, $0x38;
	[tilespmem:$0x18A00] =	vst v63  }
0x5f5: {  	s25 =	simm.s32 $0x9A00;
	s26 =	sadd.s32 $0x40, s22  }
0x5f6: {  	[hbm4b:s26+s30] =	stream.strided.scatter [tilespmem:s25], [sflag:$0x6], $0x400, s31, s30, $0x38;
	[tilespmem:$0x18A00] =	vst v63  }
0x5f7: {  	s28 =	sadd.s32 $0x70, s22;
	s25 =	simm.s32 $0x9E00;
	s26 =	sadd.s32 $0x50, s22  }
0x5f8: {  	[hbm4b:s26+s30] =	stream.strided.scatter [tilespmem:s25], [sflag:$0x6], $0x400, s31, s30, $0x38;
	[tilespmem:$0x18A00] =	vst v63  }
0x5f9: {  	s29 =	sadd.s32 $0x400, s22;
	s25 =	simm.s32 $0xA200;
	s26 =	sadd.s32 $0x60, s22  }
0x5fa: {  	[hbm4b:s26+s30] =	stream.strided.scatter [tilespmem:s25], [sflag:$0x6], $0x400, s31, s30, $0x38;
	[tilespmem:$0x18A00] =	vst v63  }
0x5fb: {  	s1 =	simm.s32 $0xA600;
	s26 =	simm.s32 $0x2000;
	s25 =	simm.s32 $0x10000  }
.LBB2_28:
0x5fc: {  	[hbm4b:s28+s30] =	stream.strided.scatter [tilespmem:s1], [sflag:$0x6], $0x400, s31, s30, $0x38;
	[tilespmem:$0x18A00] =	vst v63  }
0x5fd: {  	s1 =	smov.u32 s26;
	s10 =	smov.u32 s25  }
0x5fe: {  	s26 =	sshra.s32 s10, $0x2;
	s10 =	sadd.s32 $0x8000, s25;
	s28 =	sadd.s32 $0x8A00, s1  }
0x5ff: {  	[hbm4b:s29+s30] =	stream.strided.scatter [tilespmem:s28], [sflag:$0x6], $0x400, s31, s30, $0x38;
	[tilespmem:$0x18A00] =	vst v63  }
0x600: {  	p0 =	sne.s32 s25, $0x18000;
	s25 =	sadd.s32 $0x8E00, s1;
	s28 =	sadd.s32 $0x10, s29  }
0x601: {  	[hbm4b:s28+s30] =	stream.strided.scatter [tilespmem:s25], [sflag:$0x6], $0x400, s31, s30, $0x38;
	[tilespmem:$0x18A00] =	vst v63  }
0x602: {  	s25 =	sadd.s32 $0x9200, s1;
	s28 =	sadd.s32 $0x20, s29  }
0x603: {  	[hbm4b:s28+s30] =	stream.strided.scatter [tilespmem:s25], [sflag:$0x6], $0x400, s31, s30, $0x38;
	[tilespmem:$0x18A00] =	vst v63  }
0x604: {  	s25 =	sadd.s32 $0x9600, s1;
	s28 =	sadd.s32 $0x30, s29  }
0x605: {  	[hbm4b:s28+s30] =	stream.strided.scatter [tilespmem:s25], [sflag:$0x6], $0x400, s31, s30, $0x38;
	[tilespmem:$0x18A00] =	vst v63  }
0x606: {  	s25 =	sadd.s32 $0x9A00, s1;
	s28 =	sadd.s32 $0x40, s29  }
0x607: {  	[hbm4b:s28+s30] =	stream.strided.scatter [tilespmem:s25], [sflag:$0x6], $0x400, s31, s30, $0x38;
	[tilespmem:$0x18A00] =	vst v63  }
.Ltmp13:
0x608: {  	s25 =	sadd.s32 $0x9E00, s1;
	s28 =	sadd.s32 $0x50, s29;
	(pc) =	sbr.rel @p0 .LBB2_28-.Ltmp13, $4  }
0x609: {  	[hbm4b:s28+s30] =	stream.strided.scatter [tilespmem:s25], [sflag:$0x6], $0x400, s31, s30, $0x38;
	[tilespmem:$0x18A00] =	vst v63  }
0x60a: {  	s25 =	sadd.s32 $0xA200, s1;
	s28 =	sadd.s32 $0x60, s29;
	s1 =	sadd.s32 $0xA600, s1  }
0x60b: {  	[hbm4b:s28+s30] =	stream.strided.scatter [tilespmem:s25], [sflag:$0x6], $0x400, s31, s30, $0x38;
	[tilespmem:$0x18A00] =	vst v63  }
0x60c: {  	s28 =	sadd.s32 $0x70, s29;
	s29 =	sadd.s32 $0x400, s29;
	s25 =	smov.u32 s10  }
0x60d: {  	[hbm4b:s28+s30] =	stream.strided.scatter [tilespmem:s1], [sflag:$0x6], $0x400, s31, s30, $0x38;
	[tilespmem:$0x18A00] =	vst v63  }
0x60e: {  	s10 =	sadd.s32 $0x8A00, s26  }
0x60f: {  	[hbm4b:s29+s30] =	stream.strided.scatter [tilespmem:s10], [sflag:$0x6], $0x400, s31, s30, $0x38;
	[tilespmem:$0x18A00] =	vst v63  }
0x610: {  	s25 =	sadd.s32 $0x8E00, s26;
	s10 =	sadd.s32 $0x10, s29  }
0x611: {  	[hbm4b:s10+s30] =	stream.strided.scatter [tilespmem:s25], [sflag:$0x6], $0x400, s31, s30, $0x38;
	[tilespmem:$0x18A00] =	vst v63  }
0x612: {  	s10 =	sadd.s32 $0x9200, s26;
	s25 =	sadd.s32 $0x20, s29  }
0x613: {  	[hbm4b:s25+s30] =	stream.strided.scatter [tilespmem:s10], [sflag:$0x6], $0x400, s31, s30, $0x38;
	[tilespmem:$0x18A00] =	vst v63  }
0x614: {  	s10 =	sadd.s32 $0x9600, s26;
	s25 =	sadd.s32 $0x30, s29  }
0x615: {  	[hbm4b:s25+s30] =	stream.strided.scatter [tilespmem:s10], [sflag:$0x6], $0x400, s31, s30, $0x38;
	[tilespmem:$0x18A00] =	vst v63  }
0x616: {  	s10 =	sadd.s32 $0x9A00, s26;
	s25 =	sadd.s32 $0x40, s29  }
0x617: {  	[hbm4b:s25+s30] =	stream.strided.scatter [tilespmem:s10], [sflag:$0x6], $0x400, s31, s30, $0x38;
	[tilespmem:$0x18A00] =	vst v63  }
0x618: {  	s10 =	sadd.s32 $0x9E00, s26;
	s25 =	sadd.s32 $0x50, s29  }
0x619: {  	[hbm4b:s25+s30] =	stream.strided.scatter [tilespmem:s10], [sflag:$0x6], $0x400, s31, s30, $0x38;
	[tilespmem:$0x18A00] =	vst v63  }
0x61a: {  	s10 =	sadd.s32 $0xA200, s26;
	s25 =	sadd.s32 $0x60, s29  }
0x61b: {  	[hbm4b:s25+s30] =	stream.strided.scatter [tilespmem:s10], [sflag:$0x6], $0x400, s31, s30, $0x38;
	[tilespmem:$0x18A00] =	vst v63  }
0x61c: {  	s10 =	sadd.s32 $0xA600, s26;
	s25 =	sadd.s32 $0x70, s29;
	s26 =	simm.s32 $0x4  }
0x61d: {  	[hbm4b:s25+s30] =	stream.strided.scatter [tilespmem:s10], [sflag:$0x6], $0x400, s31, s30, $0x38;
	[tilespmem:$0x18A00] =	vst v63  }
0x61e: {  	_ =	swait.ge [sflag:s26], $0x8000  }
0x61f: {  	[sflag:s26] =	ssyncset.done $0x0  }
0x620: {  	s10 =	simm.s32 $0x10A00;
	[sflag:s26] =	ssyncadd.s32 $0xFFFF8000  }
0x621: {  	[hbm4b:s23+s30] =	stream.strided.scatter [tilespmem:s10], [sflag:$0x7], $0x400, s31, s30, $0x38;
	[tilespmem:$0x18A00] =	vst v63  }
0x622: {  	s25 =	simm.s32 $0x10E00;
	s26 =	sadd.s32 $0x10, s23  }
0x623: {  	[hbm4b:s26+s30] =	stream.strided.scatter [tilespmem:s25], [sflag:$0x7], $0x400, s31, s30, $0x38;
	[tilespmem:$0x18A00] =	vst v63  }
0x624: {  	s25 =	simm.s32 $0x11200;
	s26 =	sadd.s32 $0x20, s23  }
0x625: {  	[hbm4b:s26+s30] =	stream.strided.scatter [tilespmem:s25], [sflag:$0x7], $0x400, s31, s30, $0x38;
	[tilespmem:$0x18A00] =	vst v63  }
0x626: {  	s25 =	simm.s32 $0x11600;
	s26 =	sadd.s32 $0x30, s23  }
0x627: {  	[hbm4b:s26+s30] =	stream.strided.scatter [tilespmem:s25], [sflag:$0x7], $0x400, s31, s30, $0x38;
	[tilespmem:$0x18A00] =	vst v63  }
0x628: {  	s25 =	simm.s32 $0x11A00;
	s26 =	sadd.s32 $0x40, s23  }
0x629: {  	[hbm4b:s26+s30] =	stream.strided.scatter [tilespmem:s25], [sflag:$0x7], $0x400, s31, s30, $0x38;
	[tilespmem:$0x18A00] =	vst v63  }
0x62a: {  	s1 =	simm.s32 $0x12600;
	s25 =	simm.s32 $0x11E00;
	s26 =	sadd.s32 $0x50, s23  }
0x62b: {  	[hbm4b:s26+s30] =	stream.strided.scatter [tilespmem:s25], [sflag:$0x7], $0x400, s31, s30, $0x38;
	[tilespmem:$0x18A00] =	vst v63  }
0x62c: {  	s28 =	sadd.s32 $0x70, s23;
	s25 =	simm.s32 $0x12200;
	s26 =	sadd.s32 $0x60, s23  }
0x62d: {  	[hbm4b:s26+s30] =	stream.strided.scatter [tilespmem:s25], [sflag:$0x7], $0x400, s31, s30, $0x38;
	[tilespmem:$0x18A00] =	vst v63  }
0x62e: {  	s29 =	sadd.s32 $0x400, s23;
	s26 =	simm.s32 $0x2000;
	s25 =	simm.s32 $0x10000  }
.LBB2_30:
0x62f: {  	[hbm4b:s28+s30] =	stream.strided.scatter [tilespmem:s1], [sflag:$0x7], $0x400, s31, s30, $0x38;
	[tilespmem:$0x18A00] =	vst v63  }
0x630: {  	s1 =	smov.u32 s26;
	s10 =	smov.u32 s25  }
0x631: {  	s26 =	sshra.s32 s10, $0x2;
	s10 =	sadd.s32 $0x8000, s25;
	s28 =	sadd.s32 $0x10A00, s1  }
0x632: {  	[hbm4b:s29+s30] =	stream.strided.scatter [tilespmem:s28], [sflag:$0x7], $0x400, s31, s30, $0x38;
	[tilespmem:$0x18A00] =	vst v63  }
0x633: {  	p0 =	sne.s32 s25, $0x18000;
	s25 =	sadd.s32 $0x10E00, s1;
	s28 =	sadd.s32 $0x10, s29  }
0x634: {  	[hbm4b:s28+s30] =	stream.strided.scatter [tilespmem:s25], [sflag:$0x7], $0x400, s31, s30, $0x38;
	[tilespmem:$0x18A00] =	vst v63  }
0x635: {  	s25 =	sadd.s32 $0x11200, s1;
	s28 =	sadd.s32 $0x20, s29  }
0x636: {  	[hbm4b:s28+s30] =	stream.strided.scatter [tilespmem:s25], [sflag:$0x7], $0x400, s31, s30, $0x38;
	[tilespmem:$0x18A00] =	vst v63  }
0x637: {  	s25 =	sadd.s32 $0x11600, s1;
	s28 =	sadd.s32 $0x30, s29  }
0x638: {  	[hbm4b:s28+s30] =	stream.strided.scatter [tilespmem:s25], [sflag:$0x7], $0x400, s31, s30, $0x38;
	[tilespmem:$0x18A00] =	vst v63  }
0x639: {  	s25 =	sadd.s32 $0x11A00, s1;
	s28 =	sadd.s32 $0x40, s29  }
0x63a: {  	[hbm4b:s28+s30] =	stream.strided.scatter [tilespmem:s25], [sflag:$0x7], $0x400, s31, s30, $0x38;
	[tilespmem:$0x18A00] =	vst v63  }
.Ltmp14:
0x63b: {  	s25 =	sadd.s32 $0x11E00, s1;
	s28 =	sadd.s32 $0x50, s29;
	(pc) =	sbr.rel @p0 .LBB2_30-.Ltmp14, $4  }
0x63c: {  	[hbm4b:s28+s30] =	stream.strided.scatter [tilespmem:s25], [sflag:$0x7], $0x400, s31, s30, $0x38;
	[tilespmem:$0x18A00] =	vst v63  }
0x63d: {  	s25 =	sadd.s32 $0x12200, s1;
	s28 =	sadd.s32 $0x60, s29;
	s1 =	sadd.s32 $0x12600, s1  }
0x63e: {  	[hbm4b:s28+s30] =	stream.strided.scatter [tilespmem:s25], [sflag:$0x7], $0x400, s31, s30, $0x38;
	[tilespmem:$0x18A00] =	vst v63  }
0x63f: {  	s28 =	sadd.s32 $0x70, s29;
	s29 =	sadd.s32 $0x400, s29;
	s25 =	smov.u32 s10  }
0x640: {  	[hbm4b:s28+s30] =	stream.strided.scatter [tilespmem:s1], [sflag:$0x7], $0x400, s31, s30, $0x38;
	[tilespmem:$0x18A00] =	vst v63  }
0x641: {  	s10 =	sadd.s32 $0x10A00, s26  }
0x642: {  	[hbm4b:s29+s30] =	stream.strided.scatter [tilespmem:s10], [sflag:$0x7], $0x400, s31, s30, $0x38;
	[tilespmem:$0x18A00] =	vst v63  }
0x643: {  	s25 =	sadd.s32 $0x10E00, s26;
	s10 =	sadd.s32 $0x10, s29  }
0x644: {  	[hbm4b:s10+s30] =	stream.strided.scatter [tilespmem:s25], [sflag:$0x7], $0x400, s31, s30, $0x38;
	[tilespmem:$0x18A00] =	vst v63  }
0x645: {  	s10 =	sadd.s32 $0x11200, s26;
	s25 =	sadd.s32 $0x20, s29  }
0x646: {  	[hbm4b:s25+s30] =	stream.strided.scatter [tilespmem:s10], [sflag:$0x7], $0x400, s31, s30, $0x38;
	[tilespmem:$0x18A00] =	vst v63  }
0x647: {  	s10 =	sadd.s32 $0x11600, s26;
	s25 =	sadd.s32 $0x30, s29  }
0x648: {  	[hbm4b:s25+s30] =	stream.strided.scatter [tilespmem:s10], [sflag:$0x7], $0x400, s31, s30, $0x38;
	[tilespmem:$0x18A00] =	vst v63  }
0x649: {  	s10 =	sadd.s32 $0x11A00, s26;
	s25 =	sadd.s32 $0x40, s29  }
0x64a: {  	[hbm4b:s25+s30] =	stream.strided.scatter [tilespmem:s10], [sflag:$0x7], $0x400, s31, s30, $0x38;
	[tilespmem:$0x18A00] =	vst v63  }
0x64b: {  	s10 =	sadd.s32 $0x11E00, s26;
	s25 =	sadd.s32 $0x50, s29  }
0x64c: {  	[hbm4b:s25+s30] =	stream.strided.scatter [tilespmem:s10], [sflag:$0x7], $0x400, s31, s30, $0x38;
	[tilespmem:$0x18A00] =	vst v63  }
0x64d: {  	s10 =	sadd.s32 $0x12200, s26;
	s25 =	sadd.s32 $0x60, s29  }
0x64e: {  	[hbm4b:s25+s30] =	stream.strided.scatter [tilespmem:s10], [sflag:$0x7], $0x400, s31, s30, $0x38;
	[tilespmem:$0x18A00] =	vst v63  }
0x64f: {  	s25 =	sadd.s32 $0x12600, s26;
	s26 =	sadd.s32 $0x70, s29  }
0x650: {  	[hbm4b:s26+s30] =	stream.strided.scatter [tilespmem:s25], [sflag:$0x7], $0x400, s31, s30, $0x38;
	[tilespmem:$0x18A00] =	vst v63  }
0x651: {  	_ =	swait.ge [sflag:s0], $0x8000  }
0x652: {  	[sflag:s0] =	ssyncset.done $0x0  }
0x653: {  	s10 =	simm.s32 $0xA00;
	[sflag:s0] =	ssyncadd.s32 $0xFFFF8000  }
0x654: {  	[hbm4b:s24+s30] =	stream.strided.scatter [tilespmem:s10], [sflag:$0x5], $0x400, s31, s30, $0x38;
	[tilespmem:$0x18A00] =	vst v63  }
0x655: {  	s25 =	simm.s32 $0xE00;
	s26 =	sadd.s32 $0x10, s24  }
0x656: {  	[hbm4b:s26+s30] =	stream.strided.scatter [tilespmem:s25], [sflag:$0x5], $0x400, s31, s30, $0x38;
	[tilespmem:$0x18A00] =	vst v63  }
0x657: {  	s25 =	simm.s32 $0x1200;
	s26 =	sadd.s32 $0x20, s24  }
0x658: {  	[hbm4b:s26+s30] =	stream.strided.scatter [tilespmem:s25], [sflag:$0x5], $0x400, s31, s30, $0x38;
	[tilespmem:$0x18A00] =	vst v63  }
0x659: {  	s25 =	simm.s32 $0x1600;
	s26 =	sadd.s32 $0x30, s24  }
0x65a: {  	[hbm4b:s26+s30] =	stream.strided.scatter [tilespmem:s25], [sflag:$0x5], $0x400, s31, s30, $0x38;
	[tilespmem:$0x18A00] =	vst v63  }
0x65b: {  	s25 =	simm.s32 $0x1A00;
	s26 =	sadd.s32 $0x40, s24  }
0x65c: {  	[hbm4b:s26+s30] =	stream.strided.scatter [tilespmem:s25], [sflag:$0x5], $0x400, s31, s30, $0x38;
	[tilespmem:$0x18A00] =	vst v63  }
0x65d: {  	s1 =	simm.s32 $0x2600;
	s25 =	simm.s32 $0x1E00;
	s26 =	sadd.s32 $0x50, s24  }
0x65e: {  	[hbm4b:s26+s30] =	stream.strided.scatter [tilespmem:s25], [sflag:$0x5], $0x400, s31, s30, $0x38;
	[tilespmem:$0x18A00] =	vst v63  }
0x65f: {  	s28 =	sadd.s32 $0x70, s24;
	s25 =	simm.s32 $0x2200;
	s26 =	sadd.s32 $0x60, s24  }
0x660: {  	[hbm4b:s26+s30] =	stream.strided.scatter [tilespmem:s25], [sflag:$0x5], $0x400, s31, s30, $0x38;
	[tilespmem:$0x18A00] =	vst v63  }
0x661: {  	s29 =	sadd.s32 $0x400, s24;
	s26 =	simm.s32 $0x2000;
	s25 =	simm.s32 $0x10000  }
.LBB2_32:
0x662: {  	[hbm4b:s28+s30] =	stream.strided.scatter [tilespmem:s1], [sflag:$0x5], $0x400, s31, s30, $0x38;
	[tilespmem:$0x18A00] =	vst v63  }
0x663: {  	s1 =	smov.u32 s26;
	s10 =	smov.u32 s25  }
0x664: {  	s26 =	sshra.s32 s10, $0x2;
	s10 =	sadd.s32 $0x8000, s25;
	s28 =	sadd.s32 $0xA00, s1  }
0x665: {  	[hbm4b:s29+s30] =	stream.strided.scatter [tilespmem:s28], [sflag:$0x5], $0x400, s31, s30, $0x38;
	[tilespmem:$0x18A00] =	vst v63  }
0x666: {  	p0 =	sne.s32 s25, $0x18000;
	s25 =	sadd.s32 $0xE00, s1;
	s28 =	sadd.s32 $0x10, s29  }
0x667: {  	[hbm4b:s28+s30] =	stream.strided.scatter [tilespmem:s25], [sflag:$0x5], $0x400, s31, s30, $0x38;
	[tilespmem:$0x18A00] =	vst v63  }
0x668: {  	s25 =	sadd.s32 $0x1200, s1;
	s28 =	sadd.s32 $0x20, s29  }
0x669: {  	[hbm4b:s28+s30] =	stream.strided.scatter [tilespmem:s25], [sflag:$0x5], $0x400, s31, s30, $0x38;
	[tilespmem:$0x18A00] =	vst v63  }
0x66a: {  	s25 =	sadd.s32 $0x1600, s1;
	s28 =	sadd.s32 $0x30, s29  }
0x66b: {  	[hbm4b:s28+s30] =	stream.strided.scatter [tilespmem:s25], [sflag:$0x5], $0x400, s31, s30, $0x38;
	[tilespmem:$0x18A00] =	vst v63  }
0x66c: {  	s25 =	sadd.s32 $0x1A00, s1;
	s28 =	sadd.s32 $0x40, s29  }
0x66d: {  	[hbm4b:s28+s30] =	stream.strided.scatter [tilespmem:s25], [sflag:$0x5], $0x400, s31, s30, $0x38;
	[tilespmem:$0x18A00] =	vst v63  }
.Ltmp15:
0x66e: {  	s25 =	sadd.s32 $0x1E00, s1;
	s28 =	sadd.s32 $0x50, s29;
	(pc) =	sbr.rel @p0 .LBB2_32-.Ltmp15, $4  }
0x66f: {  	[hbm4b:s28+s30] =	stream.strided.scatter [tilespmem:s25], [sflag:$0x5], $0x400, s31, s30, $0x38;
	[tilespmem:$0x18A00] =	vst v63  }
0x670: {  	s25 =	sadd.s32 $0x2200, s1;
	s28 =	sadd.s32 $0x60, s29;
	s1 =	sadd.s32 $0x2600, s1  }
0x671: {  	[hbm4b:s28+s30] =	stream.strided.scatter [tilespmem:s25], [sflag:$0x5], $0x400, s31, s30, $0x38;
	[tilespmem:$0x18A00] =	vst v63  }
0x672: {  	s28 =	sadd.s32 $0x70, s29;
	s29 =	sadd.s32 $0x400, s29;
	s25 =	smov.u32 s10  }
0x673: {  	[hbm4b:s28+s30] =	stream.strided.scatter [tilespmem:s1], [sflag:$0x5], $0x400, s31, s30, $0x38;
	[tilespmem:$0x18A00] =	vst v63  }
0x674: {  	s25 =	sadd.s32 $0xA00, s26  }
0x675: {  	[hbm4b:s29+s30] =	stream.strided.scatter [tilespmem:s25], [sflag:$0x5], $0x400, s31, s30, $0x38;
	[tilespmem:$0x18A00] =	vst v63  }
0x676: {  	s28 =	sadd.s32 $0xE00, s26;
	s10 =	sadd.s32 $0x10, s29  }
0x677: {  	[hbm4b:s10+s30] =	stream.strided.scatter [tilespmem:s28], [sflag:$0x5], $0x400, s31, s30, $0x38;
	[tilespmem:$0x18A00] =	vst v63  }
0x678: {  	s25 =	sadd.s32 $0x1200, s26;
	s28 =	sadd.s32 $0x20, s29  }
0x679: {  	[hbm4b:s28+s30] =	stream.strided.scatter [tilespmem:s25], [sflag:$0x5], $0x400, s31, s30, $0x38;
	[tilespmem:$0x18A00] =	vst v63  }
0x67a: {  	s25 =	sadd.s32 $0x1600, s26;
	s28 =	sadd.s32 $0x30, s29  }
0x67b: {  	[hbm4b:s28+s30] =	stream.strided.scatter [tilespmem:s25], [sflag:$0x5], $0x400, s31, s30, $0x38;
	[tilespmem:$0x18A00] =	vst v63  }
0x67c: {  	s25 =	sadd.s32 $0x1A00, s26;
	s28 =	sadd.s32 $0x40, s29  }
0x67d: {  	[hbm4b:s28+s30] =	stream.strided.scatter [tilespmem:s25], [sflag:$0x5], $0x400, s31, s30, $0x38;
	[tilespmem:$0x18A00] =	vst v63  }
0x67e: {  	s25 =	sadd.s32 $0x1E00, s26;
	s28 =	sadd.s32 $0x50, s29  }
0x67f: {  	[hbm4b:s28+s30] =	stream.strided.scatter [tilespmem:s25], [sflag:$0x5], $0x400, s31, s30, $0x38;
	[tilespmem:$0x18A00] =	vst v63  }
0x680: {  	s25 =	sadd.s32 $0x2200, s26;
	s28 =	sadd.s32 $0x60, s29  }
0x681: {  	[hbm4b:s28+s30] =	stream.strided.scatter [tilespmem:s25], [sflag:$0x5], $0x400, s31, s30, $0x38;
	[tilespmem:$0x18A00] =	vst v63  }
0x682: {  	s10 =	sadd.s32 $0x2600, s26;
	s25 =	sadd.s32 $0x70, s29  }
0x683: {  	[hbm4b:s25+s30] =	stream.strided.scatter [tilespmem:s10], [sflag:$0x5], $0x400, s31, s30, $0x38;
	[tilespmem:$0x18A00] =	vst v63  }
0x684: {  	_ =	swait.ge [sflag:s5], $0x8000  }
0x685: {  	[sflag:s5] =	ssyncset.done $0x0  }
0x686: {  	s26 =	simm.s32 $0x6;
	[sflag:s5] =	ssyncadd.s32 $0xFFFF8000  }
0x687: {  	_ =	swait.ge [sflag:s26], $0x8000  }
0x688: {  	[sflag:s26] =	ssyncset.done $0x0  }
0x689: {  	s28 =	simm.s32 $0x7;
	[sflag:s26] =	ssyncadd.s32 $0xFFFF8000  }
0x68a: {  	_ =	swait.ge [sflag:s28], $0x8000  }
0x68b: {  	s25 =	rddreg [dreg:$0x8]  }
0x68c: {  	s29 =	rddreg [dreg:$0x7];
	s25 =	sadd.s32 $0x1, s25  }
0x68d: {  	p0 =	sne.s32 s25, s29  }
.Ltmp16:
0x68e: {  	_ = 	snop;
	(pc) =	sbr.rel @p0 .LBB2_1-.Ltmp16, $3  }
0x68f: {  	_ =	sdelay $0x1  }
0x690: {  	[sflag:s28] =	ssyncset.done $0x0  }
0x691: {  	[sflag:s28] =	ssyncadd.s32 $0xFFFF8000  }
0x692: {  	_ =	sfence.sel $0x180000  }
0x693: {  	[bflag:$0x0] =	sbarrier.arrive $0xFFFF  }
0x694: {  	_ =	strace $0x90000047  }
0x695: {  	s0 =	stileid.u32;
	[bflag:$0x2] =	sbarrier.arrive $0xFFFF  }
0x696: {  	p0 =	sne.s32 s0, $0x0;
	s0 =	rddreg [dreg:$0x4]  }
0x697: {  	s0 =	sadd.s32 @!p0 $0x100000, s0  }
0x698: {  	[sflag:s0] =	ssyncadd.tile.s32 @!p0 $0x1;
	_ =	shalt  }
.Lfunc_end2:
_tile_overlayer_lowered:
.L_overlay_start_2:
0x699: {  	(tag) =	ssettag $0x2  }
0x69a: {  	s0 =	rddreg [dreg:$0x0];
	s2 =	stileid.u32  }
0x69b: {  	s1 =	rddreg [dreg:$0x1];
	p0 =	sne.s32 s2, $0x0  }
0x69c: {  	s3 =	rddreg [dreg:$0x2];
	[bflag:$0x3] =	sbarrier.arrive $0xFFFF;
	s2 =	simm.s32 @!p0 $0x1C08  }
0x69d: {  	[timem:s3], [sflag:s2] =	dma.local @!p0 [hbm:s0], s1  }
0x69e: {  	s0 =	simm.s32 @!p0 $0x8  }
0x69f: {  	_ =	swait.ge @!p0 [sflag:s0], s1  }
0x6a0: {  	s1 =	ssub.s32 @!p0 $0x0, s1;
	[sflag:s0] =	ssyncset.done @!p0 $0x0  }
0x6a1: {  	[sflag:s0] =	ssyncadd.s32 @!p0 s1  }
0x6a2: {  	[bflag:$0x3] =	sbarrier.arrive $0xFFFF  }
0x6a3: {  	_ =	shalt  }

</sc_bundles>
